<compile_context>
chip_gen: v7x
topology: tpu7x:2x2x1
jax: 0.10.2.dev20260603
libtpu: 0.0.44.dev20260713+nightly
codegen_flags: <defaults>
</compile_context>

<pallas_src>
import functools

import jax
import jax.numpy as jnp
from jax import lax
from jax.experimental import pallas as pl
from jax.experimental.pallas import tpu as pltpu
from jax.experimental.pallas import tpu_sc as plsc

N = 10000
E = 160000
D = 256
H = D // 2
G = 128
C = 10

NTILES = 16
NP = 10240
K = 100
NC = E // K // NTILES
W = 4
NW = NC // W
NODE_ROWS_PER_TILE = NP // NTILES


def _sc_segsum(h0, h1, src4d, dst4d):
    mesh = plsc.VectorSubcoreMesh(core_axis_name="c", subcore_axis_name="s")

    @functools.partial(
        pl.kernel,
        mesh=mesh,
        out_type=[
            jax.ShapeDtypeStruct((NP, H), jnp.float32),
            jax.ShapeDtypeStruct((NP, H), jnp.float32),
        ],
        scratch_types=[
            pltpu.VMEM((W, K), jnp.int32),
            pltpu.VMEM((W, K), jnp.int32),
            pltpu.VMEM((W, K), jnp.int32),
            pltpu.VMEM((W, K), jnp.int32),
            pltpu.VMEM((K, H), jnp.float32),
            pltpu.VMEM((K, H), jnp.float32),
            pltpu.VMEM_SHARED((NP, H), jnp.float32),
            pltpu.SemaphoreType.DMA,
            pltpu.SemaphoreType.DMA,
            pltpu.SemaphoreType.DMA,
            pltpu.SemaphoreType.DMA,
            pltpu.SemaphoreType.DMA,
        ],
    )
    def k(h0_hbm, h1_hbm, src_hbm, dst_hbm, out0, out1,
          sA, dA, sB, dB, rows0, rows1, acc, sem0, sem1, ssem0, ssem1, isem):
        c = lax.axis_index("c")
        s = lax.axis_index("s")
        my_rows = pl.ds(s * NODE_ROWS_PER_TILE, NODE_ROWS_PER_TILE)

        def run_core(h_hbm, out_hbm):
            def load_idx(w, sbuf, dbuf):
                pltpu.async_copy(src_hbm.at[s, w], sbuf, isem)
                pltpu.async_copy(dst_hbm.at[s, w], dbuf, isem)

            def wait_idx(sbuf, dbuf):
                pltpu.make_async_copy(src_hbm.at[s, 0], sbuf, isem).wait()
                pltpu.make_async_copy(dst_hbm.at[s, 0], dbuf, isem).wait()

            def wait_gather(buf, sem):
                pltpu.make_async_copy(h_hbm.at[sA.at[0]], buf, sem).wait()

            def wait_scatter(buf, sem):
                pltpu.make_async_copy(buf, acc.at[dA.at[0]], sem).wait()

            def window(S, Dx, Sn, sn_wait):
                for jj0 in range(0, W, 2):
                    last = jj0 + 2 >= W
                    wait_gather(rows0, sem0)
                    pltpu.async_copy(rows0, acc.at[Dx.at[jj0]], ssem0,
                                     add=True)
                    wait_gather(rows1, sem1)
                    pltpu.async_copy(rows1, acc.at[Dx.at[jj0 + 1]], ssem1,
                                     add=True)
                    if last and sn_wait is not None:
                        sn_wait()
                    wait_scatter(rows0, ssem0)
                    if not last:
                        pltpu.async_copy(h_hbm.at[S.at[jj0 + 2]], rows0, sem0)
                    elif Sn is not None:
                        pltpu.async_copy(h_hbm.at[Sn.at[0]], rows0, sem0)
                    wait_scatter(rows1, ssem1)
                    if not last:
                        pltpu.async_copy(h_hbm.at[S.at[jj0 + 3]], rows1, sem1)
                    elif Sn is not None:
                        pltpu.async_copy(h_hbm.at[Sn.at[1]], rows1, sem1)

            load_idx(0, sA, dA)
            pltpu.sync_copy(h_hbm.at[my_rows, :], acc.at[my_rows, :])
            wait_idx(sA, dA)
            pltpu.async_copy(h_hbm.at[sA.at[0]], rows0, sem0)
            pltpu.async_copy(h_hbm.at[sA.at[1]], rows1, sem1)
            load_idx(1, sB, dB)
            plsc.subcore_barrier()

            def pair_body(i, _):
                w0 = 2 * i
                window(sA, dA, sB, lambda: wait_idx(sB, dB))
                load_idx(w0 + 2, sA, dA)
                window(sB, dB, sA, lambda: wait_idx(sA, dA))

                @pl.when(w0 + 3 < NW)
                def _():
                    load_idx(w0 + 3, sB, dB)

                return 0
            lax.fori_loop(0, (NW - 1) // 2, pair_body, 0)
            window(sA, dA, None, None)
            plsc.subcore_barrier()

            pltpu.sync_copy(acc.at[my_rows, :], out_hbm.at[my_rows, :])

        @pl.when(c == 0)
        def _():
            run_core(h0_hbm, out0)

        @pl.when(c == 1)
        def _():
            run_core(h1_hbm, out1)

    return k(h0, h1, src4d, dst4d)


BN = 2048


def _mlp_body(relu_out, a0_ref, a1_ref,
              w1_ref, b1_ref, w2_ref, b2_ref, o0_ref, o1_ref):
    z = jnp.concatenate([a0_ref[...], a1_ref[...]], axis=1)
    z = jnp.dot(z, w1_ref[...], preferred_element_type=jnp.float32) + b1_ref[...]
    z = jnp.maximum(z, 0.0)
    z = jnp.dot(z, w2_ref[...], preferred_element_type=jnp.float32) + b2_ref[...]
    if relu_out:
        z = jnp.maximum(z, 0.0)
    o0_ref[...] = z[:, :H]
    o1_ref[...] = z[:, H:]


def _tc_mlp(a0, a1, W1l, b1l, W2l, b2l, relu_out):
    grid = (NP // BN,)
    half_spec = pl.BlockSpec((BN, H), lambda i: (i, 0))
    return pl.pallas_call(
        functools.partial(_mlp_body, relu_out),
        grid=grid,
        in_specs=[
            half_spec, half_spec,
            pl.BlockSpec((D, D), lambda i: (0, 0)),
            pl.BlockSpec((1, D), lambda i: (0, 0)),
            pl.BlockSpec((D, D), lambda i: (0, 0)),
            pl.BlockSpec((1, D), lambda i: (0, 0)),
        ],
        out_specs=[half_spec, half_spec],
        out_shape=[
            jax.ShapeDtypeStruct((NP, H), jnp.float32),
            jax.ShapeDtypeStruct((NP, H), jnp.float32),
        ],
    )(a0, a1, W1l, b1l.reshape(1, D), W2l, b2l.reshape(1, D))


def _mlp_pool_body(b_ref, a0_ref, a1_ref, w1_ref, b1_ref, w2_ref, b2_ref,
                   hw_ref, hb_ref, o_ref, acc_ref):
    i = pl.program_id(0)

    @pl.when(i == 0)
    def _():
        acc_ref[...] = jnp.zeros_like(acc_ref)

    z = jnp.concatenate([a0_ref[...], a1_ref[...]], axis=1)
    z = jnp.dot(z, w1_ref[...], preferred_element_type=jnp.float32) + b1_ref[...]
    z = jnp.maximum(z, 0.0)
    z = jnp.dot(z, w2_ref[...], preferred_element_type=jnp.float32) + b2_ref[...]

    seg = b_ref[0, 0, :]
    onehot = (seg[None, :] == lax.broadcasted_iota(jnp.int32, (G, BN), 0)
              ).astype(jnp.float32)
    acc_ref[...] += jnp.dot(onehot, z, preferred_element_type=jnp.float32)

    @pl.when(i == pl.num_programs(0) - 1)
    def _():
        logits = jnp.dot(acc_ref[...], hw_ref[...],
                         preferred_element_type=jnp.float32) + hb_ref[...]
        m = jnp.max(logits, axis=-1, keepdims=True)
        lse = m + jnp.log(jnp.sum(jnp.exp(logits - m), axis=-1, keepdims=True))
        o_ref[...] = logits - lse


def _tc_mlp_pool_head(batch3d, a0, a1, W1l, b1l, W2l, b2l, hw_pad, hb_pad):
    grid = (NP // BN,)
    half_spec = pl.BlockSpec((BN, H), lambda i: (i, 0))
    return pl.pallas_call(
        _mlp_pool_body,
        grid=grid,
        in_specs=[
            pl.BlockSpec((1, 1, BN), lambda i: (i, 0, 0)),
            half_spec, half_spec,
            pl.BlockSpec((D, D), lambda i: (0, 0)),
            pl.BlockSpec((1, D), lambda i: (0, 0)),
            pl.BlockSpec((D, D), lambda i: (0, 0)),
            pl.BlockSpec((1, D), lambda i: (0, 0)),
            pl.BlockSpec((D, 128), lambda i: (0, 0)),
            pl.BlockSpec((1, 128), lambda i: (0, 0)),
        ],
        out_specs=pl.BlockSpec((G, 128), lambda i: (0, 0)),
        out_shape=jax.ShapeDtypeStruct((G, 128), jnp.float32),
        scratch_shapes=[pltpu.VMEM((G, D), jnp.float32)],
    )(batch3d, a0, a1, W1l, b1l.reshape(1, D), W2l, b2l.reshape(1, D),
      hw_pad, hb_pad)


def kernel(x, edge_index, batch, W1, b1, W2, b2, head_W, head_b):
    ei = edge_index.astype(jnp.int32)
    src4d = ei[0].reshape(NTILES, NW, W, K)
    dst4d = ei[1].reshape(NTILES, NW, W, K)
    batch_pad = jnp.full((NP,), -1, jnp.int32).at[:N].set(batch.astype(jnp.int32))
    batch3d = batch_pad.reshape(NP // BN, 1, BN)

    hw_pad = jnp.zeros((D, 128), jnp.float32).at[:, :C].set(head_W)
    hb_pad = jnp.full((1, 128), -1e30, jnp.float32).at[0, :C].set(head_b)

    xp = jnp.zeros((NP, D), jnp.float32).at[:N].set(x)
    h0 = xp[:, :H]
    h1 = xp[:, H:]
    n_layers = W1.shape[0]
    for l in range(n_layers - 1):
        a0, a1 = _sc_segsum(h0, h1, src4d, dst4d)
        h0, h1 = _tc_mlp(a0, a1, W1[l], b1[l], W2[l], b2[l], relu_out=True)
    a0, a1 = _sc_segsum(h0, h1, src4d, dst4d)
    out = _tc_mlp_pool_head(batch3d, a0, a1, W1[n_layers - 1],
                            b1[n_layers - 1], W2[n_layers - 1],
                            b2[n_layers - 1], hw_pad, hb_pad)
    return out[:, :C]

# --- scband reference (transcript-rebuilt; emitter-appended) ---
"""Pipeline reference for scband-graph-gin-40956808135432 (READ-ONLY COPY).

The authoritative reference and input builder live on the scoring server;
editing this copy changes nothing except your own understanding.
"""

import jax, jax.numpy as jnp
import numpy as np

N = 10000
E = 160000
D = 256
G = 128
C = 10
L = 3

def setup_inputs(seed: int = 0) -> dict:
    key = jax.random.key(seed)
    ks = jax.random.split(key, 12)
    x = jax.random.normal(ks[0], (N, D), dtype=jnp.float32)
    edge_index = jax.random.randint(ks[1], (2, E), 0, N, dtype=jnp.int64)
    batch = jnp.sort(jax.random.randint(ks[2], (N,), 0, G, dtype=jnp.int64))
    s = 1.0 / np.sqrt(D)
    # Stacked GIN MLP params: each layer is Linear(D,D) -> ReLU -> Linear(D,D)
    W1 = jax.random.normal(ks[3], (L, D, D), dtype=jnp.float32) * s
    b1 = jnp.zeros((L, D), dtype=jnp.float32)
    W2 = jax.random.normal(ks[4], (L, D, D), dtype=jnp.float32) * s
    b2 = jnp.zeros((L, D), dtype=jnp.float32)
    head_W = jax.random.normal(ks[5], (D, C), dtype=jnp.float32) * s
    head_b = jnp.zeros((C,), dtype=jnp.float32)
    return {"x": x, "edge_index": edge_index, "batch": batch,
            "W1": W1, "b1": b1, "W2": W2, "b2": b2,
            "head_W": head_W, "head_b": head_b}

def reference(x, edge_index, batch, W1, b1, W2, b2, head_W, head_b):
    src = edge_index[0]
    dst = edge_index[1]
    h = x
    n_layers = W1.shape[0]
    for l in range(n_layers):
        # GINConv: out = MLP((1+eps)*h + sum_{j in N(i)} h_j), eps=0
        agg = jax.ops.segment_sum(h[src], dst, num_segments=N)
        z = h + agg
        z = z @ W1[l] + b1[l]
        z = jax.nn.relu(z)
        z = z @ W2[l] + b2[l]
        if l < n_layers - 1:
            z = jax.nn.relu(z)  # inter-layer activation (dropout=identity in eval)
        h = z
    # global_add_pool over graph assignment
    pooled = jax.ops.segment_sum(h, batch, num_segments=G)
    logits = pooled @ head_W + head_b
    return jax.nn.log_softmax(logits, axis=-1)

if __name__ == "__main__":
    import jax
    _d = setup_inputs()
    print(jax.jit(kernel)(*tuple(_d.values())))

</pallas_src>

<mosaic_0001>
#map = affine_map<(d0, d1) -> (0, 0)>
#map1 = affine_map<(d0, d1) -> (0, 0, 0, 0)>
module attributes {stable_mosaic.version = 14 : i64} {
  func.func @k(%arg0: i32, %arg1: i32, %arg2: memref<10240x128xf32, #tpu.memory_space<hbm>>, %arg3: memref<10240x128xf32, #tpu.memory_space<hbm>>, %arg4: memref<16x25x4x100xi32, #tpu.memory_space<hbm>>, %arg5: memref<16x25x4x100xi32, #tpu.memory_space<hbm>>, %arg6: memref<10240x128xf32, #tpu.memory_space<hbm>>, %arg7: memref<10240x128xf32, #tpu.memory_space<hbm>>, %arg8: memref<4x100xi32, #tpu.memory_space<vmem>>, %arg9: memref<4x100xi32, #tpu.memory_space<vmem>>, %arg10: memref<4x100xi32, #tpu.memory_space<vmem>>, %arg11: memref<4x100xi32, #tpu.memory_space<vmem>>, %arg12: memref<100x128xf32, #tpu.memory_space<vmem>>, %arg13: memref<100x128xf32, #tpu.memory_space<vmem>>, %arg14: memref<10240x128xf32, #tpu.memory_space<vmem_shared>>, %arg15: memref<!tpu.dma_semaphore, #tpu.memory_space<semaphore_mem>>, %arg16: memref<!tpu.dma_semaphore, #tpu.memory_space<semaphore_mem>>, %arg17: memref<!tpu.dma_semaphore, #tpu.memory_space<semaphore_mem>>, %arg18: memref<!tpu.dma_semaphore, #tpu.memory_space<semaphore_mem>>, %arg19: memref<!tpu.dma_semaphore, #tpu.memory_space<semaphore_mem>>) attributes {dimension_semantics = [#tpu.dimension_semantics<core_parallel>, #tpu.dimension_semantics<subcore_parallel>], iteration_bounds = array<i64: 2, 16>, scalar_prefetch = 0 : i64, scratch_operands = 12 : i64, tpu.core_type = #tpu.core_type<sc_vector_subcore>, window_params = [{transform_indices = #map}, {transform_indices = #map}, {transform_indices = #map1}, {transform_indices = #map1}, {transform_indices = #map}, {transform_indices = #map}]} {
    %mul3A = arith.constant 640 : i32
    %mul3A_0 = arith.muli %arg1, %mul3A : i32
    %eq3A = arith.constant 0 : i32
    %eq3A_1 = arith.cmpi eq, %arg0, %eq3A : i32
    %convert_element_type3A = arith.extui %eq3A_1 : i1 to i32
    %cond3A = arith.constant 0 : i32
    %cond3A_2 = arith.cmpi ne, %convert_element_type3A, %cond3A : i32
    scf.if %cond3A_2 {
      %dma_start3A = arith.constant 0 : i32
      %dma_start3A_8 = arith.constant 0 : i32
      %dma_start3A_9 = arith.constant 0 : i32
      %dma_start3A_10 = tpu.memref_slice %arg4[%arg1, %dma_start3A, %dma_start3A_8, %dma_start3A_9] : memref<16x25x4x100xi32, #tpu.memory_space<hbm>> -> memref<1x1x4x100xi32, #tpu.memory_space<hbm>>
      %dma_start3A_11 = tpu.memref_squeeze %dma_start3A_10 : memref<1x1x4x100xi32, #tpu.memory_space<hbm>> -> memref<4x100xi32, #tpu.memory_space<hbm>>
      %dma_start3A_12 = arith.constant 0 : i32
      %dma_start3A_13 = arith.constant 0 : i32
      %dma_start3A_14 = tpu.memref_slice %arg4[%arg1, %dma_start3A, %dma_start3A_12, %dma_start3A_13] : memref<16x25x4x100xi32, #tpu.memory_space<hbm>> -> memref<1x1x4x100xi32, #tpu.memory_space<hbm>>
      %dma_start3A_15 = tpu.memref_squeeze %dma_start3A_14 : memref<1x1x4x100xi32, #tpu.memory_space<hbm>> -> memref<4x100xi32, #tpu.memory_space<hbm>>
      tpu.enqueue_dma source(%dma_start3A_15 : memref<4x100xi32, #tpu.memory_space<hbm>>) target(%arg8 : memref<4x100xi32, #tpu.memory_space<vmem>>) target_semaphore(%arg19 : memref<!tpu.dma_semaphore, #tpu.memory_space<semaphore_mem>>)
      %dma_start3A_16 = arith.constant 0 : i32
      %dma_start3A_17 = arith.constant 0 : i32
      %dma_start3A_18 = arith.constant 0 : i32
      %dma_start3A_19 = tpu.memref_slice %arg5[%arg1, %dma_start3A_16, %dma_start3A_17, %dma_start3A_18] : memref<16x25x4x100xi32, #tpu.memory_space<hbm>> -> memref<1x1x4x100xi32, #tpu.memory_space<hbm>>
      %dma_start3A_20 = tpu.memref_squeeze %dma_start3A_19 : memref<1x1x4x100xi32, #tpu.memory_space<hbm>> -> memref<4x100xi32, #tpu.memory_space<hbm>>
      %dma_start3A_21 = arith.constant 0 : i32
      %dma_start3A_22 = arith.constant 0 : i32
      %dma_start3A_23 = tpu.memref_slice %arg5[%arg1, %dma_start3A_16, %dma_start3A_21, %dma_start3A_22] : memref<16x25x4x100xi32, #tpu.memory_space<hbm>> -> memref<1x1x4x100xi32, #tpu.memory_space<hbm>>
      %dma_start3A_24 = tpu.memref_squeeze %dma_start3A_23 : memref<1x1x4x100xi32, #tpu.memory_space<hbm>> -> memref<4x100xi32, #tpu.memory_space<hbm>>
      tpu.enqueue_dma source(%dma_start3A_24 : memref<4x100xi32, #tpu.memory_space<hbm>>) target(%arg9 : memref<4x100xi32, #tpu.memory_space<vmem>>) target_semaphore(%arg19 : memref<!tpu.dma_semaphore, #tpu.memory_space<semaphore_mem>>)
      "tpu.region"() ({
        %run_scoped3A = tpu.sem_alloc : memref<!tpu.dma_semaphore, #tpu.memory_space<semaphore_mem>>
        %dma_start3A_179 = arith.constant 0 : i32
        %dma_start3A_180 = tpu.memref_slice %arg14[%mul3A_0, %dma_start3A_179] : memref<10240x128xf32, #tpu.memory_space<vmem_shared>> -> memref<640x128xf32, #tpu.memory_space<vmem_shared>>
        %dma_start3A_181 = arith.constant 0 : i32
        %dma_start3A_182 = tpu.memref_slice %arg2[%mul3A_0, %dma_start3A_181] : memref<10240x128xf32, #tpu.memory_space<hbm>> -> memref<640x128xf32, #tpu.memory_space<hbm>>
        tpu.enqueue_dma source(%dma_start3A_182 : memref<640x128xf32, #tpu.memory_space<hbm>>) target(%dma_start3A_180 : memref<640x128xf32, #tpu.memory_space<vmem_shared>>) target_semaphore(%run_scoped3A : memref<!tpu.dma_semaphore, #tpu.memory_space<semaphore_mem>>)
        %dma_wait3A_183 = arith.constant 0 : i32
        %dma_wait3A_184 = tpu.memref_slice %arg14[%mul3A_0, %dma_wait3A_183] : memref<10240x128xf32, #tpu.memory_space<vmem_shared>> -> memref<640x128xf32, #tpu.memory_space<vmem_shared>>
        %dma_wait3A_185 = arith.constant 0 : i32
        %dma_wait3A_186 = tpu.memref_slice %arg2[%mul3A_0, %dma_wait3A_185] : memref<10240x128xf32, #tpu.memory_space<hbm>> -> memref<640x128xf32, #tpu.memory_space<hbm>>
        tpu.wait_dma2 semaphore(%run_scoped3A : memref<!tpu.dma_semaphore, #tpu.memory_space<semaphore_mem>>) src(%dma_wait3A_186 : memref<640x128xf32, #tpu.memory_space<hbm>>) dst(%dma_wait3A_184 : memref<640x128xf32, #tpu.memory_space<vmem_shared>>)
        tpu.yield
      }) : () -> ()
      %dma_wait3A = arith.constant 0 : i32
      %dma_wait3A_25 = arith.constant 0 : i32
      %dma_wait3A_26 = arith.constant 0 : i32
      %dma_wait3A_27 = tpu.memref_slice %arg4[%arg1, %dma_wait3A, %dma_wait3A_25, %dma_wait3A_26] : memref<16x25x4x100xi32, #tpu.memory_space<hbm>> -> memref<1x1x4x100xi32, #tpu.memory_space<hbm>>
      %dma_wait3A_28 = tpu.memref_squeeze %dma_wait3A_27 : memref<1x1x4x100xi32, #tpu.memory_space<hbm>> -> memref<4x100xi32, #tpu.memory_space<hbm>>
      %dma_wait3A_29 = arith.constant 0 : i32
      %dma_wait3A_30 = arith.constant 0 : i32
      %dma_wait3A_31 = tpu.memref_slice %arg4[%arg1, %dma_wait3A, %dma_wait3A_29, %dma_wait3A_30] : memref<16x25x4x100xi32, #tpu.memory_space<hbm>> -> memref<1x1x4x100xi32, #tpu.memory_space<hbm>>
      %dma_wait3A_32 = tpu.memref_squeeze %dma_wait3A_31 : memref<1x1x4x100xi32, #tpu.memory_space<hbm>> -> memref<4x100xi32, #tpu.memory_space<hbm>>
      tpu.wait_dma2 semaphore(%arg19 : memref<!tpu.dma_semaphore, #tpu.memory_space<semaphore_mem>>) src(%dma_wait3A_32 : memref<4x100xi32, #tpu.memory_space<hbm>>) dst(%arg8 : memref<4x100xi32, #tpu.memory_space<vmem>>)
      %dma_wait3A_33 = arith.constant 0 : i32
      %dma_wait3A_34 = arith.constant 0 : i32
      %dma_wait3A_35 = arith.constant 0 : i32
      %dma_wait3A_36 = tpu.memref_slice %arg5[%arg1, %dma_wait3A_33, %dma_wait3A_34, %dma_wait3A_35] : memref<16x25x4x100xi32, #tpu.memory_space<hbm>> -> memref<1x1x4x100xi32, #tpu.memory_space<hbm>>
      %dma_wait3A_37 = tpu.memref_squeeze %dma_wait3A_36 : memref<1x1x4x100xi32, #tpu.memory_space<hbm>> -> memref<4x100xi32, #tpu.memory_space<hbm>>
      %dma_wait3A_38 = arith.constant 0 : i32
      %dma_wait3A_39 = arith.constant 0 : i32
      %dma_wait3A_40 = tpu.memref_slice %arg5[%arg1, %dma_wait3A_33, %dma_wait3A_38, %dma_wait3A_39] : memref<16x25x4x100xi32, #tpu.memory_space<hbm>> -> memref<1x1x4x100xi32, #tpu.memory_space<hbm>>
      %dma_wait3A_41 = tpu.memref_squeeze %dma_wait3A_40 : memref<1x1x4x100xi32, #tpu.memory_space<hbm>> -> memref<4x100xi32, #tpu.memory_space<hbm>>
      tpu.wait_dma2 semaphore(%arg19 : memref<!tpu.dma_semaphore, #tpu.memory_space<semaphore_mem>>) src(%dma_wait3A_41 : memref<4x100xi32, #tpu.memory_space<hbm>>) dst(%arg9 : memref<4x100xi32, #tpu.memory_space<vmem>>)
      %dma_start3A_42 = arith.constant 0 : i32
      %dma_start3A_43 = arith.constant 0 : i32
      %dma_start3A_44 = tpu.memref_slice %arg8[%dma_start3A_42, %dma_start3A_43] : memref<4x100xi32, #tpu.memory_space<vmem>> -> memref<1x100xi32, #tpu.memory_space<vmem>>
      %dma_start3A_45 = tpu.memref_squeeze %dma_start3A_44 : memref<1x100xi32, #tpu.memory_space<vmem>> -> memref<100xi32, #tpu.memory_space<vmem>>
      %dma_start3A_46 = arith.constant 0 : i32
      %dma_start3A_47 = arith.constant 0 : i32
      %dma_start3A_48 = tpu.memref_slice %arg2[%dma_start3A_46, %dma_start3A_47] : memref<10240x128xf32, #tpu.memory_space<hbm>> -> memref<10240x128xf32, #tpu.memory_space<hbm>>
      tpu.enqueue_indirect_dma source(%dma_start3A_48 : memref<10240x128xf32, #tpu.memory_space<hbm>>) target(%arg12 : memref<100x128xf32, #tpu.memory_space<vmem>>) offsets(%dma_start3A_45 : memref<100xi32, #tpu.memory_space<vmem>>) semaphore(%arg15 : memref<!tpu.dma_semaphore, #tpu.memory_space<semaphore_mem>>)
      %dma_start3A_49 = arith.constant 1 : i32
      %dma_start3A_50 = arith.constant 0 : i32
      %dma_start3A_51 = tpu.memref_slice %arg8[%dma_start3A_49, %dma_start3A_50] : memref<4x100xi32, #tpu.memory_space<vmem>> -> memref<1x100xi32, #tpu.memory_space<vmem>>
      %dma_start3A_52 = tpu.memref_squeeze %dma_start3A_51 : memref<1x100xi32, #tpu.memory_space<vmem>> -> memref<100xi32, #tpu.memory_space<vmem>>
      %dma_start3A_53 = arith.constant 0 : i32
      %dma_start3A_54 = arith.constant 0 : i32
      %dma_start3A_55 = tpu.memref_slice %arg2[%dma_start3A_53, %dma_start3A_54] : memref<10240x128xf32, #tpu.memory_space<hbm>> -> memref<10240x128xf32, #tpu.memory_space<hbm>>
      tpu.enqueue_indirect_dma source(%dma_start3A_55 : memref<10240x128xf32, #tpu.memory_space<hbm>>) target(%arg13 : memref<100x128xf32, #tpu.memory_space<vmem>>) offsets(%dma_start3A_52 : memref<100xi32, #tpu.memory_space<vmem>>) semaphore(%arg16 : memref<!tpu.dma_semaphore, #tpu.memory_space<semaphore_mem>>)
      %dma_start3A_56 = arith.constant 1 : i32
      %dma_start3A_57 = arith.constant 0 : i32
      %dma_start3A_58 = arith.constant 0 : i32
      %dma_start3A_59 = tpu.memref_slice %arg4[%arg1, %dma_start3A_56, %dma_start3A_57, %dma_start3A_58] : memref<16x25x4x100xi32, #tpu.memory_space<hbm>> -> memref<1x1x4x100xi32, #tpu.memory_space<hbm>>
      %dma_start3A_60 = tpu.memref_squeeze %dma_start3A_59 : memref<1x1x4x100xi32, #tpu.memory_space<hbm>> -> memref<4x100xi32, #tpu.memory_space<hbm>>
      %dma_start3A_61 = arith.constant 0 : i32
      %dma_start3A_62 = arith.constant 0 : i32
      %dma_start3A_63 = tpu.memref_slice %arg4[%arg1, %dma_start3A_56, %dma_start3A_61, %dma_start3A_62] : memref<16x25x4x100xi32, #tpu.memory_space<hbm>> -> memref<1x1x4x100xi32, #tpu.memory_space<hbm>>
      %dma_start3A_64 = tpu.memref_squeeze %dma_start3A_63 : memref<1x1x4x100xi32, #tpu.memory_space<hbm>> -> memref<4x100xi32, #tpu.memory_space<hbm>>
      tpu.enqueue_dma source(%dma_start3A_64 : memref<4x100xi32, #tpu.memory_space<hbm>>) target(%arg10 : memref<4x100xi32, #tpu.memory_space<vmem>>) target_semaphore(%arg19 : memref<!tpu.dma_semaphore, #tpu.memory_space<semaphore_mem>>)
      %dma_start3A_65 = arith.constant 1 : i32
      %dma_start3A_66 = arith.constant 0 : i32
      %dma_start3A_67 = arith.constant 0 : i32
      %dma_start3A_68 = tpu.memref_slice %arg5[%arg1, %dma_start3A_65, %dma_start3A_66, %dma_start3A_67] : memref<16x25x4x100xi32, #tpu.memory_space<hbm>> -> memref<1x1x4x100xi32, #tpu.memory_space<hbm>>
      %dma_start3A_69 = tpu.memref_squeeze %dma_start3A_68 : memref<1x1x4x100xi32, #tpu.memory_space<hbm>> -> memref<4x100xi32, #tpu.memory_space<hbm>>
      %dma_start3A_70 = arith.constant 0 : i32
      %dma_start3A_71 = arith.constant 0 : i32
      %dma_start3A_72 = tpu.memref_slice %arg5[%arg1, %dma_start3A_65, %dma_start3A_70, %dma_start3A_71] : memref<16x25x4x100xi32, #tpu.memory_space<hbm>> -> memref<1x1x4x100xi32, #tpu.memory_space<hbm>>
      %dma_start3A_73 = tpu.memref_squeeze %dma_start3A_72 : memref<1x1x4x100xi32, #tpu.memory_space<hbm>> -> memref<4x100xi32, #tpu.memory_space<hbm>>
      tpu.enqueue_dma source(%dma_start3A_73 : memref<4x100xi32, #tpu.memory_space<hbm>>) target(%arg11 : memref<4x100xi32, #tpu.memory_space<vmem>>) target_semaphore(%arg19 : memref<!tpu.dma_semaphore, #tpu.memory_space<semaphore_mem>>)
      %barrier3A = arith.constant 0 : index
      tpu.barrier barrier_id(%barrier3A)
      %scan3A = arith.constant 0 : i32
      %scan3A_74 = arith.constant 0 : i32
      %scan3A_75 = arith.constant 12 : i32
      %scan3A_76 = arith.addi %scan3A_74, %scan3A_75 : i32
      %scan3A_77 = arith.constant 1 : i32
      %scan3A_78 = scf.for %scan3A_179 = %scan3A_74 to %scan3A_76 step %scan3A_77 iter_args(%scan3A_180 = %scan3A) -> (i32)  : i32 {
        %mul3A_181 = arith.constant 2 : i32
        %mul3A_182 = arith.muli %mul3A_181, %scan3A_179 : i32
        %dma_wait3A_183 = arith.constant 0 : i32
        %dma_wait3A_184 = arith.constant 0 : i32
        %dma_wait3A_185 = tpu.memref_slice %arg8[%dma_wait3A_183, %dma_wait3A_184] : memref<4x100xi32, #tpu.memory_space<vmem>> -> memref<1x100xi32, #tpu.memory_space<vmem>>
        %dma_wait3A_186 = tpu.memref_squeeze %dma_wait3A_185 : memref<1x100xi32, #tpu.memory_space<vmem>> -> memref<100xi32, #tpu.memory_space<vmem>>
        %dma_wait3A_187 = arith.constant 0 : i32
        %dma_wait3A_188 = arith.constant 0 : i32
        %dma_wait3A_189 = tpu.memref_slice %arg2[%dma_wait3A_187, %dma_wait3A_188] : memref<10240x128xf32, #tpu.memory_space<hbm>> -> memref<10240x128xf32, #tpu.memory_space<hbm>>
        tpu.wait_indirect_dma semaphore(%arg15 : memref<!tpu.dma_semaphore, #tpu.memory_space<semaphore_mem>>) src(%dma_wait3A_189 : memref<10240x128xf32, #tpu.memory_space<hbm>>) dst(%arg12 : memref<100x128xf32, #tpu.memory_space<vmem>>)
        %dma_start3A_190 = arith.constant 0 : i32
        %dma_start3A_191 = arith.constant 0 : i32
        %dma_start3A_192 = tpu.memref_slice %arg9[%dma_start3A_190, %dma_start3A_191] : memref<4x100xi32, #tpu.memory_space<vmem>> -> memref<1x100xi32, #tpu.memory_space<vmem>>
        %dma_start3A_193 = tpu.memref_squeeze %dma_start3A_192 : memref<1x100xi32, #tpu.memory_space<vmem>> -> memref<100xi32, #tpu.memory_space<vmem>>
        %dma_start3A_194 = arith.constant 0 : i32
        %dma_start3A_195 = arith.constant 0 : i32
        %dma_start3A_196 = tpu.memref_slice %arg14[%dma_start3A_194, %dma_start3A_195] : memref<10240x128xf32, #tpu.memory_space<vmem_shared>> -> memref<10240x128xf32, #tpu.memory_space<vmem_shared>>
        tpu.enqueue_indirect_dma source(%arg12 : memref<100x128xf32, #tpu.memory_space<vmem>>) target(%dma_start3A_196 : memref<10240x128xf32, #tpu.memory_space<vmem_shared>>) offsets(%dma_start3A_193 : memref<100xi32, #tpu.memory_space<vmem>>) semaphore(%arg17 : memref<!tpu.dma_semaphore, #tpu.memory_space<semaphore_mem>>) {add = true}
        %dma_wait3A_197 = arith.constant 0 : i32
        %dma_wait3A_198 = arith.constant 0 : i32
        %dma_wait3A_199 = tpu.memref_slice %arg8[%dma_wait3A_197, %dma_wait3A_198] : memref<4x100xi32, #tpu.memory_space<vmem>> -> memref<1x100xi32, #tpu.memory_space<vmem>>
        %dma_wait3A_200 = tpu.memref_squeeze %dma_wait3A_199 : memref<1x100xi32, #tpu.memory_space<vmem>> -> memref<100xi32, #tpu.memory_space<vmem>>
        %dma_wait3A_201 = arith.constant 0 : i32
        %dma_wait3A_202 = arith.constant 0 : i32
        %dma_wait3A_203 = tpu.memref_slice %arg2[%dma_wait3A_201, %dma_wait3A_202] : memref<10240x128xf32, #tpu.memory_space<hbm>> -> memref<10240x128xf32, #tpu.memory_space<hbm>>
        tpu.wait_indirect_dma semaphore(%arg16 : memref<!tpu.dma_semaphore, #tpu.memory_space<semaphore_mem>>) src(%dma_wait3A_203 : memref<10240x128xf32, #tpu.memory_space<hbm>>) dst(%arg13 : memref<100x128xf32, #tpu.memory_space<vmem>>)
        %dma_start3A_204 = arith.constant 1 : i32
        %dma_start3A_205 = arith.constant 0 : i32
        %dma_start3A_206 = tpu.memref_slice %arg9[%dma_start3A_204, %dma_start3A_205] : memref<4x100xi32, #tpu.memory_space<vmem>> -> memref<1x100xi32, #tpu.memory_space<vmem>>
        %dma_start3A_207 = tpu.memref_squeeze %dma_start3A_206 : memref<1x100xi32, #tpu.memory_space<vmem>> -> memref<100xi32, #tpu.memory_space<vmem>>
        %dma_start3A_208 = arith.constant 0 : i32
        %dma_start3A_209 = arith.constant 0 : i32
        %dma_start3A_210 = tpu.memref_slice %arg14[%dma_start3A_208, %dma_start3A_209] : memref<10240x128xf32, #tpu.memory_space<vmem_shared>> -> memref<10240x128xf32, #tpu.memory_space<vmem_shared>>
        tpu.enqueue_indirect_dma source(%arg13 : memref<100x128xf32, #tpu.memory_space<vmem>>) target(%dma_start3A_210 : memref<10240x128xf32, #tpu.memory_space<vmem_shared>>) offsets(%dma_start3A_207 : memref<100xi32, #tpu.memory_space<vmem>>) semaphore(%arg18 : memref<!tpu.dma_semaphore, #tpu.memory_space<semaphore_mem>>) {add = true}
        %dma_wait3A_211 = arith.constant 0 : i32
        %dma_wait3A_212 = arith.constant 0 : i32
        %dma_wait3A_213 = tpu.memref_slice %arg9[%dma_wait3A_211, %dma_wait3A_212] : memref<4x100xi32, #tpu.memory_space<vmem>> -> memref<1x100xi32, #tpu.memory_space<vmem>>
        %dma_wait3A_214 = tpu.memref_squeeze %dma_wait3A_213 : memref<1x100xi32, #tpu.memory_space<vmem>> -> memref<100xi32, #tpu.memory_space<vmem>>
        %dma_wait3A_215 = arith.constant 0 : i32
        %dma_wait3A_216 = arith.constant 0 : i32
        %dma_wait3A_217 = tpu.memref_slice %arg14[%dma_wait3A_215, %dma_wait3A_216] : memref<10240x128xf32, #tpu.memory_space<vmem_shared>> -> memref<10240x128xf32, #tpu.memory_space<vmem_shared>>
        tpu.wait_indirect_dma semaphore(%arg17 : memref<!tpu.dma_semaphore, #tpu.memory_space<semaphore_mem>>) src(%arg12 : memref<100x128xf32, #tpu.memory_space<vmem>>) dst(%dma_wait3A_217 : memref<10240x128xf32, #tpu.memory_space<vmem_shared>>)
        %dma_start3A_218 = arith.constant 2 : i32
        %dma_start3A_219 = arith.constant 0 : i32
        %dma_start3A_220 = tpu.memref_slice %arg8[%dma_start3A_218, %dma_start3A_219] : memref<4x100xi32, #tpu.memory_space<vmem>> -> memref<1x100xi32, #tpu.memory_space<vmem>>
        %dma_start3A_221 = tpu.memref_squeeze %dma_start3A_220 : memref<1x100xi32, #tpu.memory_space<vmem>> -> memref<100xi32, #tpu.memory_space<vmem>>
        %dma_start3A_222 = arith.constant 0 : i32
        %dma_start3A_223 = arith.constant 0 : i32
        %dma_start3A_224 = tpu.memref_slice %arg2[%dma_start3A_222, %dma_start3A_223] : memref<10240x128xf32, #tpu.memory_space<hbm>> -> memref<10240x128xf32, #tpu.memory_space<hbm>>
        tpu.enqueue_indirect_dma source(%dma_start3A_224 : memref<10240x128xf32, #tpu.memory_space<hbm>>) target(%arg12 : memref<100x128xf32, #tpu.memory_space<vmem>>) offsets(%dma_start3A_221 : memref<100xi32, #tpu.memory_space<vmem>>) semaphore(%arg15 : memref<!tpu.dma_semaphore, #tpu.memory_space<semaphore_mem>>)
        %dma_wait3A_225 = arith.constant 0 : i32
        %dma_wait3A_226 = arith.constant 0 : i32
        %dma_wait3A_227 = tpu.memref_slice %arg9[%dma_wait3A_225, %dma_wait3A_226] : memref<4x100xi32, #tpu.memory_space<vmem>> -> memref<1x100xi32, #tpu.memory_space<vmem>>
        %dma_wait3A_228 = tpu.memref_squeeze %dma_wait3A_227 : memref<1x100xi32, #tpu.memory_space<vmem>> -> memref<100xi32, #tpu.memory_space<vmem>>
        %dma_wait3A_229 = arith.constant 0 : i32
        %dma_wait3A_230 = arith.constant 0 : i32
        %dma_wait3A_231 = tpu.memref_slice %arg14[%dma_wait3A_229, %dma_wait3A_230] : memref<10240x128xf32, #tpu.memory_space<vmem_shared>> -> memref<10240x128xf32, #tpu.memory_space<vmem_shared>>
        tpu.wait_indirect_dma semaphore(%arg18 : memref<!tpu.dma_semaphore, #tpu.memory_space<semaphore_mem>>) src(%arg13 : memref<100x128xf32, #tpu.memory_space<vmem>>) dst(%dma_wait3A_231 : memref<10240x128xf32, #tpu.memory_space<vmem_shared>>)
        %dma_start3A_232 = arith.constant 3 : i32
        %dma_start3A_233 = arith.constant 0 : i32
        %dma_start3A_234 = tpu.memref_slice %arg8[%dma_start3A_232, %dma_start3A_233] : memref<4x100xi32, #tpu.memory_space<vmem>> -> memref<1x100xi32, #tpu.memory_space<vmem>>
        %dma_start3A_235 = tpu.memref_squeeze %dma_start3A_234 : memref<1x100xi32, #tpu.memory_space<vmem>> -> memref<100xi32, #tpu.memory_space<vmem>>
        %dma_start3A_236 = arith.constant 0 : i32
        %dma_start3A_237 = arith.constant 0 : i32
        %dma_start3A_238 = tpu.memref_slice %arg2[%dma_start3A_236, %dma_start3A_237] : memref<10240x128xf32, #tpu.memory_space<hbm>> -> memref<10240x128xf32, #tpu.memory_space<hbm>>
        tpu.enqueue_indirect_dma source(%dma_start3A_238 : memref<10240x128xf32, #tpu.memory_space<hbm>>) target(%arg13 : memref<100x128xf32, #tpu.memory_space<vmem>>) offsets(%dma_start3A_235 : memref<100xi32, #tpu.memory_space<vmem>>) semaphore(%arg16 : memref<!tpu.dma_semaphore, #tpu.memory_space<semaphore_mem>>)
        %dma_wait3A_239 = arith.constant 0 : i32
        %dma_wait3A_240 = arith.constant 0 : i32
        %dma_wait3A_241 = tpu.memref_slice %arg8[%dma_wait3A_239, %dma_wait3A_240] : memref<4x100xi32, #tpu.memory_space<vmem>> -> memref<1x100xi32, #tpu.memory_space<vmem>>
        %dma_wait3A_242 = tpu.memref_squeeze %dma_wait3A_241 : memref<1x100xi32, #tpu.memory_space<vmem>> -> memref<100xi32, #tpu.memory_space<vmem>>
        %dma_wait3A_243 = arith.constant 0 : i32
        %dma_wait3A_244 = arith.constant 0 : i32
        %dma_wait3A_245 = tpu.memref_slice %arg2[%dma_wait3A_243, %dma_wait3A_244] : memref<10240x128xf32, #tpu.memory_space<hbm>> -> memref<10240x128xf32, #tpu.memory_space<hbm>>
        tpu.wait_indirect_dma semaphore(%arg15 : memref<!tpu.dma_semaphore, #tpu.memory_space<semaphore_mem>>) src(%dma_wait3A_245 : memref<10240x128xf32, #tpu.memory_space<hbm>>) dst(%arg12 : memref<100x128xf32, #tpu.memory_space<vmem>>)
        %dma_start3A_246 = arith.constant 2 : i32
        %dma_start3A_247 = arith.constant 0 : i32
        %dma_start3A_248 = tpu.memref_slice %arg9[%dma_start3A_246, %dma_start3A_247] : memref<4x100xi32, #tpu.memory_space<vmem>> -> memref<1x100xi32, #tpu.memory_space<vmem>>
        %dma_start3A_249 = tpu.memref_squeeze %dma_start3A_248 : memref<1x100xi32, #tpu.memory_space<vmem>> -> memref<100xi32, #tpu.memory_space<vmem>>
        %dma_start3A_250 = arith.constant 0 : i32
        %dma_start3A_251 = arith.constant 0 : i32
        %dma_start3A_252 = tpu.memref_slice %arg14[%dma_start3A_250, %dma_start3A_251] : memref<10240x128xf32, #tpu.memory_space<vmem_shared>> -> memref<10240x128xf32, #tpu.memory_space<vmem_shared>>
        tpu.enqueue_indirect_dma source(%arg12 : memref<100x128xf32, #tpu.memory_space<vmem>>) target(%dma_start3A_252 : memref<10240x128xf32, #tpu.memory_space<vmem_shared>>) offsets(%dma_start3A_249 : memref<100xi32, #tpu.memory_space<vmem>>) semaphore(%arg17 : memref<!tpu.dma_semaphore, #tpu.memory_space<semaphore_mem>>) {add = true}
        %dma_wait3A_253 = arith.constant 0 : i32
        %dma_wait3A_254 = arith.constant 0 : i32
        %dma_wait3A_255 = tpu.memref_slice %arg8[%dma_wait3A_253, %dma_wait3A_254] : memref<4x100xi32, #tpu.memory_space<vmem>> -> memref<1x100xi32, #tpu.memory_space<vmem>>
        %dma_wait3A_256 = tpu.memref_squeeze %dma_wait3A_255 : memref<1x100xi32, #tpu.memory_space<vmem>> -> memref<100xi32, #tpu.memory_space<vmem>>
        %dma_wait3A_257 = arith.constant 0 : i32
        %dma_wait3A_258 = arith.constant 0 : i32
        %dma_wait3A_259 = tpu.memref_slice %arg2[%dma_wait3A_257, %dma_wait3A_258] : memref<10240x128xf32, #tpu.memory_space<hbm>> -> memref<10240x128xf32, #tpu.memory_space<hbm>>
        tpu.wait_indirect_dma semaphore(%arg16 : memref<!tpu.dma_semaphore, #tpu.memory_space<semaphore_mem>>) src(%dma_wait3A_259 : memref<10240x128xf32, #tpu.memory_space<hbm>>) dst(%arg13 : memref<100x128xf32, #tpu.memory_space<vmem>>)
        %dma_start3A_260 = arith.constant 3 : i32
        %dma_start3A_261 = arith.constant 0 : i32
        %dma_start3A_262 = tpu.memref_slice %arg9[%dma_start3A_260, %dma_start3A_261] : memref<4x100xi32, #tpu.memory_space<vmem>> -> memref<1x100xi32, #tpu.memory_space<vmem>>
        %dma_start3A_263 = tpu.memref_squeeze %dma_start3A_262 : memref<1x100xi32, #tpu.memory_space<vmem>> -> memref<100xi32, #tpu.memory_space<vmem>>
        %dma_start3A_264 = arith.constant 0 : i32
        %dma_start3A_265 = arith.constant 0 : i32
        %dma_start3A_266 = tpu.memref_slice %arg14[%dma_start3A_264, %dma_start3A_265] : memref<10240x128xf32, #tpu.memory_space<vmem_shared>> -> memref<10240x128xf32, #tpu.memory_space<vmem_shared>>
        tpu.enqueue_indirect_dma source(%arg13 : memref<100x128xf32, #tpu.memory_space<vmem>>) target(%dma_start3A_266 : memref<10240x128xf32, #tpu.memory_space<vmem_shared>>) offsets(%dma_start3A_263 : memref<100xi32, #tpu.memory_space<vmem>>) semaphore(%arg18 : memref<!tpu.dma_semaphore, #tpu.memory_space<semaphore_mem>>) {add = true}
        %dma_wait3A_267 = arith.constant 0 : i32
        %dma_wait3A_268 = arith.constant 0 : i32
        %dma_wait3A_269 = arith.constant 0 : i32
        %dma_wait3A_270 = tpu.memref_slice %arg4[%arg1, %dma_wait3A_267, %dma_wait3A_268, %dma_wait3A_269] : memref<16x25x4x100xi32, #tpu.memory_space<hbm>> -> memref<1x1x4x100xi32, #tpu.memory_space<hbm>>
        %dma_wait3A_271 = tpu.memref_squeeze %dma_wait3A_270 : memref<1x1x4x100xi32, #tpu.memory_space<hbm>> -> memref<4x100xi32, #tpu.memory_space<hbm>>
        %dma_wait3A_272 = arith.constant 0 : i32
        %dma_wait3A_273 = arith.constant 0 : i32
        %dma_wait3A_274 = tpu.memref_slice %arg4[%arg1, %dma_wait3A_267, %dma_wait3A_272, %dma_wait3A_273] : memref<16x25x4x100xi32, #tpu.memory_space<hbm>> -> memref<1x1x4x100xi32, #tpu.memory_space<hbm>>
        %dma_wait3A_275 = tpu.memref_squeeze %dma_wait3A_274 : memref<1x1x4x100xi32, #tpu.memory_space<hbm>> -> memref<4x100xi32, #tpu.memory_space<hbm>>
        tpu.wait_dma2 semaphore(%arg19 : memref<!tpu.dma_semaphore, #tpu.memory_space<semaphore_mem>>) src(%dma_wait3A_275 : memref<4x100xi32, #tpu.memory_space<hbm>>) dst(%arg10 : memref<4x100xi32, #tpu.memory_space<vmem>>)
        %dma_wait3A_276 = arith.constant 0 : i32
        %dma_wait3A_277 = arith.constant 0 : i32
        %dma_wait3A_278 = arith.constant 0 : i32
        %dma_wait3A_279 = tpu.memref_slice %arg5[%arg1, %dma_wait3A_276, %dma_wait3A_277, %dma_wait3A_278] : memref<16x25x4x100xi32, #tpu.memory_space<hbm>> -> memref<1x1x4x100xi32, #tpu.memory_space<hbm>>
        %dma_wait3A_280 = tpu.memref_squeeze %dma_wait3A_279 : memref<1x1x4x100xi32, #tpu.memory_space<hbm>> -> memref<4x100xi32, #tpu.memory_space<hbm>>
        %dma_wait3A_281 = arith.constant 0 : i32
        %dma_wait3A_282 = arith.constant 0 : i32
        %dma_wait3A_283 = tpu.memref_slice %arg5[%arg1, %dma_wait3A_276, %dma_wait3A_281, %dma_wait3A_282] : memref<16x25x4x100xi32, #tpu.memory_space<hbm>> -> memref<1x1x4x100xi32, #tpu.memory_space<hbm>>
        %dma_wait3A_284 = tpu.memref_squeeze %dma_wait3A_283 : memref<1x1x4x100xi32, #tpu.memory_space<hbm>> -> memref<4x100xi32, #tpu.memory_space<hbm>>
        tpu.wait_dma2 semaphore(%arg19 : memref<!tpu.dma_semaphore, #tpu.memory_space<semaphore_mem>>) src(%dma_wait3A_284 : memref<4x100xi32, #tpu.memory_space<hbm>>) dst(%arg11 : memref<4x100xi32, #tpu.memory_space<vmem>>)
        %dma_wait3A_285 = arith.constant 0 : i32
        %dma_wait3A_286 = arith.constant 0 : i32
        %dma_wait3A_287 = tpu.memref_slice %arg9[%dma_wait3A_285, %dma_wait3A_286] : memref<4x100xi32, #tpu.memory_space<vmem>> -> memref<1x100xi32, #tpu.memory_space<vmem>>
        %dma_wait3A_288 = tpu.memref_squeeze %dma_wait3A_287 : memref<1x100xi32, #tpu.memory_space<vmem>> -> memref<100xi32, #tpu.memory_space<vmem>>
        %dma_wait3A_289 = arith.constant 0 : i32
        %dma_wait3A_290 = arith.constant 0 : i32
        %dma_wait3A_291 = tpu.memref_slice %arg14[%dma_wait3A_289, %dma_wait3A_290] : memref<10240x128xf32, #tpu.memory_space<vmem_shared>> -> memref<10240x128xf32, #tpu.memory_space<vmem_shared>>
        tpu.wait_indirect_dma semaphore(%arg17 : memref<!tpu.dma_semaphore, #tpu.memory_space<semaphore_mem>>) src(%arg12 : memref<100x128xf32, #tpu.memory_space<vmem>>) dst(%dma_wait3A_291 : memref<10240x128xf32, #tpu.memory_space<vmem_shared>>)
        %dma_start3A_292 = arith.constant 0 : i32
        %dma_start3A_293 = arith.constant 0 : i32
        %dma_start3A_294 = tpu.memref_slice %arg10[%dma_start3A_292, %dma_start3A_293] : memref<4x100xi32, #tpu.memory_space<vmem>> -> memref<1x100xi32, #tpu.memory_space<vmem>>
        %dma_start3A_295 = tpu.memref_squeeze %dma_start3A_294 : memref<1x100xi32, #tpu.memory_space<vmem>> -> memref<100xi32, #tpu.memory_space<vmem>>
        %dma_start3A_296 = arith.constant 0 : i32
        %dma_start3A_297 = arith.constant 0 : i32
        %dma_start3A_298 = tpu.memref_slice %arg2[%dma_start3A_296, %dma_start3A_297] : memref<10240x128xf32, #tpu.memory_space<hbm>> -> memref<10240x128xf32, #tpu.memory_space<hbm>>
        tpu.enqueue_indirect_dma source(%dma_start3A_298 : memref<10240x128xf32, #tpu.memory_space<hbm>>) target(%arg12 : memref<100x128xf32, #tpu.memory_space<vmem>>) offsets(%dma_start3A_295 : memref<100xi32, #tpu.memory_space<vmem>>) semaphore(%arg15 : memref<!tpu.dma_semaphore, #tpu.memory_space<semaphore_mem>>)
        %dma_wait3A_299 = arith.constant 0 : i32
        %dma_wait3A_300 = arith.constant 0 : i32
        %dma_wait3A_301 = tpu.memref_slice %arg9[%dma_wait3A_299, %dma_wait3A_300] : memref<4x100xi32, #tpu.memory_space<vmem>> -> memref<1x100xi32, #tpu.memory_space<vmem>>
        %dma_wait3A_302 = tpu.memref_squeeze %dma_wait3A_301 : memref<1x100xi32, #tpu.memory_space<vmem>> -> memref<100xi32, #tpu.memory_space<vmem>>
        %dma_wait3A_303 = arith.constant 0 : i32
        %dma_wait3A_304 = arith.constant 0 : i32
        %dma_wait3A_305 = tpu.memref_slice %arg14[%dma_wait3A_303, %dma_wait3A_304] : memref<10240x128xf32, #tpu.memory_space<vmem_shared>> -> memref<10240x128xf32, #tpu.memory_space<vmem_shared>>
        tpu.wait_indirect_dma semaphore(%arg18 : memref<!tpu.dma_semaphore, #tpu.memory_space<semaphore_mem>>) src(%arg13 : memref<100x128xf32, #tpu.memory_space<vmem>>) dst(%dma_wait3A_305 : memref<10240x128xf32, #tpu.memory_space<vmem_shared>>)
        %dma_start3A_306 = arith.constant 1 : i32
        %dma_start3A_307 = arith.constant 0 : i32
        %dma_start3A_308 = tpu.memref_slice %arg10[%dma_start3A_306, %dma_start3A_307] : memref<4x100xi32, #tpu.memory_space<vmem>> -> memref<1x100xi32, #tpu.memory_space<vmem>>
        %dma_start3A_309 = tpu.memref_squeeze %dma_start3A_308 : memref<1x100xi32, #tpu.memory_space<vmem>> -> memref<100xi32, #tpu.memory_space<vmem>>
        %dma_start3A_310 = arith.constant 0 : i32
        %dma_start3A_311 = arith.constant 0 : i32
        %dma_start3A_312 = tpu.memref_slice %arg2[%dma_start3A_310, %dma_start3A_311] : memref<10240x128xf32, #tpu.memory_space<hbm>> -> memref<10240x128xf32, #tpu.memory_space<hbm>>
        tpu.enqueue_indirect_dma source(%dma_start3A_312 : memref<10240x128xf32, #tpu.memory_space<hbm>>) target(%arg13 : memref<100x128xf32, #tpu.memory_space<vmem>>) offsets(%dma_start3A_309 : memref<100xi32, #tpu.memory_space<vmem>>) semaphore(%arg16 : memref<!tpu.dma_semaphore, #tpu.memory_space<semaphore_mem>>)
        %add3A = arith.constant 2 : i32
        %add3A_313 = arith.addi %mul3A_182, %add3A : i32
        %dma_start3A_314 = arith.constant 0 : i32
        %dma_start3A_315 = arith.constant 0 : i32
        %dma_start3A_316 = tpu.memref_slice %arg4[%arg1, %add3A_313, %dma_start3A_314, %dma_start3A_315] : memref<16x25x4x100xi32, #tpu.memory_space<hbm>> -> memref<1x1x4x100xi32, #tpu.memory_space<hbm>>
        %dma_start3A_317 = tpu.memref_squeeze %dma_start3A_316 : memref<1x1x4x100xi32, #tpu.memory_space<hbm>> -> memref<4x100xi32, #tpu.memory_space<hbm>>
        %dma_start3A_318 = arith.constant 0 : i32
        %dma_start3A_319 = arith.constant 0 : i32
        %dma_start3A_320 = tpu.memref_slice %arg4[%arg1, %add3A_313, %dma_start3A_318, %dma_start3A_319] : memref<16x25x4x100xi32, #tpu.memory_space<hbm>> -> memref<1x1x4x100xi32, #tpu.memory_space<hbm>>
        %dma_start3A_321 = tpu.memref_squeeze %dma_start3A_320 : memref<1x1x4x100xi32, #tpu.memory_space<hbm>> -> memref<4x100xi32, #tpu.memory_space<hbm>>
        tpu.enqueue_dma source(%dma_start3A_321 : memref<4x100xi32, #tpu.memory_space<hbm>>) target(%arg8 : memref<4x100xi32, #tpu.memory_space<vmem>>) target_semaphore(%arg19 : memref<!tpu.dma_semaphore, #tpu.memory_space<semaphore_mem>>)
        %dma_start3A_322 = arith.constant 0 : i32
        %dma_start3A_323 = arith.constant 0 : i32
        %dma_start3A_324 = tpu.memref_slice %arg5[%arg1, %add3A_313, %dma_start3A_322, %dma_start3A_323] : memref<16x25x4x100xi32, #tpu.memory_space<hbm>> -> memref<1x1x4x100xi32, #tpu.memory_space<hbm>>
        %dma_start3A_325 = tpu.memref_squeeze %dma_start3A_324 : memref<1x1x4x100xi32, #tpu.memory_space<hbm>> -> memref<4x100xi32, #tpu.memory_space<hbm>>
        %dma_start3A_326 = arith.constant 0 : i32
        %dma_start3A_327 = arith.constant 0 : i32
        %dma_start3A_328 = tpu.memref_slice %arg5[%arg1, %add3A_313, %dma_start3A_326, %dma_start3A_327] : memref<16x25x4x100xi32, #tpu.memory_space<hbm>> -> memref<1x1x4x100xi32, #tpu.memory_space<hbm>>
        %dma_start3A_329 = tpu.memref_squeeze %dma_start3A_328 : memref<1x1x4x100xi32, #tpu.memory_space<hbm>> -> memref<4x100xi32, #tpu.memory_space<hbm>>
        tpu.enqueue_dma source(%dma_start3A_329 : memref<4x100xi32, #tpu.memory_space<hbm>>) target(%arg9 : memref<4x100xi32, #tpu.memory_space<vmem>>) target_semaphore(%arg19 : memref<!tpu.dma_semaphore, #tpu.memory_space<semaphore_mem>>)
        %dma_wait3A_330 = arith.constant 0 : i32
        %dma_wait3A_331 = arith.constant 0 : i32
        %dma_wait3A_332 = tpu.memref_slice %arg8[%dma_wait3A_330, %dma_wait3A_331] : memref<4x100xi32, #tpu.memory_space<vmem>> -> memref<1x100xi32, #tpu.memory_space<vmem>>
        %dma_wait3A_333 = tpu.memref_squeeze %dma_wait3A_332 : memref<1x100xi32, #tpu.memory_space<vmem>> -> memref<100xi32, #tpu.memory_space<vmem>>
        %dma_wait3A_334 = arith.constant 0 : i32
        %dma_wait3A_335 = arith.constant 0 : i32
        %dma_wait3A_336 = tpu.memref_slice %arg2[%dma_wait3A_334, %dma_wait3A_335] : memref<10240x128xf32, #tpu.memory_space<hbm>> -> memref<10240x128xf32, #tpu.memory_space<hbm>>
        tpu.wait_indirect_dma semaphore(%arg15 : memref<!tpu.dma_semaphore, #tpu.memory_space<semaphore_mem>>) src(%dma_wait3A_336 : memref<10240x128xf32, #tpu.memory_space<hbm>>) dst(%arg12 : memref<100x128xf32, #tpu.memory_space<vmem>>)
        %dma_start3A_337 = arith.constant 0 : i32
        %dma_start3A_338 = arith.constant 0 : i32
        %dma_start3A_339 = tpu.memref_slice %arg11[%dma_start3A_337, %dma_start3A_338] : memref<4x100xi32, #tpu.memory_space<vmem>> -> memref<1x100xi32, #tpu.memory_space<vmem>>
        %dma_start3A_340 = tpu.memref_squeeze %dma_start3A_339 : memref<1x100xi32, #tpu.memory_space<vmem>> -> memref<100xi32, #tpu.memory_space<vmem>>
        %dma_start3A_341 = arith.constant 0 : i32
        %dma_start3A_342 = arith.constant 0 : i32
        %dma_start3A_343 = tpu.memref_slice %arg14[%dma_start3A_341, %dma_start3A_342] : memref<10240x128xf32, #tpu.memory_space<vmem_shared>> -> memref<10240x128xf32, #tpu.memory_space<vmem_shared>>
        tpu.enqueue_indirect_dma source(%arg12 : memref<100x128xf32, #tpu.memory_space<vmem>>) target(%dma_start3A_343 : memref<10240x128xf32, #tpu.memory_space<vmem_shared>>) offsets(%dma_start3A_340 : memref<100xi32, #tpu.memory_space<vmem>>) semaphore(%arg17 : memref<!tpu.dma_semaphore, #tpu.memory_space<semaphore_mem>>) {add = true}
        %dma_wait3A_344 = arith.constant 0 : i32
        %dma_wait3A_345 = arith.constant 0 : i32
        %dma_wait3A_346 = tpu.memref_slice %arg8[%dma_wait3A_344, %dma_wait3A_345] : memref<4x100xi32, #tpu.memory_space<vmem>> -> memref<1x100xi32, #tpu.memory_space<vmem>>
        %dma_wait3A_347 = tpu.memref_squeeze %dma_wait3A_346 : memref<1x100xi32, #tpu.memory_space<vmem>> -> memref<100xi32, #tpu.memory_space<vmem>>
        %dma_wait3A_348 = arith.constant 0 : i32
        %dma_wait3A_349 = arith.constant 0 : i32
        %dma_wait3A_350 = tpu.memref_slice %arg2[%dma_wait3A_348, %dma_wait3A_349] : memref<10240x128xf32, #tpu.memory_space<hbm>> -> memref<10240x128xf32, #tpu.memory_space<hbm>>
        tpu.wait_indirect_dma semaphore(%arg16 : memref<!tpu.dma_semaphore, #tpu.memory_space<semaphore_mem>>) src(%dma_wait3A_350 : memref<10240x128xf32, #tpu.memory_space<hbm>>) dst(%arg13 : memref<100x128xf32, #tpu.memory_space<vmem>>)
        %dma_start3A_351 = arith.constant 1 : i32
        %dma_start3A_352 = arith.constant 0 : i32
        %dma_start3A_353 = tpu.memref_slice %arg11[%dma_start3A_351, %dma_start3A_352] : memref<4x100xi32, #tpu.memory_space<vmem>> -> memref<1x100xi32, #tpu.memory_space<vmem>>
        %dma_start3A_354 = tpu.memref_squeeze %dma_start3A_353 : memref<1x100xi32, #tpu.memory_space<vmem>> -> memref<100xi32, #tpu.memory_space<vmem>>
        %dma_start3A_355 = arith.constant 0 : i32
        %dma_start3A_356 = arith.constant 0 : i32
        %dma_start3A_357 = tpu.memref_slice %arg14[%dma_start3A_355, %dma_start3A_356] : memref<10240x128xf32, #tpu.memory_space<vmem_shared>> -> memref<10240x128xf32, #tpu.memory_space<vmem_shared>>
        tpu.enqueue_indirect_dma source(%arg13 : memref<100x128xf32, #tpu.memory_space<vmem>>) target(%dma_start3A_357 : memref<10240x128xf32, #tpu.memory_space<vmem_shared>>) offsets(%dma_start3A_354 : memref<100xi32, #tpu.memory_space<vmem>>) semaphore(%arg18 : memref<!tpu.dma_semaphore, #tpu.memory_space<semaphore_mem>>) {add = true}
        %dma_wait3A_358 = arith.constant 0 : i32
        %dma_wait3A_359 = arith.constant 0 : i32
        %dma_wait3A_360 = tpu.memref_slice %arg9[%dma_wait3A_358, %dma_wait3A_359] : memref<4x100xi32, #tpu.memory_space<vmem>> -> memref<1x100xi32, #tpu.memory_space<vmem>>
        %dma_wait3A_361 = tpu.memref_squeeze %dma_wait3A_360 : memref<1x100xi32, #tpu.memory_space<vmem>> -> memref<100xi32, #tpu.memory_space<vmem>>
        %dma_wait3A_362 = arith.constant 0 : i32
        %dma_wait3A_363 = arith.constant 0 : i32
        %dma_wait3A_364 = tpu.memref_slice %arg14[%dma_wait3A_362, %dma_wait3A_363] : memref<10240x128xf32, #tpu.memory_space<vmem_shared>> -> memref<10240x128xf32, #tpu.memory_space<vmem_shared>>
        tpu.wait_indirect_dma semaphore(%arg17 : memref<!tpu.dma_semaphore, #tpu.memory_space<semaphore_mem>>) src(%arg12 : memref<100x128xf32, #tpu.memory_space<vmem>>) dst(%dma_wait3A_364 : memref<10240x128xf32, #tpu.memory_space<vmem_shared>>)
        %dma_start3A_365 = arith.constant 2 : i32
        %dma_start3A_366 = arith.constant 0 : i32
        %dma_start3A_367 = tpu.memref_slice %arg10[%dma_start3A_365, %dma_start3A_366] : memref<4x100xi32, #tpu.memory_space<vmem>> -> memref<1x100xi32, #tpu.memory_space<vmem>>
        %dma_start3A_368 = tpu.memref_squeeze %dma_start3A_367 : memref<1x100xi32, #tpu.memory_space<vmem>> -> memref<100xi32, #tpu.memory_space<vmem>>
        %dma_start3A_369 = arith.constant 0 : i32
        %dma_start3A_370 = arith.constant 0 : i32
        %dma_start3A_371 = tpu.memref_slice %arg2[%dma_start3A_369, %dma_start3A_370] : memref<10240x128xf32, #tpu.memory_space<hbm>> -> memref<10240x128xf32, #tpu.memory_space<hbm>>
        tpu.enqueue_indirect_dma source(%dma_start3A_371 : memref<10240x128xf32, #tpu.memory_space<hbm>>) target(%arg12 : memref<100x128xf32, #tpu.memory_space<vmem>>) offsets(%dma_start3A_368 : memref<100xi32, #tpu.memory_space<vmem>>) semaphore(%arg15 : memref<!tpu.dma_semaphore, #tpu.memory_space<semaphore_mem>>)
        %dma_wait3A_372 = arith.constant 0 : i32
        %dma_wait3A_373 = arith.constant 0 : i32
        %dma_wait3A_374 = tpu.memref_slice %arg9[%dma_wait3A_372, %dma_wait3A_373] : memref<4x100xi32, #tpu.memory_space<vmem>> -> memref<1x100xi32, #tpu.memory_space<vmem>>
        %dma_wait3A_375 = tpu.memref_squeeze %dma_wait3A_374 : memref<1x100xi32, #tpu.memory_space<vmem>> -> memref<100xi32, #tpu.memory_space<vmem>>
        %dma_wait3A_376 = arith.constant 0 : i32
        %dma_wait3A_377 = arith.constant 0 : i32
        %dma_wait3A_378 = tpu.memref_slice %arg14[%dma_wait3A_376, %dma_wait3A_377] : memref<10240x128xf32, #tpu.memory_space<vmem_shared>> -> memref<10240x128xf32, #tpu.memory_space<vmem_shared>>
        tpu.wait_indirect_dma semaphore(%arg18 : memref<!tpu.dma_semaphore, #tpu.memory_space<semaphore_mem>>) src(%arg13 : memref<100x128xf32, #tpu.memory_space<vmem>>) dst(%dma_wait3A_378 : memref<10240x128xf32, #tpu.memory_space<vmem_shared>>)
        %dma_start3A_379 = arith.constant 3 : i32
        %dma_start3A_380 = arith.constant 0 : i32
        %dma_start3A_381 = tpu.memref_slice %arg10[%dma_start3A_379, %dma_start3A_380] : memref<4x100xi32, #tpu.memory_space<vmem>> -> memref<1x100xi32, #tpu.memory_space<vmem>>
        %dma_start3A_382 = tpu.memref_squeeze %dma_start3A_381 : memref<1x100xi32, #tpu.memory_space<vmem>> -> memref<100xi32, #tpu.memory_space<vmem>>
        %dma_start3A_383 = arith.constant 0 : i32
        %dma_start3A_384 = arith.constant 0 : i32
        %dma_start3A_385 = tpu.memref_slice %arg2[%dma_start3A_383, %dma_start3A_384] : memref<10240x128xf32, #tpu.memory_space<hbm>> -> memref<10240x128xf32, #tpu.memory_space<hbm>>
        tpu.enqueue_indirect_dma source(%dma_start3A_385 : memref<10240x128xf32, #tpu.memory_space<hbm>>) target(%arg13 : memref<100x128xf32, #tpu.memory_space<vmem>>) offsets(%dma_start3A_382 : memref<100xi32, #tpu.memory_space<vmem>>) semaphore(%arg16 : memref<!tpu.dma_semaphore, #tpu.memory_space<semaphore_mem>>)
        %dma_wait3A_386 = arith.constant 0 : i32
        %dma_wait3A_387 = arith.constant 0 : i32
        %dma_wait3A_388 = tpu.memref_slice %arg8[%dma_wait3A_386, %dma_wait3A_387] : memref<4x100xi32, #tpu.memory_space<vmem>> -> memref<1x100xi32, #tpu.memory_space<vmem>>
        %dma_wait3A_389 = tpu.memref_squeeze %dma_wait3A_388 : memref<1x100xi32, #tpu.memory_space<vmem>> -> memref<100xi32, #tpu.memory_space<vmem>>
        %dma_wait3A_390 = arith.constant 0 : i32
        %dma_wait3A_391 = arith.constant 0 : i32
        %dma_wait3A_392 = tpu.memref_slice %arg2[%dma_wait3A_390, %dma_wait3A_391] : memref<10240x128xf32, #tpu.memory_space<hbm>> -> memref<10240x128xf32, #tpu.memory_space<hbm>>
        tpu.wait_indirect_dma semaphore(%arg15 : memref<!tpu.dma_semaphore, #tpu.memory_space<semaphore_mem>>) src(%dma_wait3A_392 : memref<10240x128xf32, #tpu.memory_space<hbm>>) dst(%arg12 : memref<100x128xf32, #tpu.memory_space<vmem>>)
        %dma_start3A_393 = arith.constant 2 : i32
        %dma_start3A_394 = arith.constant 0 : i32
        %dma_start3A_395 = tpu.memref_slice %arg11[%dma_start3A_393, %dma_start3A_394] : memref<4x100xi32, #tpu.memory_space<vmem>> -> memref<1x100xi32, #tpu.memory_space<vmem>>
        %dma_start3A_396 = tpu.memref_squeeze %dma_start3A_395 : memref<1x100xi32, #tpu.memory_space<vmem>> -> memref<100xi32, #tpu.memory_space<vmem>>
        %dma_start3A_397 = arith.constant 0 : i32
        %dma_start3A_398 = arith.constant 0 : i32
        %dma_start3A_399 = tpu.memref_slice %arg14[%dma_start3A_397, %dma_start3A_398] : memref<10240x128xf32, #tpu.memory_space<vmem_shared>> -> memref<10240x128xf32, #tpu.memory_space<vmem_shared>>
        tpu.enqueue_indirect_dma source(%arg12 : memref<100x128xf32, #tpu.memory_space<vmem>>) target(%dma_start3A_399 : memref<10240x128xf32, #tpu.memory_space<vmem_shared>>) offsets(%dma_start3A_396 : memref<100xi32, #tpu.memory_space<vmem>>) semaphore(%arg17 : memref<!tpu.dma_semaphore, #tpu.memory_space<semaphore_mem>>) {add = true}
        %dma_wait3A_400 = arith.constant 0 : i32
        %dma_wait3A_401 = arith.constant 0 : i32
        %dma_wait3A_402 = tpu.memref_slice %arg8[%dma_wait3A_400, %dma_wait3A_401] : memref<4x100xi32, #tpu.memory_space<vmem>> -> memref<1x100xi32, #tpu.memory_space<vmem>>
        %dma_wait3A_403 = tpu.memref_squeeze %dma_wait3A_402 : memref<1x100xi32, #tpu.memory_space<vmem>> -> memref<100xi32, #tpu.memory_space<vmem>>
        %dma_wait3A_404 = arith.constant 0 : i32
        %dma_wait3A_405 = arith.constant 0 : i32
        %dma_wait3A_406 = tpu.memref_slice %arg2[%dma_wait3A_404, %dma_wait3A_405] : memref<10240x128xf32, #tpu.memory_space<hbm>> -> memref<10240x128xf32, #tpu.memory_space<hbm>>
        tpu.wait_indirect_dma semaphore(%arg16 : memref<!tpu.dma_semaphore, #tpu.memory_space<semaphore_mem>>) src(%dma_wait3A_406 : memref<10240x128xf32, #tpu.memory_space<hbm>>) dst(%arg13 : memref<100x128xf32, #tpu.memory_space<vmem>>)
        %dma_start3A_407 = arith.constant 3 : i32
        %dma_start3A_408 = arith.constant 0 : i32
        %dma_start3A_409 = tpu.memref_slice %arg11[%dma_start3A_407, %dma_start3A_408] : memref<4x100xi32, #tpu.memory_space<vmem>> -> memref<1x100xi32, #tpu.memory_space<vmem>>
        %dma_start3A_410 = tpu.memref_squeeze %dma_start3A_409 : memref<1x100xi32, #tpu.memory_space<vmem>> -> memref<100xi32, #tpu.memory_space<vmem>>
        %dma_start3A_411 = arith.constant 0 : i32
        %dma_start3A_412 = arith.constant 0 : i32
        %dma_start3A_413 = tpu.memref_slice %arg14[%dma_start3A_411, %dma_start3A_412] : memref<10240x128xf32, #tpu.memory_space<vmem_shared>> -> memref<10240x128xf32, #tpu.memory_space<vmem_shared>>
        tpu.enqueue_indirect_dma source(%arg13 : memref<100x128xf32, #tpu.memory_space<vmem>>) target(%dma_start3A_413 : memref<10240x128xf32, #tpu.memory_space<vmem_shared>>) offsets(%dma_start3A_410 : memref<100xi32, #tpu.memory_space<vmem>>) semaphore(%arg18 : memref<!tpu.dma_semaphore, #tpu.memory_space<semaphore_mem>>) {add = true}
        %dma_wait3A_414 = arith.constant 0 : i32
        %dma_wait3A_415 = arith.constant 0 : i32
        %dma_wait3A_416 = arith.constant 0 : i32
        %dma_wait3A_417 = tpu.memref_slice %arg4[%arg1, %dma_wait3A_414, %dma_wait3A_415, %dma_wait3A_416] : memref<16x25x4x100xi32, #tpu.memory_space<hbm>> -> memref<1x1x4x100xi32, #tpu.memory_space<hbm>>
        %dma_wait3A_418 = tpu.memref_squeeze %dma_wait3A_417 : memref<1x1x4x100xi32, #tpu.memory_space<hbm>> -> memref<4x100xi32, #tpu.memory_space<hbm>>
        %dma_wait3A_419 = arith.constant 0 : i32
        %dma_wait3A_420 = arith.constant 0 : i32
        %dma_wait3A_421 = tpu.memref_slice %arg4[%arg1, %dma_wait3A_414, %dma_wait3A_419, %dma_wait3A_420] : memref<16x25x4x100xi32, #tpu.memory_space<hbm>> -> memref<1x1x4x100xi32, #tpu.memory_space<hbm>>
        %dma_wait3A_422 = tpu.memref_squeeze %dma_wait3A_421 : memref<1x1x4x100xi32, #tpu.memory_space<hbm>> -> memref<4x100xi32, #tpu.memory_space<hbm>>
        tpu.wait_dma2 semaphore(%arg19 : memref<!tpu.dma_semaphore, #tpu.memory_space<semaphore_mem>>) src(%dma_wait3A_422 : memref<4x100xi32, #tpu.memory_space<hbm>>) dst(%arg8 : memref<4x100xi32, #tpu.memory_space<vmem>>)
        %dma_wait3A_423 = arith.constant 0 : i32
        %dma_wait3A_424 = arith.constant 0 : i32
        %dma_wait3A_425 = arith.constant 0 : i32
        %dma_wait3A_426 = tpu.memref_slice %arg5[%arg1, %dma_wait3A_423, %dma_wait3A_424, %dma_wait3A_425] : memref<16x25x4x100xi32, #tpu.memory_space<hbm>> -> memref<1x1x4x100xi32, #tpu.memory_space<hbm>>
        %dma_wait3A_427 = tpu.memref_squeeze %dma_wait3A_426 : memref<1x1x4x100xi32, #tpu.memory_space<hbm>> -> memref<4x100xi32, #tpu.memory_space<hbm>>
        %dma_wait3A_428 = arith.constant 0 : i32
        %dma_wait3A_429 = arith.constant 0 : i32
        %dma_wait3A_430 = tpu.memref_slice %arg5[%arg1, %dma_wait3A_423, %dma_wait3A_428, %dma_wait3A_429] : memref<16x25x4x100xi32, #tpu.memory_space<hbm>> -> memref<1x1x4x100xi32, #tpu.memory_space<hbm>>
        %dma_wait3A_431 = tpu.memref_squeeze %dma_wait3A_430 : memref<1x1x4x100xi32, #tpu.memory_space<hbm>> -> memref<4x100xi32, #tpu.memory_space<hbm>>
        tpu.wait_dma2 semaphore(%arg19 : memref<!tpu.dma_semaphore, #tpu.memory_space<semaphore_mem>>) src(%dma_wait3A_431 : memref<4x100xi32, #tpu.memory_space<hbm>>) dst(%arg9 : memref<4x100xi32, #tpu.memory_space<vmem>>)
        %dma_wait3A_432 = arith.constant 0 : i32
        %dma_wait3A_433 = arith.constant 0 : i32
        %dma_wait3A_434 = tpu.memref_slice %arg9[%dma_wait3A_432, %dma_wait3A_433] : memref<4x100xi32, #tpu.memory_space<vmem>> -> memref<1x100xi32, #tpu.memory_space<vmem>>
        %dma_wait3A_435 = tpu.memref_squeeze %dma_wait3A_434 : memref<1x100xi32, #tpu.memory_space<vmem>> -> memref<100xi32, #tpu.memory_space<vmem>>
        %dma_wait3A_436 = arith.constant 0 : i32
        %dma_wait3A_437 = arith.constant 0 : i32
        %dma_wait3A_438 = tpu.memref_slice %arg14[%dma_wait3A_436, %dma_wait3A_437] : memref<10240x128xf32, #tpu.memory_space<vmem_shared>> -> memref<10240x128xf32, #tpu.memory_space<vmem_shared>>
        tpu.wait_indirect_dma semaphore(%arg17 : memref<!tpu.dma_semaphore, #tpu.memory_space<semaphore_mem>>) src(%arg12 : memref<100x128xf32, #tpu.memory_space<vmem>>) dst(%dma_wait3A_438 : memref<10240x128xf32, #tpu.memory_space<vmem_shared>>)
        %dma_start3A_439 = arith.constant 0 : i32
        %dma_start3A_440 = arith.constant 0 : i32
        %dma_start3A_441 = tpu.memref_slice %arg8[%dma_start3A_439, %dma_start3A_440] : memref<4x100xi32, #tpu.memory_space<vmem>> -> memref<1x100xi32, #tpu.memory_space<vmem>>
        %dma_start3A_442 = tpu.memref_squeeze %dma_start3A_441 : memref<1x100xi32, #tpu.memory_space<vmem>> -> memref<100xi32, #tpu.memory_space<vmem>>
        %dma_start3A_443 = arith.constant 0 : i32
        %dma_start3A_444 = arith.constant 0 : i32
        %dma_start3A_445 = tpu.memref_slice %arg2[%dma_start3A_443, %dma_start3A_444] : memref<10240x128xf32, #tpu.memory_space<hbm>> -> memref<10240x128xf32, #tpu.memory_space<hbm>>
        tpu.enqueue_indirect_dma source(%dma_start3A_445 : memref<10240x128xf32, #tpu.memory_space<hbm>>) target(%arg12 : memref<100x128xf32, #tpu.memory_space<vmem>>) offsets(%dma_start3A_442 : memref<100xi32, #tpu.memory_space<vmem>>) semaphore(%arg15 : memref<!tpu.dma_semaphore, #tpu.memory_space<semaphore_mem>>)
        %dma_wait3A_446 = arith.constant 0 : i32
        %dma_wait3A_447 = arith.constant 0 : i32
        %dma_wait3A_448 = tpu.memref_slice %arg9[%dma_wait3A_446, %dma_wait3A_447] : memref<4x100xi32, #tpu.memory_space<vmem>> -> memref<1x100xi32, #tpu.memory_space<vmem>>
        %dma_wait3A_449 = tpu.memref_squeeze %dma_wait3A_448 : memref<1x100xi32, #tpu.memory_space<vmem>> -> memref<100xi32, #tpu.memory_space<vmem>>
        %dma_wait3A_450 = arith.constant 0 : i32
        %dma_wait3A_451 = arith.constant 0 : i32
        %dma_wait3A_452 = tpu.memref_slice %arg14[%dma_wait3A_450, %dma_wait3A_451] : memref<10240x128xf32, #tpu.memory_space<vmem_shared>> -> memref<10240x128xf32, #tpu.memory_space<vmem_shared>>
        tpu.wait_indirect_dma semaphore(%arg18 : memref<!tpu.dma_semaphore, #tpu.memory_space<semaphore_mem>>) src(%arg13 : memref<100x128xf32, #tpu.memory_space<vmem>>) dst(%dma_wait3A_452 : memref<10240x128xf32, #tpu.memory_space<vmem_shared>>)
        %dma_start3A_453 = arith.constant 1 : i32
        %dma_start3A_454 = arith.constant 0 : i32
        %dma_start3A_455 = tpu.memref_slice %arg8[%dma_start3A_453, %dma_start3A_454] : memref<4x100xi32, #tpu.memory_space<vmem>> -> memref<1x100xi32, #tpu.memory_space<vmem>>
        %dma_start3A_456 = tpu.memref_squeeze %dma_start3A_455 : memref<1x100xi32, #tpu.memory_space<vmem>> -> memref<100xi32, #tpu.memory_space<vmem>>
        %dma_start3A_457 = arith.constant 0 : i32
        %dma_start3A_458 = arith.constant 0 : i32
        %dma_start3A_459 = tpu.memref_slice %arg2[%dma_start3A_457, %dma_start3A_458] : memref<10240x128xf32, #tpu.memory_space<hbm>> -> memref<10240x128xf32, #tpu.memory_space<hbm>>
        tpu.enqueue_indirect_dma source(%dma_start3A_459 : memref<10240x128xf32, #tpu.memory_space<hbm>>) target(%arg13 : memref<100x128xf32, #tpu.memory_space<vmem>>) offsets(%dma_start3A_456 : memref<100xi32, #tpu.memory_space<vmem>>) semaphore(%arg16 : memref<!tpu.dma_semaphore, #tpu.memory_space<semaphore_mem>>)
        %add3A_460 = arith.constant 3 : i32
        %add3A_461 = arith.addi %mul3A_182, %add3A_460 : i32
        %lt3A = arith.constant 25 : i32
        %lt3A_462 = arith.cmpi slt, %add3A_461, %lt3A : i32
        %convert_element_type3A_463 = arith.extui %lt3A_462 : i1 to i32
        %cond3A_464 = arith.constant 0 : i32
        %cond3A_465 = arith.cmpi ne, %convert_element_type3A_463, %cond3A_464 : i32
        scf.if %cond3A_465 {
          %add3A_467 = arith.constant 3 : i32
          %add3A_468 = arith.addi %mul3A_182, %add3A_467 : i32
          %dma_start3A_469 = arith.constant 0 : i32
          %dma_start3A_470 = arith.constant 0 : i32
          %dma_start3A_471 = tpu.memref_slice %arg4[%arg1, %add3A_468, %dma_start3A_469, %dma_start3A_470] : memref<16x25x4x100xi32, #tpu.memory_space<hbm>> -> memref<1x1x4x100xi32, #tpu.memory_space<hbm>>
          %dma_start3A_472 = tpu.memref_squeeze %dma_start3A_471 : memref<1x1x4x100xi32, #tpu.memory_space<hbm>> -> memref<4x100xi32, #tpu.memory_space<hbm>>
          %dma_start3A_473 = arith.constant 0 : i32
          %dma_start3A_474 = arith.constant 0 : i32
          %dma_start3A_475 = tpu.memref_slice %arg4[%arg1, %add3A_468, %dma_start3A_473, %dma_start3A_474] : memref<16x25x4x100xi32, #tpu.memory_space<hbm>> -> memref<1x1x4x100xi32, #tpu.memory_space<hbm>>
          %dma_start3A_476 = tpu.memref_squeeze %dma_start3A_475 : memref<1x1x4x100xi32, #tpu.memory_space<hbm>> -> memref<4x100xi32, #tpu.memory_space<hbm>>
          tpu.enqueue_dma source(%dma_start3A_476 : memref<4x100xi32, #tpu.memory_space<hbm>>) target(%arg10 : memref<4x100xi32, #tpu.memory_space<vmem>>) target_semaphore(%arg19 : memref<!tpu.dma_semaphore, #tpu.memory_space<semaphore_mem>>)
          %dma_start3A_477 = arith.constant 0 : i32
          %dma_start3A_478 = arith.constant 0 : i32
          %dma_start3A_479 = tpu.memref_slice %arg5[%arg1, %add3A_468, %dma_start3A_477, %dma_start3A_478] : memref<16x25x4x100xi32, #tpu.memory_space<hbm>> -> memref<1x1x4x100xi32, #tpu.memory_space<hbm>>
          %dma_start3A_480 = tpu.memref_squeeze %dma_start3A_479 : memref<1x1x4x100xi32, #tpu.memory_space<hbm>> -> memref<4x100xi32, #tpu.memory_space<hbm>>
          %dma_start3A_481 = arith.constant 0 : i32
          %dma_start3A_482 = arith.constant 0 : i32
          %dma_start3A_483 = tpu.memref_slice %arg5[%arg1, %add3A_468, %dma_start3A_481, %dma_start3A_482] : memref<16x25x4x100xi32, #tpu.memory_space<hbm>> -> memref<1x1x4x100xi32, #tpu.memory_space<hbm>>
          %dma_start3A_484 = tpu.memref_squeeze %dma_start3A_483 : memref<1x1x4x100xi32, #tpu.memory_space<hbm>> -> memref<4x100xi32, #tpu.memory_space<hbm>>
          tpu.enqueue_dma source(%dma_start3A_484 : memref<4x100xi32, #tpu.memory_space<hbm>>) target(%arg11 : memref<4x100xi32, #tpu.memory_space<vmem>>) target_semaphore(%arg19 : memref<!tpu.dma_semaphore, #tpu.memory_space<semaphore_mem>>)
        } else {
        }
        %scan3A_466 = arith.constant 0 : i32
        scf.yield %scan3A_466 : i32
      }
      %scan3A_79 = arith.constant 12 : i32
      %dma_wait3A_80 = arith.constant 0 : i32
      %dma_wait3A_81 = arith.constant 0 : i32
      %dma_wait3A_82 = tpu.memref_slice %arg8[%dma_wait3A_80, %dma_wait3A_81] : memref<4x100xi32, #tpu.memory_space<vmem>> -> memref<1x100xi32, #tpu.memory_space<vmem>>
      %dma_wait3A_83 = tpu.memref_squeeze %dma_wait3A_82 : memref<1x100xi32, #tpu.memory_space<vmem>> -> memref<100xi32, #tpu.memory_space<vmem>>
      %dma_wait3A_84 = arith.constant 0 : i32
      %dma_wait3A_85 = arith.constant 0 : i32
      %dma_wait3A_86 = tpu.memref_slice %arg2[%dma_wait3A_84, %dma_wait3A_85] : memref<10240x128xf32, #tpu.memory_space<hbm>> -> memref<10240x128xf32, #tpu.memory_space<hbm>>
      tpu.wait_indirect_dma semaphore(%arg15 : memref<!tpu.dma_semaphore, #tpu.memory_space<semaphore_mem>>) src(%dma_wait3A_86 : memref<10240x128xf32, #tpu.memory_space<hbm>>) dst(%arg12 : memref<100x128xf32, #tpu.memory_space<vmem>>)
      %dma_start3A_87 = arith.constant 0 : i32
      %dma_start3A_88 = arith.constant 0 : i32
      %dma_start3A_89 = tpu.memref_slice %arg9[%dma_start3A_87, %dma_start3A_88] : memref<4x100xi32, #tpu.memory_space<vmem>> -> memref<1x100xi32, #tpu.memory_space<vmem>>
      %dma_start3A_90 = tpu.memref_squeeze %dma_start3A_89 : memref<1x100xi32, #tpu.memory_space<vmem>> -> memref<100xi32, #tpu.memory_space<vmem>>
      %dma_start3A_91 = arith.constant 0 : i32
      %dma_start3A_92 = arith.constant 0 : i32
      %dma_start3A_93 = tpu.memref_slice %arg14[%dma_start3A_91, %dma_start3A_92] : memref<10240x128xf32, #tpu.memory_space<vmem_shared>> -> memref<10240x128xf32, #tpu.memory_space<vmem_shared>>
      tpu.enqueue_indirect_dma source(%arg12 : memref<100x128xf32, #tpu.memory_space<vmem>>) target(%dma_start3A_93 : memref<10240x128xf32, #tpu.memory_space<vmem_shared>>) offsets(%dma_start3A_90 : memref<100xi32, #tpu.memory_space<vmem>>) semaphore(%arg17 : memref<!tpu.dma_semaphore, #tpu.memory_space<semaphore_mem>>) {add = true}
      %dma_wait3A_94 = arith.constant 0 : i32
      %dma_wait3A_95 = arith.constant 0 : i32
      %dma_wait3A_96 = tpu.memref_slice %arg8[%dma_wait3A_94, %dma_wait3A_95] : memref<4x100xi32, #tpu.memory_space<vmem>> -> memref<1x100xi32, #tpu.memory_space<vmem>>
      %dma_wait3A_97 = tpu.memref_squeeze %dma_wait3A_96 : memref<1x100xi32, #tpu.memory_space<vmem>> -> memref<100xi32, #tpu.memory_space<vmem>>
      %dma_wait3A_98 = arith.constant 0 : i32
      %dma_wait3A_99 = arith.constant 0 : i32
      %dma_wait3A_100 = tpu.memref_slice %arg2[%dma_wait3A_98, %dma_wait3A_99] : memref<10240x128xf32, #tpu.memory_space<hbm>> -> memref<10240x128xf32, #tpu.memory_space<hbm>>
      tpu.wait_indirect_dma semaphore(%arg16 : memref<!tpu.dma_semaphore, #tpu.memory_space<semaphore_mem>>) src(%dma_wait3A_100 : memref<10240x128xf32, #tpu.memory_space<hbm>>) dst(%arg13 : memref<100x128xf32, #tpu.memory_space<vmem>>)
      %dma_start3A_101 = arith.constant 1 : i32
      %dma_start3A_102 = arith.constant 0 : i32
      %dma_start3A_103 = tpu.memref_slice %arg9[%dma_start3A_101, %dma_start3A_102] : memref<4x100xi32, #tpu.memory_space<vmem>> -> memref<1x100xi32, #tpu.memory_space<vmem>>
      %dma_start3A_104 = tpu.memref_squeeze %dma_start3A_103 : memref<1x100xi32, #tpu.memory_space<vmem>> -> memref<100xi32, #tpu.memory_space<vmem>>
      %dma_start3A_105 = arith.constant 0 : i32
      %dma_start3A_106 = arith.constant 0 : i32
      %dma_start3A_107 = tpu.memref_slice %arg14[%dma_start3A_105, %dma_start3A_106] : memref<10240x128xf32, #tpu.memory_space<vmem_shared>> -> memref<10240x128xf32, #tpu.memory_space<vmem_shared>>
      tpu.enqueue_indirect_dma source(%arg13 : memref<100x128xf32, #tpu.memory_space<vmem>>) target(%dma_start3A_107 : memref<10240x128xf32, #tpu.memory_space<vmem_shared>>) offsets(%dma_start3A_104 : memref<100xi32, #tpu.memory_space<vmem>>) semaphore(%arg18 : memref<!tpu.dma_semaphore, #tpu.memory_space<semaphore_mem>>) {add = true}
      %dma_wait3A_108 = arith.constant 0 : i32
      %dma_wait3A_109 = arith.constant 0 : i32
      %dma_wait3A_110 = tpu.memref_slice %arg9[%dma_wait3A_108, %dma_wait3A_109] : memref<4x100xi32, #tpu.memory_space<vmem>> -> memref<1x100xi32, #tpu.memory_space<vmem>>
      %dma_wait3A_111 = tpu.memref_squeeze %dma_wait3A_110 : memref<1x100xi32, #tpu.memory_space<vmem>> -> memref<100xi32, #tpu.memory_space<vmem>>
      %dma_wait3A_112 = arith.constant 0 : i32
      %dma_wait3A_113 = arith.constant 0 : i32
      %dma_wait3A_114 = tpu.memref_slice %arg14[%dma_wait3A_112, %dma_wait3A_113] : memref<10240x128xf32, #tpu.memory_space<vmem_shared>> -> memref<10240x128xf32, #tpu.memory_space<vmem_shared>>
      tpu.wait_indirect_dma semaphore(%arg17 : memref<!tpu.dma_semaphore, #tpu.memory_space<semaphore_mem>>) src(%arg12 : memref<100x128xf32, #tpu.memory_space<vmem>>) dst(%dma_wait3A_114 : memref<10240x128xf32, #tpu.memory_space<vmem_shared>>)
      %dma_start3A_115 = arith.constant 2 : i32
      %dma_start3A_116 = arith.constant 0 : i32
      %dma_start3A_117 = tpu.memref_slice %arg8[%dma_start3A_115, %dma_start3A_116] : memref<4x100xi32, #tpu.memory_space<vmem>> -> memref<1x100xi32, #tpu.memory_space<vmem>>
      %dma_start3A_118 = tpu.memref_squeeze %dma_start3A_117 : memref<1x100xi32, #tpu.memory_space<vmem>> -> memref<100xi32, #tpu.memory_space<vmem>>
      %dma_start3A_119 = arith.constant 0 : i32
      %dma_start3A_120 = arith.constant 0 : i32
      %dma_start3A_121 = tpu.memref_slice %arg2[%dma_start3A_119, %dma_start3A_120] : memref<10240x128xf32, #tpu.memory_space<hbm>> -> memref<10240x128xf32, #tpu.memory_space<hbm>>
      tpu.enqueue_indirect_dma source(%dma_start3A_121 : memref<10240x128xf32, #tpu.memory_space<hbm>>) target(%arg12 : memref<100x128xf32, #tpu.memory_space<vmem>>) offsets(%dma_start3A_118 : memref<100xi32, #tpu.memory_space<vmem>>) semaphore(%arg15 : memref<!tpu.dma_semaphore, #tpu.memory_space<semaphore_mem>>)
      %dma_wait3A_122 = arith.constant 0 : i32
      %dma_wait3A_123 = arith.constant 0 : i32
      %dma_wait3A_124 = tpu.memref_slice %arg9[%dma_wait3A_122, %dma_wait3A_123] : memref<4x100xi32, #tpu.memory_space<vmem>> -> memref<1x100xi32, #tpu.memory_space<vmem>>
      %dma_wait3A_125 = tpu.memref_squeeze %dma_wait3A_124 : memref<1x100xi32, #tpu.memory_space<vmem>> -> memref<100xi32, #tpu.memory_space<vmem>>
      %dma_wait3A_126 = arith.constant 0 : i32
      %dma_wait3A_127 = arith.constant 0 : i32
      %dma_wait3A_128 = tpu.memref_slice %arg14[%dma_wait3A_126, %dma_wait3A_127] : memref<10240x128xf32, #tpu.memory_space<vmem_shared>> -> memref<10240x128xf32, #tpu.memory_space<vmem_shared>>
      tpu.wait_indirect_dma semaphore(%arg18 : memref<!tpu.dma_semaphore, #tpu.memory_space<semaphore_mem>>) src(%arg13 : memref<100x128xf32, #tpu.memory_space<vmem>>) dst(%dma_wait3A_128 : memref<10240x128xf32, #tpu.memory_space<vmem_shared>>)
      %dma_start3A_129 = arith.constant 3 : i32
      %dma_start3A_130 = arith.constant 0 : i32
      %dma_start3A_131 = tpu.memref_slice %arg8[%dma_start3A_129, %dma_start3A_130] : memref<4x100xi32, #tpu.memory_space<vmem>> -> memref<1x100xi32, #tpu.memory_space<vmem>>
      %dma_start3A_132 = tpu.memref_squeeze %dma_start3A_131 : memref<1x100xi32, #tpu.memory_space<vmem>> -> memref<100xi32, #tpu.memory_space<vmem>>
      %dma_start3A_133 = arith.constant 0 : i32
      %dma_start3A_134 = arith.constant 0 : i32
      %dma_start3A_135 = tpu.memref_slice %arg2[%dma_start3A_133, %dma_start3A_134] : memref<10240x128xf32, #tpu.memory_space<hbm>> -> memref<10240x128xf32, #tpu.memory_space<hbm>>
      tpu.enqueue_indirect_dma source(%dma_start3A_135 : memref<10240x128xf32, #tpu.memory_space<hbm>>) target(%arg13 : memref<100x128xf32, #tpu.memory_space<vmem>>) offsets(%dma_start3A_132 : memref<100xi32, #tpu.memory_space<vmem>>) semaphore(%arg16 : memref<!tpu.dma_semaphore, #tpu.memory_space<semaphore_mem>>)
      %dma_wait3A_136 = arith.constant 0 : i32
      %dma_wait3A_137 = arith.constant 0 : i32
      %dma_wait3A_138 = tpu.memref_slice %arg8[%dma_wait3A_136, %dma_wait3A_137] : memref<4x100xi32, #tpu.memory_space<vmem>> -> memref<1x100xi32, #tpu.memory_space<vmem>>
      %dma_wait3A_139 = tpu.memref_squeeze %dma_wait3A_138 : memref<1x100xi32, #tpu.memory_space<vmem>> -> memref<100xi32, #tpu.memory_space<vmem>>
      %dma_wait3A_140 = arith.constant 0 : i32
      %dma_wait3A_141 = arith.constant 0 : i32
      %dma_wait3A_142 = tpu.memref_slice %arg2[%dma_wait3A_140, %dma_wait3A_141] : memref<10240x128xf32, #tpu.memory_space<hbm>> -> memref<10240x128xf32, #tpu.memory_space<hbm>>
      tpu.wait_indirect_dma semaphore(%arg15 : memref<!tpu.dma_semaphore, #tpu.memory_space<semaphore_mem>>) src(%dma_wait3A_142 : memref<10240x128xf32, #tpu.memory_space<hbm>>) dst(%arg12 : memref<100x128xf32, #tpu.memory_space<vmem>>)
      %dma_start3A_143 = arith.constant 2 : i32
      %dma_start3A_144 = arith.constant 0 : i32
      %dma_start3A_145 = tpu.memref_slice %arg9[%dma_start3A_143, %dma_start3A_144] : memref<4x100xi32, #tpu.memory_space<vmem>> -> memref<1x100xi32, #tpu.memory_space<vmem>>
      %dma_start3A_146 = tpu.memref_squeeze %dma_start3A_145 : memref<1x100xi32, #tpu.memory_space<vmem>> -> memref<100xi32, #tpu.memory_space<vmem>>
      %dma_start3A_147 = arith.constant 0 : i32
      %dma_start3A_148 = arith.constant 0 : i32
      %dma_start3A_149 = tpu.memref_slice %arg14[%dma_start3A_147, %dma_start3A_148] : memref<10240x128xf32, #tpu.memory_space<vmem_shared>> -> memref<10240x128xf32, #tpu.memory_space<vmem_shared>>
      tpu.enqueue_indirect_dma source(%arg12 : memref<100x128xf32, #tpu.memory_space<vmem>>) target(%dma_start3A_149 : memref<10240x128xf32, #tpu.memory_space<vmem_shared>>) offsets(%dma_start3A_146 : memref<100xi32, #tpu.memory_space<vmem>>) semaphore(%arg17 : memref<!tpu.dma_semaphore, #tpu.memory_space<semaphore_mem>>) {add = true}
      %dma_wait3A_150 = arith.constant 0 : i32
      %dma_wait3A_151 = arith.constant 0 : i32
      %dma_wait3A_152 = tpu.memref_slice %arg8[%dma_wait3A_150, %dma_wait3A_151] : memref<4x100xi32, #tpu.memory_space<vmem>> -> memref<1x100xi32, #tpu.memory_space<vmem>>
      %dma_wait3A_153 = tpu.memref_squeeze %dma_wait3A_152 : memref<1x100xi32, #tpu.memory_space<vmem>> -> memref<100xi32, #tpu.memory_space<vmem>>
      %dma_wait3A_154 = arith.constant 0 : i32
      %dma_wait3A_155 = arith.constant 0 : i32
      %dma_wait3A_156 = tpu.memref_slice %arg2[%dma_wait3A_154, %dma_wait3A_155] : memref<10240x128xf32, #tpu.memory_space<hbm>> -> memref<10240x128xf32, #tpu.memory_space<hbm>>
      tpu.wait_indirect_dma semaphore(%arg16 : memref<!tpu.dma_semaphore, #tpu.memory_space<semaphore_mem>>) src(%dma_wait3A_156 : memref<10240x128xf32, #tpu.memory_space<hbm>>) dst(%arg13 : memref<100x128xf32, #tpu.memory_space<vmem>>)
      %dma_start3A_157 = arith.constant 3 : i32
      %dma_start3A_158 = arith.constant 0 : i32
      %dma_start3A_159 = tpu.memref_slice %arg9[%dma_start3A_157, %dma_start3A_158] : memref<4x100xi32, #tpu.memory_space<vmem>> -> memref<1x100xi32, #tpu.memory_space<vmem>>
      %dma_start3A_160 = tpu.memref_squeeze %dma_start3A_159 : memref<1x100xi32, #tpu.memory_space<vmem>> -> memref<100xi32, #tpu.memory_space<vmem>>
      %dma_start3A_161 = arith.constant 0 : i32
      %dma_start3A_162 = arith.constant 0 : i32
      %dma_start3A_163 = tpu.memref_slice %arg14[%dma_start3A_161, %dma_start3A_162] : memref<10240x128xf32, #tpu.memory_space<vmem_shared>> -> memref<10240x128xf32, #tpu.memory_space<vmem_shared>>
      tpu.enqueue_indirect_dma source(%arg13 : memref<100x128xf32, #tpu.memory_space<vmem>>) target(%dma_start3A_163 : memref<10240x128xf32, #tpu.memory_space<vmem_shared>>) offsets(%dma_start3A_160 : memref<100xi32, #tpu.memory_space<vmem>>) semaphore(%arg18 : memref<!tpu.dma_semaphore, #tpu.memory_space<semaphore_mem>>) {add = true}
      %dma_wait3A_164 = arith.constant 0 : i32
      %dma_wait3A_165 = arith.constant 0 : i32
      %dma_wait3A_166 = tpu.memref_slice %arg9[%dma_wait3A_164, %dma_wait3A_165] : memref<4x100xi32, #tpu.memory_space<vmem>> -> memref<1x100xi32, #tpu.memory_space<vmem>>
      %dma_wait3A_167 = tpu.memref_squeeze %dma_wait3A_166 : memref<1x100xi32, #tpu.memory_space<vmem>> -> memref<100xi32, #tpu.memory_space<vmem>>
      %dma_wait3A_168 = arith.constant 0 : i32
      %dma_wait3A_169 = arith.constant 0 : i32
      %dma_wait3A_170 = tpu.memref_slice %arg14[%dma_wait3A_168, %dma_wait3A_169] : memref<10240x128xf32, #tpu.memory_space<vmem_shared>> -> memref<10240x128xf32, #tpu.memory_space<vmem_shared>>
      tpu.wait_indirect_dma semaphore(%arg17 : memref<!tpu.dma_semaphore, #tpu.memory_space<semaphore_mem>>) src(%arg12 : memref<100x128xf32, #tpu.memory_space<vmem>>) dst(%dma_wait3A_170 : memref<10240x128xf32, #tpu.memory_space<vmem_shared>>)
      %dma_wait3A_171 = arith.constant 0 : i32
      %dma_wait3A_172 = arith.constant 0 : i32
      %dma_wait3A_173 = tpu.memref_slice %arg9[%dma_wait3A_171, %dma_wait3A_172] : memref<4x100xi32, #tpu.memory_space<vmem>> -> memref<1x100xi32, #tpu.memory_space<vmem>>
      %dma_wait3A_174 = tpu.memref_squeeze %dma_wait3A_173 : memref<1x100xi32, #tpu.memory_space<vmem>> -> memref<100xi32, #tpu.memory_space<vmem>>
      %dma_wait3A_175 = arith.constant 0 : i32
      %dma_wait3A_176 = arith.constant 0 : i32
      %dma_wait3A_177 = tpu.memref_slice %arg14[%dma_wait3A_175, %dma_wait3A_176] : memref<10240x128xf32, #tpu.memory_space<vmem_shared>> -> memref<10240x128xf32, #tpu.memory_space<vmem_shared>>
      tpu.wait_indirect_dma semaphore(%arg18 : memref<!tpu.dma_semaphore, #tpu.memory_space<semaphore_mem>>) src(%arg13 : memref<100x128xf32, #tpu.memory_space<vmem>>) dst(%dma_wait3A_177 : memref<10240x128xf32, #tpu.memory_space<vmem_shared>>)
      %barrier3A_178 = arith.constant 0 : index
      tpu.barrier barrier_id(%barrier3A_178)
      "tpu.region"() ({
        %run_scoped3A = tpu.sem_alloc : memref<!tpu.dma_semaphore, #tpu.memory_space<semaphore_mem>>
        %dma_start3A_179 = arith.constant 0 : i32
        %dma_start3A_180 = tpu.memref_slice %arg6[%mul3A_0, %dma_start3A_179] : memref<10240x128xf32, #tpu.memory_space<hbm>> -> memref<640x128xf32, #tpu.memory_space<hbm>>
        %dma_start3A_181 = arith.constant 0 : i32
        %dma_start3A_182 = tpu.memref_slice %arg14[%mul3A_0, %dma_start3A_181] : memref<10240x128xf32, #tpu.memory_space<vmem_shared>> -> memref<640x128xf32, #tpu.memory_space<vmem_shared>>
        tpu.enqueue_dma source(%dma_start3A_182 : memref<640x128xf32, #tpu.memory_space<vmem_shared>>) target(%dma_start3A_180 : memref<640x128xf32, #tpu.memory_space<hbm>>) target_semaphore(%run_scoped3A : memref<!tpu.dma_semaphore, #tpu.memory_space<semaphore_mem>>)
        %dma_wait3A_183 = arith.constant 0 : i32
        %dma_wait3A_184 = tpu.memref_slice %arg6[%mul3A_0, %dma_wait3A_183] : memref<10240x128xf32, #tpu.memory_space<hbm>> -> memref<640x128xf32, #tpu.memory_space<hbm>>
        %dma_wait3A_185 = arith.constant 0 : i32
        %dma_wait3A_186 = tpu.memref_slice %arg14[%mul3A_0, %dma_wait3A_185] : memref<10240x128xf32, #tpu.memory_space<vmem_shared>> -> memref<640x128xf32, #tpu.memory_space<vmem_shared>>
        tpu.wait_dma2 semaphore(%run_scoped3A : memref<!tpu.dma_semaphore, #tpu.memory_space<semaphore_mem>>) src(%dma_wait3A_186 : memref<640x128xf32, #tpu.memory_space<vmem_shared>>) dst(%dma_wait3A_184 : memref<640x128xf32, #tpu.memory_space<hbm>>)
        tpu.yield
      }) : () -> ()
    } else {
    }
    %eq3A_3 = arith.constant 1 : i32
    %eq3A_4 = arith.cmpi eq, %arg0, %eq3A_3 : i32
    %convert_element_type3A_5 = arith.extui %eq3A_4 : i1 to i32
    %cond3A_6 = arith.constant 0 : i32
    %cond3A_7 = arith.cmpi ne, %convert_element_type3A_5, %cond3A_6 : i32
    scf.if %cond3A_7 {
      %dma_start3A = arith.constant 0 : i32
      %dma_start3A_8 = arith.constant 0 : i32
      %dma_start3A_9 = arith.constant 0 : i32
      %dma_start3A_10 = tpu.memref_slice %arg4[%arg1, %dma_start3A, %dma_start3A_8, %dma_start3A_9] : memref<16x25x4x100xi32, #tpu.memory_space<hbm>> -> memref<1x1x4x100xi32, #tpu.memory_space<hbm>>
      %dma_start3A_11 = tpu.memref_squeeze %dma_start3A_10 : memref<1x1x4x100xi32, #tpu.memory_space<hbm>> -> memref<4x100xi32, #tpu.memory_space<hbm>>
      %dma_start3A_12 = arith.constant 0 : i32
      %dma_start3A_13 = arith.constant 0 : i32
      %dma_start3A_14 = tpu.memref_slice %arg4[%arg1, %dma_start3A, %dma_start3A_12, %dma_start3A_13] : memref<16x25x4x100xi32, #tpu.memory_space<hbm>> -> memref<1x1x4x100xi32, #tpu.memory_space<hbm>>
      %dma_start3A_15 = tpu.memref_squeeze %dma_start3A_14 : memref<1x1x4x100xi32, #tpu.memory_space<hbm>> -> memref<4x100xi32, #tpu.memory_space<hbm>>
      tpu.enqueue_dma source(%dma_start3A_15 : memref<4x100xi32, #tpu.memory_space<hbm>>) target(%arg8 : memref<4x100xi32, #tpu.memory_space<vmem>>) target_semaphore(%arg19 : memref<!tpu.dma_semaphore, #tpu.memory_space<semaphore_mem>>)
      %dma_start3A_16 = arith.constant 0 : i32
      %dma_start3A_17 = arith.constant 0 : i32
      %dma_start3A_18 = arith.constant 0 : i32
      %dma_start3A_19 = tpu.memref_slice %arg5[%arg1, %dma_start3A_16, %dma_start3A_17, %dma_start3A_18] : memref<16x25x4x100xi32, #tpu.memory_space<hbm>> -> memref<1x1x4x100xi32, #tpu.memory_space<hbm>>
      %dma_start3A_20 = tpu.memref_squeeze %dma_start3A_19 : memref<1x1x4x100xi32, #tpu.memory_space<hbm>> -> memref<4x100xi32, #tpu.memory_space<hbm>>
      %dma_start3A_21 = arith.constant 0 : i32
      %dma_start3A_22 = arith.constant 0 : i32
      %dma_start3A_23 = tpu.memref_slice %arg5[%arg1, %dma_start3A_16, %dma_start3A_21, %dma_start3A_22] : memref<16x25x4x100xi32, #tpu.memory_space<hbm>> -> memref<1x1x4x100xi32, #tpu.memory_space<hbm>>
      %dma_start3A_24 = tpu.memref_squeeze %dma_start3A_23 : memref<1x1x4x100xi32, #tpu.memory_space<hbm>> -> memref<4x100xi32, #tpu.memory_space<hbm>>
      tpu.enqueue_dma source(%dma_start3A_24 : memref<4x100xi32, #tpu.memory_space<hbm>>) target(%arg9 : memref<4x100xi32, #tpu.memory_space<vmem>>) target_semaphore(%arg19 : memref<!tpu.dma_semaphore, #tpu.memory_space<semaphore_mem>>)
      "tpu.region"() ({
        %run_scoped3A = tpu.sem_alloc : memref<!tpu.dma_semaphore, #tpu.memory_space<semaphore_mem>>
        %dma_start3A_179 = arith.constant 0 : i32
        %dma_start3A_180 = tpu.memref_slice %arg14[%mul3A_0, %dma_start3A_179] : memref<10240x128xf32, #tpu.memory_space<vmem_shared>> -> memref<640x128xf32, #tpu.memory_space<vmem_shared>>
        %dma_start3A_181 = arith.constant 0 : i32
        %dma_start3A_182 = tpu.memref_slice %arg3[%mul3A_0, %dma_start3A_181] : memref<10240x128xf32, #tpu.memory_space<hbm>> -> memref<640x128xf32, #tpu.memory_space<hbm>>
        tpu.enqueue_dma source(%dma_start3A_182 : memref<640x128xf32, #tpu.memory_space<hbm>>) target(%dma_start3A_180 : memref<640x128xf32, #tpu.memory_space<vmem_shared>>) target_semaphore(%run_scoped3A : memref<!tpu.dma_semaphore, #tpu.memory_space<semaphore_mem>>)
        %dma_wait3A_183 = arith.constant 0 : i32
        %dma_wait3A_184 = tpu.memref_slice %arg14[%mul3A_0, %dma_wait3A_183] : memref<10240x128xf32, #tpu.memory_space<vmem_shared>> -> memref<640x128xf32, #tpu.memory_space<vmem_shared>>
        %dma_wait3A_185 = arith.constant 0 : i32
        %dma_wait3A_186 = tpu.memref_slice %arg3[%mul3A_0, %dma_wait3A_185] : memref<10240x128xf32, #tpu.memory_space<hbm>> -> memref<640x128xf32, #tpu.memory_space<hbm>>
        tpu.wait_dma2 semaphore(%run_scoped3A : memref<!tpu.dma_semaphore, #tpu.memory_space<semaphore_mem>>) src(%dma_wait3A_186 : memref<640x128xf32, #tpu.memory_space<hbm>>) dst(%dma_wait3A_184 : memref<640x128xf32, #tpu.memory_space<vmem_shared>>)
        tpu.yield
      }) : () -> ()
      %dma_wait3A = arith.constant 0 : i32
      %dma_wait3A_25 = arith.constant 0 : i32
      %dma_wait3A_26 = arith.constant 0 : i32
      %dma_wait3A_27 = tpu.memref_slice %arg4[%arg1, %dma_wait3A, %dma_wait3A_25, %dma_wait3A_26] : memref<16x25x4x100xi32, #tpu.memory_space<hbm>> -> memref<1x1x4x100xi32, #tpu.memory_space<hbm>>
      %dma_wait3A_28 = tpu.memref_squeeze %dma_wait3A_27 : memref<1x1x4x100xi32, #tpu.memory_space<hbm>> -> memref<4x100xi32, #tpu.memory_space<hbm>>
      %dma_wait3A_29 = arith.constant 0 : i32
      %dma_wait3A_30 = arith.constant 0 : i32
      %dma_wait3A_31 = tpu.memref_slice %arg4[%arg1, %dma_wait3A, %dma_wait3A_29, %dma_wait3A_30] : memref<16x25x4x100xi32, #tpu.memory_space<hbm>> -> memref<1x1x4x100xi32, #tpu.memory_space<hbm>>
      %dma_wait3A_32 = tpu.memref_squeeze %dma_wait3A_31 : memref<1x1x4x100xi32, #tpu.memory_space<hbm>> -> memref<4x100xi32, #tpu.memory_space<hbm>>
      tpu.wait_dma2 semaphore(%arg19 : memref<!tpu.dma_semaphore, #tpu.memory_space<semaphore_mem>>) src(%dma_wait3A_32 : memref<4x100xi32, #tpu.memory_space<hbm>>) dst(%arg8 : memref<4x100xi32, #tpu.memory_space<vmem>>)
      %dma_wait3A_33 = arith.constant 0 : i32
      %dma_wait3A_34 = arith.constant 0 : i32
      %dma_wait3A_35 = arith.constant 0 : i32
      %dma_wait3A_36 = tpu.memref_slice %arg5[%arg1, %dma_wait3A_33, %dma_wait3A_34, %dma_wait3A_35] : memref<16x25x4x100xi32, #tpu.memory_space<hbm>> -> memref<1x1x4x100xi32, #tpu.memory_space<hbm>>
      %dma_wait3A_37 = tpu.memref_squeeze %dma_wait3A_36 : memref<1x1x4x100xi32, #tpu.memory_space<hbm>> -> memref<4x100xi32, #tpu.memory_space<hbm>>
      %dma_wait3A_38 = arith.constant 0 : i32
      %dma_wait3A_39 = arith.constant 0 : i32
      %dma_wait3A_40 = tpu.memref_slice %arg5[%arg1, %dma_wait3A_33, %dma_wait3A_38, %dma_wait3A_39] : memref<16x25x4x100xi32, #tpu.memory_space<hbm>> -> memref<1x1x4x100xi32, #tpu.memory_space<hbm>>
      %dma_wait3A_41 = tpu.memref_squeeze %dma_wait3A_40 : memref<1x1x4x100xi32, #tpu.memory_space<hbm>> -> memref<4x100xi32, #tpu.memory_space<hbm>>
      tpu.wait_dma2 semaphore(%arg19 : memref<!tpu.dma_semaphore, #tpu.memory_space<semaphore_mem>>) src(%dma_wait3A_41 : memref<4x100xi32, #tpu.memory_space<hbm>>) dst(%arg9 : memref<4x100xi32, #tpu.memory_space<vmem>>)
      %dma_start3A_42 = arith.constant 0 : i32
      %dma_start3A_43 = arith.constant 0 : i32
      %dma_start3A_44 = tpu.memref_slice %arg8[%dma_start3A_42, %dma_start3A_43] : memref<4x100xi32, #tpu.memory_space<vmem>> -> memref<1x100xi32, #tpu.memory_space<vmem>>
      %dma_start3A_45 = tpu.memref_squeeze %dma_start3A_44 : memref<1x100xi32, #tpu.memory_space<vmem>> -> memref<100xi32, #tpu.memory_space<vmem>>
      %dma_start3A_46 = arith.constant 0 : i32
      %dma_start3A_47 = arith.constant 0 : i32
      %dma_start3A_48 = tpu.memref_slice %arg3[%dma_start3A_46, %dma_start3A_47] : memref<10240x128xf32, #tpu.memory_space<hbm>> -> memref<10240x128xf32, #tpu.memory_space<hbm>>
      tpu.enqueue_indirect_dma source(%dma_start3A_48 : memref<10240x128xf32, #tpu.memory_space<hbm>>) target(%arg12 : memref<100x128xf32, #tpu.memory_space<vmem>>) offsets(%dma_start3A_45 : memref<100xi32, #tpu.memory_space<vmem>>) semaphore(%arg15 : memref<!tpu.dma_semaphore, #tpu.memory_space<semaphore_mem>>)
      %dma_start3A_49 = arith.constant 1 : i32
      %dma_start3A_50 = arith.constant 0 : i32
      %dma_start3A_51 = tpu.memref_slice %arg8[%dma_start3A_49, %dma_start3A_50] : memref<4x100xi32, #tpu.memory_space<vmem>> -> memref<1x100xi32, #tpu.memory_space<vmem>>
      %dma_start3A_52 = tpu.memref_squeeze %dma_start3A_51 : memref<1x100xi32, #tpu.memory_space<vmem>> -> memref<100xi32, #tpu.memory_space<vmem>>
      %dma_start3A_53 = arith.constant 0 : i32
      %dma_start3A_54 = arith.constant 0 : i32
      %dma_start3A_55 = tpu.memref_slice %arg3[%dma_start3A_53, %dma_start3A_54] : memref<10240x128xf32, #tpu.memory_space<hbm>> -> memref<10240x128xf32, #tpu.memory_space<hbm>>
      tpu.enqueue_indirect_dma source(%dma_start3A_55 : memref<10240x128xf32, #tpu.memory_space<hbm>>) target(%arg13 : memref<100x128xf32, #tpu.memory_space<vmem>>) offsets(%dma_start3A_52 : memref<100xi32, #tpu.memory_space<vmem>>) semaphore(%arg16 : memref<!tpu.dma_semaphore, #tpu.memory_space<semaphore_mem>>)
      %dma_start3A_56 = arith.constant 1 : i32
      %dma_start3A_57 = arith.constant 0 : i32
      %dma_start3A_58 = arith.constant 0 : i32
      %dma_start3A_59 = tpu.memref_slice %arg4[%arg1, %dma_start3A_56, %dma_start3A_57, %dma_start3A_58] : memref<16x25x4x100xi32, #tpu.memory_space<hbm>> -> memref<1x1x4x100xi32, #tpu.memory_space<hbm>>
      %dma_start3A_60 = tpu.memref_squeeze %dma_start3A_59 : memref<1x1x4x100xi32, #tpu.memory_space<hbm>> -> memref<4x100xi32, #tpu.memory_space<hbm>>
      %dma_start3A_61 = arith.constant 0 : i32
      %dma_start3A_62 = arith.constant 0 : i32
      %dma_start3A_63 = tpu.memref_slice %arg4[%arg1, %dma_start3A_56, %dma_start3A_61, %dma_start3A_62] : memref<16x25x4x100xi32, #tpu.memory_space<hbm>> -> memref<1x1x4x100xi32, #tpu.memory_space<hbm>>
      %dma_start3A_64 = tpu.memref_squeeze %dma_start3A_63 : memref<1x1x4x100xi32, #tpu.memory_space<hbm>> -> memref<4x100xi32, #tpu.memory_space<hbm>>
      tpu.enqueue_dma source(%dma_start3A_64 : memref<4x100xi32, #tpu.memory_space<hbm>>) target(%arg10 : memref<4x100xi32, #tpu.memory_space<vmem>>) target_semaphore(%arg19 : memref<!tpu.dma_semaphore, #tpu.memory_space<semaphore_mem>>)
      %dma_start3A_65 = arith.constant 1 : i32
      %dma_start3A_66 = arith.constant 0 : i32
      %dma_start3A_67 = arith.constant 0 : i32
      %dma_start3A_68 = tpu.memref_slice %arg5[%arg1, %dma_start3A_65, %dma_start3A_66, %dma_start3A_67] : memref<16x25x4x100xi32, #tpu.memory_space<hbm>> -> memref<1x1x4x100xi32, #tpu.memory_space<hbm>>
      %dma_start3A_69 = tpu.memref_squeeze %dma_start3A_68 : memref<1x1x4x100xi32, #tpu.memory_space<hbm>> -> memref<4x100xi32, #tpu.memory_space<hbm>>
      %dma_start3A_70 = arith.constant 0 : i32
      %dma_start3A_71 = arith.constant 0 : i32
      %dma_start3A_72 = tpu.memref_slice %arg5[%arg1, %dma_start3A_65, %dma_start3A_70, %dma_start3A_71] : memref<16x25x4x100xi32, #tpu.memory_space<hbm>> -> memref<1x1x4x100xi32, #tpu.memory_space<hbm>>
      %dma_start3A_73 = tpu.memref_squeeze %dma_start3A_72 : memref<1x1x4x100xi32, #tpu.memory_space<hbm>> -> memref<4x100xi32, #tpu.memory_space<hbm>>
      tpu.enqueue_dma source(%dma_start3A_73 : memref<4x100xi32, #tpu.memory_space<hbm>>) target(%arg11 : memref<4x100xi32, #tpu.memory_space<vmem>>) target_semaphore(%arg19 : memref<!tpu.dma_semaphore, #tpu.memory_space<semaphore_mem>>)
      %barrier3A = arith.constant 0 : index
      tpu.barrier barrier_id(%barrier3A)
      %scan3A = arith.constant 0 : i32
      %scan3A_74 = arith.constant 0 : i32
      %scan3A_75 = arith.constant 12 : i32
      %scan3A_76 = arith.addi %scan3A_74, %scan3A_75 : i32
      %scan3A_77 = arith.constant 1 : i32
      %scan3A_78 = scf.for %scan3A_179 = %scan3A_74 to %scan3A_76 step %scan3A_77 iter_args(%scan3A_180 = %scan3A) -> (i32)  : i32 {
        %mul3A_181 = arith.constant 2 : i32
        %mul3A_182 = arith.muli %mul3A_181, %scan3A_179 : i32
        %dma_wait3A_183 = arith.constant 0 : i32
        %dma_wait3A_184 = arith.constant 0 : i32
        %dma_wait3A_185 = tpu.memref_slice %arg8[%dma_wait3A_183, %dma_wait3A_184] : memref<4x100xi32, #tpu.memory_space<vmem>> -> memref<1x100xi32, #tpu.memory_space<vmem>>
        %dma_wait3A_186 = tpu.memref_squeeze %dma_wait3A_185 : memref<1x100xi32, #tpu.memory_space<vmem>> -> memref<100xi32, #tpu.memory_space<vmem>>
        %dma_wait3A_187 = arith.constant 0 : i32
        %dma_wait3A_188 = arith.constant 0 : i32
        %dma_wait3A_189 = tpu.memref_slice %arg3[%dma_wait3A_187, %dma_wait3A_188] : memref<10240x128xf32, #tpu.memory_space<hbm>> -> memref<10240x128xf32, #tpu.memory_space<hbm>>
        tpu.wait_indirect_dma semaphore(%arg15 : memref<!tpu.dma_semaphore, #tpu.memory_space<semaphore_mem>>) src(%dma_wait3A_189 : memref<10240x128xf32, #tpu.memory_space<hbm>>) dst(%arg12 : memref<100x128xf32, #tpu.memory_space<vmem>>)
        %dma_start3A_190 = arith.constant 0 : i32
        %dma_start3A_191 = arith.constant 0 : i32
        %dma_start3A_192 = tpu.memref_slice %arg9[%dma_start3A_190, %dma_start3A_191] : memref<4x100xi32, #tpu.memory_space<vmem>> -> memref<1x100xi32, #tpu.memory_space<vmem>>
        %dma_start3A_193 = tpu.memref_squeeze %dma_start3A_192 : memref<1x100xi32, #tpu.memory_space<vmem>> -> memref<100xi32, #tpu.memory_space<vmem>>
        %dma_start3A_194 = arith.constant 0 : i32
        %dma_start3A_195 = arith.constant 0 : i32
        %dma_start3A_196 = tpu.memref_slice %arg14[%dma_start3A_194, %dma_start3A_195] : memref<10240x128xf32, #tpu.memory_space<vmem_shared>> -> memref<10240x128xf32, #tpu.memory_space<vmem_shared>>
        tpu.enqueue_indirect_dma source(%arg12 : memref<100x128xf32, #tpu.memory_space<vmem>>) target(%dma_start3A_196 : memref<10240x128xf32, #tpu.memory_space<vmem_shared>>) offsets(%dma_start3A_193 : memref<100xi32, #tpu.memory_space<vmem>>) semaphore(%arg17 : memref<!tpu.dma_semaphore, #tpu.memory_space<semaphore_mem>>) {add = true}
        %dma_wait3A_197 = arith.constant 0 : i32
        %dma_wait3A_198 = arith.constant 0 : i32
        %dma_wait3A_199 = tpu.memref_slice %arg8[%dma_wait3A_197, %dma_wait3A_198] : memref<4x100xi32, #tpu.memory_space<vmem>> -> memref<1x100xi32, #tpu.memory_space<vmem>>
        %dma_wait3A_200 = tpu.memref_squeeze %dma_wait3A_199 : memref<1x100xi32, #tpu.memory_space<vmem>> -> memref<100xi32, #tpu.memory_space<vmem>>
        %dma_wait3A_201 = arith.constant 0 : i32
        %dma_wait3A_202 = arith.constant 0 : i32
        %dma_wait3A_203 = tpu.memref_slice %arg3[%dma_wait3A_201, %dma_wait3A_202] : memref<10240x128xf32, #tpu.memory_space<hbm>> -> memref<10240x128xf32, #tpu.memory_space<hbm>>
        tpu.wait_indirect_dma semaphore(%arg16 : memref<!tpu.dma_semaphore, #tpu.memory_space<semaphore_mem>>) src(%dma_wait3A_203 : memref<10240x128xf32, #tpu.memory_space<hbm>>) dst(%arg13 : memref<100x128xf32, #tpu.memory_space<vmem>>)
        %dma_start3A_204 = arith.constant 1 : i32
        %dma_start3A_205 = arith.constant 0 : i32
        %dma_start3A_206 = tpu.memref_slice %arg9[%dma_start3A_204, %dma_start3A_205] : memref<4x100xi32, #tpu.memory_space<vmem>> -> memref<1x100xi32, #tpu.memory_space<vmem>>
        %dma_start3A_207 = tpu.memref_squeeze %dma_start3A_206 : memref<1x100xi32, #tpu.memory_space<vmem>> -> memref<100xi32, #tpu.memory_space<vmem>>
        %dma_start3A_208 = arith.constant 0 : i32
        %dma_start3A_209 = arith.constant 0 : i32
        %dma_start3A_210 = tpu.memref_slice %arg14[%dma_start3A_208, %dma_start3A_209] : memref<10240x128xf32, #tpu.memory_space<vmem_shared>> -> memref<10240x128xf32, #tpu.memory_space<vmem_shared>>
        tpu.enqueue_indirect_dma source(%arg13 : memref<100x128xf32, #tpu.memory_space<vmem>>) target(%dma_start3A_210 : memref<10240x128xf32, #tpu.memory_space<vmem_shared>>) offsets(%dma_start3A_207 : memref<100xi32, #tpu.memory_space<vmem>>) semaphore(%arg18 : memref<!tpu.dma_semaphore, #tpu.memory_space<semaphore_mem>>) {add = true}
        %dma_wait3A_211 = arith.constant 0 : i32
        %dma_wait3A_212 = arith.constant 0 : i32
        %dma_wait3A_213 = tpu.memref_slice %arg9[%dma_wait3A_211, %dma_wait3A_212] : memref<4x100xi32, #tpu.memory_space<vmem>> -> memref<1x100xi32, #tpu.memory_space<vmem>>
        %dma_wait3A_214 = tpu.memref_squeeze %dma_wait3A_213 : memref<1x100xi32, #tpu.memory_space<vmem>> -> memref<100xi32, #tpu.memory_space<vmem>>
        %dma_wait3A_215 = arith.constant 0 : i32
        %dma_wait3A_216 = arith.constant 0 : i32
        %dma_wait3A_217 = tpu.memref_slice %arg14[%dma_wait3A_215, %dma_wait3A_216] : memref<10240x128xf32, #tpu.memory_space<vmem_shared>> -> memref<10240x128xf32, #tpu.memory_space<vmem_shared>>
        tpu.wait_indirect_dma semaphore(%arg17 : memref<!tpu.dma_semaphore, #tpu.memory_space<semaphore_mem>>) src(%arg12 : memref<100x128xf32, #tpu.memory_space<vmem>>) dst(%dma_wait3A_217 : memref<10240x128xf32, #tpu.memory_space<vmem_shared>>)
        %dma_start3A_218 = arith.constant 2 : i32
        %dma_start3A_219 = arith.constant 0 : i32
        %dma_start3A_220 = tpu.memref_slice %arg8[%dma_start3A_218, %dma_start3A_219] : memref<4x100xi32, #tpu.memory_space<vmem>> -> memref<1x100xi32, #tpu.memory_space<vmem>>
        %dma_start3A_221 = tpu.memref_squeeze %dma_start3A_220 : memref<1x100xi32, #tpu.memory_space<vmem>> -> memref<100xi32, #tpu.memory_space<vmem>>
        %dma_start3A_222 = arith.constant 0 : i32
        %dma_start3A_223 = arith.constant 0 : i32
        %dma_start3A_224 = tpu.memref_slice %arg3[%dma_start3A_222, %dma_start3A_223] : memref<10240x128xf32, #tpu.memory_space<hbm>> -> memref<10240x128xf32, #tpu.memory_space<hbm>>
        tpu.enqueue_indirect_dma source(%dma_start3A_224 : memref<10240x128xf32, #tpu.memory_space<hbm>>) target(%arg12 : memref<100x128xf32, #tpu.memory_space<vmem>>) offsets(%dma_start3A_221 : memref<100xi32, #tpu.memory_space<vmem>>) semaphore(%arg15 : memref<!tpu.dma_semaphore, #tpu.memory_space<semaphore_mem>>)
        %dma_wait3A_225 = arith.constant 0 : i32
        %dma_wait3A_226 = arith.constant 0 : i32
        %dma_wait3A_227 = tpu.memref_slice %arg9[%dma_wait3A_225, %dma_wait3A_226] : memref<4x100xi32, #tpu.memory_space<vmem>> -> memref<1x100xi32, #tpu.memory_space<vmem>>
        %dma_wait3A_228 = tpu.memref_squeeze %dma_wait3A_227 : memref<1x100xi32, #tpu.memory_space<vmem>> -> memref<100xi32, #tpu.memory_space<vmem>>
        %dma_wait3A_229 = arith.constant 0 : i32
        %dma_wait3A_230 = arith.constant 0 : i32
        %dma_wait3A_231 = tpu.memref_slice %arg14[%dma_wait3A_229, %dma_wait3A_230] : memref<10240x128xf32, #tpu.memory_space<vmem_shared>> -> memref<10240x128xf32, #tpu.memory_space<vmem_shared>>
        tpu.wait_indirect_dma semaphore(%arg18 : memref<!tpu.dma_semaphore, #tpu.memory_space<semaphore_mem>>) src(%arg13 : memref<100x128xf32, #tpu.memory_space<vmem>>) dst(%dma_wait3A_231 : memref<10240x128xf32, #tpu.memory_space<vmem_shared>>)
        %dma_start3A_232 = arith.constant 3 : i32
        %dma_start3A_233 = arith.constant 0 : i32
        %dma_start3A_234 = tpu.memref_slice %arg8[%dma_start3A_232, %dma_start3A_233] : memref<4x100xi32, #tpu.memory_space<vmem>> -> memref<1x100xi32, #tpu.memory_space<vmem>>
        %dma_start3A_235 = tpu.memref_squeeze %dma_start3A_234 : memref<1x100xi32, #tpu.memory_space<vmem>> -> memref<100xi32, #tpu.memory_space<vmem>>
        %dma_start3A_236 = arith.constant 0 : i32
        %dma_start3A_237 = arith.constant 0 : i32
        %dma_start3A_238 = tpu.memref_slice %arg3[%dma_start3A_236, %dma_start3A_237] : memref<10240x128xf32, #tpu.memory_space<hbm>> -> memref<10240x128xf32, #tpu.memory_space<hbm>>
        tpu.enqueue_indirect_dma source(%dma_start3A_238 : memref<10240x128xf32, #tpu.memory_space<hbm>>) target(%arg13 : memref<100x128xf32, #tpu.memory_space<vmem>>) offsets(%dma_start3A_235 : memref<100xi32, #tpu.memory_space<vmem>>) semaphore(%arg16 : memref<!tpu.dma_semaphore, #tpu.memory_space<semaphore_mem>>)
        %dma_wait3A_239 = arith.constant 0 : i32
        %dma_wait3A_240 = arith.constant 0 : i32
        %dma_wait3A_241 = tpu.memref_slice %arg8[%dma_wait3A_239, %dma_wait3A_240] : memref<4x100xi32, #tpu.memory_space<vmem>> -> memref<1x100xi32, #tpu.memory_space<vmem>>
        %dma_wait3A_242 = tpu.memref_squeeze %dma_wait3A_241 : memref<1x100xi32, #tpu.memory_space<vmem>> -> memref<100xi32, #tpu.memory_space<vmem>>
        %dma_wait3A_243 = arith.constant 0 : i32
        %dma_wait3A_244 = arith.constant 0 : i32
        %dma_wait3A_245 = tpu.memref_slice %arg3[%dma_wait3A_243, %dma_wait3A_244] : memref<10240x128xf32, #tpu.memory_space<hbm>> -> memref<10240x128xf32, #tpu.memory_space<hbm>>
        tpu.wait_indirect_dma semaphore(%arg15 : memref<!tpu.dma_semaphore, #tpu.memory_space<semaphore_mem>>) src(%dma_wait3A_245 : memref<10240x128xf32, #tpu.memory_space<hbm>>) dst(%arg12 : memref<100x128xf32, #tpu.memory_space<vmem>>)
        %dma_start3A_246 = arith.constant 2 : i32
        %dma_start3A_247 = arith.constant 0 : i32
        %dma_start3A_248 = tpu.memref_slice %arg9[%dma_start3A_246, %dma_start3A_247] : memref<4x100xi32, #tpu.memory_space<vmem>> -> memref<1x100xi32, #tpu.memory_space<vmem>>
        %dma_start3A_249 = tpu.memref_squeeze %dma_start3A_248 : memref<1x100xi32, #tpu.memory_space<vmem>> -> memref<100xi32, #tpu.memory_space<vmem>>
        %dma_start3A_250 = arith.constant 0 : i32
        %dma_start3A_251 = arith.constant 0 : i32
        %dma_start3A_252 = tpu.memref_slice %arg14[%dma_start3A_250, %dma_start3A_251] : memref<10240x128xf32, #tpu.memory_space<vmem_shared>> -> memref<10240x128xf32, #tpu.memory_space<vmem_shared>>
        tpu.enqueue_indirect_dma source(%arg12 : memref<100x128xf32, #tpu.memory_space<vmem>>) target(%dma_start3A_252 : memref<10240x128xf32, #tpu.memory_space<vmem_shared>>) offsets(%dma_start3A_249 : memref<100xi32, #tpu.memory_space<vmem>>) semaphore(%arg17 : memref<!tpu.dma_semaphore, #tpu.memory_space<semaphore_mem>>) {add = true}
        %dma_wait3A_253 = arith.constant 0 : i32
        %dma_wait3A_254 = arith.constant 0 : i32
        %dma_wait3A_255 = tpu.memref_slice %arg8[%dma_wait3A_253, %dma_wait3A_254] : memref<4x100xi32, #tpu.memory_space<vmem>> -> memref<1x100xi32, #tpu.memory_space<vmem>>
        %dma_wait3A_256 = tpu.memref_squeeze %dma_wait3A_255 : memref<1x100xi32, #tpu.memory_space<vmem>> -> memref<100xi32, #tpu.memory_space<vmem>>
        %dma_wait3A_257 = arith.constant 0 : i32
        %dma_wait3A_258 = arith.constant 0 : i32
        %dma_wait3A_259 = tpu.memref_slice %arg3[%dma_wait3A_257, %dma_wait3A_258] : memref<10240x128xf32, #tpu.memory_space<hbm>> -> memref<10240x128xf32, #tpu.memory_space<hbm>>
        tpu.wait_indirect_dma semaphore(%arg16 : memref<!tpu.dma_semaphore, #tpu.memory_space<semaphore_mem>>) src(%dma_wait3A_259 : memref<10240x128xf32, #tpu.memory_space<hbm>>) dst(%arg13 : memref<100x128xf32, #tpu.memory_space<vmem>>)
        %dma_start3A_260 = arith.constant 3 : i32
        %dma_start3A_261 = arith.constant 0 : i32
        %dma_start3A_262 = tpu.memref_slice %arg9[%dma_start3A_260, %dma_start3A_261] : memref<4x100xi32, #tpu.memory_space<vmem>> -> memref<1x100xi32, #tpu.memory_space<vmem>>
        %dma_start3A_263 = tpu.memref_squeeze %dma_start3A_262 : memref<1x100xi32, #tpu.memory_space<vmem>> -> memref<100xi32, #tpu.memory_space<vmem>>
        %dma_start3A_264 = arith.constant 0 : i32
        %dma_start3A_265 = arith.constant 0 : i32
        %dma_start3A_266 = tpu.memref_slice %arg14[%dma_start3A_264, %dma_start3A_265] : memref<10240x128xf32, #tpu.memory_space<vmem_shared>> -> memref<10240x128xf32, #tpu.memory_space<vmem_shared>>
        tpu.enqueue_indirect_dma source(%arg13 : memref<100x128xf32, #tpu.memory_space<vmem>>) target(%dma_start3A_266 : memref<10240x128xf32, #tpu.memory_space<vmem_shared>>) offsets(%dma_start3A_263 : memref<100xi32, #tpu.memory_space<vmem>>) semaphore(%arg18 : memref<!tpu.dma_semaphore, #tpu.memory_space<semaphore_mem>>) {add = true}
        %dma_wait3A_267 = arith.constant 0 : i32
        %dma_wait3A_268 = arith.constant 0 : i32
        %dma_wait3A_269 = arith.constant 0 : i32
        %dma_wait3A_270 = tpu.memref_slice %arg4[%arg1, %dma_wait3A_267, %dma_wait3A_268, %dma_wait3A_269] : memref<16x25x4x100xi32, #tpu.memory_space<hbm>> -> memref<1x1x4x100xi32, #tpu.memory_space<hbm>>
        %dma_wait3A_271 = tpu.memref_squeeze %dma_wait3A_270 : memref<1x1x4x100xi32, #tpu.memory_space<hbm>> -> memref<4x100xi32, #tpu.memory_space<hbm>>
        %dma_wait3A_272 = arith.constant 0 : i32
        %dma_wait3A_273 = arith.constant 0 : i32
        %dma_wait3A_274 = tpu.memref_slice %arg4[%arg1, %dma_wait3A_267, %dma_wait3A_272, %dma_wait3A_273] : memref<16x25x4x100xi32, #tpu.memory_space<hbm>> -> memref<1x1x4x100xi32, #tpu.memory_space<hbm>>
        %dma_wait3A_275 = tpu.memref_squeeze %dma_wait3A_274 : memref<1x1x4x100xi32, #tpu.memory_space<hbm>> -> memref<4x100xi32, #tpu.memory_space<hbm>>
        tpu.wait_dma2 semaphore(%arg19 : memref<!tpu.dma_semaphore, #tpu.memory_space<semaphore_mem>>) src(%dma_wait3A_275 : memref<4x100xi32, #tpu.memory_space<hbm>>) dst(%arg10 : memref<4x100xi32, #tpu.memory_space<vmem>>)
        %dma_wait3A_276 = arith.constant 0 : i32
        %dma_wait3A_277 = arith.constant 0 : i32
        %dma_wait3A_278 = arith.constant 0 : i32
        %dma_wait3A_279 = tpu.memref_slice %arg5[%arg1, %dma_wait3A_276, %dma_wait3A_277, %dma_wait3A_278] : memref<16x25x4x100xi32, #tpu.memory_space<hbm>> -> memref<1x1x4x100xi32, #tpu.memory_space<hbm>>
        %dma_wait3A_280 = tpu.memref_squeeze %dma_wait3A_279 : memref<1x1x4x100xi32, #tpu.memory_space<hbm>> -> memref<4x100xi32, #tpu.memory_space<hbm>>
        %dma_wait3A_281 = arith.constant 0 : i32
        %dma_wait3A_282 = arith.constant 0 : i32
        %dma_wait3A_283 = tpu.memref_slice %arg5[%arg1, %dma_wait3A_276, %dma_wait3A_281, %dma_wait3A_282] : memref<16x25x4x100xi32, #tpu.memory_space<hbm>> -> memref<1x1x4x100xi32, #tpu.memory_space<hbm>>
        %dma_wait3A_284 = tpu.memref_squeeze %dma_wait3A_283 : memref<1x1x4x100xi32, #tpu.memory_space<hbm>> -> memref<4x100xi32, #tpu.memory_space<hbm>>
        tpu.wait_dma2 semaphore(%arg19 : memref<!tpu.dma_semaphore, #tpu.memory_space<semaphore_mem>>) src(%dma_wait3A_284 : memref<4x100xi32, #tpu.memory_space<hbm>>) dst(%arg11 : memref<4x100xi32, #tpu.memory_space<vmem>>)
        %dma_wait3A_285 = arith.constant 0 : i32
        %dma_wait3A_286 = arith.constant 0 : i32
        %dma_wait3A_287 = tpu.memref_slice %arg9[%dma_wait3A_285, %dma_wait3A_286] : memref<4x100xi32, #tpu.memory_space<vmem>> -> memref<1x100xi32, #tpu.memory_space<vmem>>
        %dma_wait3A_288 = tpu.memref_squeeze %dma_wait3A_287 : memref<1x100xi32, #tpu.memory_space<vmem>> -> memref<100xi32, #tpu.memory_space<vmem>>
        %dma_wait3A_289 = arith.constant 0 : i32
        %dma_wait3A_290 = arith.constant 0 : i32
        %dma_wait3A_291 = tpu.memref_slice %arg14[%dma_wait3A_289, %dma_wait3A_290] : memref<10240x128xf32, #tpu.memory_space<vmem_shared>> -> memref<10240x128xf32, #tpu.memory_space<vmem_shared>>
        tpu.wait_indirect_dma semaphore(%arg17 : memref<!tpu.dma_semaphore, #tpu.memory_space<semaphore_mem>>) src(%arg12 : memref<100x128xf32, #tpu.memory_space<vmem>>) dst(%dma_wait3A_291 : memref<10240x128xf32, #tpu.memory_space<vmem_shared>>)
        %dma_start3A_292 = arith.constant 0 : i32
        %dma_start3A_293 = arith.constant 0 : i32
        %dma_start3A_294 = tpu.memref_slice %arg10[%dma_start3A_292, %dma_start3A_293] : memref<4x100xi32, #tpu.memory_space<vmem>> -> memref<1x100xi32, #tpu.memory_space<vmem>>
        %dma_start3A_295 = tpu.memref_squeeze %dma_start3A_294 : memref<1x100xi32, #tpu.memory_space<vmem>> -> memref<100xi32, #tpu.memory_space<vmem>>
        %dma_start3A_296 = arith.constant 0 : i32
        %dma_start3A_297 = arith.constant 0 : i32
        %dma_start3A_298 = tpu.memref_slice %arg3[%dma_start3A_296, %dma_start3A_297] : memref<10240x128xf32, #tpu.memory_space<hbm>> -> memref<10240x128xf32, #tpu.memory_space<hbm>>
        tpu.enqueue_indirect_dma source(%dma_start3A_298 : memref<10240x128xf32, #tpu.memory_space<hbm>>) target(%arg12 : memref<100x128xf32, #tpu.memory_space<vmem>>) offsets(%dma_start3A_295 : memref<100xi32, #tpu.memory_space<vmem>>) semaphore(%arg15 : memref<!tpu.dma_semaphore, #tpu.memory_space<semaphore_mem>>)
        %dma_wait3A_299 = arith.constant 0 : i32
        %dma_wait3A_300 = arith.constant 0 : i32
        %dma_wait3A_301 = tpu.memref_slice %arg9[%dma_wait3A_299, %dma_wait3A_300] : memref<4x100xi32, #tpu.memory_space<vmem>> -> memref<1x100xi32, #tpu.memory_space<vmem>>
        %dma_wait3A_302 = tpu.memref_squeeze %dma_wait3A_301 : memref<1x100xi32, #tpu.memory_space<vmem>> -> memref<100xi32, #tpu.memory_space<vmem>>
        %dma_wait3A_303 = arith.constant 0 : i32
        %dma_wait3A_304 = arith.constant 0 : i32
        %dma_wait3A_305 = tpu.memref_slice %arg14[%dma_wait3A_303, %dma_wait3A_304] : memref<10240x128xf32, #tpu.memory_space<vmem_shared>> -> memref<10240x128xf32, #tpu.memory_space<vmem_shared>>
        tpu.wait_indirect_dma semaphore(%arg18 : memref<!tpu.dma_semaphore, #tpu.memory_space<semaphore_mem>>) src(%arg13 : memref<100x128xf32, #tpu.memory_space<vmem>>) dst(%dma_wait3A_305 : memref<10240x128xf32, #tpu.memory_space<vmem_shared>>)
        %dma_start3A_306 = arith.constant 1 : i32
        %dma_start3A_307 = arith.constant 0 : i32
        %dma_start3A_308 = tpu.memref_slice %arg10[%dma_start3A_306, %dma_start3A_307] : memref<4x100xi32, #tpu.memory_space<vmem>> -> memref<1x100xi32, #tpu.memory_space<vmem>>
        %dma_start3A_309 = tpu.memref_squeeze %dma_start3A_308 : memref<1x100xi32, #tpu.memory_space<vmem>> -> memref<100xi32, #tpu.memory_space<vmem>>
        %dma_start3A_310 = arith.constant 0 : i32
        %dma_start3A_311 = arith.constant 0 : i32
        %dma_start3A_312 = tpu.memref_slice %arg3[%dma_start3A_310, %dma_start3A_311] : memref<10240x128xf32, #tpu.memory_space<hbm>> -> memref<10240x128xf32, #tpu.memory_space<hbm>>
        tpu.enqueue_indirect_dma source(%dma_start3A_312 : memref<10240x128xf32, #tpu.memory_space<hbm>>) target(%arg13 : memref<100x128xf32, #tpu.memory_space<vmem>>) offsets(%dma_start3A_309 : memref<100xi32, #tpu.memory_space<vmem>>) semaphore(%arg16 : memref<!tpu.dma_semaphore, #tpu.memory_space<semaphore_mem>>)
        %add3A = arith.constant 2 : i32
        %add3A_313 = arith.addi %mul3A_182, %add3A : i32
        %dma_start3A_314 = arith.constant 0 : i32
        %dma_start3A_315 = arith.constant 0 : i32
        %dma_start3A_316 = tpu.memref_slice %arg4[%arg1, %add3A_313, %dma_start3A_314, %dma_start3A_315] : memref<16x25x4x100xi32, #tpu.memory_space<hbm>> -> memref<1x1x4x100xi32, #tpu.memory_space<hbm>>
        %dma_start3A_317 = tpu.memref_squeeze %dma_start3A_316 : memref<1x1x4x100xi32, #tpu.memory_space<hbm>> -> memref<4x100xi32, #tpu.memory_space<hbm>>
        %dma_start3A_318 = arith.constant 0 : i32
        %dma_start3A_319 = arith.constant 0 : i32
        %dma_start3A_320 = tpu.memref_slice %arg4[%arg1, %add3A_313, %dma_start3A_318, %dma_start3A_319] : memref<16x25x4x100xi32, #tpu.memory_space<hbm>> -> memref<1x1x4x100xi32, #tpu.memory_space<hbm>>
        %dma_start3A_321 = tpu.memref_squeeze %dma_start3A_320 : memref<1x1x4x100xi32, #tpu.memory_space<hbm>> -> memref<4x100xi32, #tpu.memory_space<hbm>>
        tpu.enqueue_dma source(%dma_start3A_321 : memref<4x100xi32, #tpu.memory_space<hbm>>) target(%arg8 : memref<4x100xi32, #tpu.memory_space<vmem>>) target_semaphore(%arg19 : memref<!tpu.dma_semaphore, #tpu.memory_space<semaphore_mem>>)
        %dma_start3A_322 = arith.constant 0 : i32
        %dma_start3A_323 = arith.constant 0 : i32
        %dma_start3A_324 = tpu.memref_slice %arg5[%arg1, %add3A_313, %dma_start3A_322, %dma_start3A_323] : memref<16x25x4x100xi32, #tpu.memory_space<hbm>> -> memref<1x1x4x100xi32, #tpu.memory_space<hbm>>
        %dma_start3A_325 = tpu.memref_squeeze %dma_start3A_324 : memref<1x1x4x100xi32, #tpu.memory_space<hbm>> -> memref<4x100xi32, #tpu.memory_space<hbm>>
        %dma_start3A_326 = arith.constant 0 : i32
        %dma_start3A_327 = arith.constant 0 : i32
        %dma_start3A_328 = tpu.memref_slice %arg5[%arg1, %add3A_313, %dma_start3A_326, %dma_start3A_327] : memref<16x25x4x100xi32, #tpu.memory_space<hbm>> -> memref<1x1x4x100xi32, #tpu.memory_space<hbm>>
        %dma_start3A_329 = tpu.memref_squeeze %dma_start3A_328 : memref<1x1x4x100xi32, #tpu.memory_space<hbm>> -> memref<4x100xi32, #tpu.memory_space<hbm>>
        tpu.enqueue_dma source(%dma_start3A_329 : memref<4x100xi32, #tpu.memory_space<hbm>>) target(%arg9 : memref<4x100xi32, #tpu.memory_space<vmem>>) target_semaphore(%arg19 : memref<!tpu.dma_semaphore, #tpu.memory_space<semaphore_mem>>)
        %dma_wait3A_330 = arith.constant 0 : i32
        %dma_wait3A_331 = arith.constant 0 : i32
        %dma_wait3A_332 = tpu.memref_slice %arg8[%dma_wait3A_330, %dma_wait3A_331] : memref<4x100xi32, #tpu.memory_space<vmem>> -> memref<1x100xi32, #tpu.memory_space<vmem>>
        %dma_wait3A_333 = tpu.memref_squeeze %dma_wait3A_332 : memref<1x100xi32, #tpu.memory_space<vmem>> -> memref<100xi32, #tpu.memory_space<vmem>>
        %dma_wait3A_334 = arith.constant 0 : i32
        %dma_wait3A_335 = arith.constant 0 : i32
        %dma_wait3A_336 = tpu.memref_slice %arg3[%dma_wait3A_334, %dma_wait3A_335] : memref<10240x128xf32, #tpu.memory_space<hbm>> -> memref<10240x128xf32, #tpu.memory_space<hbm>>
        tpu.wait_indirect_dma semaphore(%arg15 : memref<!tpu.dma_semaphore, #tpu.memory_space<semaphore_mem>>) src(%dma_wait3A_336 : memref<10240x128xf32, #tpu.memory_space<hbm>>) dst(%arg12 : memref<100x128xf32, #tpu.memory_space<vmem>>)
        %dma_start3A_337 = arith.constant 0 : i32
        %dma_start3A_338 = arith.constant 0 : i32
        %dma_start3A_339 = tpu.memref_slice %arg11[%dma_start3A_337, %dma_start3A_338] : memref<4x100xi32, #tpu.memory_space<vmem>> -> memref<1x100xi32, #tpu.memory_space<vmem>>
        %dma_start3A_340 = tpu.memref_squeeze %dma_start3A_339 : memref<1x100xi32, #tpu.memory_space<vmem>> -> memref<100xi32, #tpu.memory_space<vmem>>
        %dma_start3A_341 = arith.constant 0 : i32
        %dma_start3A_342 = arith.constant 0 : i32
        %dma_start3A_343 = tpu.memref_slice %arg14[%dma_start3A_341, %dma_start3A_342] : memref<10240x128xf32, #tpu.memory_space<vmem_shared>> -> memref<10240x128xf32, #tpu.memory_space<vmem_shared>>
        tpu.enqueue_indirect_dma source(%arg12 : memref<100x128xf32, #tpu.memory_space<vmem>>) target(%dma_start3A_343 : memref<10240x128xf32, #tpu.memory_space<vmem_shared>>) offsets(%dma_start3A_340 : memref<100xi32, #tpu.memory_space<vmem>>) semaphore(%arg17 : memref<!tpu.dma_semaphore, #tpu.memory_space<semaphore_mem>>) {add = true}
        %dma_wait3A_344 = arith.constant 0 : i32
        %dma_wait3A_345 = arith.constant 0 : i32
        %dma_wait3A_346 = tpu.memref_slice %arg8[%dma_wait3A_344, %dma_wait3A_345] : memref<4x100xi32, #tpu.memory_space<vmem>> -> memref<1x100xi32, #tpu.memory_space<vmem>>
        %dma_wait3A_347 = tpu.memref_squeeze %dma_wait3A_346 : memref<1x100xi32, #tpu.memory_space<vmem>> -> memref<100xi32, #tpu.memory_space<vmem>>
        %dma_wait3A_348 = arith.constant 0 : i32
        %dma_wait3A_349 = arith.constant 0 : i32
        %dma_wait3A_350 = tpu.memref_slice %arg3[%dma_wait3A_348, %dma_wait3A_349] : memref<10240x128xf32, #tpu.memory_space<hbm>> -> memref<10240x128xf32, #tpu.memory_space<hbm>>
        tpu.wait_indirect_dma semaphore(%arg16 : memref<!tpu.dma_semaphore, #tpu.memory_space<semaphore_mem>>) src(%dma_wait3A_350 : memref<10240x128xf32, #tpu.memory_space<hbm>>) dst(%arg13 : memref<100x128xf32, #tpu.memory_space<vmem>>)
        %dma_start3A_351 = arith.constant 1 : i32
        %dma_start3A_352 = arith.constant 0 : i32
        %dma_start3A_353 = tpu.memref_slice %arg11[%dma_start3A_351, %dma_start3A_352] : memref<4x100xi32, #tpu.memory_space<vmem>> -> memref<1x100xi32, #tpu.memory_space<vmem>>
        %dma_start3A_354 = tpu.memref_squeeze %dma_start3A_353 : memref<1x100xi32, #tpu.memory_space<vmem>> -> memref<100xi32, #tpu.memory_space<vmem>>
        %dma_start3A_355 = arith.constant 0 : i32
        %dma_start3A_356 = arith.constant 0 : i32
        %dma_start3A_357 = tpu.memref_slice %arg14[%dma_start3A_355, %dma_start3A_356] : memref<10240x128xf32, #tpu.memory_space<vmem_shared>> -> memref<10240x128xf32, #tpu.memory_space<vmem_shared>>
        tpu.enqueue_indirect_dma source(%arg13 : memref<100x128xf32, #tpu.memory_space<vmem>>) target(%dma_start3A_357 : memref<10240x128xf32, #tpu.memory_space<vmem_shared>>) offsets(%dma_start3A_354 : memref<100xi32, #tpu.memory_space<vmem>>) semaphore(%arg18 : memref<!tpu.dma_semaphore, #tpu.memory_space<semaphore_mem>>) {add = true}
        %dma_wait3A_358 = arith.constant 0 : i32
        %dma_wait3A_359 = arith.constant 0 : i32
        %dma_wait3A_360 = tpu.memref_slice %arg9[%dma_wait3A_358, %dma_wait3A_359] : memref<4x100xi32, #tpu.memory_space<vmem>> -> memref<1x100xi32, #tpu.memory_space<vmem>>
        %dma_wait3A_361 = tpu.memref_squeeze %dma_wait3A_360 : memref<1x100xi32, #tpu.memory_space<vmem>> -> memref<100xi32, #tpu.memory_space<vmem>>
        %dma_wait3A_362 = arith.constant 0 : i32
        %dma_wait3A_363 = arith.constant 0 : i32
        %dma_wait3A_364 = tpu.memref_slice %arg14[%dma_wait3A_362, %dma_wait3A_363] : memref<10240x128xf32, #tpu.memory_space<vmem_shared>> -> memref<10240x128xf32, #tpu.memory_space<vmem_shared>>
        tpu.wait_indirect_dma semaphore(%arg17 : memref<!tpu.dma_semaphore, #tpu.memory_space<semaphore_mem>>) src(%arg12 : memref<100x128xf32, #tpu.memory_space<vmem>>) dst(%dma_wait3A_364 : memref<10240x128xf32, #tpu.memory_space<vmem_shared>>)
        %dma_start3A_365 = arith.constant 2 : i32
        %dma_start3A_366 = arith.constant 0 : i32
        %dma_start3A_367 = tpu.memref_slice %arg10[%dma_start3A_365, %dma_start3A_366] : memref<4x100xi32, #tpu.memory_space<vmem>> -> memref<1x100xi32, #tpu.memory_space<vmem>>
        %dma_start3A_368 = tpu.memref_squeeze %dma_start3A_367 : memref<1x100xi32, #tpu.memory_space<vmem>> -> memref<100xi32, #tpu.memory_space<vmem>>
        %dma_start3A_369 = arith.constant 0 : i32
        %dma_start3A_370 = arith.constant 0 : i32
        %dma_start3A_371 = tpu.memref_slice %arg3[%dma_start3A_369, %dma_start3A_370] : memref<10240x128xf32, #tpu.memory_space<hbm>> -> memref<10240x128xf32, #tpu.memory_space<hbm>>
        tpu.enqueue_indirect_dma source(%dma_start3A_371 : memref<10240x128xf32, #tpu.memory_space<hbm>>) target(%arg12 : memref<100x128xf32, #tpu.memory_space<vmem>>) offsets(%dma_start3A_368 : memref<100xi32, #tpu.memory_space<vmem>>) semaphore(%arg15 : memref<!tpu.dma_semaphore, #tpu.memory_space<semaphore_mem>>)
        %dma_wait3A_372 = arith.constant 0 : i32
        %dma_wait3A_373 = arith.constant 0 : i32
        %dma_wait3A_374 = tpu.memref_slice %arg9[%dma_wait3A_372, %dma_wait3A_373] : memref<4x100xi32, #tpu.memory_space<vmem>> -> memref<1x100xi32, #tpu.memory_space<vmem>>
        %dma_wait3A_375 = tpu.memref_squeeze %dma_wait3A_374 : memref<1x100xi32, #tpu.memory_space<vmem>> -> memref<100xi32, #tpu.memory_space<vmem>>
        %dma_wait3A_376 = arith.constant 0 : i32
        %dma_wait3A_377 = arith.constant 0 : i32
        %dma_wait3A_378 = tpu.memref_slice %arg14[%dma_wait3A_376, %dma_wait3A_377] : memref<10240x128xf32, #tpu.memory_space<vmem_shared>> -> memref<10240x128xf32, #tpu.memory_space<vmem_shared>>
        tpu.wait_indirect_dma semaphore(%arg18 : memref<!tpu.dma_semaphore, #tpu.memory_space<semaphore_mem>>) src(%arg13 : memref<100x128xf32, #tpu.memory_space<vmem>>) dst(%dma_wait3A_378 : memref<10240x128xf32, #tpu.memory_space<vmem_shared>>)
        %dma_start3A_379 = arith.constant 3 : i32
        %dma_start3A_380 = arith.constant 0 : i32
        %dma_start3A_381 = tpu.memref_slice %arg10[%dma_start3A_379, %dma_start3A_380] : memref<4x100xi32, #tpu.memory_space<vmem>> -> memref<1x100xi32, #tpu.memory_space<vmem>>
        %dma_start3A_382 = tpu.memref_squeeze %dma_start3A_381 : memref<1x100xi32, #tpu.memory_space<vmem>> -> memref<100xi32, #tpu.memory_space<vmem>>
        %dma_start3A_383 = arith.constant 0 : i32
        %dma_start3A_384 = arith.constant 0 : i32
        %dma_start3A_385 = tpu.memref_slice %arg3[%dma_start3A_383, %dma_start3A_384] : memref<10240x128xf32, #tpu.memory_space<hbm>> -> memref<10240x128xf32, #tpu.memory_space<hbm>>
        tpu.enqueue_indirect_dma source(%dma_start3A_385 : memref<10240x128xf32, #tpu.memory_space<hbm>>) target(%arg13 : memref<100x128xf32, #tpu.memory_space<vmem>>) offsets(%dma_start3A_382 : memref<100xi32, #tpu.memory_space<vmem>>) semaphore(%arg16 : memref<!tpu.dma_semaphore, #tpu.memory_space<semaphore_mem>>)
        %dma_wait3A_386 = arith.constant 0 : i32
        %dma_wait3A_387 = arith.constant 0 : i32
        %dma_wait3A_388 = tpu.memref_slice %arg8[%dma_wait3A_386, %dma_wait3A_387] : memref<4x100xi32, #tpu.memory_space<vmem>> -> memref<1x100xi32, #tpu.memory_space<vmem>>
        %dma_wait3A_389 = tpu.memref_squeeze %dma_wait3A_388 : memref<1x100xi32, #tpu.memory_space<vmem>> -> memref<100xi32, #tpu.memory_space<vmem>>
        %dma_wait3A_390 = arith.constant 0 : i32
        %dma_wait3A_391 = arith.constant 0 : i32
        %dma_wait3A_392 = tpu.memref_slice %arg3[%dma_wait3A_390, %dma_wait3A_391] : memref<10240x128xf32, #tpu.memory_space<hbm>> -> memref<10240x128xf32, #tpu.memory_space<hbm>>
        tpu.wait_indirect_dma semaphore(%arg15 : memref<!tpu.dma_semaphore, #tpu.memory_space<semaphore_mem>>) src(%dma_wait3A_392 : memref<10240x128xf32, #tpu.memory_space<hbm>>) dst(%arg12 : memref<100x128xf32, #tpu.memory_space<vmem>>)
        %dma_start3A_393 = arith.constant 2 : i32
        %dma_start3A_394 = arith.constant 0 : i32
        %dma_start3A_395 = tpu.memref_slice %arg11[%dma_start3A_393, %dma_start3A_394] : memref<4x100xi32, #tpu.memory_space<vmem>> -> memref<1x100xi32, #tpu.memory_space<vmem>>
        %dma_start3A_396 = tpu.memref_squeeze %dma_start3A_395 : memref<1x100xi32, #tpu.memory_space<vmem>> -> memref<100xi32, #tpu.memory_space<vmem>>
        %dma_start3A_397 = arith.constant 0 : i32
        %dma_start3A_398 = arith.constant 0 : i32
        %dma_start3A_399 = tpu.memref_slice %arg14[%dma_start3A_397, %dma_start3A_398] : memref<10240x128xf32, #tpu.memory_space<vmem_shared>> -> memref<10240x128xf32, #tpu.memory_space<vmem_shared>>
        tpu.enqueue_indirect_dma source(%arg12 : memref<100x128xf32, #tpu.memory_space<vmem>>) target(%dma_start3A_399 : memref<10240x128xf32, #tpu.memory_space<vmem_shared>>) offsets(%dma_start3A_396 : memref<100xi32, #tpu.memory_space<vmem>>) semaphore(%arg17 : memref<!tpu.dma_semaphore, #tpu.memory_space<semaphore_mem>>) {add = true}
        %dma_wait3A_400 = arith.constant 0 : i32
        %dma_wait3A_401 = arith.constant 0 : i32
        %dma_wait3A_402 = tpu.memref_slice %arg8[%dma_wait3A_400, %dma_wait3A_401] : memref<4x100xi32, #tpu.memory_space<vmem>> -> memref<1x100xi32, #tpu.memory_space<vmem>>
        %dma_wait3A_403 = tpu.memref_squeeze %dma_wait3A_402 : memref<1x100xi32, #tpu.memory_space<vmem>> -> memref<100xi32, #tpu.memory_space<vmem>>
        %dma_wait3A_404 = arith.constant 0 : i32
        %dma_wait3A_405 = arith.constant 0 : i32
        %dma_wait3A_406 = tpu.memref_slice %arg3[%dma_wait3A_404, %dma_wait3A_405] : memref<10240x128xf32, #tpu.memory_space<hbm>> -> memref<10240x128xf32, #tpu.memory_space<hbm>>
        tpu.wait_indirect_dma semaphore(%arg16 : memref<!tpu.dma_semaphore, #tpu.memory_space<semaphore_mem>>) src(%dma_wait3A_406 : memref<10240x128xf32, #tpu.memory_space<hbm>>) dst(%arg13 : memref<100x128xf32, #tpu.memory_space<vmem>>)
        %dma_start3A_407 = arith.constant 3 : i32
        %dma_start3A_408 = arith.constant 0 : i32
        %dma_start3A_409 = tpu.memref_slice %arg11[%dma_start3A_407, %dma_start3A_408] : memref<4x100xi32, #tpu.memory_space<vmem>> -> memref<1x100xi32, #tpu.memory_space<vmem>>
        %dma_start3A_410 = tpu.memref_squeeze %dma_start3A_409 : memref<1x100xi32, #tpu.memory_space<vmem>> -> memref<100xi32, #tpu.memory_space<vmem>>
        %dma_start3A_411 = arith.constant 0 : i32
        %dma_start3A_412 = arith.constant 0 : i32
        %dma_start3A_413 = tpu.memref_slice %arg14[%dma_start3A_411, %dma_start3A_412] : memref<10240x128xf32, #tpu.memory_space<vmem_shared>> -> memref<10240x128xf32, #tpu.memory_space<vmem_shared>>
        tpu.enqueue_indirect_dma source(%arg13 : memref<100x128xf32, #tpu.memory_space<vmem>>) target(%dma_start3A_413 : memref<10240x128xf32, #tpu.memory_space<vmem_shared>>) offsets(%dma_start3A_410 : memref<100xi32, #tpu.memory_space<vmem>>) semaphore(%arg18 : memref<!tpu.dma_semaphore, #tpu.memory_space<semaphore_mem>>) {add = true}
        %dma_wait3A_414 = arith.constant 0 : i32
        %dma_wait3A_415 = arith.constant 0 : i32
        %dma_wait3A_416 = arith.constant 0 : i32
        %dma_wait3A_417 = tpu.memref_slice %arg4[%arg1, %dma_wait3A_414, %dma_wait3A_415, %dma_wait3A_416] : memref<16x25x4x100xi32, #tpu.memory_space<hbm>> -> memref<1x1x4x100xi32, #tpu.memory_space<hbm>>
        %dma_wait3A_418 = tpu.memref_squeeze %dma_wait3A_417 : memref<1x1x4x100xi32, #tpu.memory_space<hbm>> -> memref<4x100xi32, #tpu.memory_space<hbm>>
        %dma_wait3A_419 = arith.constant 0 : i32
        %dma_wait3A_420 = arith.constant 0 : i32
        %dma_wait3A_421 = tpu.memref_slice %arg4[%arg1, %dma_wait3A_414, %dma_wait3A_419, %dma_wait3A_420] : memref<16x25x4x100xi32, #tpu.memory_space<hbm>> -> memref<1x1x4x100xi32, #tpu.memory_space<hbm>>
        %dma_wait3A_422 = tpu.memref_squeeze %dma_wait3A_421 : memref<1x1x4x100xi32, #tpu.memory_space<hbm>> -> memref<4x100xi32, #tpu.memory_space<hbm>>
        tpu.wait_dma2 semaphore(%arg19 : memref<!tpu.dma_semaphore, #tpu.memory_space<semaphore_mem>>) src(%dma_wait3A_422 : memref<4x100xi32, #tpu.memory_space<hbm>>) dst(%arg8 : memref<4x100xi32, #tpu.memory_space<vmem>>)
        %dma_wait3A_423 = arith.constant 0 : i32
        %dma_wait3A_424 = arith.constant 0 : i32
        %dma_wait3A_425 = arith.constant 0 : i32
        %dma_wait3A_426 = tpu.memref_slice %arg5[%arg1, %dma_wait3A_423, %dma_wait3A_424, %dma_wait3A_425] : memref<16x25x4x100xi32, #tpu.memory_space<hbm>> -> memref<1x1x4x100xi32, #tpu.memory_space<hbm>>
        %dma_wait3A_427 = tpu.memref_squeeze %dma_wait3A_426 : memref<1x1x4x100xi32, #tpu.memory_space<hbm>> -> memref<4x100xi32, #tpu.memory_space<hbm>>
        %dma_wait3A_428 = arith.constant 0 : i32
        %dma_wait3A_429 = arith.constant 0 : i32
        %dma_wait3A_430 = tpu.memref_slice %arg5[%arg1, %dma_wait3A_423, %dma_wait3A_428, %dma_wait3A_429] : memref<16x25x4x100xi32, #tpu.memory_space<hbm>> -> memref<1x1x4x100xi32, #tpu.memory_space<hbm>>
        %dma_wait3A_431 = tpu.memref_squeeze %dma_wait3A_430 : memref<1x1x4x100xi32, #tpu.memory_space<hbm>> -> memref<4x100xi32, #tpu.memory_space<hbm>>
        tpu.wait_dma2 semaphore(%arg19 : memref<!tpu.dma_semaphore, #tpu.memory_space<semaphore_mem>>) src(%dma_wait3A_431 : memref<4x100xi32, #tpu.memory_space<hbm>>) dst(%arg9 : memref<4x100xi32, #tpu.memory_space<vmem>>)
        %dma_wait3A_432 = arith.constant 0 : i32
        %dma_wait3A_433 = arith.constant 0 : i32
        %dma_wait3A_434 = tpu.memref_slice %arg9[%dma_wait3A_432, %dma_wait3A_433] : memref<4x100xi32, #tpu.memory_space<vmem>> -> memref<1x100xi32, #tpu.memory_space<vmem>>
        %dma_wait3A_435 = tpu.memref_squeeze %dma_wait3A_434 : memref<1x100xi32, #tpu.memory_space<vmem>> -> memref<100xi32, #tpu.memory_space<vmem>>
        %dma_wait3A_436 = arith.constant 0 : i32
        %dma_wait3A_437 = arith.constant 0 : i32
        %dma_wait3A_438 = tpu.memref_slice %arg14[%dma_wait3A_436, %dma_wait3A_437] : memref<10240x128xf32, #tpu.memory_space<vmem_shared>> -> memref<10240x128xf32, #tpu.memory_space<vmem_shared>>
        tpu.wait_indirect_dma semaphore(%arg17 : memref<!tpu.dma_semaphore, #tpu.memory_space<semaphore_mem>>) src(%arg12 : memref<100x128xf32, #tpu.memory_space<vmem>>) dst(%dma_wait3A_438 : memref<10240x128xf32, #tpu.memory_space<vmem_shared>>)
        %dma_start3A_439 = arith.constant 0 : i32
        %dma_start3A_440 = arith.constant 0 : i32
        %dma_start3A_441 = tpu.memref_slice %arg8[%dma_start3A_439, %dma_start3A_440] : memref<4x100xi32, #tpu.memory_space<vmem>> -> memref<1x100xi32, #tpu.memory_space<vmem>>
        %dma_start3A_442 = tpu.memref_squeeze %dma_start3A_441 : memref<1x100xi32, #tpu.memory_space<vmem>> -> memref<100xi32, #tpu.memory_space<vmem>>
        %dma_start3A_443 = arith.constant 0 : i32
        %dma_start3A_444 = arith.constant 0 : i32
        %dma_start3A_445 = tpu.memref_slice %arg3[%dma_start3A_443, %dma_start3A_444] : memref<10240x128xf32, #tpu.memory_space<hbm>> -> memref<10240x128xf32, #tpu.memory_space<hbm>>
        tpu.enqueue_indirect_dma source(%dma_start3A_445 : memref<10240x128xf32, #tpu.memory_space<hbm>>) target(%arg12 : memref<100x128xf32, #tpu.memory_space<vmem>>) offsets(%dma_start3A_442 : memref<100xi32, #tpu.memory_space<vmem>>) semaphore(%arg15 : memref<!tpu.dma_semaphore, #tpu.memory_space<semaphore_mem>>)
        %dma_wait3A_446 = arith.constant 0 : i32
        %dma_wait3A_447 = arith.constant 0 : i32
        %dma_wait3A_448 = tpu.memref_slice %arg9[%dma_wait3A_446, %dma_wait3A_447] : memref<4x100xi32, #tpu.memory_space<vmem>> -> memref<1x100xi32, #tpu.memory_space<vmem>>
        %dma_wait3A_449 = tpu.memref_squeeze %dma_wait3A_448 : memref<1x100xi32, #tpu.memory_space<vmem>> -> memref<100xi32, #tpu.memory_space<vmem>>
        %dma_wait3A_450 = arith.constant 0 : i32
        %dma_wait3A_451 = arith.constant 0 : i32
        %dma_wait3A_452 = tpu.memref_slice %arg14[%dma_wait3A_450, %dma_wait3A_451] : memref<10240x128xf32, #tpu.memory_space<vmem_shared>> -> memref<10240x128xf32, #tpu.memory_space<vmem_shared>>
        tpu.wait_indirect_dma semaphore(%arg18 : memref<!tpu.dma_semaphore, #tpu.memory_space<semaphore_mem>>) src(%arg13 : memref<100x128xf32, #tpu.memory_space<vmem>>) dst(%dma_wait3A_452 : memref<10240x128xf32, #tpu.memory_space<vmem_shared>>)
        %dma_start3A_453 = arith.constant 1 : i32
        %dma_start3A_454 = arith.constant 0 : i32
        %dma_start3A_455 = tpu.memref_slice %arg8[%dma_start3A_453, %dma_start3A_454] : memref<4x100xi32, #tpu.memory_space<vmem>> -> memref<1x100xi32, #tpu.memory_space<vmem>>
        %dma_start3A_456 = tpu.memref_squeeze %dma_start3A_455 : memref<1x100xi32, #tpu.memory_space<vmem>> -> memref<100xi32, #tpu.memory_space<vmem>>
        %dma_start3A_457 = arith.constant 0 : i32
        %dma_start3A_458 = arith.constant 0 : i32
        %dma_start3A_459 = tpu.memref_slice %arg3[%dma_start3A_457, %dma_start3A_458] : memref<10240x128xf32, #tpu.memory_space<hbm>> -> memref<10240x128xf32, #tpu.memory_space<hbm>>
        tpu.enqueue_indirect_dma source(%dma_start3A_459 : memref<10240x128xf32, #tpu.memory_space<hbm>>) target(%arg13 : memref<100x128xf32, #tpu.memory_space<vmem>>) offsets(%dma_start3A_456 : memref<100xi32, #tpu.memory_space<vmem>>) semaphore(%arg16 : memref<!tpu.dma_semaphore, #tpu.memory_space<semaphore_mem>>)
        %add3A_460 = arith.constant 3 : i32
        %add3A_461 = arith.addi %mul3A_182, %add3A_460 : i32
        %lt3A = arith.constant 25 : i32
        %lt3A_462 = arith.cmpi slt, %add3A_461, %lt3A : i32
        %convert_element_type3A_463 = arith.extui %lt3A_462 : i1 to i32
        %cond3A_464 = arith.constant 0 : i32
        %cond3A_465 = arith.cmpi ne, %convert_element_type3A_463, %cond3A_464 : i32
        scf.if %cond3A_465 {
          %add3A_467 = arith.constant 3 : i32
          %add3A_468 = arith.addi %mul3A_182, %add3A_467 : i32
          %dma_start3A_469 = arith.constant 0 : i32
          %dma_start3A_470 = arith.constant 0 : i32
          %dma_start3A_471 = tpu.memref_slice %arg4[%arg1, %add3A_468, %dma_start3A_469, %dma_start3A_470] : memref<16x25x4x100xi32, #tpu.memory_space<hbm>> -> memref<1x1x4x100xi32, #tpu.memory_space<hbm>>
          %dma_start3A_472 = tpu.memref_squeeze %dma_start3A_471 : memref<1x1x4x100xi32, #tpu.memory_space<hbm>> -> memref<4x100xi32, #tpu.memory_space<hbm>>
          %dma_start3A_473 = arith.constant 0 : i32
          %dma_start3A_474 = arith.constant 0 : i32
          %dma_start3A_475 = tpu.memref_slice %arg4[%arg1, %add3A_468, %dma_start3A_473, %dma_start3A_474] : memref<16x25x4x100xi32, #tpu.memory_space<hbm>> -> memref<1x1x4x100xi32, #tpu.memory_space<hbm>>
          %dma_start3A_476 = tpu.memref_squeeze %dma_start3A_475 : memref<1x1x4x100xi32, #tpu.memory_space<hbm>> -> memref<4x100xi32, #tpu.memory_space<hbm>>
          tpu.enqueue_dma source(%dma_start3A_476 : memref<4x100xi32, #tpu.memory_space<hbm>>) target(%arg10 : memref<4x100xi32, #tpu.memory_space<vmem>>) target_semaphore(%arg19 : memref<!tpu.dma_semaphore, #tpu.memory_space<semaphore_mem>>)
          %dma_start3A_477 = arith.constant 0 : i32
          %dma_start3A_478 = arith.constant 0 : i32
          %dma_start3A_479 = tpu.memref_slice %arg5[%arg1, %add3A_468, %dma_start3A_477, %dma_start3A_478] : memref<16x25x4x100xi32, #tpu.memory_space<hbm>> -> memref<1x1x4x100xi32, #tpu.memory_space<hbm>>
          %dma_start3A_480 = tpu.memref_squeeze %dma_start3A_479 : memref<1x1x4x100xi32, #tpu.memory_space<hbm>> -> memref<4x100xi32, #tpu.memory_space<hbm>>
          %dma_start3A_481 = arith.constant 0 : i32
          %dma_start3A_482 = arith.constant 0 : i32
          %dma_start3A_483 = tpu.memref_slice %arg5[%arg1, %add3A_468, %dma_start3A_481, %dma_start3A_482] : memref<16x25x4x100xi32, #tpu.memory_space<hbm>> -> memref<1x1x4x100xi32, #tpu.memory_space<hbm>>
          %dma_start3A_484 = tpu.memref_squeeze %dma_start3A_483 : memref<1x1x4x100xi32, #tpu.memory_space<hbm>> -> memref<4x100xi32, #tpu.memory_space<hbm>>
          tpu.enqueue_dma source(%dma_start3A_484 : memref<4x100xi32, #tpu.memory_space<hbm>>) target(%arg11 : memref<4x100xi32, #tpu.memory_space<vmem>>) target_semaphore(%arg19 : memref<!tpu.dma_semaphore, #tpu.memory_space<semaphore_mem>>)
        } else {
        }
        %scan3A_466 = arith.constant 0 : i32
        scf.yield %scan3A_466 : i32
      }
      %scan3A_79 = arith.constant 12 : i32
      %dma_wait3A_80 = arith.constant 0 : i32
      %dma_wait3A_81 = arith.constant 0 : i32
      %dma_wait3A_82 = tpu.memref_slice %arg8[%dma_wait3A_80, %dma_wait3A_81] : memref<4x100xi32, #tpu.memory_space<vmem>> -> memref<1x100xi32, #tpu.memory_space<vmem>>
      %dma_wait3A_83 = tpu.memref_squeeze %dma_wait3A_82 : memref<1x100xi32, #tpu.memory_space<vmem>> -> memref<100xi32, #tpu.memory_space<vmem>>
      %dma_wait3A_84 = arith.constant 0 : i32
      %dma_wait3A_85 = arith.constant 0 : i32
      %dma_wait3A_86 = tpu.memref_slice %arg3[%dma_wait3A_84, %dma_wait3A_85] : memref<10240x128xf32, #tpu.memory_space<hbm>> -> memref<10240x128xf32, #tpu.memory_space<hbm>>
      tpu.wait_indirect_dma semaphore(%arg15 : memref<!tpu.dma_semaphore, #tpu.memory_space<semaphore_mem>>) src(%dma_wait3A_86 : memref<10240x128xf32, #tpu.memory_space<hbm>>) dst(%arg12 : memref<100x128xf32, #tpu.memory_space<vmem>>)
      %dma_start3A_87 = arith.constant 0 : i32
      %dma_start3A_88 = arith.constant 0 : i32
      %dma_start3A_89 = tpu.memref_slice %arg9[%dma_start3A_87, %dma_start3A_88] : memref<4x100xi32, #tpu.memory_space<vmem>> -> memref<1x100xi32, #tpu.memory_space<vmem>>
      %dma_start3A_90 = tpu.memref_squeeze %dma_start3A_89 : memref<1x100xi32, #tpu.memory_space<vmem>> -> memref<100xi32, #tpu.memory_space<vmem>>
      %dma_start3A_91 = arith.constant 0 : i32
      %dma_start3A_92 = arith.constant 0 : i32
      %dma_start3A_93 = tpu.memref_slice %arg14[%dma_start3A_91, %dma_start3A_92] : memref<10240x128xf32, #tpu.memory_space<vmem_shared>> -> memref<10240x128xf32, #tpu.memory_space<vmem_shared>>
      tpu.enqueue_indirect_dma source(%arg12 : memref<100x128xf32, #tpu.memory_space<vmem>>) target(%dma_start3A_93 : memref<10240x128xf32, #tpu.memory_space<vmem_shared>>) offsets(%dma_start3A_90 : memref<100xi32, #tpu.memory_space<vmem>>) semaphore(%arg17 : memref<!tpu.dma_semaphore, #tpu.memory_space<semaphore_mem>>) {add = true}
      %dma_wait3A_94 = arith.constant 0 : i32
      %dma_wait3A_95 = arith.constant 0 : i32
      %dma_wait3A_96 = tpu.memref_slice %arg8[%dma_wait3A_94, %dma_wait3A_95] : memref<4x100xi32, #tpu.memory_space<vmem>> -> memref<1x100xi32, #tpu.memory_space<vmem>>
      %dma_wait3A_97 = tpu.memref_squeeze %dma_wait3A_96 : memref<1x100xi32, #tpu.memory_space<vmem>> -> memref<100xi32, #tpu.memory_space<vmem>>
      %dma_wait3A_98 = arith.constant 0 : i32
      %dma_wait3A_99 = arith.constant 0 : i32
      %dma_wait3A_100 = tpu.memref_slice %arg3[%dma_wait3A_98, %dma_wait3A_99] : memref<10240x128xf32, #tpu.memory_space<hbm>> -> memref<10240x128xf32, #tpu.memory_space<hbm>>
      tpu.wait_indirect_dma semaphore(%arg16 : memref<!tpu.dma_semaphore, #tpu.memory_space<semaphore_mem>>) src(%dma_wait3A_100 : memref<10240x128xf32, #tpu.memory_space<hbm>>) dst(%arg13 : memref<100x128xf32, #tpu.memory_space<vmem>>)
      %dma_start3A_101 = arith.constant 1 : i32
      %dma_start3A_102 = arith.constant 0 : i32
      %dma_start3A_103 = tpu.memref_slice %arg9[%dma_start3A_101, %dma_start3A_102] : memref<4x100xi32, #tpu.memory_space<vmem>> -> memref<1x100xi32, #tpu.memory_space<vmem>>
      %dma_start3A_104 = tpu.memref_squeeze %dma_start3A_103 : memref<1x100xi32, #tpu.memory_space<vmem>> -> memref<100xi32, #tpu.memory_space<vmem>>
      %dma_start3A_105 = arith.constant 0 : i32
      %dma_start3A_106 = arith.constant 0 : i32
      %dma_start3A_107 = tpu.memref_slice %arg14[%dma_start3A_105, %dma_start3A_106] : memref<10240x128xf32, #tpu.memory_space<vmem_shared>> -> memref<10240x128xf32, #tpu.memory_space<vmem_shared>>
      tpu.enqueue_indirect_dma source(%arg13 : memref<100x128xf32, #tpu.memory_space<vmem>>) target(%dma_start3A_107 : memref<10240x128xf32, #tpu.memory_space<vmem_shared>>) offsets(%dma_start3A_104 : memref<100xi32, #tpu.memory_space<vmem>>) semaphore(%arg18 : memref<!tpu.dma_semaphore, #tpu.memory_space<semaphore_mem>>) {add = true}
      %dma_wait3A_108 = arith.constant 0 : i32
      %dma_wait3A_109 = arith.constant 0 : i32
      %dma_wait3A_110 = tpu.memref_slice %arg9[%dma_wait3A_108, %dma_wait3A_109] : memref<4x100xi32, #tpu.memory_space<vmem>> -> memref<1x100xi32, #tpu.memory_space<vmem>>
      %dma_wait3A_111 = tpu.memref_squeeze %dma_wait3A_110 : memref<1x100xi32, #tpu.memory_space<vmem>> -> memref<100xi32, #tpu.memory_space<vmem>>
      %dma_wait3A_112 = arith.constant 0 : i32
      %dma_wait3A_113 = arith.constant 0 : i32
      %dma_wait3A_114 = tpu.memref_slice %arg14[%dma_wait3A_112, %dma_wait3A_113] : memref<10240x128xf32, #tpu.memory_space<vmem_shared>> -> memref<10240x128xf32, #tpu.memory_space<vmem_shared>>
      tpu.wait_indirect_dma semaphore(%arg17 : memref<!tpu.dma_semaphore, #tpu.memory_space<semaphore_mem>>) src(%arg12 : memref<100x128xf32, #tpu.memory_space<vmem>>) dst(%dma_wait3A_114 : memref<10240x128xf32, #tpu.memory_space<vmem_shared>>)
      %dma_start3A_115 = arith.constant 2 : i32
      %dma_start3A_116 = arith.constant 0 : i32
      %dma_start3A_117 = tpu.memref_slice %arg8[%dma_start3A_115, %dma_start3A_116] : memref<4x100xi32, #tpu.memory_space<vmem>> -> memref<1x100xi32, #tpu.memory_space<vmem>>
      %dma_start3A_118 = tpu.memref_squeeze %dma_start3A_117 : memref<1x100xi32, #tpu.memory_space<vmem>> -> memref<100xi32, #tpu.memory_space<vmem>>
      %dma_start3A_119 = arith.constant 0 : i32
      %dma_start3A_120 = arith.constant 0 : i32
      %dma_start3A_121 = tpu.memref_slice %arg3[%dma_start3A_119, %dma_start3A_120] : memref<10240x128xf32, #tpu.memory_space<hbm>> -> memref<10240x128xf32, #tpu.memory_space<hbm>>
      tpu.enqueue_indirect_dma source(%dma_start3A_121 : memref<10240x128xf32, #tpu.memory_space<hbm>>) target(%arg12 : memref<100x128xf32, #tpu.memory_space<vmem>>) offsets(%dma_start3A_118 : memref<100xi32, #tpu.memory_space<vmem>>) semaphore(%arg15 : memref<!tpu.dma_semaphore, #tpu.memory_space<semaphore_mem>>)
      %dma_wait3A_122 = arith.constant 0 : i32
      %dma_wait3A_123 = arith.constant 0 : i32
      %dma_wait3A_124 = tpu.memref_slice %arg9[%dma_wait3A_122, %dma_wait3A_123] : memref<4x100xi32, #tpu.memory_space<vmem>> -> memref<1x100xi32, #tpu.memory_space<vmem>>
      %dma_wait3A_125 = tpu.memref_squeeze %dma_wait3A_124 : memref<1x100xi32, #tpu.memory_space<vmem>> -> memref<100xi32, #tpu.memory_space<vmem>>
      %dma_wait3A_126 = arith.constant 0 : i32
      %dma_wait3A_127 = arith.constant 0 : i32
      %dma_wait3A_128 = tpu.memref_slice %arg14[%dma_wait3A_126, %dma_wait3A_127] : memref<10240x128xf32, #tpu.memory_space<vmem_shared>> -> memref<10240x128xf32, #tpu.memory_space<vmem_shared>>
      tpu.wait_indirect_dma semaphore(%arg18 : memref<!tpu.dma_semaphore, #tpu.memory_space<semaphore_mem>>) src(%arg13 : memref<100x128xf32, #tpu.memory_space<vmem>>) dst(%dma_wait3A_128 : memref<10240x128xf32, #tpu.memory_space<vmem_shared>>)
      %dma_start3A_129 = arith.constant 3 : i32
      %dma_start3A_130 = arith.constant 0 : i32
      %dma_start3A_131 = tpu.memref_slice %arg8[%dma_start3A_129, %dma_start3A_130] : memref<4x100xi32, #tpu.memory_space<vmem>> -> memref<1x100xi32, #tpu.memory_space<vmem>>
      %dma_start3A_132 = tpu.memref_squeeze %dma_start3A_131 : memref<1x100xi32, #tpu.memory_space<vmem>> -> memref<100xi32, #tpu.memory_space<vmem>>
      %dma_start3A_133 = arith.constant 0 : i32
      %dma_start3A_134 = arith.constant 0 : i32
      %dma_start3A_135 = tpu.memref_slice %arg3[%dma_start3A_133, %dma_start3A_134] : memref<10240x128xf32, #tpu.memory_space<hbm>> -> memref<10240x128xf32, #tpu.memory_space<hbm>>
      tpu.enqueue_indirect_dma source(%dma_start3A_135 : memref<10240x128xf32, #tpu.memory_space<hbm>>) target(%arg13 : memref<100x128xf32, #tpu.memory_space<vmem>>) offsets(%dma_start3A_132 : memref<100xi32, #tpu.memory_space<vmem>>) semaphore(%arg16 : memref<!tpu.dma_semaphore, #tpu.memory_space<semaphore_mem>>)
      %dma_wait3A_136 = arith.constant 0 : i32
      %dma_wait3A_137 = arith.constant 0 : i32
      %dma_wait3A_138 = tpu.memref_slice %arg8[%dma_wait3A_136, %dma_wait3A_137] : memref<4x100xi32, #tpu.memory_space<vmem>> -> memref<1x100xi32, #tpu.memory_space<vmem>>
      %dma_wait3A_139 = tpu.memref_squeeze %dma_wait3A_138 : memref<1x100xi32, #tpu.memory_space<vmem>> -> memref<100xi32, #tpu.memory_space<vmem>>
      %dma_wait3A_140 = arith.constant 0 : i32
      %dma_wait3A_141 = arith.constant 0 : i32
      %dma_wait3A_142 = tpu.memref_slice %arg3[%dma_wait3A_140, %dma_wait3A_141] : memref<10240x128xf32, #tpu.memory_space<hbm>> -> memref<10240x128xf32, #tpu.memory_space<hbm>>
      tpu.wait_indirect_dma semaphore(%arg15 : memref<!tpu.dma_semaphore, #tpu.memory_space<semaphore_mem>>) src(%dma_wait3A_142 : memref<10240x128xf32, #tpu.memory_space<hbm>>) dst(%arg12 : memref<100x128xf32, #tpu.memory_space<vmem>>)
      %dma_start3A_143 = arith.constant 2 : i32
      %dma_start3A_144 = arith.constant 0 : i32
      %dma_start3A_145 = tpu.memref_slice %arg9[%dma_start3A_143, %dma_start3A_144] : memref<4x100xi32, #tpu.memory_space<vmem>> -> memref<1x100xi32, #tpu.memory_space<vmem>>
      %dma_start3A_146 = tpu.memref_squeeze %dma_start3A_145 : memref<1x100xi32, #tpu.memory_space<vmem>> -> memref<100xi32, #tpu.memory_space<vmem>>
      %dma_start3A_147 = arith.constant 0 : i32
      %dma_start3A_148 = arith.constant 0 : i32
      %dma_start3A_149 = tpu.memref_slice %arg14[%dma_start3A_147, %dma_start3A_148] : memref<10240x128xf32, #tpu.memory_space<vmem_shared>> -> memref<10240x128xf32, #tpu.memory_space<vmem_shared>>
      tpu.enqueue_indirect_dma source(%arg12 : memref<100x128xf32, #tpu.memory_space<vmem>>) target(%dma_start3A_149 : memref<10240x128xf32, #tpu.memory_space<vmem_shared>>) offsets(%dma_start3A_146 : memref<100xi32, #tpu.memory_space<vmem>>) semaphore(%arg17 : memref<!tpu.dma_semaphore, #tpu.memory_space<semaphore_mem>>) {add = true}
      %dma_wait3A_150 = arith.constant 0 : i32
      %dma_wait3A_151 = arith.constant 0 : i32
      %dma_wait3A_152 = tpu.memref_slice %arg8[%dma_wait3A_150, %dma_wait3A_151] : memref<4x100xi32, #tpu.memory_space<vmem>> -> memref<1x100xi32, #tpu.memory_space<vmem>>
      %dma_wait3A_153 = tpu.memref_squeeze %dma_wait3A_152 : memref<1x100xi32, #tpu.memory_space<vmem>> -> memref<100xi32, #tpu.memory_space<vmem>>
      %dma_wait3A_154 = arith.constant 0 : i32
      %dma_wait3A_155 = arith.constant 0 : i32
      %dma_wait3A_156 = tpu.memref_slice %arg3[%dma_wait3A_154, %dma_wait3A_155] : memref<10240x128xf32, #tpu.memory_space<hbm>> -> memref<10240x128xf32, #tpu.memory_space<hbm>>
      tpu.wait_indirect_dma semaphore(%arg16 : memref<!tpu.dma_semaphore, #tpu.memory_space<semaphore_mem>>) src(%dma_wait3A_156 : memref<10240x128xf32, #tpu.memory_space<hbm>>) dst(%arg13 : memref<100x128xf32, #tpu.memory_space<vmem>>)
      %dma_start3A_157 = arith.constant 3 : i32
      %dma_start3A_158 = arith.constant 0 : i32
      %dma_start3A_159 = tpu.memref_slice %arg9[%dma_start3A_157, %dma_start3A_158] : memref<4x100xi32, #tpu.memory_space<vmem>> -> memref<1x100xi32, #tpu.memory_space<vmem>>
      %dma_start3A_160 = tpu.memref_squeeze %dma_start3A_159 : memref<1x100xi32, #tpu.memory_space<vmem>> -> memref<100xi32, #tpu.memory_space<vmem>>
      %dma_start3A_161 = arith.constant 0 : i32
      %dma_start3A_162 = arith.constant 0 : i32
      %dma_start3A_163 = tpu.memref_slice %arg14[%dma_start3A_161, %dma_start3A_162] : memref<10240x128xf32, #tpu.memory_space<vmem_shared>> -> memref<10240x128xf32, #tpu.memory_space<vmem_shared>>
      tpu.enqueue_indirect_dma source(%arg13 : memref<100x128xf32, #tpu.memory_space<vmem>>) target(%dma_start3A_163 : memref<10240x128xf32, #tpu.memory_space<vmem_shared>>) offsets(%dma_start3A_160 : memref<100xi32, #tpu.memory_space<vmem>>) semaphore(%arg18 : memref<!tpu.dma_semaphore, #tpu.memory_space<semaphore_mem>>) {add = true}
      %dma_wait3A_164 = arith.constant 0 : i32
      %dma_wait3A_165 = arith.constant 0 : i32
      %dma_wait3A_166 = tpu.memref_slice %arg9[%dma_wait3A_164, %dma_wait3A_165] : memref<4x100xi32, #tpu.memory_space<vmem>> -> memref<1x100xi32, #tpu.memory_space<vmem>>
      %dma_wait3A_167 = tpu.memref_squeeze %dma_wait3A_166 : memref<1x100xi32, #tpu.memory_space<vmem>> -> memref<100xi32, #tpu.memory_space<vmem>>
      %dma_wait3A_168 = arith.constant 0 : i32
      %dma_wait3A_169 = arith.constant 0 : i32
      %dma_wait3A_170 = tpu.memref_slice %arg14[%dma_wait3A_168, %dma_wait3A_169] : memref<10240x128xf32, #tpu.memory_space<vmem_shared>> -> memref<10240x128xf32, #tpu.memory_space<vmem_shared>>
      tpu.wait_indirect_dma semaphore(%arg17 : memref<!tpu.dma_semaphore, #tpu.memory_space<semaphore_mem>>) src(%arg12 : memref<100x128xf32, #tpu.memory_space<vmem>>) dst(%dma_wait3A_170 : memref<10240x128xf32, #tpu.memory_space<vmem_shared>>)
      %dma_wait3A_171 = arith.constant 0 : i32
      %dma_wait3A_172 = arith.constant 0 : i32
      %dma_wait3A_173 = tpu.memref_slice %arg9[%dma_wait3A_171, %dma_wait3A_172] : memref<4x100xi32, #tpu.memory_space<vmem>> -> memref<1x100xi32, #tpu.memory_space<vmem>>
      %dma_wait3A_174 = tpu.memref_squeeze %dma_wait3A_173 : memref<1x100xi32, #tpu.memory_space<vmem>> -> memref<100xi32, #tpu.memory_space<vmem>>
      %dma_wait3A_175 = arith.constant 0 : i32
      %dma_wait3A_176 = arith.constant 0 : i32
      %dma_wait3A_177 = tpu.memref_slice %arg14[%dma_wait3A_175, %dma_wait3A_176] : memref<10240x128xf32, #tpu.memory_space<vmem_shared>> -> memref<10240x128xf32, #tpu.memory_space<vmem_shared>>
      tpu.wait_indirect_dma semaphore(%arg18 : memref<!tpu.dma_semaphore, #tpu.memory_space<semaphore_mem>>) src(%arg13 : memref<100x128xf32, #tpu.memory_space<vmem>>) dst(%dma_wait3A_177 : memref<10240x128xf32, #tpu.memory_space<vmem_shared>>)
      %barrier3A_178 = arith.constant 0 : index
      tpu.barrier barrier_id(%barrier3A_178)
      "tpu.region"() ({
        %run_scoped3A = tpu.sem_alloc : memref<!tpu.dma_semaphore, #tpu.memory_space<semaphore_mem>>
        %dma_start3A_179 = arith.constant 0 : i32
        %dma_start3A_180 = tpu.memref_slice %arg7[%mul3A_0, %dma_start3A_179] : memref<10240x128xf32, #tpu.memory_space<hbm>> -> memref<640x128xf32, #tpu.memory_space<hbm>>
        %dma_start3A_181 = arith.constant 0 : i32
        %dma_start3A_182 = tpu.memref_slice %arg14[%mul3A_0, %dma_start3A_181] : memref<10240x128xf32, #tpu.memory_space<vmem_shared>> -> memref<640x128xf32, #tpu.memory_space<vmem_shared>>
        tpu.enqueue_dma source(%dma_start3A_182 : memref<640x128xf32, #tpu.memory_space<vmem_shared>>) target(%dma_start3A_180 : memref<640x128xf32, #tpu.memory_space<hbm>>) target_semaphore(%run_scoped3A : memref<!tpu.dma_semaphore, #tpu.memory_space<semaphore_mem>>)
        %dma_wait3A_183 = arith.constant 0 : i32
        %dma_wait3A_184 = tpu.memref_slice %arg7[%mul3A_0, %dma_wait3A_183] : memref<10240x128xf32, #tpu.memory_space<hbm>> -> memref<640x128xf32, #tpu.memory_space<hbm>>
        %dma_wait3A_185 = arith.constant 0 : i32
        %dma_wait3A_186 = tpu.memref_slice %arg14[%mul3A_0, %dma_wait3A_185] : memref<10240x128xf32, #tpu.memory_space<vmem_shared>> -> memref<640x128xf32, #tpu.memory_space<vmem_shared>>
        tpu.wait_dma2 semaphore(%run_scoped3A : memref<!tpu.dma_semaphore, #tpu.memory_space<semaphore_mem>>) src(%dma_wait3A_186 : memref<640x128xf32, #tpu.memory_space<vmem_shared>>) dst(%dma_wait3A_184 : memref<640x128xf32, #tpu.memory_space<hbm>>)
        tpu.yield
      }) : () -> ()
    } else {
    }
    return
  }
}

#map = affine_map<(d0, d1) -> (0, 0)>
#map1 = affine_map<(d0, d1) -> (0, 0, 0, 0)>
module attributes {stable_mosaic.version = 14 : i64} {
  func.func @k(%arg0: i32, %arg1: i32, %arg2: memref<10240x128xf32, #tpu.memory_space<hbm>>, %arg3: memref<10240x128xf32, #tpu.memory_space<hbm>>, %arg4: memref<16x25x4x100xi32, #tpu.memory_space<hbm>>, %arg5: memref<16x25x4x100xi32, #tpu.memory_space<hbm>>, %arg6: memref<10240x128xf32, #tpu.memory_space<hbm>>, %arg7: memref<10240x128xf32, #tpu.memory_space<hbm>>, %arg8: memref<4x100xi32, #tpu.memory_space<vmem>>, %arg9: memref<4x100xi32, #tpu.memory_space<vmem>>, %arg10: memref<4x100xi32, #tpu.memory_space<vmem>>, %arg11: memref<4x100xi32, #tpu.memory_space<vmem>>, %arg12: memref<100x128xf32, #tpu.memory_space<vmem>>, %arg13: memref<100x128xf32, #tpu.memory_space<vmem>>, %arg14: memref<10240x128xf32, #tpu.memory_space<vmem_shared>>, %arg15: memref<!tpu.dma_semaphore, #tpu.memory_space<semaphore_mem>>, %arg16: memref<!tpu.dma_semaphore, #tpu.memory_space<semaphore_mem>>, %arg17: memref<!tpu.dma_semaphore, #tpu.memory_space<semaphore_mem>>, %arg18: memref<!tpu.dma_semaphore, #tpu.memory_space<semaphore_mem>>, %arg19: memref<!tpu.dma_semaphore, #tpu.memory_space<semaphore_mem>>) attributes {dimension_semantics = [#tpu.dimension_semantics<core_parallel>, #tpu.dimension_semantics<subcore_parallel>], iteration_bounds = array<i64: 2, 16>, scalar_prefetch = 0 : i64, scratch_operands = 12 : i64, tpu.core_type = #tpu.core_type<sc_vector_subcore>, window_params = [{transform_indices = #map}, {transform_indices = #map}, {transform_indices = #map1}, {transform_indices = #map1}, {transform_indices = #map}, {transform_indices = #map}]} {
    %mul3A = arith.constant 640 : i32
    %mul3A_0 = arith.muli %arg1, %mul3A : i32
    %eq3A = arith.constant 0 : i32
    %eq3A_1 = arith.cmpi eq, %arg0, %eq3A : i32
    %convert_element_type3A = arith.extui %eq3A_1 : i1 to i32
    %cond3A = arith.constant 0 : i32
    %cond3A_2 = arith.cmpi ne, %convert_element_type3A, %cond3A : i32
    scf.if %cond3A_2 {
      %dma_start3A = arith.constant 0 : i32
      %dma_start3A_8 = arith.constant 0 : i32
      %dma_start3A_9 = arith.constant 0 : i32
      %dma_start3A_10 = tpu.memref_slice %arg4[%arg1, %dma_start3A, %dma_start3A_8, %dma_start3A_9] : memref<16x25x4x100xi32, #tpu.memory_space<hbm>> -> memref<1x1x4x100xi32, #tpu.memory_space<hbm>>
      %dma_start3A_11 = tpu.memref_squeeze %dma_start3A_10 : memref<1x1x4x100xi32, #tpu.memory_space<hbm>> -> memref<4x100xi32, #tpu.memory_space<hbm>>
      %dma_start3A_12 = arith.constant 0 : i32
      %dma_start3A_13 = arith.constant 0 : i32
      %dma_start3A_14 = tpu.memref_slice %arg4[%arg1, %dma_start3A, %dma_start3A_12, %dma_start3A_13] : memref<16x25x4x100xi32, #tpu.memory_space<hbm>> -> memref<1x1x4x100xi32, #tpu.memory_space<hbm>>
      %dma_start3A_15 = tpu.memref_squeeze %dma_start3A_14 : memref<1x1x4x100xi32, #tpu.memory_space<hbm>> -> memref<4x100xi32, #tpu.memory_space<hbm>>
      tpu.enqueue_dma source(%dma_start3A_15 : memref<4x100xi32, #tpu.memory_space<hbm>>) target(%arg8 : memref<4x100xi32, #tpu.memory_space<vmem>>) target_semaphore(%arg19 : memref<!tpu.dma_semaphore, #tpu.memory_space<semaphore_mem>>)
      %dma_start3A_16 = arith.constant 0 : i32
      %dma_start3A_17 = arith.constant 0 : i32
      %dma_start3A_18 = arith.constant 0 : i32
      %dma_start3A_19 = tpu.memref_slice %arg5[%arg1, %dma_start3A_16, %dma_start3A_17, %dma_start3A_18] : memref<16x25x4x100xi32, #tpu.memory_space<hbm>> -> memref<1x1x4x100xi32, #tpu.memory_space<hbm>>
      %dma_start3A_20 = tpu.memref_squeeze %dma_start3A_19 : memref<1x1x4x100xi32, #tpu.memory_space<hbm>> -> memref<4x100xi32, #tpu.memory_space<hbm>>
      %dma_start3A_21 = arith.constant 0 : i32
      %dma_start3A_22 = arith.constant 0 : i32
      %dma_start3A_23 = tpu.memref_slice %arg5[%arg1, %dma_start3A_16, %dma_start3A_21, %dma_start3A_22] : memref<16x25x4x100xi32, #tpu.memory_space<hbm>> -> memref<1x1x4x100xi32, #tpu.memory_space<hbm>>
      %dma_start3A_24 = tpu.memref_squeeze %dma_start3A_23 : memref<1x1x4x100xi32, #tpu.memory_space<hbm>> -> memref<4x100xi32, #tpu.memory_space<hbm>>
      tpu.enqueue_dma source(%dma_start3A_24 : memref<4x100xi32, #tpu.memory_space<hbm>>) target(%arg9 : memref<4x100xi32, #tpu.memory_space<vmem>>) target_semaphore(%arg19 : memref<!tpu.dma_semaphore, #tpu.memory_space<semaphore_mem>>)
      "tpu.region"() ({
        %run_scoped3A = tpu.sem_alloc : memref<!tpu.dma_semaphore, #tpu.memory_space<semaphore_mem>>
        %dma_start3A_179 = arith.constant 0 : i32
        %dma_start3A_180 = tpu.memref_slice %arg14[%mul3A_0, %dma_start3A_179] : memref<10240x128xf32, #tpu.memory_space<vmem_shared>> -> memref<640x128xf32, #tpu.memory_space<vmem_shared>>
        %dma_start3A_181 = arith.constant 0 : i32
        %dma_start3A_182 = tpu.memref_slice %arg2[%mul3A_0, %dma_start3A_181] : memref<10240x128xf32, #tpu.memory_space<hbm>> -> memref<640x128xf32, #tpu.memory_space<hbm>>
        tpu.enqueue_dma source(%dma_start3A_182 : memref<640x128xf32, #tpu.memory_space<hbm>>) target(%dma_start3A_180 : memref<640x128xf32, #tpu.memory_space<vmem_shared>>) target_semaphore(%run_scoped3A : memref<!tpu.dma_semaphore, #tpu.memory_space<semaphore_mem>>)
        %dma_wait3A_183 = arith.constant 0 : i32
        %dma_wait3A_184 = tpu.memref_slice %arg14[%mul3A_0, %dma_wait3A_183] : memref<10240x128xf32, #tpu.memory_space<vmem_shared>> -> memref<640x128xf32, #tpu.memory_space<vmem_shared>>
        %dma_wait3A_185 = arith.constant 0 : i32
        %dma_wait3A_186 = tpu.memref_slice %arg2[%mul3A_0, %dma_wait3A_185] : memref<10240x128xf32, #tpu.memory_space<hbm>> -> memref<640x128xf32, #tpu.memory_space<hbm>>
        tpu.wait_dma2 semaphore(%run_scoped3A : memref<!tpu.dma_semaphore, #tpu.memory_space<semaphore_mem>>) src(%dma_wait3A_186 : memref<640x128xf32, #tpu.memory_space<hbm>>) dst(%dma_wait3A_184 : memref<640x128xf32, #tpu.memory_space<vmem_shared>>)
        tpu.yield
      }) : () -> ()
      %dma_wait3A = arith.constant 0 : i32
      %dma_wait3A_25 = arith.constant 0 : i32
      %dma_wait3A_26 = arith.constant 0 : i32
      %dma_wait3A_27 = tpu.memref_slice %arg4[%arg1, %dma_wait3A, %dma_wait3A_25, %dma_wait3A_26] : memref<16x25x4x100xi32, #tpu.memory_space<hbm>> -> memref<1x1x4x100xi32, #tpu.memory_space<hbm>>
      %dma_wait3A_28 = tpu.memref_squeeze %dma_wait3A_27 : memref<1x1x4x100xi32, #tpu.memory_space<hbm>> -> memref<4x100xi32, #tpu.memory_space<hbm>>
      %dma_wait3A_29 = arith.constant 0 : i32
      %dma_wait3A_30 = arith.constant 0 : i32
      %dma_wait3A_31 = tpu.memref_slice %arg4[%arg1, %dma_wait3A, %dma_wait3A_29, %dma_wait3A_30] : memref<16x25x4x100xi32, #tpu.memory_space<hbm>> -> memref<1x1x4x100xi32, #tpu.memory_space<hbm>>
      %dma_wait3A_32 = tpu.memref_squeeze %dma_wait3A_31 : memref<1x1x4x100xi32, #tpu.memory_space<hbm>> -> memref<4x100xi32, #tpu.memory_space<hbm>>
      tpu.wait_dma2 semaphore(%arg19 : memref<!tpu.dma_semaphore, #tpu.memory_space<semaphore_mem>>) src(%dma_wait3A_32 : memref<4x100xi32, #tpu.memory_space<hbm>>) dst(%arg8 : memref<4x100xi32, #tpu.memory_space<vmem>>)
      %dma_wait3A_33 = arith.constant 0 : i32
      %dma_wait3A_34 = arith.constant 0 : i32
      %dma_wait3A_35 = arith.constant 0 : i32
      %dma_wait3A_36 = tpu.memref_slice %arg5[%arg1, %dma_wait3A_33, %dma_wait3A_34, %dma_wait3A_35] : memref<16x25x4x100xi32, #tpu.memory_space<hbm>> -> memref<1x1x4x100xi32, #tpu.memory_space<hbm>>
      %dma_wait3A_37 = tpu.memref_squeeze %dma_wait3A_36 : memref<1x1x4x100xi32, #tpu.memory_space<hbm>> -> memref<4x100xi32, #tpu.memory_space<hbm>>
      %dma_wait3A_38 = arith.constant 0 : i32
      %dma_wait3A_39 = arith.constant 0 : i32
      %dma_wait3A_40 = tpu.memref_slice %arg5[%arg1, %dma_wait3A_33, %dma_wait3A_38, %dma_wait3A_39] : memref<16x25x4x100xi32, #tpu.memory_space<hbm>> -> memref<1x1x4x100xi32, #tpu.memory_space<hbm>>
      %dma_wait3A_41 = tpu.memref_squeeze %dma_wait3A_40 : memref<1x1x4x100xi32, #tpu.memory_space<hbm>> -> memref<4x100xi32, #tpu.memory_space<hbm>>
      tpu.wait_dma2 semaphore(%arg19 : memref<!tpu.dma_semaphore, #tpu.memory_space<semaphore_mem>>) src(%dma_wait3A_41 : memref<4x100xi32, #tpu.memory_space<hbm>>) dst(%arg9 : memref<4x100xi32, #tpu.memory_space<vmem>>)
      %dma_start3A_42 = arith.constant 0 : i32
      %dma_start3A_43 = arith.constant 0 : i32
      %dma_start3A_44 = tpu.memref_slice %arg8[%dma_start3A_42, %dma_start3A_43] : memref<4x100xi32, #tpu.memory_space<vmem>> -> memref<1x100xi32, #tpu.memory_space<vmem>>
      %dma_start3A_45 = tpu.memref_squeeze %dma_start3A_44 : memref<1x100xi32, #tpu.memory_space<vmem>> -> memref<100xi32, #tpu.memory_space<vmem>>
      %dma_start3A_46 = arith.constant 0 : i32
      %dma_start3A_47 = arith.constant 0 : i32
      %dma_start3A_48 = tpu.memref_slice %arg2[%dma_start3A_46, %dma_start3A_47] : memref<10240x128xf32, #tpu.memory_space<hbm>> -> memref<10240x128xf32, #tpu.memory_space<hbm>>
      tpu.enqueue_indirect_dma source(%dma_start3A_48 : memref<10240x128xf32, #tpu.memory_space<hbm>>) target(%arg12 : memref<100x128xf32, #tpu.memory_space<vmem>>) offsets(%dma_start3A_45 : memref<100xi32, #tpu.memory_space<vmem>>) semaphore(%arg15 : memref<!tpu.dma_semaphore, #tpu.memory_space<semaphore_mem>>)
      %dma_start3A_49 = arith.constant 1 : i32
      %dma_start3A_50 = arith.constant 0 : i32
      %dma_start3A_51 = tpu.memref_slice %arg8[%dma_start3A_49, %dma_start3A_50] : memref<4x100xi32, #tpu.memory_space<vmem>> -> memref<1x100xi32, #tpu.memory_space<vmem>>
      %dma_start3A_52 = tpu.memref_squeeze %dma_start3A_51 : memref<1x100xi32, #tpu.memory_space<vmem>> -> memref<100xi32, #tpu.memory_space<vmem>>
      %dma_start3A_53 = arith.constant 0 : i32
      %dma_start3A_54 = arith.constant 0 : i32
      %dma_start3A_55 = tpu.memref_slice %arg2[%dma_start3A_53, %dma_start3A_54] : memref<10240x128xf32, #tpu.memory_space<hbm>> -> memref<10240x128xf32, #tpu.memory_space<hbm>>
      tpu.enqueue_indirect_dma source(%dma_start3A_55 : memref<10240x128xf32, #tpu.memory_space<hbm>>) target(%arg13 : memref<100x128xf32, #tpu.memory_space<vmem>>) offsets(%dma_start3A_52 : memref<100xi32, #tpu.memory_space<vmem>>) semaphore(%arg16 : memref<!tpu.dma_semaphore, #tpu.memory_space<semaphore_mem>>)
      %dma_start3A_56 = arith.constant 1 : i32
      %dma_start3A_57 = arith.constant 0 : i32
      %dma_start3A_58 = arith.constant 0 : i32
      %dma_start3A_59 = tpu.memref_slice %arg4[%arg1, %dma_start3A_56, %dma_start3A_57, %dma_start3A_58] : memref<16x25x4x100xi32, #tpu.memory_space<hbm>> -> memref<1x1x4x100xi32, #tpu.memory_space<hbm>>
      %dma_start3A_60 = tpu.memref_squeeze %dma_start3A_59 : memref<1x1x4x100xi32, #tpu.memory_space<hbm>> -> memref<4x100xi32, #tpu.memory_space<hbm>>
      %dma_start3A_61 = arith.constant 0 : i32
      %dma_start3A_62 = arith.constant 0 : i32
      %dma_start3A_63 = tpu.memref_slice %arg4[%arg1, %dma_start3A_56, %dma_start3A_61, %dma_start3A_62] : memref<16x25x4x100xi32, #tpu.memory_space<hbm>> -> memref<1x1x4x100xi32, #tpu.memory_space<hbm>>
      %dma_start3A_64 = tpu.memref_squeeze %dma_start3A_63 : memref<1x1x4x100xi32, #tpu.memory_space<hbm>> -> memref<4x100xi32, #tpu.memory_space<hbm>>
      tpu.enqueue_dma source(%dma_start3A_64 : memref<4x100xi32, #tpu.memory_space<hbm>>) target(%arg10 : memref<4x100xi32, #tpu.memory_space<vmem>>) target_semaphore(%arg19 : memref<!tpu.dma_semaphore, #tpu.memory_space<semaphore_mem>>)
      %dma_start3A_65 = arith.constant 1 : i32
      %dma_start3A_66 = arith.constant 0 : i32
      %dma_start3A_67 = arith.constant 0 : i32
      %dma_start3A_68 = tpu.memref_slice %arg5[%arg1, %dma_start3A_65, %dma_start3A_66, %dma_start3A_67] : memref<16x25x4x100xi32, #tpu.memory_space<hbm>> -> memref<1x1x4x100xi32, #tpu.memory_space<hbm>>
      %dma_start3A_69 = tpu.memref_squeeze %dma_start3A_68 : memref<1x1x4x100xi32, #tpu.memory_space<hbm>> -> memref<4x100xi32, #tpu.memory_space<hbm>>
      %dma_start3A_70 = arith.constant 0 : i32
      %dma_start3A_71 = arith.constant 0 : i32
      %dma_start3A_72 = tpu.memref_slice %arg5[%arg1, %dma_start3A_65, %dma_start3A_70, %dma_start3A_71] : memref<16x25x4x100xi32, #tpu.memory_space<hbm>> -> memref<1x1x4x100xi32, #tpu.memory_space<hbm>>
      %dma_start3A_73 = tpu.memref_squeeze %dma_start3A_72 : memref<1x1x4x100xi32, #tpu.memory_space<hbm>> -> memref<4x100xi32, #tpu.memory_space<hbm>>
      tpu.enqueue_dma source(%dma_start3A_73 : memref<4x100xi32, #tpu.memory_space<hbm>>) target(%arg11 : memref<4x100xi32, #tpu.memory_space<vmem>>) target_semaphore(%arg19 : memref<!tpu.dma_semaphore, #tpu.memory_space<semaphore_mem>>)
      %barrier3A = arith.constant 0 : index
      tpu.barrier barrier_id(%barrier3A)
      %scan3A = arith.constant 0 : i32
      %scan3A_74 = arith.constant 0 : i32
      %scan3A_75 = arith.constant 12 : i32
      %scan3A_76 = arith.addi %scan3A_74, %scan3A_75 : i32
      %scan3A_77 = arith.constant 1 : i32
      %scan3A_78 = scf.for %scan3A_179 = %scan3A_74 to %scan3A_76 step %scan3A_77 iter_args(%scan3A_180 = %scan3A) -> (i32)  : i32 {
        %mul3A_181 = arith.constant 2 : i32
        %mul3A_182 = arith.muli %mul3A_181, %scan3A_179 : i32
        %dma_wait3A_183 = arith.constant 0 : i32
        %dma_wait3A_184 = arith.constant 0 : i32
        %dma_wait3A_185 = tpu.memref_slice %arg8[%dma_wait3A_183, %dma_wait3A_184] : memref<4x100xi32, #tpu.memory_space<vmem>> -> memref<1x100xi32, #tpu.memory_space<vmem>>
        %dma_wait3A_186 = tpu.memref_squeeze %dma_wait3A_185 : memref<1x100xi32, #tpu.memory_space<vmem>> -> memref<100xi32, #tpu.memory_space<vmem>>
        %dma_wait3A_187 = arith.constant 0 : i32
        %dma_wait3A_188 = arith.constant 0 : i32
        %dma_wait3A_189 = tpu.memref_slice %arg2[%dma_wait3A_187, %dma_wait3A_188] : memref<10240x128xf32, #tpu.memory_space<hbm>> -> memref<10240x128xf32, #tpu.memory_space<hbm>>
        tpu.wait_indirect_dma semaphore(%arg15 : memref<!tpu.dma_semaphore, #tpu.memory_space<semaphore_mem>>) src(%dma_wait3A_189 : memref<10240x128xf32, #tpu.memory_space<hbm>>) dst(%arg12 : memref<100x128xf32, #tpu.memory_space<vmem>>)
        %dma_start3A_190 = arith.constant 0 : i32
        %dma_start3A_191 = arith.constant 0 : i32
        %dma_start3A_192 = tpu.memref_slice %arg9[%dma_start3A_190, %dma_start3A_191] : memref<4x100xi32, #tpu.memory_space<vmem>> -> memref<1x100xi32, #tpu.memory_space<vmem>>
        %dma_start3A_193 = tpu.memref_squeeze %dma_start3A_192 : memref<1x100xi32, #tpu.memory_space<vmem>> -> memref<100xi32, #tpu.memory_space<vmem>>
        %dma_start3A_194 = arith.constant 0 : i32
        %dma_start3A_195 = arith.constant 0 : i32
        %dma_start3A_196 = tpu.memref_slice %arg14[%dma_start3A_194, %dma_start3A_195] : memref<10240x128xf32, #tpu.memory_space<vmem_shared>> -> memref<10240x128xf32, #tpu.memory_space<vmem_shared>>
        tpu.enqueue_indirect_dma source(%arg12 : memref<100x128xf32, #tpu.memory_space<vmem>>) target(%dma_start3A_196 : memref<10240x128xf32, #tpu.memory_space<vmem_shared>>) offsets(%dma_start3A_193 : memref<100xi32, #tpu.memory_space<vmem>>) semaphore(%arg17 : memref<!tpu.dma_semaphore, #tpu.memory_space<semaphore_mem>>) {add = true}
        %dma_wait3A_197 = arith.constant 0 : i32
        %dma_wait3A_198 = arith.constant 0 : i32
        %dma_wait3A_199 = tpu.memref_slice %arg8[%dma_wait3A_197, %dma_wait3A_198] : memref<4x100xi32, #tpu.memory_space<vmem>> -> memref<1x100xi32, #tpu.memory_space<vmem>>
        %dma_wait3A_200 = tpu.memref_squeeze %dma_wait3A_199 : memref<1x100xi32, #tpu.memory_space<vmem>> -> memref<100xi32, #tpu.memory_space<vmem>>
        %dma_wait3A_201 = arith.constant 0 : i32
        %dma_wait3A_202 = arith.constant 0 : i32
        %dma_wait3A_203 = tpu.memref_slice %arg2[%dma_wait3A_201, %dma_wait3A_202] : memref<10240x128xf32, #tpu.memory_space<hbm>> -> memref<10240x128xf32, #tpu.memory_space<hbm>>
        tpu.wait_indirect_dma semaphore(%arg16 : memref<!tpu.dma_semaphore, #tpu.memory_space<semaphore_mem>>) src(%dma_wait3A_203 : memref<10240x128xf32, #tpu.memory_space<hbm>>) dst(%arg13 : memref<100x128xf32, #tpu.memory_space<vmem>>)
        %dma_start3A_204 = arith.constant 1 : i32
        %dma_start3A_205 = arith.constant 0 : i32
        %dma_start3A_206 = tpu.memref_slice %arg9[%dma_start3A_204, %dma_start3A_205] : memref<4x100xi32, #tpu.memory_space<vmem>> -> memref<1x100xi32, #tpu.memory_space<vmem>>
        %dma_start3A_207 = tpu.memref_squeeze %dma_start3A_206 : memref<1x100xi32, #tpu.memory_space<vmem>> -> memref<100xi32, #tpu.memory_space<vmem>>
        %dma_start3A_208 = arith.constant 0 : i32
        %dma_start3A_209 = arith.constant 0 : i32
        %dma_start3A_210 = tpu.memref_slice %arg14[%dma_start3A_208, %dma_start3A_209] : memref<10240x128xf32, #tpu.memory_space<vmem_shared>> -> memref<10240x128xf32, #tpu.memory_space<vmem_shared>>
        tpu.enqueue_indirect_dma source(%arg13 : memref<100x128xf32, #tpu.memory_space<vmem>>) target(%dma_start3A_210 : memref<10240x128xf32, #tpu.memory_space<vmem_shared>>) offsets(%dma_start3A_207 : memref<100xi32, #tpu.memory_space<vmem>>) semaphore(%arg18 : memref<!tpu.dma_semaphore, #tpu.memory_space<semaphore_mem>>) {add = true}
        %dma_wait3A_211 = arith.constant 0 : i32
        %dma_wait3A_212 = arith.constant 0 : i32
        %dma_wait3A_213 = tpu.memref_slice %arg9[%dma_wait3A_211, %dma_wait3A_212] : memref<4x100xi32, #tpu.memory_space<vmem>> -> memref<1x100xi32, #tpu.memory_space<vmem>>
        %dma_wait3A_214 = tpu.memref_squeeze %dma_wait3A_213 : memref<1x100xi32, #tpu.memory_space<vmem>> -> memref<100xi32, #tpu.memory_space<vmem>>
        %dma_wait3A_215 = arith.constant 0 : i32
        %dma_wait3A_216 = arith.constant 0 : i32
        %dma_wait3A_217 = tpu.memref_slice %arg14[%dma_wait3A_215, %dma_wait3A_216] : memref<10240x128xf32, #tpu.memory_space<vmem_shared>> -> memref<10240x128xf32, #tpu.memory_space<vmem_shared>>
        tpu.wait_indirect_dma semaphore(%arg17 : memref<!tpu.dma_semaphore, #tpu.memory_space<semaphore_mem>>) src(%arg12 : memref<100x128xf32, #tpu.memory_space<vmem>>) dst(%dma_wait3A_217 : memref<10240x128xf32, #tpu.memory_space<vmem_shared>>)
        %dma_start3A_218 = arith.constant 2 : i32
        %dma_start3A_219 = arith.constant 0 : i32
        %dma_start3A_220 = tpu.memref_slice %arg8[%dma_start3A_218, %dma_start3A_219] : memref<4x100xi32, #tpu.memory_space<vmem>> -> memref<1x100xi32, #tpu.memory_space<vmem>>
        %dma_start3A_221 = tpu.memref_squeeze %dma_start3A_220 : memref<1x100xi32, #tpu.memory_space<vmem>> -> memref<100xi32, #tpu.memory_space<vmem>>
        %dma_start3A_222 = arith.constant 0 : i32
        %dma_start3A_223 = arith.constant 0 : i32
        %dma_start3A_224 = tpu.memref_slice %arg2[%dma_start3A_222, %dma_start3A_223] : memref<10240x128xf32, #tpu.memory_space<hbm>> -> memref<10240x128xf32, #tpu.memory_space<hbm>>
        tpu.enqueue_indirect_dma source(%dma_start3A_224 : memref<10240x128xf32, #tpu.memory_space<hbm>>) target(%arg12 : memref<100x128xf32, #tpu.memory_space<vmem>>) offsets(%dma_start3A_221 : memref<100xi32, #tpu.memory_space<vmem>>) semaphore(%arg15 : memref<!tpu.dma_semaphore, #tpu.memory_space<semaphore_mem>>)
        %dma_wait3A_225 = arith.constant 0 : i32
        %dma_wait3A_226 = arith.constant 0 : i32
        %dma_wait3A_227 = tpu.memref_slice %arg9[%dma_wait3A_225, %dma_wait3A_226] : memref<4x100xi32, #tpu.memory_space<vmem>> -> memref<1x100xi32, #tpu.memory_space<vmem>>
        %dma_wait3A_228 = tpu.memref_squeeze %dma_wait3A_227 : memref<1x100xi32, #tpu.memory_space<vmem>> -> memref<100xi32, #tpu.memory_space<vmem>>
        %dma_wait3A_229 = arith.constant 0 : i32
        %dma_wait3A_230 = arith.constant 0 : i32
        %dma_wait3A_231 = tpu.memref_slice %arg14[%dma_wait3A_229, %dma_wait3A_230] : memref<10240x128xf32, #tpu.memory_space<vmem_shared>> -> memref<10240x128xf32, #tpu.memory_space<vmem_shared>>
        tpu.wait_indirect_dma semaphore(%arg18 : memref<!tpu.dma_semaphore, #tpu.memory_space<semaphore_mem>>) src(%arg13 : memref<100x128xf32, #tpu.memory_space<vmem>>) dst(%dma_wait3A_231 : memref<10240x128xf32, #tpu.memory_space<vmem_shared>>)
        %dma_start3A_232 = arith.constant 3 : i32
        %dma_start3A_233 = arith.constant 0 : i32
        %dma_start3A_234 = tpu.memref_slice %arg8[%dma_start3A_232, %dma_start3A_233] : memref<4x100xi32, #tpu.memory_space<vmem>> -> memref<1x100xi32, #tpu.memory_space<vmem>>
        %dma_start3A_235 = tpu.memref_squeeze %dma_start3A_234 : memref<1x100xi32, #tpu.memory_space<vmem>> -> memref<100xi32, #tpu.memory_space<vmem>>
        %dma_start3A_236 = arith.constant 0 : i32
        %dma_start3A_237 = arith.constant 0 : i32
        %dma_start3A_238 = tpu.memref_slice %arg2[%dma_start3A_236, %dma_start3A_237] : memref<10240x128xf32, #tpu.memory_space<hbm>> -> memref<10240x128xf32, #tpu.memory_space<hbm>>
        tpu.enqueue_indirect_dma source(%dma_start3A_238 : memref<10240x128xf32, #tpu.memory_space<hbm>>) target(%arg13 : memref<100x128xf32, #tpu.memory_space<vmem>>) offsets(%dma_start3A_235 : memref<100xi32, #tpu.memory_space<vmem>>) semaphore(%arg16 : memref<!tpu.dma_semaphore, #tpu.memory_space<semaphore_mem>>)
        %dma_wait3A_239 = arith.constant 0 : i32
        %dma_wait3A_240 = arith.constant 0 : i32
        %dma_wait3A_241 = tpu.memref_slice %arg8[%dma_wait3A_239, %dma_wait3A_240] : memref<4x100xi32, #tpu.memory_space<vmem>> -> memref<1x100xi32, #tpu.memory_space<vmem>>
        %dma_wait3A_242 = tpu.memref_squeeze %dma_wait3A_241 : memref<1x100xi32, #tpu.memory_space<vmem>> -> memref<100xi32, #tpu.memory_space<vmem>>
        %dma_wait3A_243 = arith.constant 0 : i32
        %dma_wait3A_244 = arith.constant 0 : i32
        %dma_wait3A_245 = tpu.memref_slice %arg2[%dma_wait3A_243, %dma_wait3A_244] : memref<10240x128xf32, #tpu.memory_space<hbm>> -> memref<10240x128xf32, #tpu.memory_space<hbm>>
        tpu.wait_indirect_dma semaphore(%arg15 : memref<!tpu.dma_semaphore, #tpu.memory_space<semaphore_mem>>) src(%dma_wait3A_245 : memref<10240x128xf32, #tpu.memory_space<hbm>>) dst(%arg12 : memref<100x128xf32, #tpu.memory_space<vmem>>)
        %dma_start3A_246 = arith.constant 2 : i32
        %dma_start3A_247 = arith.constant 0 : i32
        %dma_start3A_248 = tpu.memref_slice %arg9[%dma_start3A_246, %dma_start3A_247] : memref<4x100xi32, #tpu.memory_space<vmem>> -> memref<1x100xi32, #tpu.memory_space<vmem>>
        %dma_start3A_249 = tpu.memref_squeeze %dma_start3A_248 : memref<1x100xi32, #tpu.memory_space<vmem>> -> memref<100xi32, #tpu.memory_space<vmem>>
        %dma_start3A_250 = arith.constant 0 : i32
        %dma_start3A_251 = arith.constant 0 : i32
        %dma_start3A_252 = tpu.memref_slice %arg14[%dma_start3A_250, %dma_start3A_251] : memref<10240x128xf32, #tpu.memory_space<vmem_shared>> -> memref<10240x128xf32, #tpu.memory_space<vmem_shared>>
        tpu.enqueue_indirect_dma source(%arg12 : memref<100x128xf32, #tpu.memory_space<vmem>>) target(%dma_start3A_252 : memref<10240x128xf32, #tpu.memory_space<vmem_shared>>) offsets(%dma_start3A_249 : memref<100xi32, #tpu.memory_space<vmem>>) semaphore(%arg17 : memref<!tpu.dma_semaphore, #tpu.memory_space<semaphore_mem>>) {add = true}
        %dma_wait3A_253 = arith.constant 0 : i32
        %dma_wait3A_254 = arith.constant 0 : i32
        %dma_wait3A_255 = tpu.memref_slice %arg8[%dma_wait3A_253, %dma_wait3A_254] : memref<4x100xi32, #tpu.memory_space<vmem>> -> memref<1x100xi32, #tpu.memory_space<vmem>>
        %dma_wait3A_256 = tpu.memref_squeeze %dma_wait3A_255 : memref<1x100xi32, #tpu.memory_space<vmem>> -> memref<100xi32, #tpu.memory_space<vmem>>
        %dma_wait3A_257 = arith.constant 0 : i32
        %dma_wait3A_258 = arith.constant 0 : i32
        %dma_wait3A_259 = tpu.memref_slice %arg2[%dma_wait3A_257, %dma_wait3A_258] : memref<10240x128xf32, #tpu.memory_space<hbm>> -> memref<10240x128xf32, #tpu.memory_space<hbm>>
        tpu.wait_indirect_dma semaphore(%arg16 : memref<!tpu.dma_semaphore, #tpu.memory_space<semaphore_mem>>) src(%dma_wait3A_259 : memref<10240x128xf32, #tpu.memory_space<hbm>>) dst(%arg13 : memref<100x128xf32, #tpu.memory_space<vmem>>)
        %dma_start3A_260 = arith.constant 3 : i32
        %dma_start3A_261 = arith.constant 0 : i32
        %dma_start3A_262 = tpu.memref_slice %arg9[%dma_start3A_260, %dma_start3A_261] : memref<4x100xi32, #tpu.memory_space<vmem>> -> memref<1x100xi32, #tpu.memory_space<vmem>>
        %dma_start3A_263 = tpu.memref_squeeze %dma_start3A_262 : memref<1x100xi32, #tpu.memory_space<vmem>> -> memref<100xi32, #tpu.memory_space<vmem>>
        %dma_start3A_264 = arith.constant 0 : i32
        %dma_start3A_265 = arith.constant 0 : i32
        %dma_start3A_266 = tpu.memref_slice %arg14[%dma_start3A_264, %dma_start3A_265] : memref<10240x128xf32, #tpu.memory_space<vmem_shared>> -> memref<10240x128xf32, #tpu.memory_space<vmem_shared>>
        tpu.enqueue_indirect_dma source(%arg13 : memref<100x128xf32, #tpu.memory_space<vmem>>) target(%dma_start3A_266 : memref<10240x128xf32, #tpu.memory_space<vmem_shared>>) offsets(%dma_start3A_263 : memref<100xi32, #tpu.memory_space<vmem>>) semaphore(%arg18 : memref<!tpu.dma_semaphore, #tpu.memory_space<semaphore_mem>>) {add = true}
        %dma_wait3A_267 = arith.constant 0 : i32
        %dma_wait3A_268 = arith.constant 0 : i32
        %dma_wait3A_269 = arith.constant 0 : i32
        %dma_wait3A_270 = tpu.memref_slice %arg4[%arg1, %dma_wait3A_267, %dma_wait3A_268, %dma_wait3A_269] : memref<16x25x4x100xi32, #tpu.memory_space<hbm>> -> memref<1x1x4x100xi32, #tpu.memory_space<hbm>>
        %dma_wait3A_271 = tpu.memref_squeeze %dma_wait3A_270 : memref<1x1x4x100xi32, #tpu.memory_space<hbm>> -> memref<4x100xi32, #tpu.memory_space<hbm>>
        %dma_wait3A_272 = arith.constant 0 : i32
        %dma_wait3A_273 = arith.constant 0 : i32
        %dma_wait3A_274 = tpu.memref_slice %arg4[%arg1, %dma_wait3A_267, %dma_wait3A_272, %dma_wait3A_273] : memref<16x25x4x100xi32, #tpu.memory_space<hbm>> -> memref<1x1x4x100xi32, #tpu.memory_space<hbm>>
        %dma_wait3A_275 = tpu.memref_squeeze %dma_wait3A_274 : memref<1x1x4x100xi32, #tpu.memory_space<hbm>> -> memref<4x100xi32, #tpu.memory_space<hbm>>
        tpu.wait_dma2 semaphore(%arg19 : memref<!tpu.dma_semaphore, #tpu.memory_space<semaphore_mem>>) src(%dma_wait3A_275 : memref<4x100xi32, #tpu.memory_space<hbm>>) dst(%arg10 : memref<4x100xi32, #tpu.memory_space<vmem>>)
        %dma_wait3A_276 = arith.constant 0 : i32
        %dma_wait3A_277 = arith.constant 0 : i32
        %dma_wait3A_278 = arith.constant 0 : i32
        %dma_wait3A_279 = tpu.memref_slice %arg5[%arg1, %dma_wait3A_276, %dma_wait3A_277, %dma_wait3A_278] : memref<16x25x4x100xi32, #tpu.memory_space<hbm>> -> memref<1x1x4x100xi32, #tpu.memory_space<hbm>>
        %dma_wait3A_280 = tpu.memref_squeeze %dma_wait3A_279 : memref<1x1x4x100xi32, #tpu.memory_space<hbm>> -> memref<4x100xi32, #tpu.memory_space<hbm>>
        %dma_wait3A_281 = arith.constant 0 : i32
        %dma_wait3A_282 = arith.constant 0 : i32
        %dma_wait3A_283 = tpu.memref_slice %arg5[%arg1, %dma_wait3A_276, %dma_wait3A_281, %dma_wait3A_282] : memref<16x25x4x100xi32, #tpu.memory_space<hbm>> -> memref<1x1x4x100xi32, #tpu.memory_space<hbm>>
        %dma_wait3A_284 = tpu.memref_squeeze %dma_wait3A_283 : memref<1x1x4x100xi32, #tpu.memory_space<hbm>> -> memref<4x100xi32, #tpu.memory_space<hbm>>
        tpu.wait_dma2 semaphore(%arg19 : memref<!tpu.dma_semaphore, #tpu.memory_space<semaphore_mem>>) src(%dma_wait3A_284 : memref<4x100xi32, #tpu.memory_space<hbm>>) dst(%arg11 : memref<4x100xi32, #tpu.memory_space<vmem>>)
        %dma_wait3A_285 = arith.constant 0 : i32
        %dma_wait3A_286 = arith.constant 0 : i32
        %dma_wait3A_287 = tpu.memref_slice %arg9[%dma_wait3A_285, %dma_wait3A_286] : memref<4x100xi32, #tpu.memory_space<vmem>> -> memref<1x100xi32, #tpu.memory_space<vmem>>
        %dma_wait3A_288 = tpu.memref_squeeze %dma_wait3A_287 : memref<1x100xi32, #tpu.memory_space<vmem>> -> memref<100xi32, #tpu.memory_space<vmem>>
        %dma_wait3A_289 = arith.constant 0 : i32
        %dma_wait3A_290 = arith.constant 0 : i32
        %dma_wait3A_291 = tpu.memref_slice %arg14[%dma_wait3A_289, %dma_wait3A_290] : memref<10240x128xf32, #tpu.memory_space<vmem_shared>> -> memref<10240x128xf32, #tpu.memory_space<vmem_shared>>
        tpu.wait_indirect_dma semaphore(%arg17 : memref<!tpu.dma_semaphore, #tpu.memory_space<semaphore_mem>>) src(%arg12 : memref<100x128xf32, #tpu.memory_space<vmem>>) dst(%dma_wait3A_291 : memref<10240x128xf32, #tpu.memory_space<vmem_shared>>)
        %dma_start3A_292 = arith.constant 0 : i32
        %dma_start3A_293 = arith.constant 0 : i32
        %dma_start3A_294 = tpu.memref_slice %arg10[%dma_start3A_292, %dma_start3A_293] : memref<4x100xi32, #tpu.memory_space<vmem>> -> memref<1x100xi32, #tpu.memory_space<vmem>>
        %dma_start3A_295 = tpu.memref_squeeze %dma_start3A_294 : memref<1x100xi32, #tpu.memory_space<vmem>> -> memref<100xi32, #tpu.memory_space<vmem>>
        %dma_start3A_296 = arith.constant 0 : i32
        %dma_start3A_297 = arith.constant 0 : i32
        %dma_start3A_298 = tpu.memref_slice %arg2[%dma_start3A_296, %dma_start3A_297] : memref<10240x128xf32, #tpu.memory_space<hbm>> -> memref<10240x128xf32, #tpu.memory_space<hbm>>
        tpu.enqueue_indirect_dma source(%dma_start3A_298 : memref<10240x128xf32, #tpu.memory_space<hbm>>) target(%arg12 : memref<100x128xf32, #tpu.memory_space<vmem>>) offsets(%dma_start3A_295 : memref<100xi32, #tpu.memory_space<vmem>>) semaphore(%arg15 : memref<!tpu.dma_semaphore, #tpu.memory_space<semaphore_mem>>)
        %dma_wait3A_299 = arith.constant 0 : i32
        %dma_wait3A_300 = arith.constant 0 : i32
        %dma_wait3A_301 = tpu.memref_slice %arg9[%dma_wait3A_299, %dma_wait3A_300] : memref<4x100xi32, #tpu.memory_space<vmem>> -> memref<1x100xi32, #tpu.memory_space<vmem>>
        %dma_wait3A_302 = tpu.memref_squeeze %dma_wait3A_301 : memref<1x100xi32, #tpu.memory_space<vmem>> -> memref<100xi32, #tpu.memory_space<vmem>>
        %dma_wait3A_303 = arith.constant 0 : i32
        %dma_wait3A_304 = arith.constant 0 : i32
        %dma_wait3A_305 = tpu.memref_slice %arg14[%dma_wait3A_303, %dma_wait3A_304] : memref<10240x128xf32, #tpu.memory_space<vmem_shared>> -> memref<10240x128xf32, #tpu.memory_space<vmem_shared>>
        tpu.wait_indirect_dma semaphore(%arg18 : memref<!tpu.dma_semaphore, #tpu.memory_space<semaphore_mem>>) src(%arg13 : memref<100x128xf32, #tpu.memory_space<vmem>>) dst(%dma_wait3A_305 : memref<10240x128xf32, #tpu.memory_space<vmem_shared>>)
        %dma_start3A_306 = arith.constant 1 : i32
        %dma_start3A_307 = arith.constant 0 : i32
        %dma_start3A_308 = tpu.memref_slice %arg10[%dma_start3A_306, %dma_start3A_307] : memref<4x100xi32, #tpu.memory_space<vmem>> -> memref<1x100xi32, #tpu.memory_space<vmem>>
        %dma_start3A_309 = tpu.memref_squeeze %dma_start3A_308 : memref<1x100xi32, #tpu.memory_space<vmem>> -> memref<100xi32, #tpu.memory_space<vmem>>
        %dma_start3A_310 = arith.constant 0 : i32
        %dma_start3A_311 = arith.constant 0 : i32
        %dma_start3A_312 = tpu.memref_slice %arg2[%dma_start3A_310, %dma_start3A_311] : memref<10240x128xf32, #tpu.memory_space<hbm>> -> memref<10240x128xf32, #tpu.memory_space<hbm>>
        tpu.enqueue_indirect_dma source(%dma_start3A_312 : memref<10240x128xf32, #tpu.memory_space<hbm>>) target(%arg13 : memref<100x128xf32, #tpu.memory_space<vmem>>) offsets(%dma_start3A_309 : memref<100xi32, #tpu.memory_space<vmem>>) semaphore(%arg16 : memref<!tpu.dma_semaphore, #tpu.memory_space<semaphore_mem>>)
        %add3A = arith.constant 2 : i32
        %add3A_313 = arith.addi %mul3A_182, %add3A : i32
        %dma_start3A_314 = arith.constant 0 : i32
        %dma_start3A_315 = arith.constant 0 : i32
        %dma_start3A_316 = tpu.memref_slice %arg4[%arg1, %add3A_313, %dma_start3A_314, %dma_start3A_315] : memref<16x25x4x100xi32, #tpu.memory_space<hbm>> -> memref<1x1x4x100xi32, #tpu.memory_space<hbm>>
        %dma_start3A_317 = tpu.memref_squeeze %dma_start3A_316 : memref<1x1x4x100xi32, #tpu.memory_space<hbm>> -> memref<4x100xi32, #tpu.memory_space<hbm>>
        %dma_start3A_318 = arith.constant 0 : i32
        %dma_start3A_319 = arith.constant 0 : i32
        %dma_start3A_320 = tpu.memref_slice %arg4[%arg1, %add3A_313, %dma_start3A_318, %dma_start3A_319] : memref<16x25x4x100xi32, #tpu.memory_space<hbm>> -> memref<1x1x4x100xi32, #tpu.memory_space<hbm>>
        %dma_start3A_321 = tpu.memref_squeeze %dma_start3A_320 : memref<1x1x4x100xi32, #tpu.memory_space<hbm>> -> memref<4x100xi32, #tpu.memory_space<hbm>>
        tpu.enqueue_dma source(%dma_start3A_321 : memref<4x100xi32, #tpu.memory_space<hbm>>) target(%arg8 : memref<4x100xi32, #tpu.memory_space<vmem>>) target_semaphore(%arg19 : memref<!tpu.dma_semaphore, #tpu.memory_space<semaphore_mem>>)
        %dma_start3A_322 = arith.constant 0 : i32
        %dma_start3A_323 = arith.constant 0 : i32
        %dma_start3A_324 = tpu.memref_slice %arg5[%arg1, %add3A_313, %dma_start3A_322, %dma_start3A_323] : memref<16x25x4x100xi32, #tpu.memory_space<hbm>> -> memref<1x1x4x100xi32, #tpu.memory_space<hbm>>
        %dma_start3A_325 = tpu.memref_squeeze %dma_start3A_324 : memref<1x1x4x100xi32, #tpu.memory_space<hbm>> -> memref<4x100xi32, #tpu.memory_space<hbm>>
        %dma_start3A_326 = arith.constant 0 : i32
        %dma_start3A_327 = arith.constant 0 : i32
        %dma_start3A_328 = tpu.memref_slice %arg5[%arg1, %add3A_313, %dma_start3A_326, %dma_start3A_327] : memref<16x25x4x100xi32, #tpu.memory_space<hbm>> -> memref<1x1x4x100xi32, #tpu.memory_space<hbm>>
        %dma_start3A_329 = tpu.memref_squeeze %dma_start3A_328 : memref<1x1x4x100xi32, #tpu.memory_space<hbm>> -> memref<4x100xi32, #tpu.memory_space<hbm>>
        tpu.enqueue_dma source(%dma_start3A_329 : memref<4x100xi32, #tpu.memory_space<hbm>>) target(%arg9 : memref<4x100xi32, #tpu.memory_space<vmem>>) target_semaphore(%arg19 : memref<!tpu.dma_semaphore, #tpu.memory_space<semaphore_mem>>)
        %dma_wait3A_330 = arith.constant 0 : i32
        %dma_wait3A_331 = arith.constant 0 : i32
        %dma_wait3A_332 = tpu.memref_slice %arg8[%dma_wait3A_330, %dma_wait3A_331] : memref<4x100xi32, #tpu.memory_space<vmem>> -> memref<1x100xi32, #tpu.memory_space<vmem>>
        %dma_wait3A_333 = tpu.memref_squeeze %dma_wait3A_332 : memref<1x100xi32, #tpu.memory_space<vmem>> -> memref<100xi32, #tpu.memory_space<vmem>>
        %dma_wait3A_334 = arith.constant 0 : i32
        %dma_wait3A_335 = arith.constant 0 : i32
        %dma_wait3A_336 = tpu.memref_slice %arg2[%dma_wait3A_334, %dma_wait3A_335] : memref<10240x128xf32, #tpu.memory_space<hbm>> -> memref<10240x128xf32, #tpu.memory_space<hbm>>
        tpu.wait_indirect_dma semaphore(%arg15 : memref<!tpu.dma_semaphore, #tpu.memory_space<semaphore_mem>>) src(%dma_wait3A_336 : memref<10240x128xf32, #tpu.memory_space<hbm>>) dst(%arg12 : memref<100x128xf32, #tpu.memory_space<vmem>>)
        %dma_start3A_337 = arith.constant 0 : i32
        %dma_start3A_338 = arith.constant 0 : i32
        %dma_start3A_339 = tpu.memref_slice %arg11[%dma_start3A_337, %dma_start3A_338] : memref<4x100xi32, #tpu.memory_space<vmem>> -> memref<1x100xi32, #tpu.memory_space<vmem>>
        %dma_start3A_340 = tpu.memref_squeeze %dma_start3A_339 : memref<1x100xi32, #tpu.memory_space<vmem>> -> memref<100xi32, #tpu.memory_space<vmem>>
        %dma_start3A_341 = arith.constant 0 : i32
        %dma_start3A_342 = arith.constant 0 : i32
        %dma_start3A_343 = tpu.memref_slice %arg14[%dma_start3A_341, %dma_start3A_342] : memref<10240x128xf32, #tpu.memory_space<vmem_shared>> -> memref<10240x128xf32, #tpu.memory_space<vmem_shared>>
        tpu.enqueue_indirect_dma source(%arg12 : memref<100x128xf32, #tpu.memory_space<vmem>>) target(%dma_start3A_343 : memref<10240x128xf32, #tpu.memory_space<vmem_shared>>) offsets(%dma_start3A_340 : memref<100xi32, #tpu.memory_space<vmem>>) semaphore(%arg17 : memref<!tpu.dma_semaphore, #tpu.memory_space<semaphore_mem>>) {add = true}
        %dma_wait3A_344 = arith.constant 0 : i32
        %dma_wait3A_345 = arith.constant 0 : i32
        %dma_wait3A_346 = tpu.memref_slice %arg8[%dma_wait3A_344, %dma_wait3A_345] : memref<4x100xi32, #tpu.memory_space<vmem>> -> memref<1x100xi32, #tpu.memory_space<vmem>>
        %dma_wait3A_347 = tpu.memref_squeeze %dma_wait3A_346 : memref<1x100xi32, #tpu.memory_space<vmem>> -> memref<100xi32, #tpu.memory_space<vmem>>
        %dma_wait3A_348 = arith.constant 0 : i32
        %dma_wait3A_349 = arith.constant 0 : i32
        %dma_wait3A_350 = tpu.memref_slice %arg2[%dma_wait3A_348, %dma_wait3A_349] : memref<10240x128xf32, #tpu.memory_space<hbm>> -> memref<10240x128xf32, #tpu.memory_space<hbm>>
        tpu.wait_indirect_dma semaphore(%arg16 : memref<!tpu.dma_semaphore, #tpu.memory_space<semaphore_mem>>) src(%dma_wait3A_350 : memref<10240x128xf32, #tpu.memory_space<hbm>>) dst(%arg13 : memref<100x128xf32, #tpu.memory_space<vmem>>)
        %dma_start3A_351 = arith.constant 1 : i32
        %dma_start3A_352 = arith.constant 0 : i32
        %dma_start3A_353 = tpu.memref_slice %arg11[%dma_start3A_351, %dma_start3A_352] : memref<4x100xi32, #tpu.memory_space<vmem>> -> memref<1x100xi32, #tpu.memory_space<vmem>>
        %dma_start3A_354 = tpu.memref_squeeze %dma_start3A_353 : memref<1x100xi32, #tpu.memory_space<vmem>> -> memref<100xi32, #tpu.memory_space<vmem>>
        %dma_start3A_355 = arith.constant 0 : i32
        %dma_start3A_356 = arith.constant 0 : i32
        %dma_start3A_357 = tpu.memref_slice %arg14[%dma_start3A_355, %dma_start3A_356] : memref<10240x128xf32, #tpu.memory_space<vmem_shared>> -> memref<10240x128xf32, #tpu.memory_space<vmem_shared>>
        tpu.enqueue_indirect_dma source(%arg13 : memref<100x128xf32, #tpu.memory_space<vmem>>) target(%dma_start3A_357 : memref<10240x128xf32, #tpu.memory_space<vmem_shared>>) offsets(%dma_start3A_354 : memref<100xi32, #tpu.memory_space<vmem>>) semaphore(%arg18 : memref<!tpu.dma_semaphore, #tpu.memory_space<semaphore_mem>>) {add = true}
        %dma_wait3A_358 = arith.constant 0 : i32
        %dma_wait3A_359 = arith.constant 0 : i32
        %dma_wait3A_360 = tpu.memref_slice %arg9[%dma_wait3A_358, %dma_wait3A_359] : memref<4x100xi32, #tpu.memory_space<vmem>> -> memref<1x100xi32, #tpu.memory_space<vmem>>
        %dma_wait3A_361 = tpu.memref_squeeze %dma_wait3A_360 : memref<1x100xi32, #tpu.memory_space<vmem>> -> memref<100xi32, #tpu.memory_space<vmem>>
        %dma_wait3A_362 = arith.constant 0 : i32
        %dma_wait3A_363 = arith.constant 0 : i32
        %dma_wait3A_364 = tpu.memref_slice %arg14[%dma_wait3A_362, %dma_wait3A_363] : memref<10240x128xf32, #tpu.memory_space<vmem_shared>> -> memref<10240x128xf32, #tpu.memory_space<vmem_shared>>
        tpu.wait_indirect_dma semaphore(%arg17 : memref<!tpu.dma_semaphore, #tpu.memory_space<semaphore_mem>>) src(%arg12 : memref<100x128xf32, #tpu.memory_space<vmem>>) dst(%dma_wait3A_364 : memref<10240x128xf32, #tpu.memory_space<vmem_shared>>)
        %dma_start3A_365 = arith.constant 2 : i32
        %dma_start3A_366 = arith.constant 0 : i32
        %dma_start3A_367 = tpu.memref_slice %arg10[%dma_start3A_365, %dma_start3A_366] : memref<4x100xi32, #tpu.memory_space<vmem>> -> memref<1x100xi32, #tpu.memory_space<vmem>>
        %dma_start3A_368 = tpu.memref_squeeze %dma_start3A_367 : memref<1x100xi32, #tpu.memory_space<vmem>> -> memref<100xi32, #tpu.memory_space<vmem>>
        %dma_start3A_369 = arith.constant 0 : i32
        %dma_start3A_370 = arith.constant 0 : i32
        %dma_start3A_371 = tpu.memref_slice %arg2[%dma_start3A_369, %dma_start3A_370] : memref<10240x128xf32, #tpu.memory_space<hbm>> -> memref<10240x128xf32, #tpu.memory_space<hbm>>
        tpu.enqueue_indirect_dma source(%dma_start3A_371 : memref<10240x128xf32, #tpu.memory_space<hbm>>) target(%arg12 : memref<100x128xf32, #tpu.memory_space<vmem>>) offsets(%dma_start3A_368 : memref<100xi32, #tpu.memory_space<vmem>>) semaphore(%arg15 : memref<!tpu.dma_semaphore, #tpu.memory_space<semaphore_mem>>)
        %dma_wait3A_372 = arith.constant 0 : i32
        %dma_wait3A_373 = arith.constant 0 : i32
        %dma_wait3A_374 = tpu.memref_slice %arg9[%dma_wait3A_372, %dma_wait3A_373] : memref<4x100xi32, #tpu.memory_space<vmem>> -> memref<1x100xi32, #tpu.memory_space<vmem>>
        %dma_wait3A_375 = tpu.memref_squeeze %dma_wait3A_374 : memref<1x100xi32, #tpu.memory_space<vmem>> -> memref<100xi32, #tpu.memory_space<vmem>>
        %dma_wait3A_376 = arith.constant 0 : i32
        %dma_wait3A_377 = arith.constant 0 : i32
        %dma_wait3A_378 = tpu.memref_slice %arg14[%dma_wait3A_376, %dma_wait3A_377] : memref<10240x128xf32, #tpu.memory_space<vmem_shared>> -> memref<10240x128xf32, #tpu.memory_space<vmem_shared>>
        tpu.wait_indirect_dma semaphore(%arg18 : memref<!tpu.dma_semaphore, #tpu.memory_space<semaphore_mem>>) src(%arg13 : memref<100x128xf32, #tpu.memory_space<vmem>>) dst(%dma_wait3A_378 : memref<10240x128xf32, #tpu.memory_space<vmem_shared>>)
        %dma_start3A_379 = arith.constant 3 : i32
        %dma_start3A_380 = arith.constant 0 : i32
        %dma_start3A_381 = tpu.memref_slice %arg10[%dma_start3A_379, %dma_start3A_380] : memref<4x100xi32, #tpu.memory_space<vmem>> -> memref<1x100xi32, #tpu.memory_space<vmem>>
        %dma_start3A_382 = tpu.memref_squeeze %dma_start3A_381 : memref<1x100xi32, #tpu.memory_space<vmem>> -> memref<100xi32, #tpu.memory_space<vmem>>
        %dma_start3A_383 = arith.constant 0 : i32
        %dma_start3A_384 = arith.constant 0 : i32
        %dma_start3A_385 = tpu.memref_slice %arg2[%dma_start3A_383, %dma_start3A_384] : memref<10240x128xf32, #tpu.memory_space<hbm>> -> memref<10240x128xf32, #tpu.memory_space<hbm>>
        tpu.enqueue_indirect_dma source(%dma_start3A_385 : memref<10240x128xf32, #tpu.memory_space<hbm>>) target(%arg13 : memref<100x128xf32, #tpu.memory_space<vmem>>) offsets(%dma_start3A_382 : memref<100xi32, #tpu.memory_space<vmem>>) semaphore(%arg16 : memref<!tpu.dma_semaphore, #tpu.memory_space<semaphore_mem>>)
        %dma_wait3A_386 = arith.constant 0 : i32
        %dma_wait3A_387 = arith.constant 0 : i32
        %dma_wait3A_388 = tpu.memref_slice %arg8[%dma_wait3A_386, %dma_wait3A_387] : memref<4x100xi32, #tpu.memory_space<vmem>> -> memref<1x100xi32, #tpu.memory_space<vmem>>
        %dma_wait3A_389 = tpu.memref_squeeze %dma_wait3A_388 : memref<1x100xi32, #tpu.memory_space<vmem>> -> memref<100xi32, #tpu.memory_space<vmem>>
        %dma_wait3A_390 = arith.constant 0 : i32
        %dma_wait3A_391 = arith.constant 0 : i32
        %dma_wait3A_392 = tpu.memref_slice %arg2[%dma_wait3A_390, %dma_wait3A_391] : memref<10240x128xf32, #tpu.memory_space<hbm>> -> memref<10240x128xf32, #tpu.memory_space<hbm>>
        tpu.wait_indirect_dma semaphore(%arg15 : memref<!tpu.dma_semaphore, #tpu.memory_space<semaphore_mem>>) src(%dma_wait3A_392 : memref<10240x128xf32, #tpu.memory_space<hbm>>) dst(%arg12 : memref<100x128xf32, #tpu.memory_space<vmem>>)
        %dma_start3A_393 = arith.constant 2 : i32
        %dma_start3A_394 = arith.constant 0 : i32
        %dma_start3A_395 = tpu.memref_slice %arg11[%dma_start3A_393, %dma_start3A_394] : memref<4x100xi32, #tpu.memory_space<vmem>> -> memref<1x100xi32, #tpu.memory_space<vmem>>
        %dma_start3A_396 = tpu.memref_squeeze %dma_start3A_395 : memref<1x100xi32, #tpu.memory_space<vmem>> -> memref<100xi32, #tpu.memory_space<vmem>>
        %dma_start3A_397 = arith.constant 0 : i32
        %dma_start3A_398 = arith.constant 0 : i32
        %dma_start3A_399 = tpu.memref_slice %arg14[%dma_start3A_397, %dma_start3A_398] : memref<10240x128xf32, #tpu.memory_space<vmem_shared>> -> memref<10240x128xf32, #tpu.memory_space<vmem_shared>>
        tpu.enqueue_indirect_dma source(%arg12 : memref<100x128xf32, #tpu.memory_space<vmem>>) target(%dma_start3A_399 : memref<10240x128xf32, #tpu.memory_space<vmem_shared>>) offsets(%dma_start3A_396 : memref<100xi32, #tpu.memory_space<vmem>>) semaphore(%arg17 : memref<!tpu.dma_semaphore, #tpu.memory_space<semaphore_mem>>) {add = true}
        %dma_wait3A_400 = arith.constant 0 : i32
        %dma_wait3A_401 = arith.constant 0 : i32
        %dma_wait3A_402 = tpu.memref_slice %arg8[%dma_wait3A_400, %dma_wait3A_401] : memref<4x100xi32, #tpu.memory_space<vmem>> -> memref<1x100xi32, #tpu.memory_space<vmem>>
        %dma_wait3A_403 = tpu.memref_squeeze %dma_wait3A_402 : memref<1x100xi32, #tpu.memory_space<vmem>> -> memref<100xi32, #tpu.memory_space<vmem>>
        %dma_wait3A_404 = arith.constant 0 : i32
        %dma_wait3A_405 = arith.constant 0 : i32
        %dma_wait3A_406 = tpu.memref_slice %arg2[%dma_wait3A_404, %dma_wait3A_405] : memref<10240x128xf32, #tpu.memory_space<hbm>> -> memref<10240x128xf32, #tpu.memory_space<hbm>>
        tpu.wait_indirect_dma semaphore(%arg16 : memref<!tpu.dma_semaphore, #tpu.memory_space<semaphore_mem>>) src(%dma_wait3A_406 : memref<10240x128xf32, #tpu.memory_space<hbm>>) dst(%arg13 : memref<100x128xf32, #tpu.memory_space<vmem>>)
        %dma_start3A_407 = arith.constant 3 : i32
        %dma_start3A_408 = arith.constant 0 : i32
        %dma_start3A_409 = tpu.memref_slice %arg11[%dma_start3A_407, %dma_start3A_408] : memref<4x100xi32, #tpu.memory_space<vmem>> -> memref<1x100xi32, #tpu.memory_space<vmem>>
        %dma_start3A_410 = tpu.memref_squeeze %dma_start3A_409 : memref<1x100xi32, #tpu.memory_space<vmem>> -> memref<100xi32, #tpu.memory_space<vmem>>
        %dma_start3A_411 = arith.constant 0 : i32
        %dma_start3A_412 = arith.constant 0 : i32
        %dma_start3A_413 = tpu.memref_slice %arg14[%dma_start3A_411, %dma_start3A_412] : memref<10240x128xf32, #tpu.memory_space<vmem_shared>> -> memref<10240x128xf32, #tpu.memory_space<vmem_shared>>
        tpu.enqueue_indirect_dma source(%arg13 : memref<100x128xf32, #tpu.memory_space<vmem>>) target(%dma_start3A_413 : memref<10240x128xf32, #tpu.memory_space<vmem_shared>>) offsets(%dma_start3A_410 : memref<100xi32, #tpu.memory_space<vmem>>) semaphore(%arg18 : memref<!tpu.dma_semaphore, #tpu.memory_space<semaphore_mem>>) {add = true}
        %dma_wait3A_414 = arith.constant 0 : i32
        %dma_wait3A_415 = arith.constant 0 : i32
        %dma_wait3A_416 = arith.constant 0 : i32
        %dma_wait3A_417 = tpu.memref_slice %arg4[%arg1, %dma_wait3A_414, %dma_wait3A_415, %dma_wait3A_416] : memref<16x25x4x100xi32, #tpu.memory_space<hbm>> -> memref<1x1x4x100xi32, #tpu.memory_space<hbm>>
        %dma_wait3A_418 = tpu.memref_squeeze %dma_wait3A_417 : memref<1x1x4x100xi32, #tpu.memory_space<hbm>> -> memref<4x100xi32, #tpu.memory_space<hbm>>
        %dma_wait3A_419 = arith.constant 0 : i32
        %dma_wait3A_420 = arith.constant 0 : i32
        %dma_wait3A_421 = tpu.memref_slice %arg4[%arg1, %dma_wait3A_414, %dma_wait3A_419, %dma_wait3A_420] : memref<16x25x4x100xi32, #tpu.memory_space<hbm>> -> memref<1x1x4x100xi32, #tpu.memory_space<hbm>>
        %dma_wait3A_422 = tpu.memref_squeeze %dma_wait3A_421 : memref<1x1x4x100xi32, #tpu.memory_space<hbm>> -> memref<4x100xi32, #tpu.memory_space<hbm>>
        tpu.wait_dma2 semaphore(%arg19 : memref<!tpu.dma_semaphore, #tpu.memory_space<semaphore_mem>>) src(%dma_wait3A_422 : memref<4x100xi32, #tpu.memory_space<hbm>>) dst(%arg8 : memref<4x100xi32, #tpu.memory_space<vmem>>)
        %dma_wait3A_423 = arith.constant 0 : i32
        %dma_wait3A_424 = arith.constant 0 : i32
        %dma_wait3A_425 = arith.constant 0 : i32
        %dma_wait3A_426 = tpu.memref_slice %arg5[%arg1, %dma_wait3A_423, %dma_wait3A_424, %dma_wait3A_425] : memref<16x25x4x100xi32, #tpu.memory_space<hbm>> -> memref<1x1x4x100xi32, #tpu.memory_space<hbm>>
        %dma_wait3A_427 = tpu.memref_squeeze %dma_wait3A_426 : memref<1x1x4x100xi32, #tpu.memory_space<hbm>> -> memref<4x100xi32, #tpu.memory_space<hbm>>
        %dma_wait3A_428 = arith.constant 0 : i32
        %dma_wait3A_429 = arith.constant 0 : i32
        %dma_wait3A_430 = tpu.memref_slice %arg5[%arg1, %dma_wait3A_423, %dma_wait3A_428, %dma_wait3A_429] : memref<16x25x4x100xi32, #tpu.memory_space<hbm>> -> memref<1x1x4x100xi32, #tpu.memory_space<hbm>>
        %dma_wait3A_431 = tpu.memref_squeeze %dma_wait3A_430 : memref<1x1x4x100xi32, #tpu.memory_space<hbm>> -> memref<4x100xi32, #tpu.memory_space<hbm>>
        tpu.wait_dma2 semaphore(%arg19 : memref<!tpu.dma_semaphore, #tpu.memory_space<semaphore_mem>>) src(%dma_wait3A_431 : memref<4x100xi32, #tpu.memory_space<hbm>>) dst(%arg9 : memref<4x100xi32, #tpu.memory_space<vmem>>)
        %dma_wait3A_432 = arith.constant 0 : i32
        %dma_wait3A_433 = arith.constant 0 : i32
        %dma_wait3A_434 = tpu.memref_slice %arg9[%dma_wait3A_432, %dma_wait3A_433] : memref<4x100xi32, #tpu.memory_space<vmem>> -> memref<1x100xi32, #tpu.memory_space<vmem>>
        %dma_wait3A_435 = tpu.memref_squeeze %dma_wait3A_434 : memref<1x100xi32, #tpu.memory_space<vmem>> -> memref<100xi32, #tpu.memory_space<vmem>>
        %dma_wait3A_436 = arith.constant 0 : i32
        %dma_wait3A_437 = arith.constant 0 : i32
        %dma_wait3A_438 = tpu.memref_slice %arg14[%dma_wait3A_436, %dma_wait3A_437] : memref<10240x128xf32, #tpu.memory_space<vmem_shared>> -> memref<10240x128xf32, #tpu.memory_space<vmem_shared>>
        tpu.wait_indirect_dma semaphore(%arg17 : memref<!tpu.dma_semaphore, #tpu.memory_space<semaphore_mem>>) src(%arg12 : memref<100x128xf32, #tpu.memory_space<vmem>>) dst(%dma_wait3A_438 : memref<10240x128xf32, #tpu.memory_space<vmem_shared>>)
        %dma_start3A_439 = arith.constant 0 : i32
        %dma_start3A_440 = arith.constant 0 : i32
        %dma_start3A_441 = tpu.memref_slice %arg8[%dma_start3A_439, %dma_start3A_440] : memref<4x100xi32, #tpu.memory_space<vmem>> -> memref<1x100xi32, #tpu.memory_space<vmem>>
        %dma_start3A_442 = tpu.memref_squeeze %dma_start3A_441 : memref<1x100xi32, #tpu.memory_space<vmem>> -> memref<100xi32, #tpu.memory_space<vmem>>
        %dma_start3A_443 = arith.constant 0 : i32
        %dma_start3A_444 = arith.constant 0 : i32
        %dma_start3A_445 = tpu.memref_slice %arg2[%dma_start3A_443, %dma_start3A_444] : memref<10240x128xf32, #tpu.memory_space<hbm>> -> memref<10240x128xf32, #tpu.memory_space<hbm>>
        tpu.enqueue_indirect_dma source(%dma_start3A_445 : memref<10240x128xf32, #tpu.memory_space<hbm>>) target(%arg12 : memref<100x128xf32, #tpu.memory_space<vmem>>) offsets(%dma_start3A_442 : memref<100xi32, #tpu.memory_space<vmem>>) semaphore(%arg15 : memref<!tpu.dma_semaphore, #tpu.memory_space<semaphore_mem>>)
        %dma_wait3A_446 = arith.constant 0 : i32
        %dma_wait3A_447 = arith.constant 0 : i32
        %dma_wait3A_448 = tpu.memref_slice %arg9[%dma_wait3A_446, %dma_wait3A_447] : memref<4x100xi32, #tpu.memory_space<vmem>> -> memref<1x100xi32, #tpu.memory_space<vmem>>
        %dma_wait3A_449 = tpu.memref_squeeze %dma_wait3A_448 : memref<1x100xi32, #tpu.memory_space<vmem>> -> memref<100xi32, #tpu.memory_space<vmem>>
        %dma_wait3A_450 = arith.constant 0 : i32
        %dma_wait3A_451 = arith.constant 0 : i32
        %dma_wait3A_452 = tpu.memref_slice %arg14[%dma_wait3A_450, %dma_wait3A_451] : memref<10240x128xf32, #tpu.memory_space<vmem_shared>> -> memref<10240x128xf32, #tpu.memory_space<vmem_shared>>
        tpu.wait_indirect_dma semaphore(%arg18 : memref<!tpu.dma_semaphore, #tpu.memory_space<semaphore_mem>>) src(%arg13 : memref<100x128xf32, #tpu.memory_space<vmem>>) dst(%dma_wait3A_452 : memref<10240x128xf32, #tpu.memory_space<vmem_shared>>)
        %dma_start3A_453 = arith.constant 1 : i32
        %dma_start3A_454 = arith.constant 0 : i32
        %dma_start3A_455 = tpu.memref_slice %arg8[%dma_start3A_453, %dma_start3A_454] : memref<4x100xi32, #tpu.memory_space<vmem>> -> memref<1x100xi32, #tpu.memory_space<vmem>>
        %dma_start3A_456 = tpu.memref_squeeze %dma_start3A_455 : memref<1x100xi32, #tpu.memory_space<vmem>> -> memref<100xi32, #tpu.memory_space<vmem>>
        %dma_start3A_457 = arith.constant 0 : i32
        %dma_start3A_458 = arith.constant 0 : i32
        %dma_start3A_459 = tpu.memref_slice %arg2[%dma_start3A_457, %dma_start3A_458] : memref<10240x128xf32, #tpu.memory_space<hbm>> -> memref<10240x128xf32, #tpu.memory_space<hbm>>
        tpu.enqueue_indirect_dma source(%dma_start3A_459 : memref<10240x128xf32, #tpu.memory_space<hbm>>) target(%arg13 : memref<100x128xf32, #tpu.memory_space<vmem>>) offsets(%dma_start3A_456 : memref<100xi32, #tpu.memory_space<vmem>>) semaphore(%arg16 : memref<!tpu.dma_semaphore, #tpu.memory_space<semaphore_mem>>)
        %add3A_460 = arith.constant 3 : i32
        %add3A_461 = arith.addi %mul3A_182, %add3A_460 : i32
        %lt3A = arith.constant 25 : i32
        %lt3A_462 = arith.cmpi slt, %add3A_461, %lt3A : i32
        %convert_element_type3A_463 = arith.extui %lt3A_462 : i1 to i32
        %cond3A_464 = arith.constant 0 : i32
        %cond3A_465 = arith.cmpi ne, %convert_element_type3A_463, %cond3A_464 : i32
        scf.if %cond3A_465 {
          %add3A_467 = arith.constant 3 : i32
          %add3A_468 = arith.addi %mul3A_182, %add3A_467 : i32
          %dma_start3A_469 = arith.constant 0 : i32
          %dma_start3A_470 = arith.constant 0 : i32
          %dma_start3A_471 = tpu.memref_slice %arg4[%arg1, %add3A_468, %dma_start3A_469, %dma_start3A_470] : memref<16x25x4x100xi32, #tpu.memory_space<hbm>> -> memref<1x1x4x100xi32, #tpu.memory_space<hbm>>
          %dma_start3A_472 = tpu.memref_squeeze %dma_start3A_471 : memref<1x1x4x100xi32, #tpu.memory_space<hbm>> -> memref<4x100xi32, #tpu.memory_space<hbm>>
          %dma_start3A_473 = arith.constant 0 : i32
          %dma_start3A_474 = arith.constant 0 : i32
          %dma_start3A_475 = tpu.memref_slice %arg4[%arg1, %add3A_468, %dma_start3A_473, %dma_start3A_474] : memref<16x25x4x100xi32, #tpu.memory_space<hbm>> -> memref<1x1x4x100xi32, #tpu.memory_space<hbm>>
          %dma_start3A_476 = tpu.memref_squeeze %dma_start3A_475 : memref<1x1x4x100xi32, #tpu.memory_space<hbm>> -> memref<4x100xi32, #tpu.memory_space<hbm>>
          tpu.enqueue_dma source(%dma_start3A_476 : memref<4x100xi32, #tpu.memory_space<hbm>>) target(%arg10 : memref<4x100xi32, #tpu.memory_space<vmem>>) target_semaphore(%arg19 : memref<!tpu.dma_semaphore, #tpu.memory_space<semaphore_mem>>)
          %dma_start3A_477 = arith.constant 0 : i32
          %dma_start3A_478 = arith.constant 0 : i32
          %dma_start3A_479 = tpu.memref_slice %arg5[%arg1, %add3A_468, %dma_start3A_477, %dma_start3A_478] : memref<16x25x4x100xi32, #tpu.memory_space<hbm>> -> memref<1x1x4x100xi32, #tpu.memory_space<hbm>>
          %dma_start3A_480 = tpu.memref_squeeze %dma_start3A_479 : memref<1x1x4x100xi32, #tpu.memory_space<hbm>> -> memref<4x100xi32, #tpu.memory_space<hbm>>
          %dma_start3A_481 = arith.constant 0 : i32
          %dma_start3A_482 = arith.constant 0 : i32
          %dma_start3A_483 = tpu.memref_slice %arg5[%arg1, %add3A_468, %dma_start3A_481, %dma_start3A_482] : memref<16x25x4x100xi32, #tpu.memory_space<hbm>> -> memref<1x1x4x100xi32, #tpu.memory_space<hbm>>
          %dma_start3A_484 = tpu.memref_squeeze %dma_start3A_483 : memref<1x1x4x100xi32, #tpu.memory_space<hbm>> -> memref<4x100xi32, #tpu.memory_space<hbm>>
          tpu.enqueue_dma source(%dma_start3A_484 : memref<4x100xi32, #tpu.memory_space<hbm>>) target(%arg11 : memref<4x100xi32, #tpu.memory_space<vmem>>) target_semaphore(%arg19 : memref<!tpu.dma_semaphore, #tpu.memory_space<semaphore_mem>>)
        } else {
        }
        %scan3A_466 = arith.constant 0 : i32
        scf.yield %scan3A_466 : i32
      }
      %scan3A_79 = arith.constant 12 : i32
      %dma_wait3A_80 = arith.constant 0 : i32
      %dma_wait3A_81 = arith.constant 0 : i32
      %dma_wait3A_82 = tpu.memref_slice %arg8[%dma_wait3A_80, %dma_wait3A_81] : memref<4x100xi32, #tpu.memory_space<vmem>> -> memref<1x100xi32, #tpu.memory_space<vmem>>
      %dma_wait3A_83 = tpu.memref_squeeze %dma_wait3A_82 : memref<1x100xi32, #tpu.memory_space<vmem>> -> memref<100xi32, #tpu.memory_space<vmem>>
      %dma_wait3A_84 = arith.constant 0 : i32
      %dma_wait3A_85 = arith.constant 0 : i32
      %dma_wait3A_86 = tpu.memref_slice %arg2[%dma_wait3A_84, %dma_wait3A_85] : memref<10240x128xf32, #tpu.memory_space<hbm>> -> memref<10240x128xf32, #tpu.memory_space<hbm>>
      tpu.wait_indirect_dma semaphore(%arg15 : memref<!tpu.dma_semaphore, #tpu.memory_space<semaphore_mem>>) src(%dma_wait3A_86 : memref<10240x128xf32, #tpu.memory_space<hbm>>) dst(%arg12 : memref<100x128xf32, #tpu.memory_space<vmem>>)
      %dma_start3A_87 = arith.constant 0 : i32
      %dma_start3A_88 = arith.constant 0 : i32
      %dma_start3A_89 = tpu.memref_slice %arg9[%dma_start3A_87, %dma_start3A_88] : memref<4x100xi32, #tpu.memory_space<vmem>> -> memref<1x100xi32, #tpu.memory_space<vmem>>
      %dma_start3A_90 = tpu.memref_squeeze %dma_start3A_89 : memref<1x100xi32, #tpu.memory_space<vmem>> -> memref<100xi32, #tpu.memory_space<vmem>>
      %dma_start3A_91 = arith.constant 0 : i32
      %dma_start3A_92 = arith.constant 0 : i32
      %dma_start3A_93 = tpu.memref_slice %arg14[%dma_start3A_91, %dma_start3A_92] : memref<10240x128xf32, #tpu.memory_space<vmem_shared>> -> memref<10240x128xf32, #tpu.memory_space<vmem_shared>>
      tpu.enqueue_indirect_dma source(%arg12 : memref<100x128xf32, #tpu.memory_space<vmem>>) target(%dma_start3A_93 : memref<10240x128xf32, #tpu.memory_space<vmem_shared>>) offsets(%dma_start3A_90 : memref<100xi32, #tpu.memory_space<vmem>>) semaphore(%arg17 : memref<!tpu.dma_semaphore, #tpu.memory_space<semaphore_mem>>) {add = true}
      %dma_wait3A_94 = arith.constant 0 : i32
      %dma_wait3A_95 = arith.constant 0 : i32
      %dma_wait3A_96 = tpu.memref_slice %arg8[%dma_wait3A_94, %dma_wait3A_95] : memref<4x100xi32, #tpu.memory_space<vmem>> -> memref<1x100xi32, #tpu.memory_space<vmem>>
      %dma_wait3A_97 = tpu.memref_squeeze %dma_wait3A_96 : memref<1x100xi32, #tpu.memory_space<vmem>> -> memref<100xi32, #tpu.memory_space<vmem>>
      %dma_wait3A_98 = arith.constant 0 : i32
      %dma_wait3A_99 = arith.constant 0 : i32
      %dma_wait3A_100 = tpu.memref_slice %arg2[%dma_wait3A_98, %dma_wait3A_99] : memref<10240x128xf32, #tpu.memory_space<hbm>> -> memref<10240x128xf32, #tpu.memory_space<hbm>>
      tpu.wait_indirect_dma semaphore(%arg16 : memref<!tpu.dma_semaphore, #tpu.memory_space<semaphore_mem>>) src(%dma_wait3A_100 : memref<10240x128xf32, #tpu.memory_space<hbm>>) dst(%arg13 : memref<100x128xf32, #tpu.memory_space<vmem>>)
      %dma_start3A_101 = arith.constant 1 : i32
      %dma_start3A_102 = arith.constant 0 : i32
      %dma_start3A_103 = tpu.memref_slice %arg9[%dma_start3A_101, %dma_start3A_102] : memref<4x100xi32, #tpu.memory_space<vmem>> -> memref<1x100xi32, #tpu.memory_space<vmem>>
      %dma_start3A_104 = tpu.memref_squeeze %dma_start3A_103 : memref<1x100xi32, #tpu.memory_space<vmem>> -> memref<100xi32, #tpu.memory_space<vmem>>
      %dma_start3A_105 = arith.constant 0 : i32
      %dma_start3A_106 = arith.constant 0 : i32
      %dma_start3A_107 = tpu.memref_slice %arg14[%dma_start3A_105, %dma_start3A_106] : memref<10240x128xf32, #tpu.memory_space<vmem_shared>> -> memref<10240x128xf32, #tpu.memory_space<vmem_shared>>
      tpu.enqueue_indirect_dma source(%arg13 : memref<100x128xf32, #tpu.memory_space<vmem>>) target(%dma_start3A_107 : memref<10240x128xf32, #tpu.memory_space<vmem_shared>>) offsets(%dma_start3A_104 : memref<100xi32, #tpu.memory_space<vmem>>) semaphore(%arg18 : memref<!tpu.dma_semaphore, #tpu.memory_space<semaphore_mem>>) {add = true}
      %dma_wait3A_108 = arith.constant 0 : i32
      %dma_wait3A_109 = arith.constant 0 : i32
      %dma_wait3A_110 = tpu.memref_slice %arg9[%dma_wait3A_108, %dma_wait3A_109] : memref<4x100xi32, #tpu.memory_space<vmem>> -> memref<1x100xi32, #tpu.memory_space<vmem>>
      %dma_wait3A_111 = tpu.memref_squeeze %dma_wait3A_110 : memref<1x100xi32, #tpu.memory_space<vmem>> -> memref<100xi32, #tpu.memory_space<vmem>>
      %dma_wait3A_112 = arith.constant 0 : i32
      %dma_wait3A_113 = arith.constant 0 : i32
      %dma_wait3A_114 = tpu.memref_slice %arg14[%dma_wait3A_112, %dma_wait3A_113] : memref<10240x128xf32, #tpu.memory_space<vmem_shared>> -> memref<10240x128xf32, #tpu.memory_space<vmem_shared>>
      tpu.wait_indirect_dma semaphore(%arg17 : memref<!tpu.dma_semaphore, #tpu.memory_space<semaphore_mem>>) src(%arg12 : memref<100x128xf32, #tpu.memory_space<vmem>>) dst(%dma_wait3A_114 : memref<10240x128xf32, #tpu.memory_space<vmem_shared>>)
      %dma_start3A_115 = arith.constant 2 : i32
      %dma_start3A_116 = arith.constant 0 : i32
      %dma_start3A_117 = tpu.memref_slice %arg8[%dma_start3A_115, %dma_start3A_116] : memref<4x100xi32, #tpu.memory_space<vmem>> -> memref<1x100xi32, #tpu.memory_space<vmem>>
      %dma_start3A_118 = tpu.memref_squeeze %dma_start3A_117 : memref<1x100xi32, #tpu.memory_space<vmem>> -> memref<100xi32, #tpu.memory_space<vmem>>
      %dma_start3A_119 = arith.constant 0 : i32
      %dma_start3A_120 = arith.constant 0 : i32
      %dma_start3A_121 = tpu.memref_slice %arg2[%dma_start3A_119, %dma_start3A_120] : memref<10240x128xf32, #tpu.memory_space<hbm>> -> memref<10240x128xf32, #tpu.memory_space<hbm>>
      tpu.enqueue_indirect_dma source(%dma_start3A_121 : memref<10240x128xf32, #tpu.memory_space<hbm>>) target(%arg12 : memref<100x128xf32, #tpu.memory_space<vmem>>) offsets(%dma_start3A_118 : memref<100xi32, #tpu.memory_space<vmem>>) semaphore(%arg15 : memref<!tpu.dma_semaphore, #tpu.memory_space<semaphore_mem>>)
      %dma_wait3A_122 = arith.constant 0 : i32
      %dma_wait3A_123 = arith.constant 0 : i32
      %dma_wait3A_124 = tpu.memref_slice %arg9[%dma_wait3A_122, %dma_wait3A_123] : memref<4x100xi32, #tpu.memory_space<vmem>> -> memref<1x100xi32, #tpu.memory_space<vmem>>
      %dma_wait3A_125 = tpu.memref_squeeze %dma_wait3A_124 : memref<1x100xi32, #tpu.memory_space<vmem>> -> memref<100xi32, #tpu.memory_space<vmem>>
      %dma_wait3A_126 = arith.constant 0 : i32
      %dma_wait3A_127 = arith.constant 0 : i32
      %dma_wait3A_128 = tpu.memref_slice %arg14[%dma_wait3A_126, %dma_wait3A_127] : memref<10240x128xf32, #tpu.memory_space<vmem_shared>> -> memref<10240x128xf32, #tpu.memory_space<vmem_shared>>
      tpu.wait_indirect_dma semaphore(%arg18 : memref<!tpu.dma_semaphore, #tpu.memory_space<semaphore_mem>>) src(%arg13 : memref<100x128xf32, #tpu.memory_space<vmem>>) dst(%dma_wait3A_128 : memref<10240x128xf32, #tpu.memory_space<vmem_shared>>)
      %dma_start3A_129 = arith.constant 3 : i32
      %dma_start3A_130 = arith.constant 0 : i32
      %dma_start3A_131 = tpu.memref_slice %arg8[%dma_start3A_129, %dma_start3A_130] : memref<4x100xi32, #tpu.memory_space<vmem>> -> memref<1x100xi32, #tpu.memory_space<vmem>>
      %dma_start3A_132 = tpu.memref_squeeze %dma_start3A_131 : memref<1x100xi32, #tpu.memory_space<vmem>> -> memref<100xi32, #tpu.memory_space<vmem>>
      %dma_start3A_133 = arith.constant 0 : i32
      %dma_start3A_134 = arith.constant 0 : i32
      %dma_start3A_135 = tpu.memref_slice %arg2[%dma_start3A_133, %dma_start3A_134] : memref<10240x128xf32, #tpu.memory_space<hbm>> -> memref<10240x128xf32, #tpu.memory_space<hbm>>
      tpu.enqueue_indirect_dma source(%dma_start3A_135 : memref<10240x128xf32, #tpu.memory_space<hbm>>) target(%arg13 : memref<100x128xf32, #tpu.memory_space<vmem>>) offsets(%dma_start3A_132 : memref<100xi32, #tpu.memory_space<vmem>>) semaphore(%arg16 : memref<!tpu.dma_semaphore, #tpu.memory_space<semaphore_mem>>)
      %dma_wait3A_136 = arith.constant 0 : i32
      %dma_wait3A_137 = arith.constant 0 : i32
      %dma_wait3A_138 = tpu.memref_slice %arg8[%dma_wait3A_136, %dma_wait3A_137] : memref<4x100xi32, #tpu.memory_space<vmem>> -> memref<1x100xi32, #tpu.memory_space<vmem>>
      %dma_wait3A_139 = tpu.memref_squeeze %dma_wait3A_138 : memref<1x100xi32, #tpu.memory_space<vmem>> -> memref<100xi32, #tpu.memory_space<vmem>>
      %dma_wait3A_140 = arith.constant 0 : i32
      %dma_wait3A_141 = arith.constant 0 : i32
      %dma_wait3A_142 = tpu.memref_slice %arg2[%dma_wait3A_140, %dma_wait3A_141] : memref<10240x128xf32, #tpu.memory_space<hbm>> -> memref<10240x128xf32, #tpu.memory_space<hbm>>
      tpu.wait_indirect_dma semaphore(%arg15 : memref<!tpu.dma_semaphore, #tpu.memory_space<semaphore_mem>>) src(%dma_wait3A_142 : memref<10240x128xf32, #tpu.memory_space<hbm>>) dst(%arg12 : memref<100x128xf32, #tpu.memory_space<vmem>>)
      %dma_start3A_143 = arith.constant 2 : i32
      %dma_start3A_144 = arith.constant 0 : i32
      %dma_start3A_145 = tpu.memref_slice %arg9[%dma_start3A_143, %dma_start3A_144] : memref<4x100xi32, #tpu.memory_space<vmem>> -> memref<1x100xi32, #tpu.memory_space<vmem>>
      %dma_start3A_146 = tpu.memref_squeeze %dma_start3A_145 : memref<1x100xi32, #tpu.memory_space<vmem>> -> memref<100xi32, #tpu.memory_space<vmem>>
      %dma_start3A_147 = arith.constant 0 : i32
      %dma_start3A_148 = arith.constant 0 : i32
      %dma_start3A_149 = tpu.memref_slice %arg14[%dma_start3A_147, %dma_start3A_148] : memref<10240x128xf32, #tpu.memory_space<vmem_shared>> -> memref<10240x128xf32, #tpu.memory_space<vmem_shared>>
      tpu.enqueue_indirect_dma source(%arg12 : memref<100x128xf32, #tpu.memory_space<vmem>>) target(%dma_start3A_149 : memref<10240x128xf32, #tpu.memory_space<vmem_shared>>) offsets(%dma_start3A_146 : memref<100xi32, #tpu.memory_space<vmem>>) semaphore(%arg17 : memref<!tpu.dma_semaphore, #tpu.memory_space<semaphore_mem>>) {add = true}
      %dma_wait3A_150 = arith.constant 0 : i32
      %dma_wait3A_151 = arith.constant 0 : i32
      %dma_wait3A_152 = tpu.memref_slice %arg8[%dma_wait3A_150, %dma_wait3A_151] : memref<4x100xi32, #tpu.memory_space<vmem>> -> memref<1x100xi32, #tpu.memory_space<vmem>>
      %dma_wait3A_153 = tpu.memref_squeeze %dma_wait3A_152 : memref<1x100xi32, #tpu.memory_space<vmem>> -> memref<100xi32, #tpu.memory_space<vmem>>
      %dma_wait3A_154 = arith.constant 0 : i32
      %dma_wait3A_155 = arith.constant 0 : i32
      %dma_wait3A_156 = tpu.memref_slice %arg2[%dma_wait3A_154, %dma_wait3A_155] : memref<10240x128xf32, #tpu.memory_space<hbm>> -> memref<10240x128xf32, #tpu.memory_space<hbm>>
      tpu.wait_indirect_dma semaphore(%arg16 : memref<!tpu.dma_semaphore, #tpu.memory_space<semaphore_mem>>) src(%dma_wait3A_156 : memref<10240x128xf32, #tpu.memory_space<hbm>>) dst(%arg13 : memref<100x128xf32, #tpu.memory_space<vmem>>)
      %dma_start3A_157 = arith.constant 3 : i32
      %dma_start3A_158 = arith.constant 0 : i32
      %dma_start3A_159 = tpu.memref_slice %arg9[%dma_start3A_157, %dma_start3A_158] : memref<4x100xi32, #tpu.memory_space<vmem>> -> memref<1x100xi32, #tpu.memory_space<vmem>>
      %dma_start3A_160 = tpu.memref_squeeze %dma_start3A_159 : memref<1x100xi32, #tpu.memory_space<vmem>> -> memref<100xi32, #tpu.memory_space<vmem>>
      %dma_start3A_161 = arith.constant 0 : i32
      %dma_start3A_162 = arith.constant 0 : i32
      %dma_start3A_163 = tpu.memref_slice %arg14[%dma_start3A_161, %dma_start3A_162] : memref<10240x128xf32, #tpu.memory_space<vmem_shared>> -> memref<10240x128xf32, #tpu.memory_space<vmem_shared>>
      tpu.enqueue_indirect_dma source(%arg13 : memref<100x128xf32, #tpu.memory_space<vmem>>) target(%dma_start3A_163 : memref<10240x128xf32, #tpu.memory_space<vmem_shared>>) offsets(%dma_start3A_160 : memref<100xi32, #tpu.memory_space<vmem>>) semaphore(%arg18 : memref<!tpu.dma_semaphore, #tpu.memory_space<semaphore_mem>>) {add = true}
      %dma_wait3A_164 = arith.constant 0 : i32
      %dma_wait3A_165 = arith.constant 0 : i32
      %dma_wait3A_166 = tpu.memref_slice %arg9[%dma_wait3A_164, %dma_wait3A_165] : memref<4x100xi32, #tpu.memory_space<vmem>> -> memref<1x100xi32, #tpu.memory_space<vmem>>
      %dma_wait3A_167 = tpu.memref_squeeze %dma_wait3A_166 : memref<1x100xi32, #tpu.memory_space<vmem>> -> memref<100xi32, #tpu.memory_space<vmem>>
      %dma_wait3A_168 = arith.constant 0 : i32
      %dma_wait3A_169 = arith.constant 0 : i32
      %dma_wait3A_170 = tpu.memref_slice %arg14[%dma_wait3A_168, %dma_wait3A_169] : memref<10240x128xf32, #tpu.memory_space<vmem_shared>> -> memref<10240x128xf32, #tpu.memory_space<vmem_shared>>
      tpu.wait_indirect_dma semaphore(%arg17 : memref<!tpu.dma_semaphore, #tpu.memory_space<semaphore_mem>>) src(%arg12 : memref<100x128xf32, #tpu.memory_space<vmem>>) dst(%dma_wait3A_170 : memref<10240x128xf32, #tpu.memory_space<vmem_shared>>)
      %dma_wait3A_171 = arith.constant 0 : i32
      %dma_wait3A_172 = arith.constant 0 : i32
      %dma_wait3A_173 = tpu.memref_slice %arg9[%dma_wait3A_171, %dma_wait3A_172] : memref<4x100xi32, #tpu.memory_space<vmem>> -> memref<1x100xi32, #tpu.memory_space<vmem>>
      %dma_wait3A_174 = tpu.memref_squeeze %dma_wait3A_173 : memref<1x100xi32, #tpu.memory_space<vmem>> -> memref<100xi32, #tpu.memory_space<vmem>>
      %dma_wait3A_175 = arith.constant 0 : i32
      %dma_wait3A_176 = arith.constant 0 : i32
      %dma_wait3A_177 = tpu.memref_slice %arg14[%dma_wait3A_175, %dma_wait3A_176] : memref<10240x128xf32, #tpu.memory_space<vmem_shared>> -> memref<10240x128xf32, #tpu.memory_space<vmem_shared>>
      tpu.wait_indirect_dma semaphore(%arg18 : memref<!tpu.dma_semaphore, #tpu.memory_space<semaphore_mem>>) src(%arg13 : memref<100x128xf32, #tpu.memory_space<vmem>>) dst(%dma_wait3A_177 : memref<10240x128xf32, #tpu.memory_space<vmem_shared>>)
      %barrier3A_178 = arith.constant 0 : index
      tpu.barrier barrier_id(%barrier3A_178)
      "tpu.region"() ({
        %run_scoped3A = tpu.sem_alloc : memref<!tpu.dma_semaphore, #tpu.memory_space<semaphore_mem>>
        %dma_start3A_179 = arith.constant 0 : i32
        %dma_start3A_180 = tpu.memref_slice %arg6[%mul3A_0, %dma_start3A_179] : memref<10240x128xf32, #tpu.memory_space<hbm>> -> memref<640x128xf32, #tpu.memory_space<hbm>>
        %dma_start3A_181 = arith.constant 0 : i32
        %dma_start3A_182 = tpu.memref_slice %arg14[%mul3A_0, %dma_start3A_181] : memref<10240x128xf32, #tpu.memory_space<vmem_shared>> -> memref<640x128xf32, #tpu.memory_space<vmem_shared>>
        tpu.enqueue_dma source(%dma_start3A_182 : memref<640x128xf32, #tpu.memory_space<vmem_shared>>) target(%dma_start3A_180 : memref<640x128xf32, #tpu.memory_space<hbm>>) target_semaphore(%run_scoped3A : memref<!tpu.dma_semaphore, #tpu.memory_space<semaphore_mem>>)
        %dma_wait3A_183 = arith.constant 0 : i32
        %dma_wait3A_184 = tpu.memref_slice %arg6[%mul3A_0, %dma_wait3A_183] : memref<10240x128xf32, #tpu.memory_space<hbm>> -> memref<640x128xf32, #tpu.memory_space<hbm>>
        %dma_wait3A_185 = arith.constant 0 : i32
        %dma_wait3A_186 = tpu.memref_slice %arg14[%mul3A_0, %dma_wait3A_185] : memref<10240x128xf32, #tpu.memory_space<vmem_shared>> -> memref<640x128xf32, #tpu.memory_space<vmem_shared>>
        tpu.wait_dma2 semaphore(%run_scoped3A : memref<!tpu.dma_semaphore, #tpu.memory_space<semaphore_mem>>) src(%dma_wait3A_186 : memref<640x128xf32, #tpu.memory_space<vmem_shared>>) dst(%dma_wait3A_184 : memref<640x128xf32, #tpu.memory_space<hbm>>)
        tpu.yield
      }) : () -> ()
    } else {
    }
    %eq3A_3 = arith.constant 1 : i32
    %eq3A_4 = arith.cmpi eq, %arg0, %eq3A_3 : i32
    %convert_element_type3A_5 = arith.extui %eq3A_4 : i1 to i32
    %cond3A_6 = arith.constant 0 : i32
    %cond3A_7 = arith.cmpi ne, %convert_element_type3A_5, %cond3A_6 : i32
    scf.if %cond3A_7 {
      %dma_start3A = arith.constant 0 : i32
      %dma_start3A_8 = arith.constant 0 : i32
      %dma_start3A_9 = arith.constant 0 : i32
      %dma_start3A_10 = tpu.memref_slice %arg4[%arg1, %dma_start3A, %dma_start3A_8, %dma_start3A_9] : memref<16x25x4x100xi32, #tpu.memory_space<hbm>> -> memref<1x1x4x100xi32, #tpu.memory_space<hbm>>
      %dma_start3A_11 = tpu.memref_squeeze %dma_start3A_10 : memref<1x1x4x100xi32, #tpu.memory_space<hbm>> -> memref<4x100xi32, #tpu.memory_space<hbm>>
      %dma_start3A_12 = arith.constant 0 : i32
      %dma_start3A_13 = arith.constant 0 : i32
      %dma_start3A_14 = tpu.memref_slice %arg4[%arg1, %dma_start3A, %dma_start3A_12, %dma_start3A_13] : memref<16x25x4x100xi32, #tpu.memory_space<hbm>> -> memref<1x1x4x100xi32, #tpu.memory_space<hbm>>
      %dma_start3A_15 = tpu.memref_squeeze %dma_start3A_14 : memref<1x1x4x100xi32, #tpu.memory_space<hbm>> -> memref<4x100xi32, #tpu.memory_space<hbm>>
      tpu.enqueue_dma source(%dma_start3A_15 : memref<4x100xi32, #tpu.memory_space<hbm>>) target(%arg8 : memref<4x100xi32, #tpu.memory_space<vmem>>) target_semaphore(%arg19 : memref<!tpu.dma_semaphore, #tpu.memory_space<semaphore_mem>>)
      %dma_start3A_16 = arith.constant 0 : i32
      %dma_start3A_17 = arith.constant 0 : i32
      %dma_start3A_18 = arith.constant 0 : i32
      %dma_start3A_19 = tpu.memref_slice %arg5[%arg1, %dma_start3A_16, %dma_start3A_17, %dma_start3A_18] : memref<16x25x4x100xi32, #tpu.memory_space<hbm>> -> memref<1x1x4x100xi32, #tpu.memory_space<hbm>>
      %dma_start3A_20 = tpu.memref_squeeze %dma_start3A_19 : memref<1x1x4x100xi32, #tpu.memory_space<hbm>> -> memref<4x100xi32, #tpu.memory_space<hbm>>
      %dma_start3A_21 = arith.constant 0 : i32
      %dma_start3A_22 = arith.constant 0 : i32
      %dma_start3A_23 = tpu.memref_slice %arg5[%arg1, %dma_start3A_16, %dma_start3A_21, %dma_start3A_22] : memref<16x25x4x100xi32, #tpu.memory_space<hbm>> -> memref<1x1x4x100xi32, #tpu.memory_space<hbm>>
      %dma_start3A_24 = tpu.memref_squeeze %dma_start3A_23 : memref<1x1x4x100xi32, #tpu.memory_space<hbm>> -> memref<4x100xi32, #tpu.memory_space<hbm>>
      tpu.enqueue_dma source(%dma_start3A_24 : memref<4x100xi32, #tpu.memory_space<hbm>>) target(%arg9 : memref<4x100xi32, #tpu.memory_space<vmem>>) target_semaphore(%arg19 : memref<!tpu.dma_semaphore, #tpu.memory_space<semaphore_mem>>)
      "tpu.region"() ({
        %run_scoped3A = tpu.sem_alloc : memref<!tpu.dma_semaphore, #tpu.memory_space<semaphore_mem>>
        %dma_start3A_179 = arith.constant 0 : i32
        %dma_start3A_180 = tpu.memref_slice %arg14[%mul3A_0, %dma_start3A_179] : memref<10240x128xf32, #tpu.memory_space<vmem_shared>> -> memref<640x128xf32, #tpu.memory_space<vmem_shared>>
        %dma_start3A_181 = arith.constant 0 : i32
        %dma_start3A_182 = tpu.memref_slice %arg3[%mul3A_0, %dma_start3A_181] : memref<10240x128xf32, #tpu.memory_space<hbm>> -> memref<640x128xf32, #tpu.memory_space<hbm>>
        tpu.enqueue_dma source(%dma_start3A_182 : memref<640x128xf32, #tpu.memory_space<hbm>>) target(%dma_start3A_180 : memref<640x128xf32, #tpu.memory_space<vmem_shared>>) target_semaphore(%run_scoped3A : memref<!tpu.dma_semaphore, #tpu.memory_space<semaphore_mem>>)
        %dma_wait3A_183 = arith.constant 0 : i32
        %dma_wait3A_184 = tpu.memref_slice %arg14[%mul3A_0, %dma_wait3A_183] : memref<10240x128xf32, #tpu.memory_space<vmem_shared>> -> memref<640x128xf32, #tpu.memory_space<vmem_shared>>
        %dma_wait3A_185 = arith.constant 0 : i32
        %dma_wait3A_186 = tpu.memref_slice %arg3[%mul3A_0, %dma_wait3A_185] : memref<10240x128xf32, #tpu.memory_space<hbm>> -> memref<640x128xf32, #tpu.memory_space<hbm>>
        tpu.wait_dma2 semaphore(%run_scoped3A : memref<!tpu.dma_semaphore, #tpu.memory_space<semaphore_mem>>) src(%dma_wait3A_186 : memref<640x128xf32, #tpu.memory_space<hbm>>) dst(%dma_wait3A_184 : memref<640x128xf32, #tpu.memory_space<vmem_shared>>)
        tpu.yield
      }) : () -> ()
      %dma_wait3A = arith.constant 0 : i32
      %dma_wait3A_25 = arith.constant 0 : i32
      %dma_wait3A_26 = arith.constant 0 : i32
      %dma_wait3A_27 = tpu.memref_slice %arg4[%arg1, %dma_wait3A, %dma_wait3A_25, %dma_wait3A_26] : memref<16x25x4x100xi32, #tpu.memory_space<hbm>> -> memref<1x1x4x100xi32, #tpu.memory_space<hbm>>
      %dma_wait3A_28 = tpu.memref_squeeze %dma_wait3A_27 : memref<1x1x4x100xi32, #tpu.memory_space<hbm>> -> memref<4x100xi32, #tpu.memory_space<hbm>>
      %dma_wait3A_29 = arith.constant 0 : i32
      %dma_wait3A_30 = arith.constant 0 : i32
      %dma_wait3A_31 = tpu.memref_slice %arg4[%arg1, %dma_wait3A, %dma_wait3A_29, %dma_wait3A_30] : memref<16x25x4x100xi32, #tpu.memory_space<hbm>> -> memref<1x1x4x100xi32, #tpu.memory_space<hbm>>
      %dma_wait3A_32 = tpu.memref_squeeze %dma_wait3A_31 : memref<1x1x4x100xi32, #tpu.memory_space<hbm>> -> memref<4x100xi32, #tpu.memory_space<hbm>>
      tpu.wait_dma2 semaphore(%arg19 : memref<!tpu.dma_semaphore, #tpu.memory_space<semaphore_mem>>) src(%dma_wait3A_32 : memref<4x100xi32, #tpu.memory_space<hbm>>) dst(%arg8 : memref<4x100xi32, #tpu.memory_space<vmem>>)
      %dma_wait3A_33 = arith.constant 0 : i32
      %dma_wait3A_34 = arith.constant 0 : i32
      %dma_wait3A_35 = arith.constant 0 : i32
      %dma_wait3A_36 = tpu.memref_slice %arg5[%arg1, %dma_wait3A_33, %dma_wait3A_34, %dma_wait3A_35] : memref<16x25x4x100xi32, #tpu.memory_space<hbm>> -> memref<1x1x4x100xi32, #tpu.memory_space<hbm>>
      %dma_wait3A_37 = tpu.memref_squeeze %dma_wait3A_36 : memref<1x1x4x100xi32, #tpu.memory_space<hbm>> -> memref<4x100xi32, #tpu.memory_space<hbm>>
      %dma_wait3A_38 = arith.constant 0 : i32
      %dma_wait3A_39 = arith.constant 0 : i32
      %dma_wait3A_40 = tpu.memref_slice %arg5[%arg1, %dma_wait3A_33, %dma_wait3A_38, %dma_wait3A_39] : memref<16x25x4x100xi32, #tpu.memory_space<hbm>> -> memref<1x1x4x100xi32, #tpu.memory_space<hbm>>
      %dma_wait3A_41 = tpu.memref_squeeze %dma_wait3A_40 : memref<1x1x4x100xi32, #tpu.memory_space<hbm>> -> memref<4x100xi32, #tpu.memory_space<hbm>>
      tpu.wait_dma2 semaphore(%arg19 : memref<!tpu.dma_semaphore, #tpu.memory_space<semaphore_mem>>) src(%dma_wait3A_41 : memref<4x100xi32, #tpu.memory_space<hbm>>) dst(%arg9 : memref<4x100xi32, #tpu.memory_space<vmem>>)
      %dma_start3A_42 = arith.constant 0 : i32
      %dma_start3A_43 = arith.constant 0 : i32
      %dma_start3A_44 = tpu.memref_slice %arg8[%dma_start3A_42, %dma_start3A_43] : memref<4x100xi32, #tpu.memory_space<vmem>> -> memref<1x100xi32, #tpu.memory_space<vmem>>
      %dma_start3A_45 = tpu.memref_squeeze %dma_start3A_44 : memref<1x100xi32, #tpu.memory_space<vmem>> -> memref<100xi32, #tpu.memory_space<vmem>>
      %dma_start3A_46 = arith.constant 0 : i32
      %dma_start3A_47 = arith.constant 0 : i32
      %dma_start3A_48 = tpu.memref_slice %arg3[%dma_start3A_46, %dma_start3A_47] : memref<10240x128xf32, #tpu.memory_space<hbm>> -> memref<10240x128xf32, #tpu.memory_space<hbm>>
      tpu.enqueue_indirect_dma source(%dma_start3A_48 : memref<10240x128xf32, #tpu.memory_space<hbm>>) target(%arg12 : memref<100x128xf32, #tpu.memory_space<vmem>>) offsets(%dma_start3A_45 : memref<100xi32, #tpu.memory_space<vmem>>) semaphore(%arg15 : memref<!tpu.dma_semaphore, #tpu.memory_space<semaphore_mem>>)
      %dma_start3A_49 = arith.constant 1 : i32
      %dma_start3A_50 = arith.constant 0 : i32
      %dma_start3A_51 = tpu.memref_slice %arg8[%dma_start3A_49, %dma_start3A_50] : memref<4x100xi32, #tpu.memory_space<vmem>> -> memref<1x100xi32, #tpu.memory_space<vmem>>
      %dma_start3A_52 = tpu.memref_squeeze %dma_start3A_51 : memref<1x100xi32, #tpu.memory_space<vmem>> -> memref<100xi32, #tpu.memory_space<vmem>>
      %dma_start3A_53 = arith.constant 0 : i32
      %dma_start3A_54 = arith.constant 0 : i32
      %dma_start3A_55 = tpu.memref_slice %arg3[%dma_start3A_53, %dma_start3A_54] : memref<10240x128xf32, #tpu.memory_space<hbm>> -> memref<10240x128xf32, #tpu.memory_space<hbm>>
      tpu.enqueue_indirect_dma source(%dma_start3A_55 : memref<10240x128xf32, #tpu.memory_space<hbm>>) target(%arg13 : memref<100x128xf32, #tpu.memory_space<vmem>>) offsets(%dma_start3A_52 : memref<100xi32, #tpu.memory_space<vmem>>) semaphore(%arg16 : memref<!tpu.dma_semaphore, #tpu.memory_space<semaphore_mem>>)
      %dma_start3A_56 = arith.constant 1 : i32
      %dma_start3A_57 = arith.constant 0 : i32
      %dma_start3A_58 = arith.constant 0 : i32
      %dma_start3A_59 = tpu.memref_slice %arg4[%arg1, %dma_start3A_56, %dma_start3A_57, %dma_start3A_58] : memref<16x25x4x100xi32, #tpu.memory_space<hbm>> -> memref<1x1x4x100xi32, #tpu.memory_space<hbm>>
      %dma_start3A_60 = tpu.memref_squeeze %dma_start3A_59 : memref<1x1x4x100xi32, #tpu.memory_space<hbm>> -> memref<4x100xi32, #tpu.memory_space<hbm>>
      %dma_start3A_61 = arith.constant 0 : i32
      %dma_start3A_62 = arith.constant 0 : i32
      %dma_start3A_63 = tpu.memref_slice %arg4[%arg1, %dma_start3A_56, %dma_start3A_61, %dma_start3A_62] : memref<16x25x4x100xi32, #tpu.memory_space<hbm>> -> memref<1x1x4x100xi32, #tpu.memory_space<hbm>>
      %dma_start3A_64 = tpu.memref_squeeze %dma_start3A_63 : memref<1x1x4x100xi32, #tpu.memory_space<hbm>> -> memref<4x100xi32, #tpu.memory_space<hbm>>
      tpu.enqueue_dma source(%dma_start3A_64 : memref<4x100xi32, #tpu.memory_space<hbm>>) target(%arg10 : memref<4x100xi32, #tpu.memory_space<vmem>>) target_semaphore(%arg19 : memref<!tpu.dma_semaphore, #tpu.memory_space<semaphore_mem>>)
      %dma_start3A_65 = arith.constant 1 : i32
      %dma_start3A_66 = arith.constant 0 : i32
      %dma_start3A_67 = arith.constant 0 : i32
      %dma_start3A_68 = tpu.memref_slice %arg5[%arg1, %dma_start3A_65, %dma_start3A_66, %dma_start3A_67] : memref<16x25x4x100xi32, #tpu.memory_space<hbm>> -> memref<1x1x4x100xi32, #tpu.memory_space<hbm>>
      %dma_start3A_69 = tpu.memref_squeeze %dma_start3A_68 : memref<1x1x4x100xi32, #tpu.memory_space<hbm>> -> memref<4x100xi32, #tpu.memory_space<hbm>>
      %dma_start3A_70 = arith.constant 0 : i32
      %dma_start3A_71 = arith.constant 0 : i32
      %dma_start3A_72 = tpu.memref_slice %arg5[%arg1, %dma_start3A_65, %dma_start3A_70, %dma_start3A_71] : memref<16x25x4x100xi32, #tpu.memory_space<hbm>> -> memref<1x1x4x100xi32, #tpu.memory_space<hbm>>
      %dma_start3A_73 = tpu.memref_squeeze %dma_start3A_72 : memref<1x1x4x100xi32, #tpu.memory_space<hbm>> -> memref<4x100xi32, #tpu.memory_space<hbm>>
      tpu.enqueue_dma source(%dma_start3A_73 : memref<4x100xi32, #tpu.memory_space<hbm>>) target(%arg11 : memref<4x100xi32, #tpu.memory_space<vmem>>) target_semaphore(%arg19 : memref<!tpu.dma_semaphore, #tpu.memory_space<semaphore_mem>>)
      %barrier3A = arith.constant 0 : index
      tpu.barrier barrier_id(%barrier3A)
      %scan3A = arith.constant 0 : i32
      %scan3A_74 = arith.constant 0 : i32
      %scan3A_75 = arith.constant 12 : i32
      %scan3A_76 = arith.addi %scan3A_74, %scan3A_75 : i32
      %scan3A_77 = arith.constant 1 : i32
      %scan3A_78 = scf.for %scan3A_179 = %scan3A_74 to %scan3A_76 step %scan3A_77 iter_args(%scan3A_180 = %scan3A) -> (i32)  : i32 {
        %mul3A_181 = arith.constant 2 : i32
        %mul3A_182 = arith.muli %mul3A_181, %scan3A_179 : i32
        %dma_wait3A_183 = arith.constant 0 : i32
        %dma_wait3A_184 = arith.constant 0 : i32
        %dma_wait3A_185 = tpu.memref_slice %arg8[%dma_wait3A_183, %dma_wait3A_184] : memref<4x100xi32, #tpu.memory_space<vmem>> -> memref<1x100xi32, #tpu.memory_space<vmem>>
        %dma_wait3A_186 = tpu.memref_squeeze %dma_wait3A_185 : memref<1x100xi32, #tpu.memory_space<vmem>> -> memref<100xi32, #tpu.memory_space<vmem>>
        %dma_wait3A_187 = arith.constant 0 : i32
        %dma_wait3A_188 = arith.constant 0 : i32
        %dma_wait3A_189 = tpu.memref_slice %arg3[%dma_wait3A_187, %dma_wait3A_188] : memref<10240x128xf32, #tpu.memory_space<hbm>> -> memref<10240x128xf32, #tpu.memory_space<hbm>>
        tpu.wait_indirect_dma semaphore(%arg15 : memref<!tpu.dma_semaphore, #tpu.memory_space<semaphore_mem>>) src(%dma_wait3A_189 : memref<10240x128xf32, #tpu.memory_space<hbm>>) dst(%arg12 : memref<100x128xf32, #tpu.memory_space<vmem>>)
        %dma_start3A_190 = arith.constant 0 : i32
        %dma_start3A_191 = arith.constant 0 : i32
        %dma_start3A_192 = tpu.memref_slice %arg9[%dma_start3A_190, %dma_start3A_191] : memref<4x100xi32, #tpu.memory_space<vmem>> -> memref<1x100xi32, #tpu.memory_space<vmem>>
        %dma_start3A_193 = tpu.memref_squeeze %dma_start3A_192 : memref<1x100xi32, #tpu.memory_space<vmem>> -> memref<100xi32, #tpu.memory_space<vmem>>
        %dma_start3A_194 = arith.constant 0 : i32
        %dma_start3A_195 = arith.constant 0 : i32
        %dma_start3A_196 = tpu.memref_slice %arg14[%dma_start3A_194, %dma_start3A_195] : memref<10240x128xf32, #tpu.memory_space<vmem_shared>> -> memref<10240x128xf32, #tpu.memory_space<vmem_shared>>
        tpu.enqueue_indirect_dma source(%arg12 : memref<100x128xf32, #tpu.memory_space<vmem>>) target(%dma_start3A_196 : memref<10240x128xf32, #tpu.memory_space<vmem_shared>>) offsets(%dma_start3A_193 : memref<100xi32, #tpu.memory_space<vmem>>) semaphore(%arg17 : memref<!tpu.dma_semaphore, #tpu.memory_space<semaphore_mem>>) {add = true}
        %dma_wait3A_197 = arith.constant 0 : i32
        %dma_wait3A_198 = arith.constant 0 : i32
        %dma_wait3A_199 = tpu.memref_slice %arg8[%dma_wait3A_197, %dma_wait3A_198] : memref<4x100xi32, #tpu.memory_space<vmem>> -> memref<1x100xi32, #tpu.memory_space<vmem>>
        %dma_wait3A_200 = tpu.memref_squeeze %dma_wait3A_199 : memref<1x100xi32, #tpu.memory_space<vmem>> -> memref<100xi32, #tpu.memory_space<vmem>>
        %dma_wait3A_201 = arith.constant 0 : i32
        %dma_wait3A_202 = arith.constant 0 : i32
        %dma_wait3A_203 = tpu.memref_slice %arg3[%dma_wait3A_201, %dma_wait3A_202] : memref<10240x128xf32, #tpu.memory_space<hbm>> -> memref<10240x128xf32, #tpu.memory_space<hbm>>
        tpu.wait_indirect_dma semaphore(%arg16 : memref<!tpu.dma_semaphore, #tpu.memory_space<semaphore_mem>>) src(%dma_wait3A_203 : memref<10240x128xf32, #tpu.memory_space<hbm>>) dst(%arg13 : memref<100x128xf32, #tpu.memory_space<vmem>>)
        %dma_start3A_204 = arith.constant 1 : i32
        %dma_start3A_205 = arith.constant 0 : i32
        %dma_start3A_206 = tpu.memref_slice %arg9[%dma_start3A_204, %dma_start3A_205] : memref<4x100xi32, #tpu.memory_space<vmem>> -> memref<1x100xi32, #tpu.memory_space<vmem>>
        %dma_start3A_207 = tpu.memref_squeeze %dma_start3A_206 : memref<1x100xi32, #tpu.memory_space<vmem>> -> memref<100xi32, #tpu.memory_space<vmem>>
        %dma_start3A_208 = arith.constant 0 : i32
        %dma_start3A_209 = arith.constant 0 : i32
        %dma_start3A_210 = tpu.memref_slice %arg14[%dma_start3A_208, %dma_start3A_209] : memref<10240x128xf32, #tpu.memory_space<vmem_shared>> -> memref<10240x128xf32, #tpu.memory_space<vmem_shared>>
        tpu.enqueue_indirect_dma source(%arg13 : memref<100x128xf32, #tpu.memory_space<vmem>>) target(%dma_start3A_210 : memref<10240x128xf32, #tpu.memory_space<vmem_shared>>) offsets(%dma_start3A_207 : memref<100xi32, #tpu.memory_space<vmem>>) semaphore(%arg18 : memref<!tpu.dma_semaphore, #tpu.memory_space<semaphore_mem>>) {add = true}
        %dma_wait3A_211 = arith.constant 0 : i32
        %dma_wait3A_212 = arith.constant 0 : i32
        %dma_wait3A_213 = tpu.memref_slice %arg9[%dma_wait3A_211, %dma_wait3A_212] : memref<4x100xi32, #tpu.memory_space<vmem>> -> memref<1x100xi32, #tpu.memory_space<vmem>>
        %dma_wait3A_214 = tpu.memref_squeeze %dma_wait3A_213 : memref<1x100xi32, #tpu.memory_space<vmem>> -> memref<100xi32, #tpu.memory_space<vmem>>
        %dma_wait3A_215 = arith.constant 0 : i32
        %dma_wait3A_216 = arith.constant 0 : i32
        %dma_wait3A_217 = tpu.memref_slice %arg14[%dma_wait3A_215, %dma_wait3A_216] : memref<10240x128xf32, #tpu.memory_space<vmem_shared>> -> memref<10240x128xf32, #tpu.memory_space<vmem_shared>>
        tpu.wait_indirect_dma semaphore(%arg17 : memref<!tpu.dma_semaphore, #tpu.memory_space<semaphore_mem>>) src(%arg12 : memref<100x128xf32, #tpu.memory_space<vmem>>) dst(%dma_wait3A_217 : memref<10240x128xf32, #tpu.memory_space<vmem_shared>>)
        %dma_start3A_218 = arith.constant 2 : i32
        %dma_start3A_219 = arith.constant 0 : i32
        %dma_start3A_220 = tpu.memref_slice %arg8[%dma_start3A_218, %dma_start3A_219] : memref<4x100xi32, #tpu.memory_space<vmem>> -> memref<1x100xi32, #tpu.memory_space<vmem>>
        %dma_start3A_221 = tpu.memref_squeeze %dma_start3A_220 : memref<1x100xi32, #tpu.memory_space<vmem>> -> memref<100xi32, #tpu.memory_space<vmem>>
        %dma_start3A_222 = arith.constant 0 : i32
        %dma_start3A_223 = arith.constant 0 : i32
        %dma_start3A_224 = tpu.memref_slice %arg3[%dma_start3A_222, %dma_start3A_223] : memref<10240x128xf32, #tpu.memory_space<hbm>> -> memref<10240x128xf32, #tpu.memory_space<hbm>>
        tpu.enqueue_indirect_dma source(%dma_start3A_224 : memref<10240x128xf32, #tpu.memory_space<hbm>>) target(%arg12 : memref<100x128xf32, #tpu.memory_space<vmem>>) offsets(%dma_start3A_221 : memref<100xi32, #tpu.memory_space<vmem>>) semaphore(%arg15 : memref<!tpu.dma_semaphore, #tpu.memory_space<semaphore_mem>>)
        %dma_wait3A_225 = arith.constant 0 : i32
        %dma_wait3A_226 = arith.constant 0 : i32
        %dma_wait3A_227 = tpu.memref_slice %arg9[%dma_wait3A_225, %dma_wait3A_226] : memref<4x100xi32, #tpu.memory_space<vmem>> -> memref<1x100xi32, #tpu.memory_space<vmem>>
        %dma_wait3A_228 = tpu.memref_squeeze %dma_wait3A_227 : memref<1x100xi32, #tpu.memory_space<vmem>> -> memref<100xi32, #tpu.memory_space<vmem>>
        %dma_wait3A_229 = arith.constant 0 : i32
        %dma_wait3A_230 = arith.constant 0 : i32
        %dma_wait3A_231 = tpu.memref_slice %arg14[%dma_wait3A_229, %dma_wait3A_230] : memref<10240x128xf32, #tpu.memory_space<vmem_shared>> -> memref<10240x128xf32, #tpu.memory_space<vmem_shared>>
        tpu.wait_indirect_dma semaphore(%arg18 : memref<!tpu.dma_semaphore, #tpu.memory_space<semaphore_mem>>) src(%arg13 : memref<100x128xf32, #tpu.memory_space<vmem>>) dst(%dma_wait3A_231 : memref<10240x128xf32, #tpu.memory_space<vmem_shared>>)
        %dma_start3A_232 = arith.constant 3 : i32
        %dma_start3A_233 = arith.constant 0 : i32
        %dma_start3A_234 = tpu.memref_slice %arg8[%dma_start3A_232, %dma_start3A_233] : memref<4x100xi32, #tpu.memory_space<vmem>> -> memref<1x100xi32, #tpu.memory_space<vmem>>
        %dma_start3A_235 = tpu.memref_squeeze %dma_start3A_234 : memref<1x100xi32, #tpu.memory_space<vmem>> -> memref<100xi32, #tpu.memory_space<vmem>>
        %dma_start3A_236 = arith.constant 0 : i32
        %dma_start3A_237 = arith.constant 0 : i32
        %dma_start3A_238 = tpu.memref_slice %arg3[%dma_start3A_236, %dma_start3A_237] : memref<10240x128xf32, #tpu.memory_space<hbm>> -> memref<10240x128xf32, #tpu.memory_space<hbm>>
        tpu.enqueue_indirect_dma source(%dma_start3A_238 : memref<10240x128xf32, #tpu.memory_space<hbm>>) target(%arg13 : memref<100x128xf32, #tpu.memory_space<vmem>>) offsets(%dma_start3A_235 : memref<100xi32, #tpu.memory_space<vmem>>) semaphore(%arg16 : memref<!tpu.dma_semaphore, #tpu.memory_space<semaphore_mem>>)
        %dma_wait3A_239 = arith.constant 0 : i32
        %dma_wait3A_240 = arith.constant 0 : i32
        %dma_wait3A_241 = tpu.memref_slice %arg8[%dma_wait3A_239, %dma_wait3A_240] : memref<4x100xi32, #tpu.memory_space<vmem>> -> memref<1x100xi32, #tpu.memory_space<vmem>>
        %dma_wait3A_242 = tpu.memref_squeeze %dma_wait3A_241 : memref<1x100xi32, #tpu.memory_space<vmem>> -> memref<100xi32, #tpu.memory_space<vmem>>
        %dma_wait3A_243 = arith.constant 0 : i32
        %dma_wait3A_244 = arith.constant 0 : i32
        %dma_wait3A_245 = tpu.memref_slice %arg3[%dma_wait3A_243, %dma_wait3A_244] : memref<10240x128xf32, #tpu.memory_space<hbm>> -> memref<10240x128xf32, #tpu.memory_space<hbm>>
        tpu.wait_indirect_dma semaphore(%arg15 : memref<!tpu.dma_semaphore, #tpu.memory_space<semaphore_mem>>) src(%dma_wait3A_245 : memref<10240x128xf32, #tpu.memory_space<hbm>>) dst(%arg12 : memref<100x128xf32, #tpu.memory_space<vmem>>)
        %dma_start3A_246 = arith.constant 2 : i32
        %dma_start3A_247 = arith.constant 0 : i32
        %dma_start3A_248 = tpu.memref_slice %arg9[%dma_start3A_246, %dma_start3A_247] : memref<4x100xi32, #tpu.memory_space<vmem>> -> memref<1x100xi32, #tpu.memory_space<vmem>>
        %dma_start3A_249 = tpu.memref_squeeze %dma_start3A_248 : memref<1x100xi32, #tpu.memory_space<vmem>> -> memref<100xi32, #tpu.memory_space<vmem>>
        %dma_start3A_250 = arith.constant 0 : i32
        %dma_start3A_251 = arith.constant 0 : i32
        %dma_start3A_252 = tpu.memref_slice %arg14[%dma_start3A_250, %dma_start3A_251] : memref<10240x128xf32, #tpu.memory_space<vmem_shared>> -> memref<10240x128xf32, #tpu.memory_space<vmem_shared>>
        tpu.enqueue_indirect_dma source(%arg12 : memref<100x128xf32, #tpu.memory_space<vmem>>) target(%dma_start3A_252 : memref<10240x128xf32, #tpu.memory_space<vmem_shared>>) offsets(%dma_start3A_249 : memref<100xi32, #tpu.memory_space<vmem>>) semaphore(%arg17 : memref<!tpu.dma_semaphore, #tpu.memory_space<semaphore_mem>>) {add = true}
        %dma_wait3A_253 = arith.constant 0 : i32
        %dma_wait3A_254 = arith.constant 0 : i32
        %dma_wait3A_255 = tpu.memref_slice %arg8[%dma_wait3A_253, %dma_wait3A_254] : memref<4x100xi32, #tpu.memory_space<vmem>> -> memref<1x100xi32, #tpu.memory_space<vmem>>
        %dma_wait3A_256 = tpu.memref_squeeze %dma_wait3A_255 : memref<1x100xi32, #tpu.memory_space<vmem>> -> memref<100xi32, #tpu.memory_space<vmem>>
        %dma_wait3A_257 = arith.constant 0 : i32
        %dma_wait3A_258 = arith.constant 0 : i32
        %dma_wait3A_259 = tpu.memref_slice %arg3[%dma_wait3A_257, %dma_wait3A_258] : memref<10240x128xf32, #tpu.memory_space<hbm>> -> memref<10240x128xf32, #tpu.memory_space<hbm>>
        tpu.wait_indirect_dma semaphore(%arg16 : memref<!tpu.dma_semaphore, #tpu.memory_space<semaphore_mem>>) src(%dma_wait3A_259 : memref<10240x128xf32, #tpu.memory_space<hbm>>) dst(%arg13 : memref<100x128xf32, #tpu.memory_space<vmem>>)
        %dma_start3A_260 = arith.constant 3 : i32
        %dma_start3A_261 = arith.constant 0 : i32
        %dma_start3A_262 = tpu.memref_slice %arg9[%dma_start3A_260, %dma_start3A_261] : memref<4x100xi32, #tpu.memory_space<vmem>> -> memref<1x100xi32, #tpu.memory_space<vmem>>
        %dma_start3A_263 = tpu.memref_squeeze %dma_start3A_262 : memref<1x100xi32, #tpu.memory_space<vmem>> -> memref<100xi32, #tpu.memory_space<vmem>>
        %dma_start3A_264 = arith.constant 0 : i32
        %dma_start3A_265 = arith.constant 0 : i32
        %dma_start3A_266 = tpu.memref_slice %arg14[%dma_start3A_264, %dma_start3A_265] : memref<10240x128xf32, #tpu.memory_space<vmem_shared>> -> memref<10240x128xf32, #tpu.memory_space<vmem_shared>>
        tpu.enqueue_indirect_dma source(%arg13 : memref<100x128xf32, #tpu.memory_space<vmem>>) target(%dma_start3A_266 : memref<10240x128xf32, #tpu.memory_space<vmem_shared>>) offsets(%dma_start3A_263 : memref<100xi32, #tpu.memory_space<vmem>>) semaphore(%arg18 : memref<!tpu.dma_semaphore, #tpu.memory_space<semaphore_mem>>) {add = true}
        %dma_wait3A_267 = arith.constant 0 : i32
        %dma_wait3A_268 = arith.constant 0 : i32
        %dma_wait3A_269 = arith.constant 0 : i32
        %dma_wait3A_270 = tpu.memref_slice %arg4[%arg1, %dma_wait3A_267, %dma_wait3A_268, %dma_wait3A_269] : memref<16x25x4x100xi32, #tpu.memory_space<hbm>> -> memref<1x1x4x100xi32, #tpu.memory_space<hbm>>
        %dma_wait3A_271 = tpu.memref_squeeze %dma_wait3A_270 : memref<1x1x4x100xi32, #tpu.memory_space<hbm>> -> memref<4x100xi32, #tpu.memory_space<hbm>>
        %dma_wait3A_272 = arith.constant 0 : i32
        %dma_wait3A_273 = arith.constant 0 : i32
        %dma_wait3A_274 = tpu.memref_slice %arg4[%arg1, %dma_wait3A_267, %dma_wait3A_272, %dma_wait3A_273] : memref<16x25x4x100xi32, #tpu.memory_space<hbm>> -> memref<1x1x4x100xi32, #tpu.memory_space<hbm>>
        %dma_wait3A_275 = tpu.memref_squeeze %dma_wait3A_274 : memref<1x1x4x100xi32, #tpu.memory_space<hbm>> -> memref<4x100xi32, #tpu.memory_space<hbm>>
        tpu.wait_dma2 semaphore(%arg19 : memref<!tpu.dma_semaphore, #tpu.memory_space<semaphore_mem>>) src(%dma_wait3A_275 : memref<4x100xi32, #tpu.memory_space<hbm>>) dst(%arg10 : memref<4x100xi32, #tpu.memory_space<vmem>>)
        %dma_wait3A_276 = arith.constant 0 : i32
        %dma_wait3A_277 = arith.constant 0 : i32
        %dma_wait3A_278 = arith.constant 0 : i32
        %dma_wait3A_279 = tpu.memref_slice %arg5[%arg1, %dma_wait3A_276, %dma_wait3A_277, %dma_wait3A_278] : memref<16x25x4x100xi32, #tpu.memory_space<hbm>> -> memref<1x1x4x100xi32, #tpu.memory_space<hbm>>
        %dma_wait3A_280 = tpu.memref_squeeze %dma_wait3A_279 : memref<1x1x4x100xi32, #tpu.memory_space<hbm>> -> memref<4x100xi32, #tpu.memory_space<hbm>>
        %dma_wait3A_281 = arith.constant 0 : i32
        %dma_wait3A_282 = arith.constant 0 : i32
        %dma_wait3A_283 = tpu.memref_slice %arg5[%arg1, %dma_wait3A_276, %dma_wait3A_281, %dma_wait3A_282] : memref<16x25x4x100xi32, #tpu.memory_space<hbm>> -> memref<1x1x4x100xi32, #tpu.memory_space<hbm>>
        %dma_wait3A_284 = tpu.memref_squeeze %dma_wait3A_283 : memref<1x1x4x100xi32, #tpu.memory_space<hbm>> -> memref<4x100xi32, #tpu.memory_space<hbm>>
        tpu.wait_dma2 semaphore(%arg19 : memref<!tpu.dma_semaphore, #tpu.memory_space<semaphore_mem>>) src(%dma_wait3A_284 : memref<4x100xi32, #tpu.memory_space<hbm>>) dst(%arg11 : memref<4x100xi32, #tpu.memory_space<vmem>>)
        %dma_wait3A_285 = arith.constant 0 : i32
        %dma_wait3A_286 = arith.constant 0 : i32
        %dma_wait3A_287 = tpu.memref_slice %arg9[%dma_wait3A_285, %dma_wait3A_286] : memref<4x100xi32, #tpu.memory_space<vmem>> -> memref<1x100xi32, #tpu.memory_space<vmem>>
        %dma_wait3A_288 = tpu.memref_squeeze %dma_wait3A_287 : memref<1x100xi32, #tpu.memory_space<vmem>> -> memref<100xi32, #tpu.memory_space<vmem>>
        %dma_wait3A_289 = arith.constant 0 : i32
        %dma_wait3A_290 = arith.constant 0 : i32
        %dma_wait3A_291 = tpu.memref_slice %arg14[%dma_wait3A_289, %dma_wait3A_290] : memref<10240x128xf32, #tpu.memory_space<vmem_shared>> -> memref<10240x128xf32, #tpu.memory_space<vmem_shared>>
        tpu.wait_indirect_dma semaphore(%arg17 : memref<!tpu.dma_semaphore, #tpu.memory_space<semaphore_mem>>) src(%arg12 : memref<100x128xf32, #tpu.memory_space<vmem>>) dst(%dma_wait3A_291 : memref<10240x128xf32, #tpu.memory_space<vmem_shared>>)
        %dma_start3A_292 = arith.constant 0 : i32
        %dma_start3A_293 = arith.constant 0 : i32
        %dma_start3A_294 = tpu.memref_slice %arg10[%dma_start3A_292, %dma_start3A_293] : memref<4x100xi32, #tpu.memory_space<vmem>> -> memref<1x100xi32, #tpu.memory_space<vmem>>
        %dma_start3A_295 = tpu.memref_squeeze %dma_start3A_294 : memref<1x100xi32, #tpu.memory_space<vmem>> -> memref<100xi32, #tpu.memory_space<vmem>>
        %dma_start3A_296 = arith.constant 0 : i32
        %dma_start3A_297 = arith.constant 0 : i32
        %dma_start3A_298 = tpu.memref_slice %arg3[%dma_start3A_296, %dma_start3A_297] : memref<10240x128xf32, #tpu.memory_space<hbm>> -> memref<10240x128xf32, #tpu.memory_space<hbm>>
        tpu.enqueue_indirect_dma source(%dma_start3A_298 : memref<10240x128xf32, #tpu.memory_space<hbm>>) target(%arg12 : memref<100x128xf32, #tpu.memory_space<vmem>>) offsets(%dma_start3A_295 : memref<100xi32, #tpu.memory_space<vmem>>) semaphore(%arg15 : memref<!tpu.dma_semaphore, #tpu.memory_space<semaphore_mem>>)
        %dma_wait3A_299 = arith.constant 0 : i32
        %dma_wait3A_300 = arith.constant 0 : i32
        %dma_wait3A_301 = tpu.memref_slice %arg9[%dma_wait3A_299, %dma_wait3A_300] : memref<4x100xi32, #tpu.memory_space<vmem>> -> memref<1x100xi32, #tpu.memory_space<vmem>>
        %dma_wait3A_302 = tpu.memref_squeeze %dma_wait3A_301 : memref<1x100xi32, #tpu.memory_space<vmem>> -> memref<100xi32, #tpu.memory_space<vmem>>
        %dma_wait3A_303 = arith.constant 0 : i32
        %dma_wait3A_304 = arith.constant 0 : i32
        %dma_wait3A_305 = tpu.memref_slice %arg14[%dma_wait3A_303, %dma_wait3A_304] : memref<10240x128xf32, #tpu.memory_space<vmem_shared>> -> memref<10240x128xf32, #tpu.memory_space<vmem_shared>>
        tpu.wait_indirect_dma semaphore(%arg18 : memref<!tpu.dma_semaphore, #tpu.memory_space<semaphore_mem>>) src(%arg13 : memref<100x128xf32, #tpu.memory_space<vmem>>) dst(%dma_wait3A_305 : memref<10240x128xf32, #tpu.memory_space<vmem_shared>>)
        %dma_start3A_306 = arith.constant 1 : i32
        %dma_start3A_307 = arith.constant 0 : i32
        %dma_start3A_308 = tpu.memref_slice %arg10[%dma_start3A_306, %dma_start3A_307] : memref<4x100xi32, #tpu.memory_space<vmem>> -> memref<1x100xi32, #tpu.memory_space<vmem>>
        %dma_start3A_309 = tpu.memref_squeeze %dma_start3A_308 : memref<1x100xi32, #tpu.memory_space<vmem>> -> memref<100xi32, #tpu.memory_space<vmem>>
        %dma_start3A_310 = arith.constant 0 : i32
        %dma_start3A_311 = arith.constant 0 : i32
        %dma_start3A_312 = tpu.memref_slice %arg3[%dma_start3A_310, %dma_start3A_311] : memref<10240x128xf32, #tpu.memory_space<hbm>> -> memref<10240x128xf32, #tpu.memory_space<hbm>>
        tpu.enqueue_indirect_dma source(%dma_start3A_312 : memref<10240x128xf32, #tpu.memory_space<hbm>>) target(%arg13 : memref<100x128xf32, #tpu.memory_space<vmem>>) offsets(%dma_start3A_309 : memref<100xi32, #tpu.memory_space<vmem>>) semaphore(%arg16 : memref<!tpu.dma_semaphore, #tpu.memory_space<semaphore_mem>>)
        %add3A = arith.constant 2 : i32
        %add3A_313 = arith.addi %mul3A_182, %add3A : i32
        %dma_start3A_314 = arith.constant 0 : i32
        %dma_start3A_315 = arith.constant 0 : i32
        %dma_start3A_316 = tpu.memref_slice %arg4[%arg1, %add3A_313, %dma_start3A_314, %dma_start3A_315] : memref<16x25x4x100xi32, #tpu.memory_space<hbm>> -> memref<1x1x4x100xi32, #tpu.memory_space<hbm>>
        %dma_start3A_317 = tpu.memref_squeeze %dma_start3A_316 : memref<1x1x4x100xi32, #tpu.memory_space<hbm>> -> memref<4x100xi32, #tpu.memory_space<hbm>>
        %dma_start3A_318 = arith.constant 0 : i32
        %dma_start3A_319 = arith.constant 0 : i32
        %dma_start3A_320 = tpu.memref_slice %arg4[%arg1, %add3A_313, %dma_start3A_318, %dma_start3A_319] : memref<16x25x4x100xi32, #tpu.memory_space<hbm>> -> memref<1x1x4x100xi32, #tpu.memory_space<hbm>>
        %dma_start3A_321 = tpu.memref_squeeze %dma_start3A_320 : memref<1x1x4x100xi32, #tpu.memory_space<hbm>> -> memref<4x100xi32, #tpu.memory_space<hbm>>
        tpu.enqueue_dma source(%dma_start3A_321 : memref<4x100xi32, #tpu.memory_space<hbm>>) target(%arg8 : memref<4x100xi32, #tpu.memory_space<vmem>>) target_semaphore(%arg19 : memref<!tpu.dma_semaphore, #tpu.memory_space<semaphore_mem>>)
        %dma_start3A_322 = arith.constant 0 : i32
        %dma_start3A_323 = arith.constant 0 : i32
        %dma_start3A_324 = tpu.memref_slice %arg5[%arg1, %add3A_313, %dma_start3A_322, %dma_start3A_323] : memref<16x25x4x100xi32, #tpu.memory_space<hbm>> -> memref<1x1x4x100xi32, #tpu.memory_space<hbm>>
        %dma_start3A_325 = tpu.memref_squeeze %dma_start3A_324 : memref<1x1x4x100xi32, #tpu.memory_space<hbm>> -> memref<4x100xi32, #tpu.memory_space<hbm>>
        %dma_start3A_326 = arith.constant 0 : i32
        %dma_start3A_327 = arith.constant 0 : i32
        %dma_start3A_328 = tpu.memref_slice %arg5[%arg1, %add3A_313, %dma_start3A_326, %dma_start3A_327] : memref<16x25x4x100xi32, #tpu.memory_space<hbm>> -> memref<1x1x4x100xi32, #tpu.memory_space<hbm>>
        %dma_start3A_329 = tpu.memref_squeeze %dma_start3A_328 : memref<1x1x4x100xi32, #tpu.memory_space<hbm>> -> memref<4x100xi32, #tpu.memory_space<hbm>>
        tpu.enqueue_dma source(%dma_start3A_329 : memref<4x100xi32, #tpu.memory_space<hbm>>) target(%arg9 : memref<4x100xi32, #tpu.memory_space<vmem>>) target_semaphore(%arg19 : memref<!tpu.dma_semaphore, #tpu.memory_space<semaphore_mem>>)
        %dma_wait3A_330 = arith.constant 0 : i32
        %dma_wait3A_331 = arith.constant 0 : i32
        %dma_wait3A_332 = tpu.memref_slice %arg8[%dma_wait3A_330, %dma_wait3A_331] : memref<4x100xi32, #tpu.memory_space<vmem>> -> memref<1x100xi32, #tpu.memory_space<vmem>>
        %dma_wait3A_333 = tpu.memref_squeeze %dma_wait3A_332 : memref<1x100xi32, #tpu.memory_space<vmem>> -> memref<100xi32, #tpu.memory_space<vmem>>
        %dma_wait3A_334 = arith.constant 0 : i32
        %dma_wait3A_335 = arith.constant 0 : i32
        %dma_wait3A_336 = tpu.memref_slice %arg3[%dma_wait3A_334, %dma_wait3A_335] : memref<10240x128xf32, #tpu.memory_space<hbm>> -> memref<10240x128xf32, #tpu.memory_space<hbm>>
        tpu.wait_indirect_dma semaphore(%arg15 : memref<!tpu.dma_semaphore, #tpu.memory_space<semaphore_mem>>) src(%dma_wait3A_336 : memref<10240x128xf32, #tpu.memory_space<hbm>>) dst(%arg12 : memref<100x128xf32, #tpu.memory_space<vmem>>)
        %dma_start3A_337 = arith.constant 0 : i32
        %dma_start3A_338 = arith.constant 0 : i32
        %dma_start3A_339 = tpu.memref_slice %arg11[%dma_start3A_337, %dma_start3A_338] : memref<4x100xi32, #tpu.memory_space<vmem>> -> memref<1x100xi32, #tpu.memory_space<vmem>>
        %dma_start3A_340 = tpu.memref_squeeze %dma_start3A_339 : memref<1x100xi32, #tpu.memory_space<vmem>> -> memref<100xi32, #tpu.memory_space<vmem>>
        %dma_start3A_341 = arith.constant 0 : i32
        %dma_start3A_342 = arith.constant 0 : i32
        %dma_start3A_343 = tpu.memref_slice %arg14[%dma_start3A_341, %dma_start3A_342] : memref<10240x128xf32, #tpu.memory_space<vmem_shared>> -> memref<10240x128xf32, #tpu.memory_space<vmem_shared>>
        tpu.enqueue_indirect_dma source(%arg12 : memref<100x128xf32, #tpu.memory_space<vmem>>) target(%dma_start3A_343 : memref<10240x128xf32, #tpu.memory_space<vmem_shared>>) offsets(%dma_start3A_340 : memref<100xi32, #tpu.memory_space<vmem>>) semaphore(%arg17 : memref<!tpu.dma_semaphore, #tpu.memory_space<semaphore_mem>>) {add = true}
        %dma_wait3A_344 = arith.constant 0 : i32
        %dma_wait3A_345 = arith.constant 0 : i32
        %dma_wait3A_346 = tpu.memref_slice %arg8[%dma_wait3A_344, %dma_wait3A_345] : memref<4x100xi32, #tpu.memory_space<vmem>> -> memref<1x100xi32, #tpu.memory_space<vmem>>
        %dma_wait3A_347 = tpu.memref_squeeze %dma_wait3A_346 : memref<1x100xi32, #tpu.memory_space<vmem>> -> memref<100xi32, #tpu.memory_space<vmem>>
        %dma_wait3A_348 = arith.constant 0 : i32
        %dma_wait3A_349 = arith.constant 0 : i32
        %dma_wait3A_350 = tpu.memref_slice %arg3[%dma_wait3A_348, %dma_wait3A_349] : memref<10240x128xf32, #tpu.memory_space<hbm>> -> memref<10240x128xf32, #tpu.memory_space<hbm>>
        tpu.wait_indirect_dma semaphore(%arg16 : memref<!tpu.dma_semaphore, #tpu.memory_space<semaphore_mem>>) src(%dma_wait3A_350 : memref<10240x128xf32, #tpu.memory_space<hbm>>) dst(%arg13 : memref<100x128xf32, #tpu.memory_space<vmem>>)
        %dma_start3A_351 = arith.constant 1 : i32
        %dma_start3A_352 = arith.constant 0 : i32
        %dma_start3A_353 = tpu.memref_slice %arg11[%dma_start3A_351, %dma_start3A_352] : memref<4x100xi32, #tpu.memory_space<vmem>> -> memref<1x100xi32, #tpu.memory_space<vmem>>
        %dma_start3A_354 = tpu.memref_squeeze %dma_start3A_353 : memref<1x100xi32, #tpu.memory_space<vmem>> -> memref<100xi32, #tpu.memory_space<vmem>>
        %dma_start3A_355 = arith.constant 0 : i32
        %dma_start3A_356 = arith.constant 0 : i32
        %dma_start3A_357 = tpu.memref_slice %arg14[%dma_start3A_355, %dma_start3A_356] : memref<10240x128xf32, #tpu.memory_space<vmem_shared>> -> memref<10240x128xf32, #tpu.memory_space<vmem_shared>>
        tpu.enqueue_indirect_dma source(%arg13 : memref<100x128xf32, #tpu.memory_space<vmem>>) target(%dma_start3A_357 : memref<10240x128xf32, #tpu.memory_space<vmem_shared>>) offsets(%dma_start3A_354 : memref<100xi32, #tpu.memory_space<vmem>>) semaphore(%arg18 : memref<!tpu.dma_semaphore, #tpu.memory_space<semaphore_mem>>) {add = true}
        %dma_wait3A_358 = arith.constant 0 : i32
        %dma_wait3A_359 = arith.constant 0 : i32
        %dma_wait3A_360 = tpu.memref_slice %arg9[%dma_wait3A_358, %dma_wait3A_359] : memref<4x100xi32, #tpu.memory_space<vmem>> -> memref<1x100xi32, #tpu.memory_space<vmem>>
        %dma_wait3A_361 = tpu.memref_squeeze %dma_wait3A_360 : memref<1x100xi32, #tpu.memory_space<vmem>> -> memref<100xi32, #tpu.memory_space<vmem>>
        %dma_wait3A_362 = arith.constant 0 : i32
        %dma_wait3A_363 = arith.constant 0 : i32
        %dma_wait3A_364 = tpu.memref_slice %arg14[%dma_wait3A_362, %dma_wait3A_363] : memref<10240x128xf32, #tpu.memory_space<vmem_shared>> -> memref<10240x128xf32, #tpu.memory_space<vmem_shared>>
        tpu.wait_indirect_dma semaphore(%arg17 : memref<!tpu.dma_semaphore, #tpu.memory_space<semaphore_mem>>) src(%arg12 : memref<100x128xf32, #tpu.memory_space<vmem>>) dst(%dma_wait3A_364 : memref<10240x128xf32, #tpu.memory_space<vmem_shared>>)
        %dma_start3A_365 = arith.constant 2 : i32
        %dma_start3A_366 = arith.constant 0 : i32
        %dma_start3A_367 = tpu.memref_slice %arg10[%dma_start3A_365, %dma_start3A_366] : memref<4x100xi32, #tpu.memory_space<vmem>> -> memref<1x100xi32, #tpu.memory_space<vmem>>
        %dma_start3A_368 = tpu.memref_squeeze %dma_start3A_367 : memref<1x100xi32, #tpu.memory_space<vmem>> -> memref<100xi32, #tpu.memory_space<vmem>>
        %dma_start3A_369 = arith.constant 0 : i32
        %dma_start3A_370 = arith.constant 0 : i32
        %dma_start3A_371 = tpu.memref_slice %arg3[%dma_start3A_369, %dma_start3A_370] : memref<10240x128xf32, #tpu.memory_space<hbm>> -> memref<10240x128xf32, #tpu.memory_space<hbm>>
        tpu.enqueue_indirect_dma source(%dma_start3A_371 : memref<10240x128xf32, #tpu.memory_space<hbm>>) target(%arg12 : memref<100x128xf32, #tpu.memory_space<vmem>>) offsets(%dma_start3A_368 : memref<100xi32, #tpu.memory_space<vmem>>) semaphore(%arg15 : memref<!tpu.dma_semaphore, #tpu.memory_space<semaphore_mem>>)
        %dma_wait3A_372 = arith.constant 0 : i32
        %dma_wait3A_373 = arith.constant 0 : i32
        %dma_wait3A_374 = tpu.memref_slice %arg9[%dma_wait3A_372, %dma_wait3A_373] : memref<4x100xi32, #tpu.memory_space<vmem>> -> memref<1x100xi32, #tpu.memory_space<vmem>>
        %dma_wait3A_375 = tpu.memref_squeeze %dma_wait3A_374 : memref<1x100xi32, #tpu.memory_space<vmem>> -> memref<100xi32, #tpu.memory_space<vmem>>
        %dma_wait3A_376 = arith.constant 0 : i32
        %dma_wait3A_377 = arith.constant 0 : i32
        %dma_wait3A_378 = tpu.memref_slice %arg14[%dma_wait3A_376, %dma_wait3A_377] : memref<10240x128xf32, #tpu.memory_space<vmem_shared>> -> memref<10240x128xf32, #tpu.memory_space<vmem_shared>>
        tpu.wait_indirect_dma semaphore(%arg18 : memref<!tpu.dma_semaphore, #tpu.memory_space<semaphore_mem>>) src(%arg13 : memref<100x128xf32, #tpu.memory_space<vmem>>) dst(%dma_wait3A_378 : memref<10240x128xf32, #tpu.memory_space<vmem_shared>>)
        %dma_start3A_379 = arith.constant 3 : i32
        %dma_start3A_380 = arith.constant 0 : i32
        %dma_start3A_381 = tpu.memref_slice %arg10[%dma_start3A_379, %dma_start3A_380] : memref<4x100xi32, #tpu.memory_space<vmem>> -> memref<1x100xi32, #tpu.memory_space<vmem>>
        %dma_start3A_382 = tpu.memref_squeeze %dma_start3A_381 : memref<1x100xi32, #tpu.memory_space<vmem>> -> memref<100xi32, #tpu.memory_space<vmem>>
        %dma_start3A_383 = arith.constant 0 : i32
        %dma_start3A_384 = arith.constant 0 : i32
        %dma_start3A_385 = tpu.memref_slice %arg3[%dma_start3A_383, %dma_start3A_384] : memref<10240x128xf32, #tpu.memory_space<hbm>> -> memref<10240x128xf32, #tpu.memory_space<hbm>>
        tpu.enqueue_indirect_dma source(%dma_start3A_385 : memref<10240x128xf32, #tpu.memory_space<hbm>>) target(%arg13 : memref<100x128xf32, #tpu.memory_space<vmem>>) offsets(%dma_start3A_382 : memref<100xi32, #tpu.memory_space<vmem>>) semaphore(%arg16 : memref<!tpu.dma_semaphore, #tpu.memory_space<semaphore_mem>>)
        %dma_wait3A_386 = arith.constant 0 : i32
        %dma_wait3A_387 = arith.constant 0 : i32
        %dma_wait3A_388 = tpu.memref_slice %arg8[%dma_wait3A_386, %dma_wait3A_387] : memref<4x100xi32, #tpu.memory_space<vmem>> -> memref<1x100xi32, #tpu.memory_space<vmem>>
        %dma_wait3A_389 = tpu.memref_squeeze %dma_wait3A_388 : memref<1x100xi32, #tpu.memory_space<vmem>> -> memref<100xi32, #tpu.memory_space<vmem>>
        %dma_wait3A_390 = arith.constant 0 : i32
        %dma_wait3A_391 = arith.constant 0 : i32
        %dma_wait3A_392 = tpu.memref_slice %arg3[%dma_wait3A_390, %dma_wait3A_391] : memref<10240x128xf32, #tpu.memory_space<hbm>> -> memref<10240x128xf32, #tpu.memory_space<hbm>>
        tpu.wait_indirect_dma semaphore(%arg15 : memref<!tpu.dma_semaphore, #tpu.memory_space<semaphore_mem>>) src(%dma_wait3A_392 : memref<10240x128xf32, #tpu.memory_space<hbm>>) dst(%arg12 : memref<100x128xf32, #tpu.memory_space<vmem>>)
        %dma_start3A_393 = arith.constant 2 : i32
        %dma_start3A_394 = arith.constant 0 : i32
        %dma_start3A_395 = tpu.memref_slice %arg11[%dma_start3A_393, %dma_start3A_394] : memref<4x100xi32, #tpu.memory_space<vmem>> -> memref<1x100xi32, #tpu.memory_space<vmem>>
        %dma_start3A_396 = tpu.memref_squeeze %dma_start3A_395 : memref<1x100xi32, #tpu.memory_space<vmem>> -> memref<100xi32, #tpu.memory_space<vmem>>
        %dma_start3A_397 = arith.constant 0 : i32
        %dma_start3A_398 = arith.constant 0 : i32
        %dma_start3A_399 = tpu.memref_slice %arg14[%dma_start3A_397, %dma_start3A_398] : memref<10240x128xf32, #tpu.memory_space<vmem_shared>> -> memref<10240x128xf32, #tpu.memory_space<vmem_shared>>
        tpu.enqueue_indirect_dma source(%arg12 : memref<100x128xf32, #tpu.memory_space<vmem>>) target(%dma_start3A_399 : memref<10240x128xf32, #tpu.memory_space<vmem_shared>>) offsets(%dma_start3A_396 : memref<100xi32, #tpu.memory_space<vmem>>) semaphore(%arg17 : memref<!tpu.dma_semaphore, #tpu.memory_space<semaphore_mem>>) {add = true}
        %dma_wait3A_400 = arith.constant 0 : i32
        %dma_wait3A_401 = arith.constant 0 : i32
        %dma_wait3A_402 = tpu.memref_slice %arg8[%dma_wait3A_400, %dma_wait3A_401] : memref<4x100xi32, #tpu.memory_space<vmem>> -> memref<1x100xi32, #tpu.memory_space<vmem>>
        %dma_wait3A_403 = tpu.memref_squeeze %dma_wait3A_402 : memref<1x100xi32, #tpu.memory_space<vmem>> -> memref<100xi32, #tpu.memory_space<vmem>>
        %dma_wait3A_404 = arith.constant 0 : i32
        %dma_wait3A_405 = arith.constant 0 : i32
        %dma_wait3A_406 = tpu.memref_slice %arg3[%dma_wait3A_404, %dma_wait3A_405] : memref<10240x128xf32, #tpu.memory_space<hbm>> -> memref<10240x128xf32, #tpu.memory_space<hbm>>
        tpu.wait_indirect_dma semaphore(%arg16 : memref<!tpu.dma_semaphore, #tpu.memory_space<semaphore_mem>>) src(%dma_wait3A_406 : memref<10240x128xf32, #tpu.memory_space<hbm>>) dst(%arg13 : memref<100x128xf32, #tpu.memory_space<vmem>>)
        %dma_start3A_407 = arith.constant 3 : i32
        %dma_start3A_408 = arith.constant 0 : i32
        %dma_start3A_409 = tpu.memref_slice %arg11[%dma_start3A_407, %dma_start3A_408] : memref<4x100xi32, #tpu.memory_space<vmem>> -> memref<1x100xi32, #tpu.memory_space<vmem>>
        %dma_start3A_410 = tpu.memref_squeeze %dma_start3A_409 : memref<1x100xi32, #tpu.memory_space<vmem>> -> memref<100xi32, #tpu.memory_space<vmem>>
        %dma_start3A_411 = arith.constant 0 : i32
        %dma_start3A_412 = arith.constant 0 : i32
        %dma_start3A_413 = tpu.memref_slice %arg14[%dma_start3A_411, %dma_start3A_412] : memref<10240x128xf32, #tpu.memory_space<vmem_shared>> -> memref<10240x128xf32, #tpu.memory_space<vmem_shared>>
        tpu.enqueue_indirect_dma source(%arg13 : memref<100x128xf32, #tpu.memory_space<vmem>>) target(%dma_start3A_413 : memref<10240x128xf32, #tpu.memory_space<vmem_shared>>) offsets(%dma_start3A_410 : memref<100xi32, #tpu.memory_space<vmem>>) semaphore(%arg18 : memref<!tpu.dma_semaphore, #tpu.memory_space<semaphore_mem>>) {add = true}
        %dma_wait3A_414 = arith.constant 0 : i32
        %dma_wait3A_415 = arith.constant 0 : i32
        %dma_wait3A_416 = arith.constant 0 : i32
        %dma_wait3A_417 = tpu.memref_slice %arg4[%arg1, %dma_wait3A_414, %dma_wait3A_415, %dma_wait3A_416] : memref<16x25x4x100xi32, #tpu.memory_space<hbm>> -> memref<1x1x4x100xi32, #tpu.memory_space<hbm>>
        %dma_wait3A_418 = tpu.memref_squeeze %dma_wait3A_417 : memref<1x1x4x100xi32, #tpu.memory_space<hbm>> -> memref<4x100xi32, #tpu.memory_space<hbm>>
        %dma_wait3A_419 = arith.constant 0 : i32
        %dma_wait3A_420 = arith.constant 0 : i32
        %dma_wait3A_421 = tpu.memref_slice %arg4[%arg1, %dma_wait3A_414, %dma_wait3A_419, %dma_wait3A_420] : memref<16x25x4x100xi32, #tpu.memory_space<hbm>> -> memref<1x1x4x100xi32, #tpu.memory_space<hbm>>
        %dma_wait3A_422 = tpu.memref_squeeze %dma_wait3A_421 : memref<1x1x4x100xi32, #tpu.memory_space<hbm>> -> memref<4x100xi32, #tpu.memory_space<hbm>>
        tpu.wait_dma2 semaphore(%arg19 : memref<!tpu.dma_semaphore, #tpu.memory_space<semaphore_mem>>) src(%dma_wait3A_422 : memref<4x100xi32, #tpu.memory_space<hbm>>) dst(%arg8 : memref<4x100xi32, #tpu.memory_space<vmem>>)
        %dma_wait3A_423 = arith.constant 0 : i32
        %dma_wait3A_424 = arith.constant 0 : i32
        %dma_wait3A_425 = arith.constant 0 : i32
        %dma_wait3A_426 = tpu.memref_slice %arg5[%arg1, %dma_wait3A_423, %dma_wait3A_424, %dma_wait3A_425] : memref<16x25x4x100xi32, #tpu.memory_space<hbm>> -> memref<1x1x4x100xi32, #tpu.memory_space<hbm>>
        %dma_wait3A_427 = tpu.memref_squeeze %dma_wait3A_426 : memref<1x1x4x100xi32, #tpu.memory_space<hbm>> -> memref<4x100xi32, #tpu.memory_space<hbm>>
        %dma_wait3A_428 = arith.constant 0 : i32
        %dma_wait3A_429 = arith.constant 0 : i32
        %dma_wait3A_430 = tpu.memref_slice %arg5[%arg1, %dma_wait3A_423, %dma_wait3A_428, %dma_wait3A_429] : memref<16x25x4x100xi32, #tpu.memory_space<hbm>> -> memref<1x1x4x100xi32, #tpu.memory_space<hbm>>
        %dma_wait3A_431 = tpu.memref_squeeze %dma_wait3A_430 : memref<1x1x4x100xi32, #tpu.memory_space<hbm>> -> memref<4x100xi32, #tpu.memory_space<hbm>>
        tpu.wait_dma2 semaphore(%arg19 : memref<!tpu.dma_semaphore, #tpu.memory_space<semaphore_mem>>) src(%dma_wait3A_431 : memref<4x100xi32, #tpu.memory_space<hbm>>) dst(%arg9 : memref<4x100xi32, #tpu.memory_space<vmem>>)
        %dma_wait3A_432 = arith.constant 0 : i32
        %dma_wait3A_433 = arith.constant 0 : i32
        %dma_wait3A_434 = tpu.memref_slice %arg9[%dma_wait3A_432, %dma_wait3A_433] : memref<4x100xi32, #tpu.memory_space<vmem>> -> memref<1x100xi32, #tpu.memory_space<vmem>>
        %dma_wait3A_435 = tpu.memref_squeeze %dma_wait3A_434 : memref<1x100xi32, #tpu.memory_space<vmem>> -> memref<100xi32, #tpu.memory_space<vmem>>
        %dma_wait3A_436 = arith.constant 0 : i32
        %dma_wait3A_437 = arith.constant 0 : i32
        %dma_wait3A_438 = tpu.memref_slice %arg14[%dma_wait3A_436, %dma_wait3A_437] : memref<10240x128xf32, #tpu.memory_space<vmem_shared>> -> memref<10240x128xf32, #tpu.memory_space<vmem_shared>>
        tpu.wait_indirect_dma semaphore(%arg17 : memref<!tpu.dma_semaphore, #tpu.memory_space<semaphore_mem>>) src(%arg12 : memref<100x128xf32, #tpu.memory_space<vmem>>) dst(%dma_wait3A_438 : memref<10240x128xf32, #tpu.memory_space<vmem_shared>>)
        %dma_start3A_439 = arith.constant 0 : i32
        %dma_start3A_440 = arith.constant 0 : i32
        %dma_start3A_441 = tpu.memref_slice %arg8[%dma_start3A_439, %dma_start3A_440] : memref<4x100xi32, #tpu.memory_space<vmem>> -> memref<1x100xi32, #tpu.memory_space<vmem>>
        %dma_start3A_442 = tpu.memref_squeeze %dma_start3A_441 : memref<1x100xi32, #tpu.memory_space<vmem>> -> memref<100xi32, #tpu.memory_space<vmem>>
        %dma_start3A_443 = arith.constant 0 : i32
        %dma_start3A_444 = arith.constant 0 : i32
        %dma_start3A_445 = tpu.memref_slice %arg3[%dma_start3A_443, %dma_start3A_444] : memref<10240x128xf32, #tpu.memory_space<hbm>> -> memref<10240x128xf32, #tpu.memory_space<hbm>>
        tpu.enqueue_indirect_dma source(%dma_start3A_445 : memref<10240x128xf32, #tpu.memory_space<hbm>>) target(%arg12 : memref<100x128xf32, #tpu.memory_space<vmem>>) offsets(%dma_start3A_442 : memref<100xi32, #tpu.memory_space<vmem>>) semaphore(%arg15 : memref<!tpu.dma_semaphore, #tpu.memory_space<semaphore_mem>>)
        %dma_wait3A_446 = arith.constant 0 : i32
        %dma_wait3A_447 = arith.constant 0 : i32
        %dma_wait3A_448 = tpu.memref_slice %arg9[%dma_wait3A_446, %dma_wait3A_447] : memref<4x100xi32, #tpu.memory_space<vmem>> -> memref<1x100xi32, #tpu.memory_space<vmem>>
        %dma_wait3A_449 = tpu.memref_squeeze %dma_wait3A_448 : memref<1x100xi32, #tpu.memory_space<vmem>> -> memref<100xi32, #tpu.memory_space<vmem>>
        %dma_wait3A_450 = arith.constant 0 : i32
        %dma_wait3A_451 = arith.constant 0 : i32
        %dma_wait3A_452 = tpu.memref_slice %arg14[%dma_wait3A_450, %dma_wait3A_451] : memref<10240x128xf32, #tpu.memory_space<vmem_shared>> -> memref<10240x128xf32, #tpu.memory_space<vmem_shared>>
        tpu.wait_indirect_dma semaphore(%arg18 : memref<!tpu.dma_semaphore, #tpu.memory_space<semaphore_mem>>) src(%arg13 : memref<100x128xf32, #tpu.memory_space<vmem>>) dst(%dma_wait3A_452 : memref<10240x128xf32, #tpu.memory_space<vmem_shared>>)
        %dma_start3A_453 = arith.constant 1 : i32
        %dma_start3A_454 = arith.constant 0 : i32
        %dma_start3A_455 = tpu.memref_slice %arg8[%dma_start3A_453, %dma_start3A_454] : memref<4x100xi32, #tpu.memory_space<vmem>> -> memref<1x100xi32, #tpu.memory_space<vmem>>
        %dma_start3A_456 = tpu.memref_squeeze %dma_start3A_455 : memref<1x100xi32, #tpu.memory_space<vmem>> -> memref<100xi32, #tpu.memory_space<vmem>>
        %dma_start3A_457 = arith.constant 0 : i32
        %dma_start3A_458 = arith.constant 0 : i32
        %dma_start3A_459 = tpu.memref_slice %arg3[%dma_start3A_457, %dma_start3A_458] : memref<10240x128xf32, #tpu.memory_space<hbm>> -> memref<10240x128xf32, #tpu.memory_space<hbm>>
        tpu.enqueue_indirect_dma source(%dma_start3A_459 : memref<10240x128xf32, #tpu.memory_space<hbm>>) target(%arg13 : memref<100x128xf32, #tpu.memory_space<vmem>>) offsets(%dma_start3A_456 : memref<100xi32, #tpu.memory_space<vmem>>) semaphore(%arg16 : memref<!tpu.dma_semaphore, #tpu.memory_space<semaphore_mem>>)
        %add3A_460 = arith.constant 3 : i32
        %add3A_461 = arith.addi %mul3A_182, %add3A_460 : i32
        %lt3A = arith.constant 25 : i32
        %lt3A_462 = arith.cmpi slt, %add3A_461, %lt3A : i32
        %convert_element_type3A_463 = arith.extui %lt3A_462 : i1 to i32
        %cond3A_464 = arith.constant 0 : i32
        %cond3A_465 = arith.cmpi ne, %convert_element_type3A_463, %cond3A_464 : i32
        scf.if %cond3A_465 {
          %add3A_467 = arith.constant 3 : i32
          %add3A_468 = arith.addi %mul3A_182, %add3A_467 : i32
          %dma_start3A_469 = arith.constant 0 : i32
          %dma_start3A_470 = arith.constant 0 : i32
          %dma_start3A_471 = tpu.memref_slice %arg4[%arg1, %add3A_468, %dma_start3A_469, %dma_start3A_470] : memref<16x25x4x100xi32, #tpu.memory_space<hbm>> -> memref<1x1x4x100xi32, #tpu.memory_space<hbm>>
          %dma_start3A_472 = tpu.memref_squeeze %dma_start3A_471 : memref<1x1x4x100xi32, #tpu.memory_space<hbm>> -> memref<4x100xi32, #tpu.memory_space<hbm>>
          %dma_start3A_473 = arith.constant 0 : i32
          %dma_start3A_474 = arith.constant 0 : i32
          %dma_start3A_475 = tpu.memref_slice %arg4[%arg1, %add3A_468, %dma_start3A_473, %dma_start3A_474] : memref<16x25x4x100xi32, #tpu.memory_space<hbm>> -> memref<1x1x4x100xi32, #tpu.memory_space<hbm>>
          %dma_start3A_476 = tpu.memref_squeeze %dma_start3A_475 : memref<1x1x4x100xi32, #tpu.memory_space<hbm>> -> memref<4x100xi32, #tpu.memory_space<hbm>>
          tpu.enqueue_dma source(%dma_start3A_476 : memref<4x100xi32, #tpu.memory_space<hbm>>) target(%arg10 : memref<4x100xi32, #tpu.memory_space<vmem>>) target_semaphore(%arg19 : memref<!tpu.dma_semaphore, #tpu.memory_space<semaphore_mem>>)
          %dma_start3A_477 = arith.constant 0 : i32
          %dma_start3A_478 = arith.constant 0 : i32
          %dma_start3A_479 = tpu.memref_slice %arg5[%arg1, %add3A_468, %dma_start3A_477, %dma_start3A_478] : memref<16x25x4x100xi32, #tpu.memory_space<hbm>> -> memref<1x1x4x100xi32, #tpu.memory_space<hbm>>
          %dma_start3A_480 = tpu.memref_squeeze %dma_start3A_479 : memref<1x1x4x100xi32, #tpu.memory_space<hbm>> -> memref<4x100xi32, #tpu.memory_space<hbm>>
          %dma_start3A_481 = arith.constant 0 : i32
          %dma_start3A_482 = arith.constant 0 : i32
          %dma_start3A_483 = tpu.memref_slice %arg5[%arg1, %add3A_468, %dma_start3A_481, %dma_start3A_482] : memref<16x25x4x100xi32, #tpu.memory_space<hbm>> -> memref<1x1x4x100xi32, #tpu.memory_space<hbm>>
          %dma_start3A_484 = tpu.memref_squeeze %dma_start3A_483 : memref<1x1x4x100xi32, #tpu.memory_space<hbm>> -> memref<4x100xi32, #tpu.memory_space<hbm>>
          tpu.enqueue_dma source(%dma_start3A_484 : memref<4x100xi32, #tpu.memory_space<hbm>>) target(%arg11 : memref<4x100xi32, #tpu.memory_space<vmem>>) target_semaphore(%arg19 : memref<!tpu.dma_semaphore, #tpu.memory_space<semaphore_mem>>)
        } else {
        }
        %scan3A_466 = arith.constant 0 : i32
        scf.yield %scan3A_466 : i32
      }
      %scan3A_79 = arith.constant 12 : i32
      %dma_wait3A_80 = arith.constant 0 : i32
      %dma_wait3A_81 = arith.constant 0 : i32
      %dma_wait3A_82 = tpu.memref_slice %arg8[%dma_wait3A_80, %dma_wait3A_81] : memref<4x100xi32, #tpu.memory_space<vmem>> -> memref<1x100xi32, #tpu.memory_space<vmem>>
      %dma_wait3A_83 = tpu.memref_squeeze %dma_wait3A_82 : memref<1x100xi32, #tpu.memory_space<vmem>> -> memref<100xi32, #tpu.memory_space<vmem>>
      %dma_wait3A_84 = arith.constant 0 : i32
      %dma_wait3A_85 = arith.constant 0 : i32
      %dma_wait3A_86 = tpu.memref_slice %arg3[%dma_wait3A_84, %dma_wait3A_85] : memref<10240x128xf32, #tpu.memory_space<hbm>> -> memref<10240x128xf32, #tpu.memory_space<hbm>>
      tpu.wait_indirect_dma semaphore(%arg15 : memref<!tpu.dma_semaphore, #tpu.memory_space<semaphore_mem>>) src(%dma_wait3A_86 : memref<10240x128xf32, #tpu.memory_space<hbm>>) dst(%arg12 : memref<100x128xf32, #tpu.memory_space<vmem>>)
      %dma_start3A_87 = arith.constant 0 : i32
      %dma_start3A_88 = arith.constant 0 : i32
      %dma_start3A_89 = tpu.memref_slice %arg9[%dma_start3A_87, %dma_start3A_88] : memref<4x100xi32, #tpu.memory_space<vmem>> -> memref<1x100xi32, #tpu.memory_space<vmem>>
      %dma_start3A_90 = tpu.memref_squeeze %dma_start3A_89 : memref<1x100xi32, #tpu.memory_space<vmem>> -> memref<100xi32, #tpu.memory_space<vmem>>
      %dma_start3A_91 = arith.constant 0 : i32
      %dma_start3A_92 = arith.constant 0 : i32
      %dma_start3A_93 = tpu.memref_slice %arg14[%dma_start3A_91, %dma_start3A_92] : memref<10240x128xf32, #tpu.memory_space<vmem_shared>> -> memref<10240x128xf32, #tpu.memory_space<vmem_shared>>
      tpu.enqueue_indirect_dma source(%arg12 : memref<100x128xf32, #tpu.memory_space<vmem>>) target(%dma_start3A_93 : memref<10240x128xf32, #tpu.memory_space<vmem_shared>>) offsets(%dma_start3A_90 : memref<100xi32, #tpu.memory_space<vmem>>) semaphore(%arg17 : memref<!tpu.dma_semaphore, #tpu.memory_space<semaphore_mem>>) {add = true}
      %dma_wait3A_94 = arith.constant 0 : i32
      %dma_wait3A_95 = arith.constant 0 : i32
      %dma_wait3A_96 = tpu.memref_slice %arg8[%dma_wait3A_94, %dma_wait3A_95] : memref<4x100xi32, #tpu.memory_space<vmem>> -> memref<1x100xi32, #tpu.memory_space<vmem>>
      %dma_wait3A_97 = tpu.memref_squeeze %dma_wait3A_96 : memref<1x100xi32, #tpu.memory_space<vmem>> -> memref<100xi32, #tpu.memory_space<vmem>>
      %dma_wait3A_98 = arith.constant 0 : i32
      %dma_wait3A_99 = arith.constant 0 : i32
      %dma_wait3A_100 = tpu.memref_slice %arg3[%dma_wait3A_98, %dma_wait3A_99] : memref<10240x128xf32, #tpu.memory_space<hbm>> -> memref<10240x128xf32, #tpu.memory_space<hbm>>
      tpu.wait_indirect_dma semaphore(%arg16 : memref<!tpu.dma_semaphore, #tpu.memory_space<semaphore_mem>>) src(%dma_wait3A_100 : memref<10240x128xf32, #tpu.memory_space<hbm>>) dst(%arg13 : memref<100x128xf32, #tpu.memory_space<vmem>>)
      %dma_start3A_101 = arith.constant 1 : i32
      %dma_start3A_102 = arith.constant 0 : i32
      %dma_start3A_103 = tpu.memref_slice %arg9[%dma_start3A_101, %dma_start3A_102] : memref<4x100xi32, #tpu.memory_space<vmem>> -> memref<1x100xi32, #tpu.memory_space<vmem>>
      %dma_start3A_104 = tpu.memref_squeeze %dma_start3A_103 : memref<1x100xi32, #tpu.memory_space<vmem>> -> memref<100xi32, #tpu.memory_space<vmem>>
      %dma_start3A_105 = arith.constant 0 : i32
      %dma_start3A_106 = arith.constant 0 : i32
      %dma_start3A_107 = tpu.memref_slice %arg14[%dma_start3A_105, %dma_start3A_106] : memref<10240x128xf32, #tpu.memory_space<vmem_shared>> -> memref<10240x128xf32, #tpu.memory_space<vmem_shared>>
      tpu.enqueue_indirect_dma source(%arg13 : memref<100x128xf32, #tpu.memory_space<vmem>>) target(%dma_start3A_107 : memref<10240x128xf32, #tpu.memory_space<vmem_shared>>) offsets(%dma_start3A_104 : memref<100xi32, #tpu.memory_space<vmem>>) semaphore(%arg18 : memref<!tpu.dma_semaphore, #tpu.memory_space<semaphore_mem>>) {add = true}
      %dma_wait3A_108 = arith.constant 0 : i32
      %dma_wait3A_109 = arith.constant 0 : i32
      %dma_wait3A_110 = tpu.memref_slice %arg9[%dma_wait3A_108, %dma_wait3A_109] : memref<4x100xi32, #tpu.memory_space<vmem>> -> memref<1x100xi32, #tpu.memory_space<vmem>>
      %dma_wait3A_111 = tpu.memref_squeeze %dma_wait3A_110 : memref<1x100xi32, #tpu.memory_space<vmem>> -> memref<100xi32, #tpu.memory_space<vmem>>
      %dma_wait3A_112 = arith.constant 0 : i32
      %dma_wait3A_113 = arith.constant 0 : i32
      %dma_wait3A_114 = tpu.memref_slice %arg14[%dma_wait3A_112, %dma_wait3A_113] : memref<10240x128xf32, #tpu.memory_space<vmem_shared>> -> memref<10240x128xf32, #tpu.memory_space<vmem_shared>>
      tpu.wait_indirect_dma semaphore(%arg17 : memref<!tpu.dma_semaphore, #tpu.memory_space<semaphore_mem>>) src(%arg12 : memref<100x128xf32, #tpu.memory_space<vmem>>) dst(%dma_wait3A_114 : memref<10240x128xf32, #tpu.memory_space<vmem_shared>>)
      %dma_start3A_115 = arith.constant 2 : i32
      %dma_start3A_116 = arith.constant 0 : i32
      %dma_start3A_117 = tpu.memref_slice %arg8[%dma_start3A_115, %dma_start3A_116] : memref<4x100xi32, #tpu.memory_space<vmem>> -> memref<1x100xi32, #tpu.memory_space<vmem>>
      %dma_start3A_118 = tpu.memref_squeeze %dma_start3A_117 : memref<1x100xi32, #tpu.memory_space<vmem>> -> memref<100xi32, #tpu.memory_space<vmem>>
      %dma_start3A_119 = arith.constant 0 : i32
      %dma_start3A_120 = arith.constant 0 : i32
      %dma_start3A_121 = tpu.memref_slice %arg3[%dma_start3A_119, %dma_start3A_120] : memref<10240x128xf32, #tpu.memory_space<hbm>> -> memref<10240x128xf32, #tpu.memory_space<hbm>>
      tpu.enqueue_indirect_dma source(%dma_start3A_121 : memref<10240x128xf32, #tpu.memory_space<hbm>>) target(%arg12 : memref<100x128xf32, #tpu.memory_space<vmem>>) offsets(%dma_start3A_118 : memref<100xi32, #tpu.memory_space<vmem>>) semaphore(%arg15 : memref<!tpu.dma_semaphore, #tpu.memory_space<semaphore_mem>>)
      %dma_wait3A_122 = arith.constant 0 : i32
      %dma_wait3A_123 = arith.constant 0 : i32
      %dma_wait3A_124 = tpu.memref_slice %arg9[%dma_wait3A_122, %dma_wait3A_123] : memref<4x100xi32, #tpu.memory_space<vmem>> -> memref<1x100xi32, #tpu.memory_space<vmem>>
      %dma_wait3A_125 = tpu.memref_squeeze %dma_wait3A_124 : memref<1x100xi32, #tpu.memory_space<vmem>> -> memref<100xi32, #tpu.memory_space<vmem>>
      %dma_wait3A_126 = arith.constant 0 : i32
      %dma_wait3A_127 = arith.constant 0 : i32
      %dma_wait3A_128 = tpu.memref_slice %arg14[%dma_wait3A_126, %dma_wait3A_127] : memref<10240x128xf32, #tpu.memory_space<vmem_shared>> -> memref<10240x128xf32, #tpu.memory_space<vmem_shared>>
      tpu.wait_indirect_dma semaphore(%arg18 : memref<!tpu.dma_semaphore, #tpu.memory_space<semaphore_mem>>) src(%arg13 : memref<100x128xf32, #tpu.memory_space<vmem>>) dst(%dma_wait3A_128 : memref<10240x128xf32, #tpu.memory_space<vmem_shared>>)
      %dma_start3A_129 = arith.constant 3 : i32
      %dma_start3A_130 = arith.constant 0 : i32
      %dma_start3A_131 = tpu.memref_slice %arg8[%dma_start3A_129, %dma_start3A_130] : memref<4x100xi32, #tpu.memory_space<vmem>> -> memref<1x100xi32, #tpu.memory_space<vmem>>
      %dma_start3A_132 = tpu.memref_squeeze %dma_start3A_131 : memref<1x100xi32, #tpu.memory_space<vmem>> -> memref<100xi32, #tpu.memory_space<vmem>>
      %dma_start3A_133 = arith.constant 0 : i32
      %dma_start3A_134 = arith.constant 0 : i32
      %dma_start3A_135 = tpu.memref_slice %arg3[%dma_start3A_133, %dma_start3A_134] : memref<10240x128xf32, #tpu.memory_space<hbm>> -> memref<10240x128xf32, #tpu.memory_space<hbm>>
      tpu.enqueue_indirect_dma source(%dma_start3A_135 : memref<10240x128xf32, #tpu.memory_space<hbm>>) target(%arg13 : memref<100x128xf32, #tpu.memory_space<vmem>>) offsets(%dma_start3A_132 : memref<100xi32, #tpu.memory_space<vmem>>) semaphore(%arg16 : memref<!tpu.dma_semaphore, #tpu.memory_space<semaphore_mem>>)
      %dma_wait3A_136 = arith.constant 0 : i32
      %dma_wait3A_137 = arith.constant 0 : i32
      %dma_wait3A_138 = tpu.memref_slice %arg8[%dma_wait3A_136, %dma_wait3A_137] : memref<4x100xi32, #tpu.memory_space<vmem>> -> memref<1x100xi32, #tpu.memory_space<vmem>>
      %dma_wait3A_139 = tpu.memref_squeeze %dma_wait3A_138 : memref<1x100xi32, #tpu.memory_space<vmem>> -> memref<100xi32, #tpu.memory_space<vmem>>
      %dma_wait3A_140 = arith.constant 0 : i32
      %dma_wait3A_141 = arith.constant 0 : i32
      %dma_wait3A_142 = tpu.memref_slice %arg3[%dma_wait3A_140, %dma_wait3A_141] : memref<10240x128xf32, #tpu.memory_space<hbm>> -> memref<10240x128xf32, #tpu.memory_space<hbm>>
      tpu.wait_indirect_dma semaphore(%arg15 : memref<!tpu.dma_semaphore, #tpu.memory_space<semaphore_mem>>) src(%dma_wait3A_142 : memref<10240x128xf32, #tpu.memory_space<hbm>>) dst(%arg12 : memref<100x128xf32, #tpu.memory_space<vmem>>)
      %dma_start3A_143 = arith.constant 2 : i32
      %dma_start3A_144 = arith.constant 0 : i32
      %dma_start3A_145 = tpu.memref_slice %arg9[%dma_start3A_143, %dma_start3A_144] : memref<4x100xi32, #tpu.memory_space<vmem>> -> memref<1x100xi32, #tpu.memory_space<vmem>>
      %dma_start3A_146 = tpu.memref_squeeze %dma_start3A_145 : memref<1x100xi32, #tpu.memory_space<vmem>> -> memref<100xi32, #tpu.memory_space<vmem>>
      %dma_start3A_147 = arith.constant 0 : i32
      %dma_start3A_148 = arith.constant 0 : i32
      %dma_start3A_149 = tpu.memref_slice %arg14[%dma_start3A_147, %dma_start3A_148] : memref<10240x128xf32, #tpu.memory_space<vmem_shared>> -> memref<10240x128xf32, #tpu.memory_space<vmem_shared>>
      tpu.enqueue_indirect_dma source(%arg12 : memref<100x128xf32, #tpu.memory_space<vmem>>) target(%dma_start3A_149 : memref<10240x128xf32, #tpu.memory_space<vmem_shared>>) offsets(%dma_start3A_146 : memref<100xi32, #tpu.memory_space<vmem>>) semaphore(%arg17 : memref<!tpu.dma_semaphore, #tpu.memory_space<semaphore_mem>>) {add = true}
      %dma_wait3A_150 = arith.constant 0 : i32
      %dma_wait3A_151 = arith.constant 0 : i32
      %dma_wait3A_152 = tpu.memref_slice %arg8[%dma_wait3A_150, %dma_wait3A_151] : memref<4x100xi32, #tpu.memory_space<vmem>> -> memref<1x100xi32, #tpu.memory_space<vmem>>
      %dma_wait3A_153 = tpu.memref_squeeze %dma_wait3A_152 : memref<1x100xi32, #tpu.memory_space<vmem>> -> memref<100xi32, #tpu.memory_space<vmem>>
      %dma_wait3A_154 = arith.constant 0 : i32
      %dma_wait3A_155 = arith.constant 0 : i32
      %dma_wait3A_156 = tpu.memref_slice %arg3[%dma_wait3A_154, %dma_wait3A_155] : memref<10240x128xf32, #tpu.memory_space<hbm>> -> memref<10240x128xf32, #tpu.memory_space<hbm>>
      tpu.wait_indirect_dma semaphore(%arg16 : memref<!tpu.dma_semaphore, #tpu.memory_space<semaphore_mem>>) src(%dma_wait3A_156 : memref<10240x128xf32, #tpu.memory_space<hbm>>) dst(%arg13 : memref<100x128xf32, #tpu.memory_space<vmem>>)
      %dma_start3A_157 = arith.constant 3 : i32
      %dma_start3A_158 = arith.constant 0 : i32
      %dma_start3A_159 = tpu.memref_slice %arg9[%dma_start3A_157, %dma_start3A_158] : memref<4x100xi32, #tpu.memory_space<vmem>> -> memref<1x100xi32, #tpu.memory_space<vmem>>
      %dma_start3A_160 = tpu.memref_squeeze %dma_start3A_159 : memref<1x100xi32, #tpu.memory_space<vmem>> -> memref<100xi32, #tpu.memory_space<vmem>>
      %dma_start3A_161 = arith.constant 0 : i32
      %dma_start3A_162 = arith.constant 0 : i32
      %dma_start3A_163 = tpu.memref_slice %arg14[%dma_start3A_161, %dma_start3A_162] : memref<10240x128xf32, #tpu.memory_space<vmem_shared>> -> memref<10240x128xf32, #tpu.memory_space<vmem_shared>>
      tpu.enqueue_indirect_dma source(%arg13 : memref<100x128xf32, #tpu.memory_space<vmem>>) target(%dma_start3A_163 : memref<10240x128xf32, #tpu.memory_space<vmem_shared>>) offsets(%dma_start3A_160 : memref<100xi32, #tpu.memory_space<vmem>>) semaphore(%arg18 : memref<!tpu.dma_semaphore, #tpu.memory_space<semaphore_mem>>) {add = true}
      %dma_wait3A_164 = arith.constant 0 : i32
      %dma_wait3A_165 = arith.constant 0 : i32
      %dma_wait3A_166 = tpu.memref_slice %arg9[%dma_wait3A_164, %dma_wait3A_165] : memref<4x100xi32, #tpu.memory_space<vmem>> -> memref<1x100xi32, #tpu.memory_space<vmem>>
      %dma_wait3A_167 = tpu.memref_squeeze %dma_wait3A_166 : memref<1x100xi32, #tpu.memory_space<vmem>> -> memref<100xi32, #tpu.memory_space<vmem>>
      %dma_wait3A_168 = arith.constant 0 : i32
      %dma_wait3A_169 = arith.constant 0 : i32
      %dma_wait3A_170 = tpu.memref_slice %arg14[%dma_wait3A_168, %dma_wait3A_169] : memref<10240x128xf32, #tpu.memory_space<vmem_shared>> -> memref<10240x128xf32, #tpu.memory_space<vmem_shared>>
      tpu.wait_indirect_dma semaphore(%arg17 : memref<!tpu.dma_semaphore, #tpu.memory_space<semaphore_mem>>) src(%arg12 : memref<100x128xf32, #tpu.memory_space<vmem>>) dst(%dma_wait3A_170 : memref<10240x128xf32, #tpu.memory_space<vmem_shared>>)
      %dma_wait3A_171 = arith.constant 0 : i32
      %dma_wait3A_172 = arith.constant 0 : i32
      %dma_wait3A_173 = tpu.memref_slice %arg9[%dma_wait3A_171, %dma_wait3A_172] : memref<4x100xi32, #tpu.memory_space<vmem>> -> memref<1x100xi32, #tpu.memory_space<vmem>>
      %dma_wait3A_174 = tpu.memref_squeeze %dma_wait3A_173 : memref<1x100xi32, #tpu.memory_space<vmem>> -> memref<100xi32, #tpu.memory_space<vmem>>
      %dma_wait3A_175 = arith.constant 0 : i32
      %dma_wait3A_176 = arith.constant 0 : i32
      %dma_wait3A_177 = tpu.memref_slice %arg14[%dma_wait3A_175, %dma_wait3A_176] : memref<10240x128xf32, #tpu.memory_space<vmem_shared>> -> memref<10240x128xf32, #tpu.memory_space<vmem_shared>>
      tpu.wait_indirect_dma semaphore(%arg18 : memref<!tpu.dma_semaphore, #tpu.memory_space<semaphore_mem>>) src(%arg13 : memref<100x128xf32, #tpu.memory_space<vmem>>) dst(%dma_wait3A_177 : memref<10240x128xf32, #tpu.memory_space<vmem_shared>>)
      %barrier3A_178 = arith.constant 0 : index
      tpu.barrier barrier_id(%barrier3A_178)
      "tpu.region"() ({
        %run_scoped3A = tpu.sem_alloc : memref<!tpu.dma_semaphore, #tpu.memory_space<semaphore_mem>>
        %dma_start3A_179 = arith.constant 0 : i32
        %dma_start3A_180 = tpu.memref_slice %arg7[%mul3A_0, %dma_start3A_179] : memref<10240x128xf32, #tpu.memory_space<hbm>> -> memref<640x128xf32, #tpu.memory_space<hbm>>
        %dma_start3A_181 = arith.constant 0 : i32
        %dma_start3A_182 = tpu.memref_slice %arg14[%mul3A_0, %dma_start3A_181] : memref<10240x128xf32, #tpu.memory_space<vmem_shared>> -> memref<640x128xf32, #tpu.memory_space<vmem_shared>>
        tpu.enqueue_dma source(%dma_start3A_182 : memref<640x128xf32, #tpu.memory_space<vmem_shared>>) target(%dma_start3A_180 : memref<640x128xf32, #tpu.memory_space<hbm>>) target_semaphore(%run_scoped3A : memref<!tpu.dma_semaphore, #tpu.memory_space<semaphore_mem>>)
        %dma_wait3A_183 = arith.constant 0 : i32
        %dma_wait3A_184 = tpu.memref_slice %arg7[%mul3A_0, %dma_wait3A_183] : memref<10240x128xf32, #tpu.memory_space<hbm>> -> memref<640x128xf32, #tpu.memory_space<hbm>>
        %dma_wait3A_185 = arith.constant 0 : i32
        %dma_wait3A_186 = tpu.memref_slice %arg14[%mul3A_0, %dma_wait3A_185] : memref<10240x128xf32, #tpu.memory_space<vmem_shared>> -> memref<640x128xf32, #tpu.memory_space<vmem_shared>>
        tpu.wait_dma2 semaphore(%run_scoped3A : memref<!tpu.dma_semaphore, #tpu.memory_space<semaphore_mem>>) src(%dma_wait3A_186 : memref<640x128xf32, #tpu.memory_space<vmem_shared>>) dst(%dma_wait3A_184 : memref<640x128xf32, #tpu.memory_space<hbm>>)
        tpu.yield
      }) : () -> ()
    } else {
    }
    return
  }
}

#map = affine_map<(d0, d1) -> (0, 0)>
#map1 = affine_map<(d0, d1) -> (0, 0, 0, 0)>
module attributes {stable_mosaic.version = 14 : i64} {
  func.func @k(%arg0: i32, %arg1: i32, %arg2: memref<10240x128xf32, #tpu.memory_space<hbm>>, %arg3: memref<10240x128xf32, #tpu.memory_space<hbm>>, %arg4: memref<16x25x4x100xi32, #tpu.memory_space<hbm>>, %arg5: memref<16x25x4x100xi32, #tpu.memory_space<hbm>>, %arg6: memref<10240x128xf32, #tpu.memory_space<hbm>>, %arg7: memref<10240x128xf32, #tpu.memory_space<hbm>>, %arg8: memref<4x100xi32, #tpu.memory_space<vmem>>, %arg9: memref<4x100xi32, #tpu.memory_space<vmem>>, %arg10: memref<4x100xi32, #tpu.memory_space<vmem>>, %arg11: memref<4x100xi32, #tpu.memory_space<vmem>>, %arg12: memref<100x128xf32, #tpu.memory_space<vmem>>, %arg13: memref<100x128xf32, #tpu.memory_space<vmem>>, %arg14: memref<10240x128xf32, #tpu.memory_space<vmem_shared>>, %arg15: memref<!tpu.dma_semaphore, #tpu.memory_space<semaphore_mem>>, %arg16: memref<!tpu.dma_semaphore, #tpu.memory_space<semaphore_mem>>, %arg17: memref<!tpu.dma_semaphore, #tpu.memory_space<semaphore_mem>>, %arg18: memref<!tpu.dma_semaphore, #tpu.memory_space<semaphore_mem>>, %arg19: memref<!tpu.dma_semaphore, #tpu.memory_space<semaphore_mem>>) attributes {dimension_semantics = [#tpu.dimension_semantics<core_parallel>, #tpu.dimension_semantics<subcore_parallel>], iteration_bounds = array<i64: 2, 16>, scalar_prefetch = 0 : i64, scratch_operands = 12 : i64, tpu.core_type = #tpu.core_type<sc_vector_subcore>, window_params = [{transform_indices = #map}, {transform_indices = #map}, {transform_indices = #map1}, {transform_indices = #map1}, {transform_indices = #map}, {transform_indices = #map}]} {
    %mul3A = arith.constant 640 : i32
    %mul3A_0 = arith.muli %arg1, %mul3A : i32
    %eq3A = arith.constant 0 : i32
    %eq3A_1 = arith.cmpi eq, %arg0, %eq3A : i32
    %convert_element_type3A = arith.extui %eq3A_1 : i1 to i32
    %cond3A = arith.constant 0 : i32
    %cond3A_2 = arith.cmpi ne, %convert_element_type3A, %cond3A : i32
    scf.if %cond3A_2 {
      %dma_start3A = arith.constant 0 : i32
      %dma_start3A_8 = arith.constant 0 : i32
      %dma_start3A_9 = arith.constant 0 : i32
      %dma_start3A_10 = tpu.memref_slice %arg4[%arg1, %dma_start3A, %dma_start3A_8, %dma_start3A_9] : memref<16x25x4x100xi32, #tpu.memory_space<hbm>> -> memref<1x1x4x100xi32, #tpu.memory_space<hbm>>
      %dma_start3A_11 = tpu.memref_squeeze %dma_start3A_10 : memref<1x1x4x100xi32, #tpu.memory_space<hbm>> -> memref<4x100xi32, #tpu.memory_space<hbm>>
      %dma_start3A_12 = arith.constant 0 : i32
      %dma_start3A_13 = arith.constant 0 : i32
      %dma_start3A_14 = tpu.memref_slice %arg4[%arg1, %dma_start3A, %dma_start3A_12, %dma_start3A_13] : memref<16x25x4x100xi32, #tpu.memory_space<hbm>> -> memref<1x1x4x100xi32, #tpu.memory_space<hbm>>
      %dma_start3A_15 = tpu.memref_squeeze %dma_start3A_14 : memref<1x1x4x100xi32, #tpu.memory_space<hbm>> -> memref<4x100xi32, #tpu.memory_space<hbm>>
      tpu.enqueue_dma source(%dma_start3A_15 : memref<4x100xi32, #tpu.memory_space<hbm>>) target(%arg8 : memref<4x100xi32, #tpu.memory_space<vmem>>) target_semaphore(%arg19 : memref<!tpu.dma_semaphore, #tpu.memory_space<semaphore_mem>>)
      %dma_start3A_16 = arith.constant 0 : i32
      %dma_start3A_17 = arith.constant 0 : i32
      %dma_start3A_18 = arith.constant 0 : i32
      %dma_start3A_19 = tpu.memref_slice %arg5[%arg1, %dma_start3A_16, %dma_start3A_17, %dma_start3A_18] : memref<16x25x4x100xi32, #tpu.memory_space<hbm>> -> memref<1x1x4x100xi32, #tpu.memory_space<hbm>>
      %dma_start3A_20 = tpu.memref_squeeze %dma_start3A_19 : memref<1x1x4x100xi32, #tpu.memory_space<hbm>> -> memref<4x100xi32, #tpu.memory_space<hbm>>
      %dma_start3A_21 = arith.constant 0 : i32
      %dma_start3A_22 = arith.constant 0 : i32
      %dma_start3A_23 = tpu.memref_slice %arg5[%arg1, %dma_start3A_16, %dma_start3A_21, %dma_start3A_22] : memref<16x25x4x100xi32, #tpu.memory_space<hbm>> -> memref<1x1x4x100xi32, #tpu.memory_space<hbm>>
      %dma_start3A_24 = tpu.memref_squeeze %dma_start3A_23 : memref<1x1x4x100xi32, #tpu.memory_space<hbm>> -> memref<4x100xi32, #tpu.memory_space<hbm>>
      tpu.enqueue_dma source(%dma_start3A_24 : memref<4x100xi32, #tpu.memory_space<hbm>>) target(%arg9 : memref<4x100xi32, #tpu.memory_space<vmem>>) target_semaphore(%arg19 : memref<!tpu.dma_semaphore, #tpu.memory_space<semaphore_mem>>)
      "tpu.region"() ({
        %run_scoped3A = tpu.sem_alloc : memref<!tpu.dma_semaphore, #tpu.memory_space<semaphore_mem>>
        %dma_start3A_179 = arith.constant 0 : i32
        %dma_start3A_180 = tpu.memref_slice %arg14[%mul3A_0, %dma_start3A_179] : memref<10240x128xf32, #tpu.memory_space<vmem_shared>> -> memref<640x128xf32, #tpu.memory_space<vmem_shared>>
        %dma_start3A_181 = arith.constant 0 : i32
        %dma_start3A_182 = tpu.memref_slice %arg2[%mul3A_0, %dma_start3A_181] : memref<10240x128xf32, #tpu.memory_space<hbm>> -> memref<640x128xf32, #tpu.memory_space<hbm>>
        tpu.enqueue_dma source(%dma_start3A_182 : memref<640x128xf32, #tpu.memory_space<hbm>>) target(%dma_start3A_180 : memref<640x128xf32, #tpu.memory_space<vmem_shared>>) target_semaphore(%run_scoped3A : memref<!tpu.dma_semaphore, #tpu.memory_space<semaphore_mem>>)
        %dma_wait3A_183 = arith.constant 0 : i32
        %dma_wait3A_184 = tpu.memref_slice %arg14[%mul3A_0, %dma_wait3A_183] : memref<10240x128xf32, #tpu.memory_space<vmem_shared>> -> memref<640x128xf32, #tpu.memory_space<vmem_shared>>
        %dma_wait3A_185 = arith.constant 0 : i32
        %dma_wait3A_186 = tpu.memref_slice %arg2[%mul3A_0, %dma_wait3A_185] : memref<10240x128xf32, #tpu.memory_space<hbm>> -> memref<640x128xf32, #tpu.memory_space<hbm>>
        tpu.wait_dma2 semaphore(%run_scoped3A : memref<!tpu.dma_semaphore, #tpu.memory_space<semaphore_mem>>) src(%dma_wait3A_186 : memref<640x128xf32, #tpu.memory_space<hbm>>) dst(%dma_wait3A_184 : memref<640x128xf32, #tpu.memory_space<vmem_shared>>)
        tpu.yield
      }) : () -> ()
      %dma_wait3A = arith.constant 0 : i32
      %dma_wait3A_25 = arith.constant 0 : i32
      %dma_wait3A_26 = arith.constant 0 : i32
      %dma_wait3A_27 = tpu.memref_slice %arg4[%arg1, %dma_wait3A, %dma_wait3A_25, %dma_wait3A_26] : memref<16x25x4x100xi32, #tpu.memory_space<hbm>> -> memref<1x1x4x100xi32, #tpu.memory_space<hbm>>
      %dma_wait3A_28 = tpu.memref_squeeze %dma_wait3A_27 : memref<1x1x4x100xi32, #tpu.memory_space<hbm>> -> memref<4x100xi32, #tpu.memory_space<hbm>>
      %dma_wait3A_29 = arith.constant 0 : i32
      %dma_wait3A_30 = arith.constant 0 : i32
      %dma_wait3A_31 = tpu.memref_slice %arg4[%arg1, %dma_wait3A, %dma_wait3A_29, %dma_wait3A_30] : memref<16x25x4x100xi32, #tpu.memory_space<hbm>> -> memref<1x1x4x100xi32, #tpu.memory_space<hbm>>
      %dma_wait3A_32 = tpu.memref_squeeze %dma_wait3A_31 : memref<1x1x4x100xi32, #tpu.memory_space<hbm>> -> memref<4x100xi32, #tpu.memory_space<hbm>>
      tpu.wait_dma2 semaphore(%arg19 : memref<!tpu.dma_semaphore, #tpu.memory_space<semaphore_mem>>) src(%dma_wait3A_32 : memref<4x100xi32, #tpu.memory_space<hbm>>) dst(%arg8 : memref<4x100xi32, #tpu.memory_space<vmem>>)
      %dma_wait3A_33 = arith.constant 0 : i32
      %dma_wait3A_34 = arith.constant 0 : i32
      %dma_wait3A_35 = arith.constant 0 : i32
      %dma_wait3A_36 = tpu.memref_slice %arg5[%arg1, %dma_wait3A_33, %dma_wait3A_34, %dma_wait3A_35] : memref<16x25x4x100xi32, #tpu.memory_space<hbm>> -> memref<1x1x4x100xi32, #tpu.memory_space<hbm>>
      %dma_wait3A_37 = tpu.memref_squeeze %dma_wait3A_36 : memref<1x1x4x100xi32, #tpu.memory_space<hbm>> -> memref<4x100xi32, #tpu.memory_space<hbm>>
      %dma_wait3A_38 = arith.constant 0 : i32
      %dma_wait3A_39 = arith.constant 0 : i32
      %dma_wait3A_40 = tpu.memref_slice %arg5[%arg1, %dma_wait3A_33, %dma_wait3A_38, %dma_wait3A_39] : memref<16x25x4x100xi32, #tpu.memory_space<hbm>> -> memref<1x1x4x100xi32, #tpu.memory_space<hbm>>
      %dma_wait3A_41 = tpu.memref_squeeze %dma_wait3A_40 : memref<1x1x4x100xi32, #tpu.memory_space<hbm>> -> memref<4x100xi32, #tpu.memory_space<hbm>>
      tpu.wait_dma2 semaphore(%arg19 : memref<!tpu.dma_semaphore, #tpu.memory_space<semaphore_mem>>) src(%dma_wait3A_41 : memref<4x100xi32, #tpu.memory_space<hbm>>) dst(%arg9 : memref<4x100xi32, #tpu.memory_space<vmem>>)
      %dma_start3A_42 = arith.constant 0 : i32
      %dma_start3A_43 = arith.constant 0 : i32
      %dma_start3A_44 = tpu.memref_slice %arg8[%dma_start3A_42, %dma_start3A_43] : memref<4x100xi32, #tpu.memory_space<vmem>> -> memref<1x100xi32, #tpu.memory_space<vmem>>
      %dma_start3A_45 = tpu.memref_squeeze %dma_start3A_44 : memref<1x100xi32, #tpu.memory_space<vmem>> -> memref<100xi32, #tpu.memory_space<vmem>>
      %dma_start3A_46 = arith.constant 0 : i32
      %dma_start3A_47 = arith.constant 0 : i32
      %dma_start3A_48 = tpu.memref_slice %arg2[%dma_start3A_46, %dma_start3A_47] : memref<10240x128xf32, #tpu.memory_space<hbm>> -> memref<10240x128xf32, #tpu.memory_space<hbm>>
      tpu.enqueue_indirect_dma source(%dma_start3A_48 : memref<10240x128xf32, #tpu.memory_space<hbm>>) target(%arg12 : memref<100x128xf32, #tpu.memory_space<vmem>>) offsets(%dma_start3A_45 : memref<100xi32, #tpu.memory_space<vmem>>) semaphore(%arg15 : memref<!tpu.dma_semaphore, #tpu.memory_space<semaphore_mem>>)
      %dma_start3A_49 = arith.constant 1 : i32
      %dma_start3A_50 = arith.constant 0 : i32
      %dma_start3A_51 = tpu.memref_slice %arg8[%dma_start3A_49, %dma_start3A_50] : memref<4x100xi32, #tpu.memory_space<vmem>> -> memref<1x100xi32, #tpu.memory_space<vmem>>
      %dma_start3A_52 = tpu.memref_squeeze %dma_start3A_51 : memref<1x100xi32, #tpu.memory_space<vmem>> -> memref<100xi32, #tpu.memory_space<vmem>>
      %dma_start3A_53 = arith.constant 0 : i32
      %dma_start3A_54 = arith.constant 0 : i32
      %dma_start3A_55 = tpu.memref_slice %arg2[%dma_start3A_53, %dma_start3A_54] : memref<10240x128xf32, #tpu.memory_space<hbm>> -> memref<10240x128xf32, #tpu.memory_space<hbm>>
      tpu.enqueue_indirect_dma source(%dma_start3A_55 : memref<10240x128xf32, #tpu.memory_space<hbm>>) target(%arg13 : memref<100x128xf32, #tpu.memory_space<vmem>>) offsets(%dma_start3A_52 : memref<100xi32, #tpu.memory_space<vmem>>) semaphore(%arg16 : memref<!tpu.dma_semaphore, #tpu.memory_space<semaphore_mem>>)
      %dma_start3A_56 = arith.constant 1 : i32
      %dma_start3A_57 = arith.constant 0 : i32
      %dma_start3A_58 = arith.constant 0 : i32
      %dma_start3A_59 = tpu.memref_slice %arg4[%arg1, %dma_start3A_56, %dma_start3A_57, %dma_start3A_58] : memref<16x25x4x100xi32, #tpu.memory_space<hbm>> -> memref<1x1x4x100xi32, #tpu.memory_space<hbm>>
      %dma_start3A_60 = tpu.memref_squeeze %dma_start3A_59 : memref<1x1x4x100xi32, #tpu.memory_space<hbm>> -> memref<4x100xi32, #tpu.memory_space<hbm>>
      %dma_start3A_61 = arith.constant 0 : i32
      %dma_start3A_62 = arith.constant 0 : i32
      %dma_start3A_63 = tpu.memref_slice %arg4[%arg1, %dma_start3A_56, %dma_start3A_61, %dma_start3A_62] : memref<16x25x4x100xi32, #tpu.memory_space<hbm>> -> memref<1x1x4x100xi32, #tpu.memory_space<hbm>>
      %dma_start3A_64 = tpu.memref_squeeze %dma_start3A_63 : memref<1x1x4x100xi32, #tpu.memory_space<hbm>> -> memref<4x100xi32, #tpu.memory_space<hbm>>
      tpu.enqueue_dma source(%dma_start3A_64 : memref<4x100xi32, #tpu.memory_space<hbm>>) target(%arg10 : memref<4x100xi32, #tpu.memory_space<vmem>>) target_semaphore(%arg19 : memref<!tpu.dma_semaphore, #tpu.memory_space<semaphore_mem>>)
      %dma_start3A_65 = arith.constant 1 : i32
      %dma_start3A_66 = arith.constant 0 : i32
      %dma_start3A_67 = arith.constant 0 : i32
      %dma_start3A_68 = tpu.memref_slice %arg5[%arg1, %dma_start3A_65, %dma_start3A_66, %dma_start3A_67] : memref<16x25x4x100xi32, #tpu.memory_space<hbm>> -> memref<1x1x4x100xi32, #tpu.memory_space<hbm>>
      %dma_start3A_69 = tpu.memref_squeeze %dma_start3A_68 : memref<1x1x4x100xi32, #tpu.memory_space<hbm>> -> memref<4x100xi32, #tpu.memory_space<hbm>>
      %dma_start3A_70 = arith.constant 0 : i32
      %dma_start3A_71 = arith.constant 0 : i32
      %dma_start3A_72 = tpu.memref_slice %arg5[%arg1, %dma_start3A_65, %dma_start3A_70, %dma_start3A_71] : memref<16x25x4x100xi32, #tpu.memory_space<hbm>> -> memref<1x1x4x100xi32, #tpu.memory_space<hbm>>
      %dma_start3A_73 = tpu.memref_squeeze %dma_start3A_72 : memref<1x1x4x100xi32, #tpu.memory_space<hbm>> -> memref<4x100xi32, #tpu.memory_space<hbm>>
      tpu.enqueue_dma source(%dma_start3A_73 : memref<4x100xi32, #tpu.memory_space<hbm>>) target(%arg11 : memref<4x100xi32, #tpu.memory_space<vmem>>) target_semaphore(%arg19 : memref<!tpu.dma_semaphore, #tpu.memory_space<semaphore_mem>>)
      %barrier3A = arith.constant 0 : index
      tpu.barrier barrier_id(%barrier3A)
      %scan3A = arith.constant 0 : i32
      %scan3A_74 = arith.constant 0 : i32
      %scan3A_75 = arith.constant 12 : i32
      %scan3A_76 = arith.addi %scan3A_74, %scan3A_75 : i32
      %scan3A_77 = arith.constant 1 : i32
      %scan3A_78 = scf.for %scan3A_179 = %scan3A_74 to %scan3A_76 step %scan3A_77 iter_args(%scan3A_180 = %scan3A) -> (i32)  : i32 {
        %mul3A_181 = arith.constant 2 : i32
        %mul3A_182 = arith.muli %mul3A_181, %scan3A_179 : i32
        %dma_wait3A_183 = arith.constant 0 : i32
        %dma_wait3A_184 = arith.constant 0 : i32
        %dma_wait3A_185 = tpu.memref_slice %arg8[%dma_wait3A_183, %dma_wait3A_184] : memref<4x100xi32, #tpu.memory_space<vmem>> -> memref<1x100xi32, #tpu.memory_space<vmem>>
        %dma_wait3A_186 = tpu.memref_squeeze %dma_wait3A_185 : memref<1x100xi32, #tpu.memory_space<vmem>> -> memref<100xi32, #tpu.memory_space<vmem>>
        %dma_wait3A_187 = arith.constant 0 : i32
        %dma_wait3A_188 = arith.constant 0 : i32
        %dma_wait3A_189 = tpu.memref_slice %arg2[%dma_wait3A_187, %dma_wait3A_188] : memref<10240x128xf32, #tpu.memory_space<hbm>> -> memref<10240x128xf32, #tpu.memory_space<hbm>>
        tpu.wait_indirect_dma semaphore(%arg15 : memref<!tpu.dma_semaphore, #tpu.memory_space<semaphore_mem>>) src(%dma_wait3A_189 : memref<10240x128xf32, #tpu.memory_space<hbm>>) dst(%arg12 : memref<100x128xf32, #tpu.memory_space<vmem>>)
        %dma_start3A_190 = arith.constant 0 : i32
        %dma_start3A_191 = arith.constant 0 : i32
        %dma_start3A_192 = tpu.memref_slice %arg9[%dma_start3A_190, %dma_start3A_191] : memref<4x100xi32, #tpu.memory_space<vmem>> -> memref<1x100xi32, #tpu.memory_space<vmem>>
        %dma_start3A_193 = tpu.memref_squeeze %dma_start3A_192 : memref<1x100xi32, #tpu.memory_space<vmem>> -> memref<100xi32, #tpu.memory_space<vmem>>
        %dma_start3A_194 = arith.constant 0 : i32
        %dma_start3A_195 = arith.constant 0 : i32
        %dma_start3A_196 = tpu.memref_slice %arg14[%dma_start3A_194, %dma_start3A_195] : memref<10240x128xf32, #tpu.memory_space<vmem_shared>> -> memref<10240x128xf32, #tpu.memory_space<vmem_shared>>
        tpu.enqueue_indirect_dma source(%arg12 : memref<100x128xf32, #tpu.memory_space<vmem>>) target(%dma_start3A_196 : memref<10240x128xf32, #tpu.memory_space<vmem_shared>>) offsets(%dma_start3A_193 : memref<100xi32, #tpu.memory_space<vmem>>) semaphore(%arg17 : memref<!tpu.dma_semaphore, #tpu.memory_space<semaphore_mem>>) {add = true}
        %dma_wait3A_197 = arith.constant 0 : i32
        %dma_wait3A_198 = arith.constant 0 : i32
        %dma_wait3A_199 = tpu.memref_slice %arg8[%dma_wait3A_197, %dma_wait3A_198] : memref<4x100xi32, #tpu.memory_space<vmem>> -> memref<1x100xi32, #tpu.memory_space<vmem>>
        %dma_wait3A_200 = tpu.memref_squeeze %dma_wait3A_199 : memref<1x100xi32, #tpu.memory_space<vmem>> -> memref<100xi32, #tpu.memory_space<vmem>>
        %dma_wait3A_201 = arith.constant 0 : i32
        %dma_wait3A_202 = arith.constant 0 : i32
        %dma_wait3A_203 = tpu.memref_slice %arg2[%dma_wait3A_201, %dma_wait3A_202] : memref<10240x128xf32, #tpu.memory_space<hbm>> -> memref<10240x128xf32, #tpu.memory_space<hbm>>
        tpu.wait_indirect_dma semaphore(%arg16 : memref<!tpu.dma_semaphore, #tpu.memory_space<semaphore_mem>>) src(%dma_wait3A_203 : memref<10240x128xf32, #tpu.memory_space<hbm>>) dst(%arg13 : memref<100x128xf32, #tpu.memory_space<vmem>>)
        %dma_start3A_204 = arith.constant 1 : i32
        %dma_start3A_205 = arith.constant 0 : i32
        %dma_start3A_206 = tpu.memref_slice %arg9[%dma_start3A_204, %dma_start3A_205] : memref<4x100xi32, #tpu.memory_space<vmem>> -> memref<1x100xi32, #tpu.memory_space<vmem>>
        %dma_start3A_207 = tpu.memref_squeeze %dma_start3A_206 : memref<1x100xi32, #tpu.memory_space<vmem>> -> memref<100xi32, #tpu.memory_space<vmem>>
        %dma_start3A_208 = arith.constant 0 : i32
        %dma_start3A_209 = arith.constant 0 : i32
        %dma_start3A_210 = tpu.memref_slice %arg14[%dma_start3A_208, %dma_start3A_209] : memref<10240x128xf32, #tpu.memory_space<vmem_shared>> -> memref<10240x128xf32, #tpu.memory_space<vmem_shared>>
        tpu.enqueue_indirect_dma source(%arg13 : memref<100x128xf32, #tpu.memory_space<vmem>>) target(%dma_start3A_210 : memref<10240x128xf32, #tpu.memory_space<vmem_shared>>) offsets(%dma_start3A_207 : memref<100xi32, #tpu.memory_space<vmem>>) semaphore(%arg18 : memref<!tpu.dma_semaphore, #tpu.memory_space<semaphore_mem>>) {add = true}
        %dma_wait3A_211 = arith.constant 0 : i32
        %dma_wait3A_212 = arith.constant 0 : i32
        %dma_wait3A_213 = tpu.memref_slice %arg9[%dma_wait3A_211, %dma_wait3A_212] : memref<4x100xi32, #tpu.memory_space<vmem>> -> memref<1x100xi32, #tpu.memory_space<vmem>>
        %dma_wait3A_214 = tpu.memref_squeeze %dma_wait3A_213 : memref<1x100xi32, #tpu.memory_space<vmem>> -> memref<100xi32, #tpu.memory_space<vmem>>
        %dma_wait3A_215 = arith.constant 0 : i32
        %dma_wait3A_216 = arith.constant 0 : i32
        %dma_wait3A_217 = tpu.memref_slice %arg14[%dma_wait3A_215, %dma_wait3A_216] : memref<10240x128xf32, #tpu.memory_space<vmem_shared>> -> memref<10240x128xf32, #tpu.memory_space<vmem_shared>>
        tpu.wait_indirect_dma semaphore(%arg17 : memref<!tpu.dma_semaphore, #tpu.memory_space<semaphore_mem>>) src(%arg12 : memref<100x128xf32, #tpu.memory_space<vmem>>) dst(%dma_wait3A_217 : memref<10240x128xf32, #tpu.memory_space<vmem_shared>>)
        %dma_start3A_218 = arith.constant 2 : i32
        %dma_start3A_219 = arith.constant 0 : i32
        %dma_start3A_220 = tpu.memref_slice %arg8[%dma_start3A_218, %dma_start3A_219] : memref<4x100xi32, #tpu.memory_space<vmem>> -> memref<1x100xi32, #tpu.memory_space<vmem>>
        %dma_start3A_221 = tpu.memref_squeeze %dma_start3A_220 : memref<1x100xi32, #tpu.memory_space<vmem>> -> memref<100xi32, #tpu.memory_space<vmem>>
        %dma_start3A_222 = arith.constant 0 : i32
        %dma_start3A_223 = arith.constant 0 : i32
        %dma_start3A_224 = tpu.memref_slice %arg2[%dma_start3A_222, %dma_start3A_223] : memref<10240x128xf32, #tpu.memory_space<hbm>> -> memref<10240x128xf32, #tpu.memory_space<hbm>>
        tpu.enqueue_indirect_dma source(%dma_start3A_224 : memref<10240x128xf32, #tpu.memory_space<hbm>>) target(%arg12 : memref<100x128xf32, #tpu.memory_space<vmem>>) offsets(%dma_start3A_221 : memref<100xi32, #tpu.memory_space<vmem>>) semaphore(%arg15 : memref<!tpu.dma_semaphore, #tpu.memory_space<semaphore_mem>>)
        %dma_wait3A_225 = arith.constant 0 : i32
        %dma_wait3A_226 = arith.constant 0 : i32
        %dma_wait3A_227 = tpu.memref_slice %arg9[%dma_wait3A_225, %dma_wait3A_226] : memref<4x100xi32, #tpu.memory_space<vmem>> -> memref<1x100xi32, #tpu.memory_space<vmem>>
        %dma_wait3A_228 = tpu.memref_squeeze %dma_wait3A_227 : memref<1x100xi32, #tpu.memory_space<vmem>> -> memref<100xi32, #tpu.memory_space<vmem>>
        %dma_wait3A_229 = arith.constant 0 : i32
        %dma_wait3A_230 = arith.constant 0 : i32
        %dma_wait3A_231 = tpu.memref_slice %arg14[%dma_wait3A_229, %dma_wait3A_230] : memref<10240x128xf32, #tpu.memory_space<vmem_shared>> -> memref<10240x128xf32, #tpu.memory_space<vmem_shared>>
        tpu.wait_indirect_dma semaphore(%arg18 : memref<!tpu.dma_semaphore, #tpu.memory_space<semaphore_mem>>) src(%arg13 : memref<100x128xf32, #tpu.memory_space<vmem>>) dst(%dma_wait3A_231 : memref<10240x128xf32, #tpu.memory_space<vmem_shared>>)
        %dma_start3A_232 = arith.constant 3 : i32
        %dma_start3A_233 = arith.constant 0 : i32
        %dma_start3A_234 = tpu.memref_slice %arg8[%dma_start3A_232, %dma_start3A_233] : memref<4x100xi32, #tpu.memory_space<vmem>> -> memref<1x100xi32, #tpu.memory_space<vmem>>
        %dma_start3A_235 = tpu.memref_squeeze %dma_start3A_234 : memref<1x100xi32, #tpu.memory_space<vmem>> -> memref<100xi32, #tpu.memory_space<vmem>>
        %dma_start3A_236 = arith.constant 0 : i32
        %dma_start3A_237 = arith.constant 0 : i32
        %dma_start3A_238 = tpu.memref_slice %arg2[%dma_start3A_236, %dma_start3A_237] : memref<10240x128xf32, #tpu.memory_space<hbm>> -> memref<10240x128xf32, #tpu.memory_space<hbm>>
        tpu.enqueue_indirect_dma source(%dma_start3A_238 : memref<10240x128xf32, #tpu.memory_space<hbm>>) target(%arg13 : memref<100x128xf32, #tpu.memory_space<vmem>>) offsets(%dma_start3A_235 : memref<100xi32, #tpu.memory_space<vmem>>) semaphore(%arg16 : memref<!tpu.dma_semaphore, #tpu.memory_space<semaphore_mem>>)
        %dma_wait3A_239 = arith.constant 0 : i32
        %dma_wait3A_240 = arith.constant 0 : i32
        %dma_wait3A_241 = tpu.memref_slice %arg8[%dma_wait3A_239, %dma_wait3A_240] : memref<4x100xi32, #tpu.memory_space<vmem>> -> memref<1x100xi32, #tpu.memory_space<vmem>>
        %dma_wait3A_242 = tpu.memref_squeeze %dma_wait3A_241 : memref<1x100xi32, #tpu.memory_space<vmem>> -> memref<100xi32, #tpu.memory_space<vmem>>
        %dma_wait3A_243 = arith.constant 0 : i32
        %dma_wait3A_244 = arith.constant 0 : i32
        %dma_wait3A_245 = tpu.memref_slice %arg2[%dma_wait3A_243, %dma_wait3A_244] : memref<10240x128xf32, #tpu.memory_space<hbm>> -> memref<10240x128xf32, #tpu.memory_space<hbm>>
        tpu.wait_indirect_dma semaphore(%arg15 : memref<!tpu.dma_semaphore, #tpu.memory_space<semaphore_mem>>) src(%dma_wait3A_245 : memref<10240x128xf32, #tpu.memory_space<hbm>>) dst(%arg12 : memref<100x128xf32, #tpu.memory_space<vmem>>)
        %dma_start3A_246 = arith.constant 2 : i32
        %dma_start3A_247 = arith.constant 0 : i32
        %dma_start3A_248 = tpu.memref_slice %arg9[%dma_start3A_246, %dma_start3A_247] : memref<4x100xi32, #tpu.memory_space<vmem>> -> memref<1x100xi32, #tpu.memory_space<vmem>>
        %dma_start3A_249 = tpu.memref_squeeze %dma_start3A_248 : memref<1x100xi32, #tpu.memory_space<vmem>> -> memref<100xi32, #tpu.memory_space<vmem>>
        %dma_start3A_250 = arith.constant 0 : i32
        %dma_start3A_251 = arith.constant 0 : i32
        %dma_start3A_252 = tpu.memref_slice %arg14[%dma_start3A_250, %dma_start3A_251] : memref<10240x128xf32, #tpu.memory_space<vmem_shared>> -> memref<10240x128xf32, #tpu.memory_space<vmem_shared>>
        tpu.enqueue_indirect_dma source(%arg12 : memref<100x128xf32, #tpu.memory_space<vmem>>) target(%dma_start3A_252 : memref<10240x128xf32, #tpu.memory_space<vmem_shared>>) offsets(%dma_start3A_249 : memref<100xi32, #tpu.memory_space<vmem>>) semaphore(%arg17 : memref<!tpu.dma_semaphore, #tpu.memory_space<semaphore_mem>>) {add = true}
        %dma_wait3A_253 = arith.constant 0 : i32
        %dma_wait3A_254 = arith.constant 0 : i32
        %dma_wait3A_255 = tpu.memref_slice %arg8[%dma_wait3A_253, %dma_wait3A_254] : memref<4x100xi32, #tpu.memory_space<vmem>> -> memref<1x100xi32, #tpu.memory_space<vmem>>
        %dma_wait3A_256 = tpu.memref_squeeze %dma_wait3A_255 : memref<1x100xi32, #tpu.memory_space<vmem>> -> memref<100xi32, #tpu.memory_space<vmem>>
        %dma_wait3A_257 = arith.constant 0 : i32
        %dma_wait3A_258 = arith.constant 0 : i32
        %dma_wait3A_259 = tpu.memref_slice %arg2[%dma_wait3A_257, %dma_wait3A_258] : memref<10240x128xf32, #tpu.memory_space<hbm>> -> memref<10240x128xf32, #tpu.memory_space<hbm>>
        tpu.wait_indirect_dma semaphore(%arg16 : memref<!tpu.dma_semaphore, #tpu.memory_space<semaphore_mem>>) src(%dma_wait3A_259 : memref<10240x128xf32, #tpu.memory_space<hbm>>) dst(%arg13 : memref<100x128xf32, #tpu.memory_space<vmem>>)
        %dma_start3A_260 = arith.constant 3 : i32
        %dma_start3A_261 = arith.constant 0 : i32
        %dma_start3A_262 = tpu.memref_slice %arg9[%dma_start3A_260, %dma_start3A_261] : memref<4x100xi32, #tpu.memory_space<vmem>> -> memref<1x100xi32, #tpu.memory_space<vmem>>
        %dma_start3A_263 = tpu.memref_squeeze %dma_start3A_262 : memref<1x100xi32, #tpu.memory_space<vmem>> -> memref<100xi32, #tpu.memory_space<vmem>>
        %dma_start3A_264 = arith.constant 0 : i32
        %dma_start3A_265 = arith.constant 0 : i32
        %dma_start3A_266 = tpu.memref_slice %arg14[%dma_start3A_264, %dma_start3A_265] : memref<10240x128xf32, #tpu.memory_space<vmem_shared>> -> memref<10240x128xf32, #tpu.memory_space<vmem_shared>>
        tpu.enqueue_indirect_dma source(%arg13 : memref<100x128xf32, #tpu.memory_space<vmem>>) target(%dma_start3A_266 : memref<10240x128xf32, #tpu.memory_space<vmem_shared>>) offsets(%dma_start3A_263 : memref<100xi32, #tpu.memory_space<vmem>>) semaphore(%arg18 : memref<!tpu.dma_semaphore, #tpu.memory_space<semaphore_mem>>) {add = true}
        %dma_wait3A_267 = arith.constant 0 : i32
        %dma_wait3A_268 = arith.constant 0 : i32
        %dma_wait3A_269 = arith.constant 0 : i32
        %dma_wait3A_270 = tpu.memref_slice %arg4[%arg1, %dma_wait3A_267, %dma_wait3A_268, %dma_wait3A_269] : memref<16x25x4x100xi32, #tpu.memory_space<hbm>> -> memref<1x1x4x100xi32, #tpu.memory_space<hbm>>
        %dma_wait3A_271 = tpu.memref_squeeze %dma_wait3A_270 : memref<1x1x4x100xi32, #tpu.memory_space<hbm>> -> memref<4x100xi32, #tpu.memory_space<hbm>>
        %dma_wait3A_272 = arith.constant 0 : i32
        %dma_wait3A_273 = arith.constant 0 : i32
        %dma_wait3A_274 = tpu.memref_slice %arg4[%arg1, %dma_wait3A_267, %dma_wait3A_272, %dma_wait3A_273] : memref<16x25x4x100xi32, #tpu.memory_space<hbm>> -> memref<1x1x4x100xi32, #tpu.memory_space<hbm>>
        %dma_wait3A_275 = tpu.memref_squeeze %dma_wait3A_274 : memref<1x1x4x100xi32, #tpu.memory_space<hbm>> -> memref<4x100xi32, #tpu.memory_space<hbm>>
        tpu.wait_dma2 semaphore(%arg19 : memref<!tpu.dma_semaphore, #tpu.memory_space<semaphore_mem>>) src(%dma_wait3A_275 : memref<4x100xi32, #tpu.memory_space<hbm>>) dst(%arg10 : memref<4x100xi32, #tpu.memory_space<vmem>>)
        %dma_wait3A_276 = arith.constant 0 : i32
        %dma_wait3A_277 = arith.constant 0 : i32
        %dma_wait3A_278 = arith.constant 0 : i32
        %dma_wait3A_279 = tpu.memref_slice %arg5[%arg1, %dma_wait3A_276, %dma_wait3A_277, %dma_wait3A_278] : memref<16x25x4x100xi32, #tpu.memory_space<hbm>> -> memref<1x1x4x100xi32, #tpu.memory_space<hbm>>
        %dma_wait3A_280 = tpu.memref_squeeze %dma_wait3A_279 : memref<1x1x4x100xi32, #tpu.memory_space<hbm>> -> memref<4x100xi32, #tpu.memory_space<hbm>>
        %dma_wait3A_281 = arith.constant 0 : i32
        %dma_wait3A_282 = arith.constant 0 : i32
        %dma_wait3A_283 = tpu.memref_slice %arg5[%arg1, %dma_wait3A_276, %dma_wait3A_281, %dma_wait3A_282] : memref<16x25x4x100xi32, #tpu.memory_space<hbm>> -> memref<1x1x4x100xi32, #tpu.memory_space<hbm>>
        %dma_wait3A_284 = tpu.memref_squeeze %dma_wait3A_283 : memref<1x1x4x100xi32, #tpu.memory_space<hbm>> -> memref<4x100xi32, #tpu.memory_space<hbm>>
        tpu.wait_dma2 semaphore(%arg19 : memref<!tpu.dma_semaphore, #tpu.memory_space<semaphore_mem>>) src(%dma_wait3A_284 : memref<4x100xi32, #tpu.memory_space<hbm>>) dst(%arg11 : memref<4x100xi32, #tpu.memory_space<vmem>>)
        %dma_wait3A_285 = arith.constant 0 : i32
        %dma_wait3A_286 = arith.constant 0 : i32
        %dma_wait3A_287 = tpu.memref_slice %arg9[%dma_wait3A_285, %dma_wait3A_286] : memref<4x100xi32, #tpu.memory_space<vmem>> -> memref<1x100xi32, #tpu.memory_space<vmem>>
        %dma_wait3A_288 = tpu.memref_squeeze %dma_wait3A_287 : memref<1x100xi32, #tpu.memory_space<vmem>> -> memref<100xi32, #tpu.memory_space<vmem>>
        %dma_wait3A_289 = arith.constant 0 : i32
        %dma_wait3A_290 = arith.constant 0 : i32
        %dma_wait3A_291 = tpu.memref_slice %arg14[%dma_wait3A_289, %dma_wait3A_290] : memref<10240x128xf32, #tpu.memory_space<vmem_shared>> -> memref<10240x128xf32, #tpu.memory_space<vmem_shared>>
        tpu.wait_indirect_dma semaphore(%arg17 : memref<!tpu.dma_semaphore, #tpu.memory_space<semaphore_mem>>) src(%arg12 : memref<100x128xf32, #tpu.memory_space<vmem>>) dst(%dma_wait3A_291 : memref<10240x128xf32, #tpu.memory_space<vmem_shared>>)
        %dma_start3A_292 = arith.constant 0 : i32
        %dma_start3A_293 = arith.constant 0 : i32
        %dma_start3A_294 = tpu.memref_slice %arg10[%dma_start3A_292, %dma_start3A_293] : memref<4x100xi32, #tpu.memory_space<vmem>> -> memref<1x100xi32, #tpu.memory_space<vmem>>
        %dma_start3A_295 = tpu.memref_squeeze %dma_start3A_294 : memref<1x100xi32, #tpu.memory_space<vmem>> -> memref<100xi32, #tpu.memory_space<vmem>>
        %dma_start3A_296 = arith.constant 0 : i32
        %dma_start3A_297 = arith.constant 0 : i32
        %dma_start3A_298 = tpu.memref_slice %arg2[%dma_start3A_296, %dma_start3A_297] : memref<10240x128xf32, #tpu.memory_space<hbm>> -> memref<10240x128xf32, #tpu.memory_space<hbm>>
        tpu.enqueue_indirect_dma source(%dma_start3A_298 : memref<10240x128xf32, #tpu.memory_space<hbm>>) target(%arg12 : memref<100x128xf32, #tpu.memory_space<vmem>>) offsets(%dma_start3A_295 : memref<100xi32, #tpu.memory_space<vmem>>) semaphore(%arg15 : memref<!tpu.dma_semaphore, #tpu.memory_space<semaphore_mem>>)
        %dma_wait3A_299 = arith.constant 0 : i32
        %dma_wait3A_300 = arith.constant 0 : i32
        %dma_wait3A_301 = tpu.memref_slice %arg9[%dma_wait3A_299, %dma_wait3A_300] : memref<4x100xi32, #tpu.memory_space<vmem>> -> memref<1x100xi32, #tpu.memory_space<vmem>>
        %dma_wait3A_302 = tpu.memref_squeeze %dma_wait3A_301 : memref<1x100xi32, #tpu.memory_space<vmem>> -> memref<100xi32, #tpu.memory_space<vmem>>
        %dma_wait3A_303 = arith.constant 0 : i32
        %dma_wait3A_304 = arith.constant 0 : i32
        %dma_wait3A_305 = tpu.memref_slice %arg14[%dma_wait3A_303, %dma_wait3A_304] : memref<10240x128xf32, #tpu.memory_space<vmem_shared>> -> memref<10240x128xf32, #tpu.memory_space<vmem_shared>>
        tpu.wait_indirect_dma semaphore(%arg18 : memref<!tpu.dma_semaphore, #tpu.memory_space<semaphore_mem>>) src(%arg13 : memref<100x128xf32, #tpu.memory_space<vmem>>) dst(%dma_wait3A_305 : memref<10240x128xf32, #tpu.memory_space<vmem_shared>>)
        %dma_start3A_306 = arith.constant 1 : i32
        %dma_start3A_307 = arith.constant 0 : i32
        %dma_start3A_308 = tpu.memref_slice %arg10[%dma_start3A_306, %dma_start3A_307] : memref<4x100xi32, #tpu.memory_space<vmem>> -> memref<1x100xi32, #tpu.memory_space<vmem>>
        %dma_start3A_309 = tpu.memref_squeeze %dma_start3A_308 : memref<1x100xi32, #tpu.memory_space<vmem>> -> memref<100xi32, #tpu.memory_space<vmem>>
        %dma_start3A_310 = arith.constant 0 : i32
        %dma_start3A_311 = arith.constant 0 : i32
        %dma_start3A_312 = tpu.memref_slice %arg2[%dma_start3A_310, %dma_start3A_311] : memref<10240x128xf32, #tpu.memory_space<hbm>> -> memref<10240x128xf32, #tpu.memory_space<hbm>>
        tpu.enqueue_indirect_dma source(%dma_start3A_312 : memref<10240x128xf32, #tpu.memory_space<hbm>>) target(%arg13 : memref<100x128xf32, #tpu.memory_space<vmem>>) offsets(%dma_start3A_309 : memref<100xi32, #tpu.memory_space<vmem>>) semaphore(%arg16 : memref<!tpu.dma_semaphore, #tpu.memory_space<semaphore_mem>>)
        %add3A = arith.constant 2 : i32
        %add3A_313 = arith.addi %mul3A_182, %add3A : i32
        %dma_start3A_314 = arith.constant 0 : i32
        %dma_start3A_315 = arith.constant 0 : i32
        %dma_start3A_316 = tpu.memref_slice %arg4[%arg1, %add3A_313, %dma_start3A_314, %dma_start3A_315] : memref<16x25x4x100xi32, #tpu.memory_space<hbm>> -> memref<1x1x4x100xi32, #tpu.memory_space<hbm>>
        %dma_start3A_317 = tpu.memref_squeeze %dma_start3A_316 : memref<1x1x4x100xi32, #tpu.memory_space<hbm>> -> memref<4x100xi32, #tpu.memory_space<hbm>>
        %dma_start3A_318 = arith.constant 0 : i32
        %dma_start3A_319 = arith.constant 0 : i32
        %dma_start3A_320 = tpu.memref_slice %arg4[%arg1, %add3A_313, %dma_start3A_318, %dma_start3A_319] : memref<16x25x4x100xi32, #tpu.memory_space<hbm>> -> memref<1x1x4x100xi32, #tpu.memory_space<hbm>>
        %dma_start3A_321 = tpu.memref_squeeze %dma_start3A_320 : memref<1x1x4x100xi32, #tpu.memory_space<hbm>> -> memref<4x100xi32, #tpu.memory_space<hbm>>
        tpu.enqueue_dma source(%dma_start3A_321 : memref<4x100xi32, #tpu.memory_space<hbm>>) target(%arg8 : memref<4x100xi32, #tpu.memory_space<vmem>>) target_semaphore(%arg19 : memref<!tpu.dma_semaphore, #tpu.memory_space<semaphore_mem>>)
        %dma_start3A_322 = arith.constant 0 : i32
        %dma_start3A_323 = arith.constant 0 : i32
        %dma_start3A_324 = tpu.memref_slice %arg5[%arg1, %add3A_313, %dma_start3A_322, %dma_start3A_323] : memref<16x25x4x100xi32, #tpu.memory_space<hbm>> -> memref<1x1x4x100xi32, #tpu.memory_space<hbm>>
        %dma_start3A_325 = tpu.memref_squeeze %dma_start3A_324 : memref<1x1x4x100xi32, #tpu.memory_space<hbm>> -> memref<4x100xi32, #tpu.memory_space<hbm>>
        %dma_start3A_326 = arith.constant 0 : i32
        %dma_start3A_327 = arith.constant 0 : i32
        %dma_start3A_328 = tpu.memref_slice %arg5[%arg1, %add3A_313, %dma_start3A_326, %dma_start3A_327] : memref<16x25x4x100xi32, #tpu.memory_space<hbm>> -> memref<1x1x4x100xi32, #tpu.memory_space<hbm>>
        %dma_start3A_329 = tpu.memref_squeeze %dma_start3A_328 : memref<1x1x4x100xi32, #tpu.memory_space<hbm>> -> memref<4x100xi32, #tpu.memory_space<hbm>>
        tpu.enqueue_dma source(%dma_start3A_329 : memref<4x100xi32, #tpu.memory_space<hbm>>) target(%arg9 : memref<4x100xi32, #tpu.memory_space<vmem>>) target_semaphore(%arg19 : memref<!tpu.dma_semaphore, #tpu.memory_space<semaphore_mem>>)
        %dma_wait3A_330 = arith.constant 0 : i32
        %dma_wait3A_331 = arith.constant 0 : i32
        %dma_wait3A_332 = tpu.memref_slice %arg8[%dma_wait3A_330, %dma_wait3A_331] : memref<4x100xi32, #tpu.memory_space<vmem>> -> memref<1x100xi32, #tpu.memory_space<vmem>>
        %dma_wait3A_333 = tpu.memref_squeeze %dma_wait3A_332 : memref<1x100xi32, #tpu.memory_space<vmem>> -> memref<100xi32, #tpu.memory_space<vmem>>
        %dma_wait3A_334 = arith.constant 0 : i32
        %dma_wait3A_335 = arith.constant 0 : i32
        %dma_wait3A_336 = tpu.memref_slice %arg2[%dma_wait3A_334, %dma_wait3A_335] : memref<10240x128xf32, #tpu.memory_space<hbm>> -> memref<10240x128xf32, #tpu.memory_space<hbm>>
        tpu.wait_indirect_dma semaphore(%arg15 : memref<!tpu.dma_semaphore, #tpu.memory_space<semaphore_mem>>) src(%dma_wait3A_336 : memref<10240x128xf32, #tpu.memory_space<hbm>>) dst(%arg12 : memref<100x128xf32, #tpu.memory_space<vmem>>)
        %dma_start3A_337 = arith.constant 0 : i32
        %dma_start3A_338 = arith.constant 0 : i32
        %dma_start3A_339 = tpu.memref_slice %arg11[%dma_start3A_337, %dma_start3A_338] : memref<4x100xi32, #tpu.memory_space<vmem>> -> memref<1x100xi32, #tpu.memory_space<vmem>>
        %dma_start3A_340 = tpu.memref_squeeze %dma_start3A_339 : memref<1x100xi32, #tpu.memory_space<vmem>> -> memref<100xi32, #tpu.memory_space<vmem>>
        %dma_start3A_341 = arith.constant 0 : i32
        %dma_start3A_342 = arith.constant 0 : i32
        %dma_start3A_343 = tpu.memref_slice %arg14[%dma_start3A_341, %dma_start3A_342] : memref<10240x128xf32, #tpu.memory_space<vmem_shared>> -> memref<10240x128xf32, #tpu.memory_space<vmem_shared>>
        tpu.enqueue_indirect_dma source(%arg12 : memref<100x128xf32, #tpu.memory_space<vmem>>) target(%dma_start3A_343 : memref<10240x128xf32, #tpu.memory_space<vmem_shared>>) offsets(%dma_start3A_340 : memref<100xi32, #tpu.memory_space<vmem>>) semaphore(%arg17 : memref<!tpu.dma_semaphore, #tpu.memory_space<semaphore_mem>>) {add = true}
        %dma_wait3A_344 = arith.constant 0 : i32
        %dma_wait3A_345 = arith.constant 0 : i32
        %dma_wait3A_346 = tpu.memref_slice %arg8[%dma_wait3A_344, %dma_wait3A_345] : memref<4x100xi32, #tpu.memory_space<vmem>> -> memref<1x100xi32, #tpu.memory_space<vmem>>
        %dma_wait3A_347 = tpu.memref_squeeze %dma_wait3A_346 : memref<1x100xi32, #tpu.memory_space<vmem>> -> memref<100xi32, #tpu.memory_space<vmem>>
        %dma_wait3A_348 = arith.constant 0 : i32
        %dma_wait3A_349 = arith.constant 0 : i32
        %dma_wait3A_350 = tpu.memref_slice %arg2[%dma_wait3A_348, %dma_wait3A_349] : memref<10240x128xf32, #tpu.memory_space<hbm>> -> memref<10240x128xf32, #tpu.memory_space<hbm>>
        tpu.wait_indirect_dma semaphore(%arg16 : memref<!tpu.dma_semaphore, #tpu.memory_space<semaphore_mem>>) src(%dma_wait3A_350 : memref<10240x128xf32, #tpu.memory_space<hbm>>) dst(%arg13 : memref<100x128xf32, #tpu.memory_space<vmem>>)
        %dma_start3A_351 = arith.constant 1 : i32
        %dma_start3A_352 = arith.constant 0 : i32
        %dma_start3A_353 = tpu.memref_slice %arg11[%dma_start3A_351, %dma_start3A_352] : memref<4x100xi32, #tpu.memory_space<vmem>> -> memref<1x100xi32, #tpu.memory_space<vmem>>
        %dma_start3A_354 = tpu.memref_squeeze %dma_start3A_353 : memref<1x100xi32, #tpu.memory_space<vmem>> -> memref<100xi32, #tpu.memory_space<vmem>>
        %dma_start3A_355 = arith.constant 0 : i32
        %dma_start3A_356 = arith.constant 0 : i32
        %dma_start3A_357 = tpu.memref_slice %arg14[%dma_start3A_355, %dma_start3A_356] : memref<10240x128xf32, #tpu.memory_space<vmem_shared>> -> memref<10240x128xf32, #tpu.memory_space<vmem_shared>>
        tpu.enqueue_indirect_dma source(%arg13 : memref<100x128xf32, #tpu.memory_space<vmem>>) target(%dma_start3A_357 : memref<10240x128xf32, #tpu.memory_space<vmem_shared>>) offsets(%dma_start3A_354 : memref<100xi32, #tpu.memory_space<vmem>>) semaphore(%arg18 : memref<!tpu.dma_semaphore, #tpu.memory_space<semaphore_mem>>) {add = true}
        %dma_wait3A_358 = arith.constant 0 : i32
        %dma_wait3A_359 = arith.constant 0 : i32
        %dma_wait3A_360 = tpu.memref_slice %arg9[%dma_wait3A_358, %dma_wait3A_359] : memref<4x100xi32, #tpu.memory_space<vmem>> -> memref<1x100xi32, #tpu.memory_space<vmem>>
        %dma_wait3A_361 = tpu.memref_squeeze %dma_wait3A_360 : memref<1x100xi32, #tpu.memory_space<vmem>> -> memref<100xi32, #tpu.memory_space<vmem>>
        %dma_wait3A_362 = arith.constant 0 : i32
        %dma_wait3A_363 = arith.constant 0 : i32
        %dma_wait3A_364 = tpu.memref_slice %arg14[%dma_wait3A_362, %dma_wait3A_363] : memref<10240x128xf32, #tpu.memory_space<vmem_shared>> -> memref<10240x128xf32, #tpu.memory_space<vmem_shared>>
        tpu.wait_indirect_dma semaphore(%arg17 : memref<!tpu.dma_semaphore, #tpu.memory_space<semaphore_mem>>) src(%arg12 : memref<100x128xf32, #tpu.memory_space<vmem>>) dst(%dma_wait3A_364 : memref<10240x128xf32, #tpu.memory_space<vmem_shared>>)
        %dma_start3A_365 = arith.constant 2 : i32
        %dma_start3A_366 = arith.constant 0 : i32
        %dma_start3A_367 = tpu.memref_slice %arg10[%dma_start3A_365, %dma_start3A_366] : memref<4x100xi32, #tpu.memory_space<vmem>> -> memref<1x100xi32, #tpu.memory_space<vmem>>
        %dma_start3A_368 = tpu.memref_squeeze %dma_start3A_367 : memref<1x100xi32, #tpu.memory_space<vmem>> -> memref<100xi32, #tpu.memory_space<vmem>>
        %dma_start3A_369 = arith.constant 0 : i32
        %dma_start3A_370 = arith.constant 0 : i32
        %dma_start3A_371 = tpu.memref_slice %arg2[%dma_start3A_369, %dma_start3A_370] : memref<10240x128xf32, #tpu.memory_space<hbm>> -> memref<10240x128xf32, #tpu.memory_space<hbm>>
        tpu.enqueue_indirect_dma source(%dma_start3A_371 : memref<10240x128xf32, #tpu.memory_space<hbm>>) target(%arg12 : memref<100x128xf32, #tpu.memory_space<vmem>>) offsets(%dma_start3A_368 : memref<100xi32, #tpu.memory_space<vmem>>) semaphore(%arg15 : memref<!tpu.dma_semaphore, #tpu.memory_space<semaphore_mem>>)
        %dma_wait3A_372 = arith.constant 0 : i32
        %dma_wait3A_373 = arith.constant 0 : i32
        %dma_wait3A_374 = tpu.memref_slice %arg9[%dma_wait3A_372, %dma_wait3A_373] : memref<4x100xi32, #tpu.memory_space<vmem>> -> memref<1x100xi32, #tpu.memory_space<vmem>>
        %dma_wait3A_375 = tpu.memref_squeeze %dma_wait3A_374 : memref<1x100xi32, #tpu.memory_space<vmem>> -> memref<100xi32, #tpu.memory_space<vmem>>
        %dma_wait3A_376 = arith.constant 0 : i32
        %dma_wait3A_377 = arith.constant 0 : i32
        %dma_wait3A_378 = tpu.memref_slice %arg14[%dma_wait3A_376, %dma_wait3A_377] : memref<10240x128xf32, #tpu.memory_space<vmem_shared>> -> memref<10240x128xf32, #tpu.memory_space<vmem_shared>>
        tpu.wait_indirect_dma semaphore(%arg18 : memref<!tpu.dma_semaphore, #tpu.memory_space<semaphore_mem>>) src(%arg13 : memref<100x128xf32, #tpu.memory_space<vmem>>) dst(%dma_wait3A_378 : memref<10240x128xf32, #tpu.memory_space<vmem_shared>>)
        %dma_start3A_379 = arith.constant 3 : i32
        %dma_start3A_380 = arith.constant 0 : i32
        %dma_start3A_381 = tpu.memref_slice %arg10[%dma_start3A_379, %dma_start3A_380] : memref<4x100xi32, #tpu.memory_space<vmem>> -> memref<1x100xi32, #tpu.memory_space<vmem>>
        %dma_start3A_382 = tpu.memref_squeeze %dma_start3A_381 : memref<1x100xi32, #tpu.memory_space<vmem>> -> memref<100xi32, #tpu.memory_space<vmem>>
        %dma_start3A_383 = arith.constant 0 : i32
        %dma_start3A_384 = arith.constant 0 : i32
        %dma_start3A_385 = tpu.memref_slice %arg2[%dma_start3A_383, %dma_start3A_384] : memref<10240x128xf32, #tpu.memory_space<hbm>> -> memref<10240x128xf32, #tpu.memory_space<hbm>>
        tpu.enqueue_indirect_dma source(%dma_start3A_385 : memref<10240x128xf32, #tpu.memory_space<hbm>>) target(%arg13 : memref<100x128xf32, #tpu.memory_space<vmem>>) offsets(%dma_start3A_382 : memref<100xi32, #tpu.memory_space<vmem>>) semaphore(%arg16 : memref<!tpu.dma_semaphore, #tpu.memory_space<semaphore_mem>>)
        %dma_wait3A_386 = arith.constant 0 : i32
        %dma_wait3A_387 = arith.constant 0 : i32
        %dma_wait3A_388 = tpu.memref_slice %arg8[%dma_wait3A_386, %dma_wait3A_387] : memref<4x100xi32, #tpu.memory_space<vmem>> -> memref<1x100xi32, #tpu.memory_space<vmem>>
        %dma_wait3A_389 = tpu.memref_squeeze %dma_wait3A_388 : memref<1x100xi32, #tpu.memory_space<vmem>> -> memref<100xi32, #tpu.memory_space<vmem>>
        %dma_wait3A_390 = arith.constant 0 : i32
        %dma_wait3A_391 = arith.constant 0 : i32
        %dma_wait3A_392 = tpu.memref_slice %arg2[%dma_wait3A_390, %dma_wait3A_391] : memref<10240x128xf32, #tpu.memory_space<hbm>> -> memref<10240x128xf32, #tpu.memory_space<hbm>>
        tpu.wait_indirect_dma semaphore(%arg15 : memref<!tpu.dma_semaphore, #tpu.memory_space<semaphore_mem>>) src(%dma_wait3A_392 : memref<10240x128xf32, #tpu.memory_space<hbm>>) dst(%arg12 : memref<100x128xf32, #tpu.memory_space<vmem>>)
        %dma_start3A_393 = arith.constant 2 : i32
        %dma_start3A_394 = arith.constant 0 : i32
        %dma_start3A_395 = tpu.memref_slice %arg11[%dma_start3A_393, %dma_start3A_394] : memref<4x100xi32, #tpu.memory_space<vmem>> -> memref<1x100xi32, #tpu.memory_space<vmem>>
        %dma_start3A_396 = tpu.memref_squeeze %dma_start3A_395 : memref<1x100xi32, #tpu.memory_space<vmem>> -> memref<100xi32, #tpu.memory_space<vmem>>
        %dma_start3A_397 = arith.constant 0 : i32
        %dma_start3A_398 = arith.constant 0 : i32
        %dma_start3A_399 = tpu.memref_slice %arg14[%dma_start3A_397, %dma_start3A_398] : memref<10240x128xf32, #tpu.memory_space<vmem_shared>> -> memref<10240x128xf32, #tpu.memory_space<vmem_shared>>
        tpu.enqueue_indirect_dma source(%arg12 : memref<100x128xf32, #tpu.memory_space<vmem>>) target(%dma_start3A_399 : memref<10240x128xf32, #tpu.memory_space<vmem_shared>>) offsets(%dma_start3A_396 : memref<100xi32, #tpu.memory_space<vmem>>) semaphore(%arg17 : memref<!tpu.dma_semaphore, #tpu.memory_space<semaphore_mem>>) {add = true}
        %dma_wait3A_400 = arith.constant 0 : i32
        %dma_wait3A_401 = arith.constant 0 : i32
        %dma_wait3A_402 = tpu.memref_slice %arg8[%dma_wait3A_400, %dma_wait3A_401] : memref<4x100xi32, #tpu.memory_space<vmem>> -> memref<1x100xi32, #tpu.memory_space<vmem>>
        %dma_wait3A_403 = tpu.memref_squeeze %dma_wait3A_402 : memref<1x100xi32, #tpu.memory_space<vmem>> -> memref<100xi32, #tpu.memory_space<vmem>>
        %dma_wait3A_404 = arith.constant 0 : i32
        %dma_wait3A_405 = arith.constant 0 : i32
        %dma_wait3A_406 = tpu.memref_slice %arg2[%dma_wait3A_404, %dma_wait3A_405] : memref<10240x128xf32, #tpu.memory_space<hbm>> -> memref<10240x128xf32, #tpu.memory_space<hbm>>
        tpu.wait_indirect_dma semaphore(%arg16 : memref<!tpu.dma_semaphore, #tpu.memory_space<semaphore_mem>>) src(%dma_wait3A_406 : memref<10240x128xf32, #tpu.memory_space<hbm>>) dst(%arg13 : memref<100x128xf32, #tpu.memory_space<vmem>>)
        %dma_start3A_407 = arith.constant 3 : i32
        %dma_start3A_408 = arith.constant 0 : i32
        %dma_start3A_409 = tpu.memref_slice %arg11[%dma_start3A_407, %dma_start3A_408] : memref<4x100xi32, #tpu.memory_space<vmem>> -> memref<1x100xi32, #tpu.memory_space<vmem>>
        %dma_start3A_410 = tpu.memref_squeeze %dma_start3A_409 : memref<1x100xi32, #tpu.memory_space<vmem>> -> memref<100xi32, #tpu.memory_space<vmem>>
        %dma_start3A_411 = arith.constant 0 : i32
        %dma_start3A_412 = arith.constant 0 : i32
        %dma_start3A_413 = tpu.memref_slice %arg14[%dma_start3A_411, %dma_start3A_412] : memref<10240x128xf32, #tpu.memory_space<vmem_shared>> -> memref<10240x128xf32, #tpu.memory_space<vmem_shared>>
        tpu.enqueue_indirect_dma source(%arg13 : memref<100x128xf32, #tpu.memory_space<vmem>>) target(%dma_start3A_413 : memref<10240x128xf32, #tpu.memory_space<vmem_shared>>) offsets(%dma_start3A_410 : memref<100xi32, #tpu.memory_space<vmem>>) semaphore(%arg18 : memref<!tpu.dma_semaphore, #tpu.memory_space<semaphore_mem>>) {add = true}
        %dma_wait3A_414 = arith.constant 0 : i32
        %dma_wait3A_415 = arith.constant 0 : i32
        %dma_wait3A_416 = arith.constant 0 : i32
        %dma_wait3A_417 = tpu.memref_slice %arg4[%arg1, %dma_wait3A_414, %dma_wait3A_415, %dma_wait3A_416] : memref<16x25x4x100xi32, #tpu.memory_space<hbm>> -> memref<1x1x4x100xi32, #tpu.memory_space<hbm>>
        %dma_wait3A_418 = tpu.memref_squeeze %dma_wait3A_417 : memref<1x1x4x100xi32, #tpu.memory_space<hbm>> -> memref<4x100xi32, #tpu.memory_space<hbm>>
        %dma_wait3A_419 = arith.constant 0 : i32
        %dma_wait3A_420 = arith.constant 0 : i32
        %dma_wait3A_421 = tpu.memref_slice %arg4[%arg1, %dma_wait3A_414, %dma_wait3A_419, %dma_wait3A_420] : memref<16x25x4x100xi32, #tpu.memory_space<hbm>> -> memref<1x1x4x100xi32, #tpu.memory_space<hbm>>
        %dma_wait3A_422 = tpu.memref_squeeze %dma_wait3A_421 : memref<1x1x4x100xi32, #tpu.memory_space<hbm>> -> memref<4x100xi32, #tpu.memory_space<hbm>>
        tpu.wait_dma2 semaphore(%arg19 : memref<!tpu.dma_semaphore, #tpu.memory_space<semaphore_mem>>) src(%dma_wait3A_422 : memref<4x100xi32, #tpu.memory_space<hbm>>) dst(%arg8 : memref<4x100xi32, #tpu.memory_space<vmem>>)
        %dma_wait3A_423 = arith.constant 0 : i32
        %dma_wait3A_424 = arith.constant 0 : i32
        %dma_wait3A_425 = arith.constant 0 : i32
        %dma_wait3A_426 = tpu.memref_slice %arg5[%arg1, %dma_wait3A_423, %dma_wait3A_424, %dma_wait3A_425] : memref<16x25x4x100xi32, #tpu.memory_space<hbm>> -> memref<1x1x4x100xi32, #tpu.memory_space<hbm>>
        %dma_wait3A_427 = tpu.memref_squeeze %dma_wait3A_426 : memref<1x1x4x100xi32, #tpu.memory_space<hbm>> -> memref<4x100xi32, #tpu.memory_space<hbm>>
        %dma_wait3A_428 = arith.constant 0 : i32
        %dma_wait3A_429 = arith.constant 0 : i32
        %dma_wait3A_430 = tpu.memref_slice %arg5[%arg1, %dma_wait3A_423, %dma_wait3A_428, %dma_wait3A_429] : memref<16x25x4x100xi32, #tpu.memory_space<hbm>> -> memref<1x1x4x100xi32, #tpu.memory_space<hbm>>
        %dma_wait3A_431 = tpu.memref_squeeze %dma_wait3A_430 : memref<1x1x4x100xi32, #tpu.memory_space<hbm>> -> memref<4x100xi32, #tpu.memory_space<hbm>>
        tpu.wait_dma2 semaphore(%arg19 : memref<!tpu.dma_semaphore, #tpu.memory_space<semaphore_mem>>) src(%dma_wait3A_431 : memref<4x100xi32, #tpu.memory_space<hbm>>) dst(%arg9 : memref<4x100xi32, #tpu.memory_space<vmem>>)
        %dma_wait3A_432 = arith.constant 0 : i32
        %dma_wait3A_433 = arith.constant 0 : i32
        %dma_wait3A_434 = tpu.memref_slice %arg9[%dma_wait3A_432, %dma_wait3A_433] : memref<4x100xi32, #tpu.memory_space<vmem>> -> memref<1x100xi32, #tpu.memory_space<vmem>>
        %dma_wait3A_435 = tpu.memref_squeeze %dma_wait3A_434 : memref<1x100xi32, #tpu.memory_space<vmem>> -> memref<100xi32, #tpu.memory_space<vmem>>
        %dma_wait3A_436 = arith.constant 0 : i32
        %dma_wait3A_437 = arith.constant 0 : i32
        %dma_wait3A_438 = tpu.memref_slice %arg14[%dma_wait3A_436, %dma_wait3A_437] : memref<10240x128xf32, #tpu.memory_space<vmem_shared>> -> memref<10240x128xf32, #tpu.memory_space<vmem_shared>>
        tpu.wait_indirect_dma semaphore(%arg17 : memref<!tpu.dma_semaphore, #tpu.memory_space<semaphore_mem>>) src(%arg12 : memref<100x128xf32, #tpu.memory_space<vmem>>) dst(%dma_wait3A_438 : memref<10240x128xf32, #tpu.memory_space<vmem_shared>>)
        %dma_start3A_439 = arith.constant 0 : i32
        %dma_start3A_440 = arith.constant 0 : i32
        %dma_start3A_441 = tpu.memref_slice %arg8[%dma_start3A_439, %dma_start3A_440] : memref<4x100xi32, #tpu.memory_space<vmem>> -> memref<1x100xi32, #tpu.memory_space<vmem>>
        %dma_start3A_442 = tpu.memref_squeeze %dma_start3A_441 : memref<1x100xi32, #tpu.memory_space<vmem>> -> memref<100xi32, #tpu.memory_space<vmem>>
        %dma_start3A_443 = arith.constant 0 : i32
        %dma_start3A_444 = arith.constant 0 : i32
        %dma_start3A_445 = tpu.memref_slice %arg2[%dma_start3A_443, %dma_start3A_444] : memref<10240x128xf32, #tpu.memory_space<hbm>> -> memref<10240x128xf32, #tpu.memory_space<hbm>>
        tpu.enqueue_indirect_dma source(%dma_start3A_445 : memref<10240x128xf32, #tpu.memory_space<hbm>>) target(%arg12 : memref<100x128xf32, #tpu.memory_space<vmem>>) offsets(%dma_start3A_442 : memref<100xi32, #tpu.memory_space<vmem>>) semaphore(%arg15 : memref<!tpu.dma_semaphore, #tpu.memory_space<semaphore_mem>>)
        %dma_wait3A_446 = arith.constant 0 : i32
        %dma_wait3A_447 = arith.constant 0 : i32
        %dma_wait3A_448 = tpu.memref_slice %arg9[%dma_wait3A_446, %dma_wait3A_447] : memref<4x100xi32, #tpu.memory_space<vmem>> -> memref<1x100xi32, #tpu.memory_space<vmem>>
        %dma_wait3A_449 = tpu.memref_squeeze %dma_wait3A_448 : memref<1x100xi32, #tpu.memory_space<vmem>> -> memref<100xi32, #tpu.memory_space<vmem>>
        %dma_wait3A_450 = arith.constant 0 : i32
        %dma_wait3A_451 = arith.constant 0 : i32
        %dma_wait3A_452 = tpu.memref_slice %arg14[%dma_wait3A_450, %dma_wait3A_451] : memref<10240x128xf32, #tpu.memory_space<vmem_shared>> -> memref<10240x128xf32, #tpu.memory_space<vmem_shared>>
        tpu.wait_indirect_dma semaphore(%arg18 : memref<!tpu.dma_semaphore, #tpu.memory_space<semaphore_mem>>) src(%arg13 : memref<100x128xf32, #tpu.memory_space<vmem>>) dst(%dma_wait3A_452 : memref<10240x128xf32, #tpu.memory_space<vmem_shared>>)
        %dma_start3A_453 = arith.constant 1 : i32
        %dma_start3A_454 = arith.constant 0 : i32
        %dma_start3A_455 = tpu.memref_slice %arg8[%dma_start3A_453, %dma_start3A_454] : memref<4x100xi32, #tpu.memory_space<vmem>> -> memref<1x100xi32, #tpu.memory_space<vmem>>
        %dma_start3A_456 = tpu.memref_squeeze %dma_start3A_455 : memref<1x100xi32, #tpu.memory_space<vmem>> -> memref<100xi32, #tpu.memory_space<vmem>>
        %dma_start3A_457 = arith.constant 0 : i32
        %dma_start3A_458 = arith.constant 0 : i32
        %dma_start3A_459 = tpu.memref_slice %arg2[%dma_start3A_457, %dma_start3A_458] : memref<10240x128xf32, #tpu.memory_space<hbm>> -> memref<10240x128xf32, #tpu.memory_space<hbm>>
        tpu.enqueue_indirect_dma source(%dma_start3A_459 : memref<10240x128xf32, #tpu.memory_space<hbm>>) target(%arg13 : memref<100x128xf32, #tpu.memory_space<vmem>>) offsets(%dma_start3A_456 : memref<100xi32, #tpu.memory_space<vmem>>) semaphore(%arg16 : memref<!tpu.dma_semaphore, #tpu.memory_space<semaphore_mem>>)
        %add3A_460 = arith.constant 3 : i32
        %add3A_461 = arith.addi %mul3A_182, %add3A_460 : i32
        %lt3A = arith.constant 25 : i32
        %lt3A_462 = arith.cmpi slt, %add3A_461, %lt3A : i32
        %convert_element_type3A_463 = arith.extui %lt3A_462 : i1 to i32
        %cond3A_464 = arith.constant 0 : i32
        %cond3A_465 = arith.cmpi ne, %convert_element_type3A_463, %cond3A_464 : i32
        scf.if %cond3A_465 {
          %add3A_467 = arith.constant 3 : i32
          %add3A_468 = arith.addi %mul3A_182, %add3A_467 : i32
          %dma_start3A_469 = arith.constant 0 : i32
          %dma_start3A_470 = arith.constant 0 : i32
          %dma_start3A_471 = tpu.memref_slice %arg4[%arg1, %add3A_468, %dma_start3A_469, %dma_start3A_470] : memref<16x25x4x100xi32, #tpu.memory_space<hbm>> -> memref<1x1x4x100xi32, #tpu.memory_space<hbm>>
          %dma_start3A_472 = tpu.memref_squeeze %dma_start3A_471 : memref<1x1x4x100xi32, #tpu.memory_space<hbm>> -> memref<4x100xi32, #tpu.memory_space<hbm>>
          %dma_start3A_473 = arith.constant 0 : i32
          %dma_start3A_474 = arith.constant 0 : i32
          %dma_start3A_475 = tpu.memref_slice %arg4[%arg1, %add3A_468, %dma_start3A_473, %dma_start3A_474] : memref<16x25x4x100xi32, #tpu.memory_space<hbm>> -> memref<1x1x4x100xi32, #tpu.memory_space<hbm>>
          %dma_start3A_476 = tpu.memref_squeeze %dma_start3A_475 : memref<1x1x4x100xi32, #tpu.memory_space<hbm>> -> memref<4x100xi32, #tpu.memory_space<hbm>>
          tpu.enqueue_dma source(%dma_start3A_476 : memref<4x100xi32, #tpu.memory_space<hbm>>) target(%arg10 : memref<4x100xi32, #tpu.memory_space<vmem>>) target_semaphore(%arg19 : memref<!tpu.dma_semaphore, #tpu.memory_space<semaphore_mem>>)
          %dma_start3A_477 = arith.constant 0 : i32
          %dma_start3A_478 = arith.constant 0 : i32
          %dma_start3A_479 = tpu.memref_slice %arg5[%arg1, %add3A_468, %dma_start3A_477, %dma_start3A_478] : memref<16x25x4x100xi32, #tpu.memory_space<hbm>> -> memref<1x1x4x100xi32, #tpu.memory_space<hbm>>
          %dma_start3A_480 = tpu.memref_squeeze %dma_start3A_479 : memref<1x1x4x100xi32, #tpu.memory_space<hbm>> -> memref<4x100xi32, #tpu.memory_space<hbm>>
          %dma_start3A_481 = arith.constant 0 : i32
          %dma_start3A_482 = arith.constant 0 : i32
          %dma_start3A_483 = tpu.memref_slice %arg5[%arg1, %add3A_468, %dma_start3A_481, %dma_start3A_482] : memref<16x25x4x100xi32, #tpu.memory_space<hbm>> -> memref<1x1x4x100xi32, #tpu.memory_space<hbm>>
          %dma_start3A_484 = tpu.memref_squeeze %dma_start3A_483 : memref<1x1x4x100xi32, #tpu.memory_space<hbm>> -> memref<4x100xi32, #tpu.memory_space<hbm>>
          tpu.enqueue_dma source(%dma_start3A_484 : memref<4x100xi32, #tpu.memory_space<hbm>>) target(%arg11 : memref<4x100xi32, #tpu.memory_space<vmem>>) target_semaphore(%arg19 : memref<!tpu.dma_semaphore, #tpu.memory_space<semaphore_mem>>)
        } else {
        }
        %scan3A_466 = arith.constant 0 : i32
        scf.yield %scan3A_466 : i32
      }
      %scan3A_79 = arith.constant 12 : i32
      %dma_wait3A_80 = arith.constant 0 : i32
      %dma_wait3A_81 = arith.constant 0 : i32
      %dma_wait3A_82 = tpu.memref_slice %arg8[%dma_wait3A_80, %dma_wait3A_81] : memref<4x100xi32, #tpu.memory_space<vmem>> -> memref<1x100xi32, #tpu.memory_space<vmem>>
      %dma_wait3A_83 = tpu.memref_squeeze %dma_wait3A_82 : memref<1x100xi32, #tpu.memory_space<vmem>> -> memref<100xi32, #tpu.memory_space<vmem>>
      %dma_wait3A_84 = arith.constant 0 : i32
      %dma_wait3A_85 = arith.constant 0 : i32
      %dma_wait3A_86 = tpu.memref_slice %arg2[%dma_wait3A_84, %dma_wait3A_85] : memref<10240x128xf32, #tpu.memory_space<hbm>> -> memref<10240x128xf32, #tpu.memory_space<hbm>>
      tpu.wait_indirect_dma semaphore(%arg15 : memref<!tpu.dma_semaphore, #tpu.memory_space<semaphore_mem>>) src(%dma_wait3A_86 : memref<10240x128xf32, #tpu.memory_space<hbm>>) dst(%arg12 : memref<100x128xf32, #tpu.memory_space<vmem>>)
      %dma_start3A_87 = arith.constant 0 : i32
      %dma_start3A_88 = arith.constant 0 : i32
      %dma_start3A_89 = tpu.memref_slice %arg9[%dma_start3A_87, %dma_start3A_88] : memref<4x100xi32, #tpu.memory_space<vmem>> -> memref<1x100xi32, #tpu.memory_space<vmem>>
      %dma_start3A_90 = tpu.memref_squeeze %dma_start3A_89 : memref<1x100xi32, #tpu.memory_space<vmem>> -> memref<100xi32, #tpu.memory_space<vmem>>
      %dma_start3A_91 = arith.constant 0 : i32
      %dma_start3A_92 = arith.constant 0 : i32
      %dma_start3A_93 = tpu.memref_slice %arg14[%dma_start3A_91, %dma_start3A_92] : memref<10240x128xf32, #tpu.memory_space<vmem_shared>> -> memref<10240x128xf32, #tpu.memory_space<vmem_shared>>
      tpu.enqueue_indirect_dma source(%arg12 : memref<100x128xf32, #tpu.memory_space<vmem>>) target(%dma_start3A_93 : memref<10240x128xf32, #tpu.memory_space<vmem_shared>>) offsets(%dma_start3A_90 : memref<100xi32, #tpu.memory_space<vmem>>) semaphore(%arg17 : memref<!tpu.dma_semaphore, #tpu.memory_space<semaphore_mem>>) {add = true}
      %dma_wait3A_94 = arith.constant 0 : i32
      %dma_wait3A_95 = arith.constant 0 : i32
      %dma_wait3A_96 = tpu.memref_slice %arg8[%dma_wait3A_94, %dma_wait3A_95] : memref<4x100xi32, #tpu.memory_space<vmem>> -> memref<1x100xi32, #tpu.memory_space<vmem>>
      %dma_wait3A_97 = tpu.memref_squeeze %dma_wait3A_96 : memref<1x100xi32, #tpu.memory_space<vmem>> -> memref<100xi32, #tpu.memory_space<vmem>>
      %dma_wait3A_98 = arith.constant 0 : i32
      %dma_wait3A_99 = arith.constant 0 : i32
      %dma_wait3A_100 = tpu.memref_slice %arg2[%dma_wait3A_98, %dma_wait3A_99] : memref<10240x128xf32, #tpu.memory_space<hbm>> -> memref<10240x128xf32, #tpu.memory_space<hbm>>
      tpu.wait_indirect_dma semaphore(%arg16 : memref<!tpu.dma_semaphore, #tpu.memory_space<semaphore_mem>>) src(%dma_wait3A_100 : memref<10240x128xf32, #tpu.memory_space<hbm>>) dst(%arg13 : memref<100x128xf32, #tpu.memory_space<vmem>>)
      %dma_start3A_101 = arith.constant 1 : i32
      %dma_start3A_102 = arith.constant 0 : i32
      %dma_start3A_103 = tpu.memref_slice %arg9[%dma_start3A_101, %dma_start3A_102] : memref<4x100xi32, #tpu.memory_space<vmem>> -> memref<1x100xi32, #tpu.memory_space<vmem>>
      %dma_start3A_104 = tpu.memref_squeeze %dma_start3A_103 : memref<1x100xi32, #tpu.memory_space<vmem>> -> memref<100xi32, #tpu.memory_space<vmem>>
      %dma_start3A_105 = arith.constant 0 : i32
      %dma_start3A_106 = arith.constant 0 : i32
      %dma_start3A_107 = tpu.memref_slice %arg14[%dma_start3A_105, %dma_start3A_106] : memref<10240x128xf32, #tpu.memory_space<vmem_shared>> -> memref<10240x128xf32, #tpu.memory_space<vmem_shared>>
      tpu.enqueue_indirect_dma source(%arg13 : memref<100x128xf32, #tpu.memory_space<vmem>>) target(%dma_start3A_107 : memref<10240x128xf32, #tpu.memory_space<vmem_shared>>) offsets(%dma_start3A_104 : memref<100xi32, #tpu.memory_space<vmem>>) semaphore(%arg18 : memref<!tpu.dma_semaphore, #tpu.memory_space<semaphore_mem>>) {add = true}
      %dma_wait3A_108 = arith.constant 0 : i32
      %dma_wait3A_109 = arith.constant 0 : i32
      %dma_wait3A_110 = tpu.memref_slice %arg9[%dma_wait3A_108, %dma_wait3A_109] : memref<4x100xi32, #tpu.memory_space<vmem>> -> memref<1x100xi32, #tpu.memory_space<vmem>>
      %dma_wait3A_111 = tpu.memref_squeeze %dma_wait3A_110 : memref<1x100xi32, #tpu.memory_space<vmem>> -> memref<100xi32, #tpu.memory_space<vmem>>
      %dma_wait3A_112 = arith.constant 0 : i32
      %dma_wait3A_113 = arith.constant 0 : i32
      %dma_wait3A_114 = tpu.memref_slice %arg14[%dma_wait3A_112, %dma_wait3A_113] : memref<10240x128xf32, #tpu.memory_space<vmem_shared>> -> memref<10240x128xf32, #tpu.memory_space<vmem_shared>>
      tpu.wait_indirect_dma semaphore(%arg17 : memref<!tpu.dma_semaphore, #tpu.memory_space<semaphore_mem>>) src(%arg12 : memref<100x128xf32, #tpu.memory_space<vmem>>) dst(%dma_wait3A_114 : memref<10240x128xf32, #tpu.memory_space<vmem_shared>>)
      %dma_start3A_115 = arith.constant 2 : i32
      %dma_start3A_116 = arith.constant 0 : i32
      %dma_start3A_117 = tpu.memref_slice %arg8[%dma_start3A_115, %dma_start3A_116] : memref<4x100xi32, #tpu.memory_space<vmem>> -> memref<1x100xi32, #tpu.memory_space<vmem>>
      %dma_start3A_118 = tpu.memref_squeeze %dma_start3A_117 : memref<1x100xi32, #tpu.memory_space<vmem>> -> memref<100xi32, #tpu.memory_space<vmem>>
      %dma_start3A_119 = arith.constant 0 : i32
      %dma_start3A_120 = arith.constant 0 : i32
      %dma_start3A_121 = tpu.memref_slice %arg2[%dma_start3A_119, %dma_start3A_120] : memref<10240x128xf32, #tpu.memory_space<hbm>> -> memref<10240x128xf32, #tpu.memory_space<hbm>>
      tpu.enqueue_indirect_dma source(%dma_start3A_121 : memref<10240x128xf32, #tpu.memory_space<hbm>>) target(%arg12 : memref<100x128xf32, #tpu.memory_space<vmem>>) offsets(%dma_start3A_118 : memref<100xi32, #tpu.memory_space<vmem>>) semaphore(%arg15 : memref<!tpu.dma_semaphore, #tpu.memory_space<semaphore_mem>>)
      %dma_wait3A_122 = arith.constant 0 : i32
      %dma_wait3A_123 = arith.constant 0 : i32
      %dma_wait3A_124 = tpu.memref_slice %arg9[%dma_wait3A_122, %dma_wait3A_123] : memref<4x100xi32, #tpu.memory_space<vmem>> -> memref<1x100xi32, #tpu.memory_space<vmem>>
      %dma_wait3A_125 = tpu.memref_squeeze %dma_wait3A_124 : memref<1x100xi32, #tpu.memory_space<vmem>> -> memref<100xi32, #tpu.memory_space<vmem>>
      %dma_wait3A_126 = arith.constant 0 : i32
      %dma_wait3A_127 = arith.constant 0 : i32
      %dma_wait3A_128 = tpu.memref_slice %arg14[%dma_wait3A_126, %dma_wait3A_127] : memref<10240x128xf32, #tpu.memory_space<vmem_shared>> -> memref<10240x128xf32, #tpu.memory_space<vmem_shared>>
      tpu.wait_indirect_dma semaphore(%arg18 : memref<!tpu.dma_semaphore, #tpu.memory_space<semaphore_mem>>) src(%arg13 : memref<100x128xf32, #tpu.memory_space<vmem>>) dst(%dma_wait3A_128 : memref<10240x128xf32, #tpu.memory_space<vmem_shared>>)
      %dma_start3A_129 = arith.constant 3 : i32
      %dma_start3A_130 = arith.constant 0 : i32
      %dma_start3A_131 = tpu.memref_slice %arg8[%dma_start3A_129, %dma_start3A_130] : memref<4x100xi32, #tpu.memory_space<vmem>> -> memref<1x100xi32, #tpu.memory_space<vmem>>
      %dma_start3A_132 = tpu.memref_squeeze %dma_start3A_131 : memref<1x100xi32, #tpu.memory_space<vmem>> -> memref<100xi32, #tpu.memory_space<vmem>>
      %dma_start3A_133 = arith.constant 0 : i32
      %dma_start3A_134 = arith.constant 0 : i32
      %dma_start3A_135 = tpu.memref_slice %arg2[%dma_start3A_133, %dma_start3A_134] : memref<10240x128xf32, #tpu.memory_space<hbm>> -> memref<10240x128xf32, #tpu.memory_space<hbm>>
      tpu.enqueue_indirect_dma source(%dma_start3A_135 : memref<10240x128xf32, #tpu.memory_space<hbm>>) target(%arg13 : memref<100x128xf32, #tpu.memory_space<vmem>>) offsets(%dma_start3A_132 : memref<100xi32, #tpu.memory_space<vmem>>) semaphore(%arg16 : memref<!tpu.dma_semaphore, #tpu.memory_space<semaphore_mem>>)
      %dma_wait3A_136 = arith.constant 0 : i32
      %dma_wait3A_137 = arith.constant 0 : i32
      %dma_wait3A_138 = tpu.memref_slice %arg8[%dma_wait3A_136, %dma_wait3A_137] : memref<4x100xi32, #tpu.memory_space<vmem>> -> memref<1x100xi32, #tpu.memory_space<vmem>>
      %dma_wait3A_139 = tpu.memref_squeeze %dma_wait3A_138 : memref<1x100xi32, #tpu.memory_space<vmem>> -> memref<100xi32, #tpu.memory_space<vmem>>
      %dma_wait3A_140 = arith.constant 0 : i32
      %dma_wait3A_141 = arith.constant 0 : i32
      %dma_wait3A_142 = tpu.memref_slice %arg2[%dma_wait3A_140, %dma_wait3A_141] : memref<10240x128xf32, #tpu.memory_space<hbm>> -> memref<10240x128xf32, #tpu.memory_space<hbm>>
      tpu.wait_indirect_dma semaphore(%arg15 : memref<!tpu.dma_semaphore, #tpu.memory_space<semaphore_mem>>) src(%dma_wait3A_142 : memref<10240x128xf32, #tpu.memory_space<hbm>>) dst(%arg12 : memref<100x128xf32, #tpu.memory_space<vmem>>)
      %dma_start3A_143 = arith.constant 2 : i32
      %dma_start3A_144 = arith.constant 0 : i32
      %dma_start3A_145 = tpu.memref_slice %arg9[%dma_start3A_143, %dma_start3A_144] : memref<4x100xi32, #tpu.memory_space<vmem>> -> memref<1x100xi32, #tpu.memory_space<vmem>>
      %dma_start3A_146 = tpu.memref_squeeze %dma_start3A_145 : memref<1x100xi32, #tpu.memory_space<vmem>> -> memref<100xi32, #tpu.memory_space<vmem>>
      %dma_start3A_147 = arith.constant 0 : i32
      %dma_start3A_148 = arith.constant 0 : i32
      %dma_start3A_149 = tpu.memref_slice %arg14[%dma_start3A_147, %dma_start3A_148] : memref<10240x128xf32, #tpu.memory_space<vmem_shared>> -> memref<10240x128xf32, #tpu.memory_space<vmem_shared>>
      tpu.enqueue_indirect_dma source(%arg12 : memref<100x128xf32, #tpu.memory_space<vmem>>) target(%dma_start3A_149 : memref<10240x128xf32, #tpu.memory_space<vmem_shared>>) offsets(%dma_start3A_146 : memref<100xi32, #tpu.memory_space<vmem>>) semaphore(%arg17 : memref<!tpu.dma_semaphore, #tpu.memory_space<semaphore_mem>>) {add = true}
      %dma_wait3A_150 = arith.constant 0 : i32
      %dma_wait3A_151 = arith.constant 0 : i32
      %dma_wait3A_152 = tpu.memref_slice %arg8[%dma_wait3A_150, %dma_wait3A_151] : memref<4x100xi32, #tpu.memory_space<vmem>> -> memref<1x100xi32, #tpu.memory_space<vmem>>
      %dma_wait3A_153 = tpu.memref_squeeze %dma_wait3A_152 : memref<1x100xi32, #tpu.memory_space<vmem>> -> memref<100xi32, #tpu.memory_space<vmem>>
      %dma_wait3A_154 = arith.constant 0 : i32
      %dma_wait3A_155 = arith.constant 0 : i32
      %dma_wait3A_156 = tpu.memref_slice %arg2[%dma_wait3A_154, %dma_wait3A_155] : memref<10240x128xf32, #tpu.memory_space<hbm>> -> memref<10240x128xf32, #tpu.memory_space<hbm>>
      tpu.wait_indirect_dma semaphore(%arg16 : memref<!tpu.dma_semaphore, #tpu.memory_space<semaphore_mem>>) src(%dma_wait3A_156 : memref<10240x128xf32, #tpu.memory_space<hbm>>) dst(%arg13 : memref<100x128xf32, #tpu.memory_space<vmem>>)
      %dma_start3A_157 = arith.constant 3 : i32
      %dma_start3A_158 = arith.constant 0 : i32
      %dma_start3A_159 = tpu.memref_slice %arg9[%dma_start3A_157, %dma_start3A_158] : memref<4x100xi32, #tpu.memory_space<vmem>> -> memref<1x100xi32, #tpu.memory_space<vmem>>
      %dma_start3A_160 = tpu.memref_squeeze %dma_start3A_159 : memref<1x100xi32, #tpu.memory_space<vmem>> -> memref<100xi32, #tpu.memory_space<vmem>>
      %dma_start3A_161 = arith.constant 0 : i32
      %dma_start3A_162 = arith.constant 0 : i32
      %dma_start3A_163 = tpu.memref_slice %arg14[%dma_start3A_161, %dma_start3A_162] : memref<10240x128xf32, #tpu.memory_space<vmem_shared>> -> memref<10240x128xf32, #tpu.memory_space<vmem_shared>>
      tpu.enqueue_indirect_dma source(%arg13 : memref<100x128xf32, #tpu.memory_space<vmem>>) target(%dma_start3A_163 : memref<10240x128xf32, #tpu.memory_space<vmem_shared>>) offsets(%dma_start3A_160 : memref<100xi32, #tpu.memory_space<vmem>>) semaphore(%arg18 : memref<!tpu.dma_semaphore, #tpu.memory_space<semaphore_mem>>) {add = true}
      %dma_wait3A_164 = arith.constant 0 : i32
      %dma_wait3A_165 = arith.constant 0 : i32
      %dma_wait3A_166 = tpu.memref_slice %arg9[%dma_wait3A_164, %dma_wait3A_165] : memref<4x100xi32, #tpu.memory_space<vmem>> -> memref<1x100xi32, #tpu.memory_space<vmem>>
      %dma_wait3A_167 = tpu.memref_squeeze %dma_wait3A_166 : memref<1x100xi32, #tpu.memory_space<vmem>> -> memref<100xi32, #tpu.memory_space<vmem>>
      %dma_wait3A_168 = arith.constant 0 : i32
      %dma_wait3A_169 = arith.constant 0 : i32
      %dma_wait3A_170 = tpu.memref_slice %arg14[%dma_wait3A_168, %dma_wait3A_169] : memref<10240x128xf32, #tpu.memory_space<vmem_shared>> -> memref<10240x128xf32, #tpu.memory_space<vmem_shared>>
      tpu.wait_indirect_dma semaphore(%arg17 : memref<!tpu.dma_semaphore, #tpu.memory_space<semaphore_mem>>) src(%arg12 : memref<100x128xf32, #tpu.memory_space<vmem>>) dst(%dma_wait3A_170 : memref<10240x128xf32, #tpu.memory_space<vmem_shared>>)
      %dma_wait3A_171 = arith.constant 0 : i32
      %dma_wait3A_172 = arith.constant 0 : i32
      %dma_wait3A_173 = tpu.memref_slice %arg9[%dma_wait3A_171, %dma_wait3A_172] : memref<4x100xi32, #tpu.memory_space<vmem>> -> memref<1x100xi32, #tpu.memory_space<vmem>>
      %dma_wait3A_174 = tpu.memref_squeeze %dma_wait3A_173 : memref<1x100xi32, #tpu.memory_space<vmem>> -> memref<100xi32, #tpu.memory_space<vmem>>
      %dma_wait3A_175 = arith.constant 0 : i32
      %dma_wait3A_176 = arith.constant 0 : i32
      %dma_wait3A_177 = tpu.memref_slice %arg14[%dma_wait3A_175, %dma_wait3A_176] : memref<10240x128xf32, #tpu.memory_space<vmem_shared>> -> memref<10240x128xf32, #tpu.memory_space<vmem_shared>>
      tpu.wait_indirect_dma semaphore(%arg18 : memref<!tpu.dma_semaphore, #tpu.memory_space<semaphore_mem>>) src(%arg13 : memref<100x128xf32, #tpu.memory_space<vmem>>) dst(%dma_wait3A_177 : memref<10240x128xf32, #tpu.memory_space<vmem_shared>>)
      %barrier3A_178 = arith.constant 0 : index
      tpu.barrier barrier_id(%barrier3A_178)
      "tpu.region"() ({
        %run_scoped3A = tpu.sem_alloc : memref<!tpu.dma_semaphore, #tpu.memory_space<semaphore_mem>>
        %dma_start3A_179 = arith.constant 0 : i32
        %dma_start3A_180 = tpu.memref_slice %arg6[%mul3A_0, %dma_start3A_179] : memref<10240x128xf32, #tpu.memory_space<hbm>> -> memref<640x128xf32, #tpu.memory_space<hbm>>
        %dma_start3A_181 = arith.constant 0 : i32
        %dma_start3A_182 = tpu.memref_slice %arg14[%mul3A_0, %dma_start3A_181] : memref<10240x128xf32, #tpu.memory_space<vmem_shared>> -> memref<640x128xf32, #tpu.memory_space<vmem_shared>>
        tpu.enqueue_dma source(%dma_start3A_182 : memref<640x128xf32, #tpu.memory_space<vmem_shared>>) target(%dma_start3A_180 : memref<640x128xf32, #tpu.memory_space<hbm>>) target_semaphore(%run_scoped3A : memref<!tpu.dma_semaphore, #tpu.memory_space<semaphore_mem>>)
        %dma_wait3A_183 = arith.constant 0 : i32
        %dma_wait3A_184 = tpu.memref_slice %arg6[%mul3A_0, %dma_wait3A_183] : memref<10240x128xf32, #tpu.memory_space<hbm>> -> memref<640x128xf32, #tpu.memory_space<hbm>>
        %dma_wait3A_185 = arith.constant 0 : i32
        %dma_wait3A_186 = tpu.memref_slice %arg14[%mul3A_0, %dma_wait3A_185] : memref<10240x128xf32, #tpu.memory_space<vmem_shared>> -> memref<640x128xf32, #tpu.memory_space<vmem_shared>>
        tpu.wait_dma2 semaphore(%run_scoped3A : memref<!tpu.dma_semaphore, #tpu.memory_space<semaphore_mem>>) src(%dma_wait3A_186 : memref<640x128xf32, #tpu.memory_space<vmem_shared>>) dst(%dma_wait3A_184 : memref<640x128xf32, #tpu.memory_space<hbm>>)
        tpu.yield
      }) : () -> ()
    } else {
    }
    %eq3A_3 = arith.constant 1 : i32
    %eq3A_4 = arith.cmpi eq, %arg0, %eq3A_3 : i32
    %convert_element_type3A_5 = arith.extui %eq3A_4 : i1 to i32
    %cond3A_6 = arith.constant 0 : i32
    %cond3A_7 = arith.cmpi ne, %convert_element_type3A_5, %cond3A_6 : i32
    scf.if %cond3A_7 {
      %dma_start3A = arith.constant 0 : i32
      %dma_start3A_8 = arith.constant 0 : i32
      %dma_start3A_9 = arith.constant 0 : i32
      %dma_start3A_10 = tpu.memref_slice %arg4[%arg1, %dma_start3A, %dma_start3A_8, %dma_start3A_9] : memref<16x25x4x100xi32, #tpu.memory_space<hbm>> -> memref<1x1x4x100xi32, #tpu.memory_space<hbm>>
      %dma_start3A_11 = tpu.memref_squeeze %dma_start3A_10 : memref<1x1x4x100xi32, #tpu.memory_space<hbm>> -> memref<4x100xi32, #tpu.memory_space<hbm>>
      %dma_start3A_12 = arith.constant 0 : i32
      %dma_start3A_13 = arith.constant 0 : i32
      %dma_start3A_14 = tpu.memref_slice %arg4[%arg1, %dma_start3A, %dma_start3A_12, %dma_start3A_13] : memref<16x25x4x100xi32, #tpu.memory_space<hbm>> -> memref<1x1x4x100xi32, #tpu.memory_space<hbm>>
      %dma_start3A_15 = tpu.memref_squeeze %dma_start3A_14 : memref<1x1x4x100xi32, #tpu.memory_space<hbm>> -> memref<4x100xi32, #tpu.memory_space<hbm>>
      tpu.enqueue_dma source(%dma_start3A_15 : memref<4x100xi32, #tpu.memory_space<hbm>>) target(%arg8 : memref<4x100xi32, #tpu.memory_space<vmem>>) target_semaphore(%arg19 : memref<!tpu.dma_semaphore, #tpu.memory_space<semaphore_mem>>)
      %dma_start3A_16 = arith.constant 0 : i32
      %dma_start3A_17 = arith.constant 0 : i32
      %dma_start3A_18 = arith.constant 0 : i32
      %dma_start3A_19 = tpu.memref_slice %arg5[%arg1, %dma_start3A_16, %dma_start3A_17, %dma_start3A_18] : memref<16x25x4x100xi32, #tpu.memory_space<hbm>> -> memref<1x1x4x100xi32, #tpu.memory_space<hbm>>
      %dma_start3A_20 = tpu.memref_squeeze %dma_start3A_19 : memref<1x1x4x100xi32, #tpu.memory_space<hbm>> -> memref<4x100xi32, #tpu.memory_space<hbm>>
      %dma_start3A_21 = arith.constant 0 : i32
      %dma_start3A_22 = arith.constant 0 : i32
      %dma_start3A_23 = tpu.memref_slice %arg5[%arg1, %dma_start3A_16, %dma_start3A_21, %dma_start3A_22] : memref<16x25x4x100xi32, #tpu.memory_space<hbm>> -> memref<1x1x4x100xi32, #tpu.memory_space<hbm>>
      %dma_start3A_24 = tpu.memref_squeeze %dma_start3A_23 : memref<1x1x4x100xi32, #tpu.memory_space<hbm>> -> memref<4x100xi32, #tpu.memory_space<hbm>>
      tpu.enqueue_dma source(%dma_start3A_24 : memref<4x100xi32, #tpu.memory_space<hbm>>) target(%arg9 : memref<4x100xi32, #tpu.memory_space<vmem>>) target_semaphore(%arg19 : memref<!tpu.dma_semaphore, #tpu.memory_space<semaphore_mem>>)
      "tpu.region"() ({
        %run_scoped3A = tpu.sem_alloc : memref<!tpu.dma_semaphore, #tpu.memory_space<semaphore_mem>>
        %dma_start3A_179 = arith.constant 0 : i32
        %dma_start3A_180 = tpu.memref_slice %arg14[%mul3A_0, %dma_start3A_179] : memref<10240x128xf32, #tpu.memory_space<vmem_shared>> -> memref<640x128xf32, #tpu.memory_space<vmem_shared>>
        %dma_start3A_181 = arith.constant 0 : i32
        %dma_start3A_182 = tpu.memref_slice %arg3[%mul3A_0, %dma_start3A_181] : memref<10240x128xf32, #tpu.memory_space<hbm>> -> memref<640x128xf32, #tpu.memory_space<hbm>>
        tpu.enqueue_dma source(%dma_start3A_182 : memref<640x128xf32, #tpu.memory_space<hbm>>) target(%dma_start3A_180 : memref<640x128xf32, #tpu.memory_space<vmem_shared>>) target_semaphore(%run_scoped3A : memref<!tpu.dma_semaphore, #tpu.memory_space<semaphore_mem>>)
        %dma_wait3A_183 = arith.constant 0 : i32
        %dma_wait3A_184 = tpu.memref_slice %arg14[%mul3A_0, %dma_wait3A_183] : memref<10240x128xf32, #tpu.memory_space<vmem_shared>> -> memref<640x128xf32, #tpu.memory_space<vmem_shared>>
        %dma_wait3A_185 = arith.constant 0 : i32
        %dma_wait3A_186 = tpu.memref_slice %arg3[%mul3A_0, %dma_wait3A_185] : memref<10240x128xf32, #tpu.memory_space<hbm>> -> memref<640x128xf32, #tpu.memory_space<hbm>>
        tpu.wait_dma2 semaphore(%run_scoped3A : memref<!tpu.dma_semaphore, #tpu.memory_space<semaphore_mem>>) src(%dma_wait3A_186 : memref<640x128xf32, #tpu.memory_space<hbm>>) dst(%dma_wait3A_184 : memref<640x128xf32, #tpu.memory_space<vmem_shared>>)
        tpu.yield
      }) : () -> ()
      %dma_wait3A = arith.constant 0 : i32
      %dma_wait3A_25 = arith.constant 0 : i32
      %dma_wait3A_26 = arith.constant 0 : i32
      %dma_wait3A_27 = tpu.memref_slice %arg4[%arg1, %dma_wait3A, %dma_wait3A_25, %dma_wait3A_26] : memref<16x25x4x100xi32, #tpu.memory_space<hbm>> -> memref<1x1x4x100xi32, #tpu.memory_space<hbm>>
      %dma_wait3A_28 = tpu.memref_squeeze %dma_wait3A_27 : memref<1x1x4x100xi32, #tpu.memory_space<hbm>> -> memref<4x100xi32, #tpu.memory_space<hbm>>
      %dma_wait3A_29 = arith.constant 0 : i32
      %dma_wait3A_30 = arith.constant 0 : i32
      %dma_wait3A_31 = tpu.memref_slice %arg4[%arg1, %dma_wait3A, %dma_wait3A_29, %dma_wait3A_30] : memref<16x25x4x100xi32, #tpu.memory_space<hbm>> -> memref<1x1x4x100xi32, #tpu.memory_space<hbm>>
      %dma_wait3A_32 = tpu.memref_squeeze %dma_wait3A_31 : memref<1x1x4x100xi32, #tpu.memory_space<hbm>> -> memref<4x100xi32, #tpu.memory_space<hbm>>
      tpu.wait_dma2 semaphore(%arg19 : memref<!tpu.dma_semaphore, #tpu.memory_space<semaphore_mem>>) src(%dma_wait3A_32 : memref<4x100xi32, #tpu.memory_space<hbm>>) dst(%arg8 : memref<4x100xi32, #tpu.memory_space<vmem>>)
      %dma_wait3A_33 = arith.constant 0 : i32
      %dma_wait3A_34 = arith.constant 0 : i32
      %dma_wait3A_35 = arith.constant 0 : i32
      %dma_wait3A_36 = tpu.memref_slice %arg5[%arg1, %dma_wait3A_33, %dma_wait3A_34, %dma_wait3A_35] : memref<16x25x4x100xi32, #tpu.memory_space<hbm>> -> memref<1x1x4x100xi32, #tpu.memory_space<hbm>>
      %dma_wait3A_37 = tpu.memref_squeeze %dma_wait3A_36 : memref<1x1x4x100xi32, #tpu.memory_space<hbm>> -> memref<4x100xi32, #tpu.memory_space<hbm>>
      %dma_wait3A_38 = arith.constant 0 : i32
      %dma_wait3A_39 = arith.constant 0 : i32
      %dma_wait3A_40 = tpu.memref_slice %arg5[%arg1, %dma_wait3A_33, %dma_wait3A_38, %dma_wait3A_39] : memref<16x25x4x100xi32, #tpu.memory_space<hbm>> -> memref<1x1x4x100xi32, #tpu.memory_space<hbm>>
      %dma_wait3A_41 = tpu.memref_squeeze %dma_wait3A_40 : memref<1x1x4x100xi32, #tpu.memory_space<hbm>> -> memref<4x100xi32, #tpu.memory_space<hbm>>
      tpu.wait_dma2 semaphore(%arg19 : memref<!tpu.dma_semaphore, #tpu.memory_space<semaphore_mem>>) src(%dma_wait3A_41 : memref<4x100xi32, #tpu.memory_space<hbm>>) dst(%arg9 : memref<4x100xi32, #tpu.memory_space<vmem>>)
      %dma_start3A_42 = arith.constant 0 : i32
      %dma_start3A_43 = arith.constant 0 : i32
      %dma_start3A_44 = tpu.memref_slice %arg8[%dma_start3A_42, %dma_start3A_43] : memref<4x100xi32, #tpu.memory_space<vmem>> -> memref<1x100xi32, #tpu.memory_space<vmem>>
      %dma_start3A_45 = tpu.memref_squeeze %dma_start3A_44 : memref<1x100xi32, #tpu.memory_space<vmem>> -> memref<100xi32, #tpu.memory_space<vmem>>
      %dma_start3A_46 = arith.constant 0 : i32
      %dma_start3A_47 = arith.constant 0 : i32
      %dma_start3A_48 = tpu.memref_slice %arg3[%dma_start3A_46, %dma_start3A_47] : memref<10240x128xf32, #tpu.memory_space<hbm>> -> memref<10240x128xf32, #tpu.memory_space<hbm>>
      tpu.enqueue_indirect_dma source(%dma_start3A_48 : memref<10240x128xf32, #tpu.memory_space<hbm>>) target(%arg12 : memref<100x128xf32, #tpu.memory_space<vmem>>) offsets(%dma_start3A_45 : memref<100xi32, #tpu.memory_space<vmem>>) semaphore(%arg15 : memref<!tpu.dma_semaphore, #tpu.memory_space<semaphore_mem>>)
      %dma_start3A_49 = arith.constant 1 : i32
      %dma_start3A_50 = arith.constant 0 : i32
      %dma_start3A_51 = tpu.memref_slice %arg8[%dma_start3A_49, %dma_start3A_50] : memref<4x100xi32, #tpu.memory_space<vmem>> -> memref<1x100xi32, #tpu.memory_space<vmem>>
      %dma_start3A_52 = tpu.memref_squeeze %dma_start3A_51 : memref<1x100xi32, #tpu.memory_space<vmem>> -> memref<100xi32, #tpu.memory_space<vmem>>
      %dma_start3A_53 = arith.constant 0 : i32
      %dma_start3A_54 = arith.constant 0 : i32
      %dma_start3A_55 = tpu.memref_slice %arg3[%dma_start3A_53, %dma_start3A_54] : memref<10240x128xf32, #tpu.memory_space<hbm>> -> memref<10240x128xf32, #tpu.memory_space<hbm>>
      tpu.enqueue_indirect_dma source(%dma_start3A_55 : memref<10240x128xf32, #tpu.memory_space<hbm>>) target(%arg13 : memref<100x128xf32, #tpu.memory_space<vmem>>) offsets(%dma_start3A_52 : memref<100xi32, #tpu.memory_space<vmem>>) semaphore(%arg16 : memref<!tpu.dma_semaphore, #tpu.memory_space<semaphore_mem>>)
      %dma_start3A_56 = arith.constant 1 : i32
      %dma_start3A_57 = arith.constant 0 : i32
      %dma_start3A_58 = arith.constant 0 : i32
      %dma_start3A_59 = tpu.memref_slice %arg4[%arg1, %dma_start3A_56, %dma_start3A_57, %dma_start3A_58] : memref<16x25x4x100xi32, #tpu.memory_space<hbm>> -> memref<1x1x4x100xi32, #tpu.memory_space<hbm>>
      %dma_start3A_60 = tpu.memref_squeeze %dma_start3A_59 : memref<1x1x4x100xi32, #tpu.memory_space<hbm>> -> memref<4x100xi32, #tpu.memory_space<hbm>>
      %dma_start3A_61 = arith.constant 0 : i32
      %dma_start3A_62 = arith.constant 0 : i32
      %dma_start3A_63 = tpu.memref_slice %arg4[%arg1, %dma_start3A_56, %dma_start3A_61, %dma_start3A_62] : memref<16x25x4x100xi32, #tpu.memory_space<hbm>> -> memref<1x1x4x100xi32, #tpu.memory_space<hbm>>
      %dma_start3A_64 = tpu.memref_squeeze %dma_start3A_63 : memref<1x1x4x100xi32, #tpu.memory_space<hbm>> -> memref<4x100xi32, #tpu.memory_space<hbm>>
      tpu.enqueue_dma source(%dma_start3A_64 : memref<4x100xi32, #tpu.memory_space<hbm>>) target(%arg10 : memref<4x100xi32, #tpu.memory_space<vmem>>) target_semaphore(%arg19 : memref<!tpu.dma_semaphore, #tpu.memory_space<semaphore_mem>>)
      %dma_start3A_65 = arith.constant 1 : i32
      %dma_start3A_66 = arith.constant 0 : i32
      %dma_start3A_67 = arith.constant 0 : i32
      %dma_start3A_68 = tpu.memref_slice %arg5[%arg1, %dma_start3A_65, %dma_start3A_66, %dma_start3A_67] : memref<16x25x4x100xi32, #tpu.memory_space<hbm>> -> memref<1x1x4x100xi32, #tpu.memory_space<hbm>>
      %dma_start3A_69 = tpu.memref_squeeze %dma_start3A_68 : memref<1x1x4x100xi32, #tpu.memory_space<hbm>> -> memref<4x100xi32, #tpu.memory_space<hbm>>
      %dma_start3A_70 = arith.constant 0 : i32
      %dma_start3A_71 = arith.constant 0 : i32
      %dma_start3A_72 = tpu.memref_slice %arg5[%arg1, %dma_start3A_65, %dma_start3A_70, %dma_start3A_71] : memref<16x25x4x100xi32, #tpu.memory_space<hbm>> -> memref<1x1x4x100xi32, #tpu.memory_space<hbm>>
      %dma_start3A_73 = tpu.memref_squeeze %dma_start3A_72 : memref<1x1x4x100xi32, #tpu.memory_space<hbm>> -> memref<4x100xi32, #tpu.memory_space<hbm>>
      tpu.enqueue_dma source(%dma_start3A_73 : memref<4x100xi32, #tpu.memory_space<hbm>>) target(%arg11 : memref<4x100xi32, #tpu.memory_space<vmem>>) target_semaphore(%arg19 : memref<!tpu.dma_semaphore, #tpu.memory_space<semaphore_mem>>)
      %barrier3A = arith.constant 0 : index
      tpu.barrier barrier_id(%barrier3A)
      %scan3A = arith.constant 0 : i32
      %scan3A_74 = arith.constant 0 : i32
      %scan3A_75 = arith.constant 12 : i32
      %scan3A_76 = arith.addi %scan3A_74, %scan3A_75 : i32
      %scan3A_77 = arith.constant 1 : i32
      %scan3A_78 = scf.for %scan3A_179 = %scan3A_74 to %scan3A_76 step %scan3A_77 iter_args(%scan3A_180 = %scan3A) -> (i32)  : i32 {
        %mul3A_181 = arith.constant 2 : i32
        %mul3A_182 = arith.muli %mul3A_181, %scan3A_179 : i32
        %dma_wait3A_183 = arith.constant 0 : i32
        %dma_wait3A_184 = arith.constant 0 : i32
        %dma_wait3A_185 = tpu.memref_slice %arg8[%dma_wait3A_183, %dma_wait3A_184] : memref<4x100xi32, #tpu.memory_space<vmem>> -> memref<1x100xi32, #tpu.memory_space<vmem>>
        %dma_wait3A_186 = tpu.memref_squeeze %dma_wait3A_185 : memref<1x100xi32, #tpu.memory_space<vmem>> -> memref<100xi32, #tpu.memory_space<vmem>>
        %dma_wait3A_187 = arith.constant 0 : i32
        %dma_wait3A_188 = arith.constant 0 : i32
        %dma_wait3A_189 = tpu.memref_slice %arg3[%dma_wait3A_187, %dma_wait3A_188] : memref<10240x128xf32, #tpu.memory_space<hbm>> -> memref<10240x128xf32, #tpu.memory_space<hbm>>
        tpu.wait_indirect_dma semaphore(%arg15 : memref<!tpu.dma_semaphore, #tpu.memory_space<semaphore_mem>>) src(%dma_wait3A_189 : memref<10240x128xf32, #tpu.memory_space<hbm>>) dst(%arg12 : memref<100x128xf32, #tpu.memory_space<vmem>>)
        %dma_start3A_190 = arith.constant 0 : i32
        %dma_start3A_191 = arith.constant 0 : i32
        %dma_start3A_192 = tpu.memref_slice %arg9[%dma_start3A_190, %dma_start3A_191] : memref<4x100xi32, #tpu.memory_space<vmem>> -> memref<1x100xi32, #tpu.memory_space<vmem>>
        %dma_start3A_193 = tpu.memref_squeeze %dma_start3A_192 : memref<1x100xi32, #tpu.memory_space<vmem>> -> memref<100xi32, #tpu.memory_space<vmem>>
        %dma_start3A_194 = arith.constant 0 : i32
        %dma_start3A_195 = arith.constant 0 : i32
        %dma_start3A_196 = tpu.memref_slice %arg14[%dma_start3A_194, %dma_start3A_195] : memref<10240x128xf32, #tpu.memory_space<vmem_shared>> -> memref<10240x128xf32, #tpu.memory_space<vmem_shared>>
        tpu.enqueue_indirect_dma source(%arg12 : memref<100x128xf32, #tpu.memory_space<vmem>>) target(%dma_start3A_196 : memref<10240x128xf32, #tpu.memory_space<vmem_shared>>) offsets(%dma_start3A_193 : memref<100xi32, #tpu.memory_space<vmem>>) semaphore(%arg17 : memref<!tpu.dma_semaphore, #tpu.memory_space<semaphore_mem>>) {add = true}
        %dma_wait3A_197 = arith.constant 0 : i32
        %dma_wait3A_198 = arith.constant 0 : i32
        %dma_wait3A_199 = tpu.memref_slice %arg8[%dma_wait3A_197, %dma_wait3A_198] : memref<4x100xi32, #tpu.memory_space<vmem>> -> memref<1x100xi32, #tpu.memory_space<vmem>>
        %dma_wait3A_200 = tpu.memref_squeeze %dma_wait3A_199 : memref<1x100xi32, #tpu.memory_space<vmem>> -> memref<100xi32, #tpu.memory_space<vmem>>
        %dma_wait3A_201 = arith.constant 0 : i32
        %dma_wait3A_202 = arith.constant 0 : i32
        %dma_wait3A_203 = tpu.memref_slice %arg3[%dma_wait3A_201, %dma_wait3A_202] : memref<10240x128xf32, #tpu.memory_space<hbm>> -> memref<10240x128xf32, #tpu.memory_space<hbm>>
        tpu.wait_indirect_dma semaphore(%arg16 : memref<!tpu.dma_semaphore, #tpu.memory_space<semaphore_mem>>) src(%dma_wait3A_203 : memref<10240x128xf32, #tpu.memory_space<hbm>>) dst(%arg13 : memref<100x128xf32, #tpu.memory_space<vmem>>)
        %dma_start3A_204 = arith.constant 1 : i32
        %dma_start3A_205 = arith.constant 0 : i32
        %dma_start3A_206 = tpu.memref_slice %arg9[%dma_start3A_204, %dma_start3A_205] : memref<4x100xi32, #tpu.memory_space<vmem>> -> memref<1x100xi32, #tpu.memory_space<vmem>>
        %dma_start3A_207 = tpu.memref_squeeze %dma_start3A_206 : memref<1x100xi32, #tpu.memory_space<vmem>> -> memref<100xi32, #tpu.memory_space<vmem>>
        %dma_start3A_208 = arith.constant 0 : i32
        %dma_start3A_209 = arith.constant 0 : i32
        %dma_start3A_210 = tpu.memref_slice %arg14[%dma_start3A_208, %dma_start3A_209] : memref<10240x128xf32, #tpu.memory_space<vmem_shared>> -> memref<10240x128xf32, #tpu.memory_space<vmem_shared>>
        tpu.enqueue_indirect_dma source(%arg13 : memref<100x128xf32, #tpu.memory_space<vmem>>) target(%dma_start3A_210 : memref<10240x128xf32, #tpu.memory_space<vmem_shared>>) offsets(%dma_start3A_207 : memref<100xi32, #tpu.memory_space<vmem>>) semaphore(%arg18 : memref<!tpu.dma_semaphore, #tpu.memory_space<semaphore_mem>>) {add = true}
        %dma_wait3A_211 = arith.constant 0 : i32
        %dma_wait3A_212 = arith.constant 0 : i32
        %dma_wait3A_213 = tpu.memref_slice %arg9[%dma_wait3A_211, %dma_wait3A_212] : memref<4x100xi32, #tpu.memory_space<vmem>> -> memref<1x100xi32, #tpu.memory_space<vmem>>
        %dma_wait3A_214 = tpu.memref_squeeze %dma_wait3A_213 : memref<1x100xi32, #tpu.memory_space<vmem>> -> memref<100xi32, #tpu.memory_space<vmem>>
        %dma_wait3A_215 = arith.constant 0 : i32
        %dma_wait3A_216 = arith.constant 0 : i32
        %dma_wait3A_217 = tpu.memref_slice %arg14[%dma_wait3A_215, %dma_wait3A_216] : memref<10240x128xf32, #tpu.memory_space<vmem_shared>> -> memref<10240x128xf32, #tpu.memory_space<vmem_shared>>
        tpu.wait_indirect_dma semaphore(%arg17 : memref<!tpu.dma_semaphore, #tpu.memory_space<semaphore_mem>>) src(%arg12 : memref<100x128xf32, #tpu.memory_space<vmem>>) dst(%dma_wait3A_217 : memref<10240x128xf32, #tpu.memory_space<vmem_shared>>)
        %dma_start3A_218 = arith.constant 2 : i32
        %dma_start3A_219 = arith.constant 0 : i32
        %dma_start3A_220 = tpu.memref_slice %arg8[%dma_start3A_218, %dma_start3A_219] : memref<4x100xi32, #tpu.memory_space<vmem>> -> memref<1x100xi32, #tpu.memory_space<vmem>>
        %dma_start3A_221 = tpu.memref_squeeze %dma_start3A_220 : memref<1x100xi32, #tpu.memory_space<vmem>> -> memref<100xi32, #tpu.memory_space<vmem>>
        %dma_start3A_222 = arith.constant 0 : i32
        %dma_start3A_223 = arith.constant 0 : i32
        %dma_start3A_224 = tpu.memref_slice %arg3[%dma_start3A_222, %dma_start3A_223] : memref<10240x128xf32, #tpu.memory_space<hbm>> -> memref<10240x128xf32, #tpu.memory_space<hbm>>
        tpu.enqueue_indirect_dma source(%dma_start3A_224 : memref<10240x128xf32, #tpu.memory_space<hbm>>) target(%arg12 : memref<100x128xf32, #tpu.memory_space<vmem>>) offsets(%dma_start3A_221 : memref<100xi32, #tpu.memory_space<vmem>>) semaphore(%arg15 : memref<!tpu.dma_semaphore, #tpu.memory_space<semaphore_mem>>)
        %dma_wait3A_225 = arith.constant 0 : i32
        %dma_wait3A_226 = arith.constant 0 : i32
        %dma_wait3A_227 = tpu.memref_slice %arg9[%dma_wait3A_225, %dma_wait3A_226] : memref<4x100xi32, #tpu.memory_space<vmem>> -> memref<1x100xi32, #tpu.memory_space<vmem>>
        %dma_wait3A_228 = tpu.memref_squeeze %dma_wait3A_227 : memref<1x100xi32, #tpu.memory_space<vmem>> -> memref<100xi32, #tpu.memory_space<vmem>>
        %dma_wait3A_229 = arith.constant 0 : i32
        %dma_wait3A_230 = arith.constant 0 : i32
        %dma_wait3A_231 = tpu.memref_slice %arg14[%dma_wait3A_229, %dma_wait3A_230] : memref<10240x128xf32, #tpu.memory_space<vmem_shared>> -> memref<10240x128xf32, #tpu.memory_space<vmem_shared>>
        tpu.wait_indirect_dma semaphore(%arg18 : memref<!tpu.dma_semaphore, #tpu.memory_space<semaphore_mem>>) src(%arg13 : memref<100x128xf32, #tpu.memory_space<vmem>>) dst(%dma_wait3A_231 : memref<10240x128xf32, #tpu.memory_space<vmem_shared>>)
        %dma_start3A_232 = arith.constant 3 : i32
        %dma_start3A_233 = arith.constant 0 : i32
        %dma_start3A_234 = tpu.memref_slice %arg8[%dma_start3A_232, %dma_start3A_233] : memref<4x100xi32, #tpu.memory_space<vmem>> -> memref<1x100xi32, #tpu.memory_space<vmem>>
        %dma_start3A_235 = tpu.memref_squeeze %dma_start3A_234 : memref<1x100xi32, #tpu.memory_space<vmem>> -> memref<100xi32, #tpu.memory_space<vmem>>
        %dma_start3A_236 = arith.constant 0 : i32
        %dma_start3A_237 = arith.constant 0 : i32
        %dma_start3A_238 = tpu.memref_slice %arg3[%dma_start3A_236, %dma_start3A_237] : memref<10240x128xf32, #tpu.memory_space<hbm>> -> memref<10240x128xf32, #tpu.memory_space<hbm>>
        tpu.enqueue_indirect_dma source(%dma_start3A_238 : memref<10240x128xf32, #tpu.memory_space<hbm>>) target(%arg13 : memref<100x128xf32, #tpu.memory_space<vmem>>) offsets(%dma_start3A_235 : memref<100xi32, #tpu.memory_space<vmem>>) semaphore(%arg16 : memref<!tpu.dma_semaphore, #tpu.memory_space<semaphore_mem>>)
        %dma_wait3A_239 = arith.constant 0 : i32
        %dma_wait3A_240 = arith.constant 0 : i32
        %dma_wait3A_241 = tpu.memref_slice %arg8[%dma_wait3A_239, %dma_wait3A_240] : memref<4x100xi32, #tpu.memory_space<vmem>> -> memref<1x100xi32, #tpu.memory_space<vmem>>
        %dma_wait3A_242 = tpu.memref_squeeze %dma_wait3A_241 : memref<1x100xi32, #tpu.memory_space<vmem>> -> memref<100xi32, #tpu.memory_space<vmem>>
        %dma_wait3A_243 = arith.constant 0 : i32
        %dma_wait3A_244 = arith.constant 0 : i32
        %dma_wait3A_245 = tpu.memref_slice %arg3[%dma_wait3A_243, %dma_wait3A_244] : memref<10240x128xf32, #tpu.memory_space<hbm>> -> memref<10240x128xf32, #tpu.memory_space<hbm>>
        tpu.wait_indirect_dma semaphore(%arg15 : memref<!tpu.dma_semaphore, #tpu.memory_space<semaphore_mem>>) src(%dma_wait3A_245 : memref<10240x128xf32, #tpu.memory_space<hbm>>) dst(%arg12 : memref<100x128xf32, #tpu.memory_space<vmem>>)
        %dma_start3A_246 = arith.constant 2 : i32
        %dma_start3A_247 = arith.constant 0 : i32
        %dma_start3A_248 = tpu.memref_slice %arg9[%dma_start3A_246, %dma_start3A_247] : memref<4x100xi32, #tpu.memory_space<vmem>> -> memref<1x100xi32, #tpu.memory_space<vmem>>
        %dma_start3A_249 = tpu.memref_squeeze %dma_start3A_248 : memref<1x100xi32, #tpu.memory_space<vmem>> -> memref<100xi32, #tpu.memory_space<vmem>>
        %dma_start3A_250 = arith.constant 0 : i32
        %dma_start3A_251 = arith.constant 0 : i32
        %dma_start3A_252 = tpu.memref_slice %arg14[%dma_start3A_250, %dma_start3A_251] : memref<10240x128xf32, #tpu.memory_space<vmem_shared>> -> memref<10240x128xf32, #tpu.memory_space<vmem_shared>>
        tpu.enqueue_indirect_dma source(%arg12 : memref<100x128xf32, #tpu.memory_space<vmem>>) target(%dma_start3A_252 : memref<10240x128xf32, #tpu.memory_space<vmem_shared>>) offsets(%dma_start3A_249 : memref<100xi32, #tpu.memory_space<vmem>>) semaphore(%arg17 : memref<!tpu.dma_semaphore, #tpu.memory_space<semaphore_mem>>) {add = true}
        %dma_wait3A_253 = arith.constant 0 : i32
        %dma_wait3A_254 = arith.constant 0 : i32
        %dma_wait3A_255 = tpu.memref_slice %arg8[%dma_wait3A_253, %dma_wait3A_254] : memref<4x100xi32, #tpu.memory_space<vmem>> -> memref<1x100xi32, #tpu.memory_space<vmem>>
        %dma_wait3A_256 = tpu.memref_squeeze %dma_wait3A_255 : memref<1x100xi32, #tpu.memory_space<vmem>> -> memref<100xi32, #tpu.memory_space<vmem>>
        %dma_wait3A_257 = arith.constant 0 : i32
        %dma_wait3A_258 = arith.constant 0 : i32
        %dma_wait3A_259 = tpu.memref_slice %arg3[%dma_wait3A_257, %dma_wait3A_258] : memref<10240x128xf32, #tpu.memory_space<hbm>> -> memref<10240x128xf32, #tpu.memory_space<hbm>>
        tpu.wait_indirect_dma semaphore(%arg16 : memref<!tpu.dma_semaphore, #tpu.memory_space<semaphore_mem>>) src(%dma_wait3A_259 : memref<10240x128xf32, #tpu.memory_space<hbm>>) dst(%arg13 : memref<100x128xf32, #tpu.memory_space<vmem>>)
        %dma_start3A_260 = arith.constant 3 : i32
        %dma_start3A_261 = arith.constant 0 : i32
        %dma_start3A_262 = tpu.memref_slice %arg9[%dma_start3A_260, %dma_start3A_261] : memref<4x100xi32, #tpu.memory_space<vmem>> -> memref<1x100xi32, #tpu.memory_space<vmem>>
        %dma_start3A_263 = tpu.memref_squeeze %dma_start3A_262 : memref<1x100xi32, #tpu.memory_space<vmem>> -> memref<100xi32, #tpu.memory_space<vmem>>
        %dma_start3A_264 = arith.constant 0 : i32
        %dma_start3A_265 = arith.constant 0 : i32
        %dma_start3A_266 = tpu.memref_slice %arg14[%dma_start3A_264, %dma_start3A_265] : memref<10240x128xf32, #tpu.memory_space<vmem_shared>> -> memref<10240x128xf32, #tpu.memory_space<vmem_shared>>
        tpu.enqueue_indirect_dma source(%arg13 : memref<100x128xf32, #tpu.memory_space<vmem>>) target(%dma_start3A_266 : memref<10240x128xf32, #tpu.memory_space<vmem_shared>>) offsets(%dma_start3A_263 : memref<100xi32, #tpu.memory_space<vmem>>) semaphore(%arg18 : memref<!tpu.dma_semaphore, #tpu.memory_space<semaphore_mem>>) {add = true}
        %dma_wait3A_267 = arith.constant 0 : i32
        %dma_wait3A_268 = arith.constant 0 : i32
        %dma_wait3A_269 = arith.constant 0 : i32
        %dma_wait3A_270 = tpu.memref_slice %arg4[%arg1, %dma_wait3A_267, %dma_wait3A_268, %dma_wait3A_269] : memref<16x25x4x100xi32, #tpu.memory_space<hbm>> -> memref<1x1x4x100xi32, #tpu.memory_space<hbm>>
        %dma_wait3A_271 = tpu.memref_squeeze %dma_wait3A_270 : memref<1x1x4x100xi32, #tpu.memory_space<hbm>> -> memref<4x100xi32, #tpu.memory_space<hbm>>
        %dma_wait3A_272 = arith.constant 0 : i32
        %dma_wait3A_273 = arith.constant 0 : i32
        %dma_wait3A_274 = tpu.memref_slice %arg4[%arg1, %dma_wait3A_267, %dma_wait3A_272, %dma_wait3A_273] : memref<16x25x4x100xi32, #tpu.memory_space<hbm>> -> memref<1x1x4x100xi32, #tpu.memory_space<hbm>>
        %dma_wait3A_275 = tpu.memref_squeeze %dma_wait3A_274 : memref<1x1x4x100xi32, #tpu.memory_space<hbm>> -> memref<4x100xi32, #tpu.memory_space<hbm>>
        tpu.wait_dma2 semaphore(%arg19 : memref<!tpu.dma_semaphore, #tpu.memory_space<semaphore_mem>>) src(%dma_wait3A_275 : memref<4x100xi32, #tpu.memory_space<hbm>>) dst(%arg10 : memref<4x100xi32, #tpu.memory_space<vmem>>)
        %dma_wait3A_276 = arith.constant 0 : i32
        %dma_wait3A_277 = arith.constant 0 : i32
        %dma_wait3A_278 = arith.constant 0 : i32
        %dma_wait3A_279 = tpu.memref_slice %arg5[%arg1, %dma_wait3A_276, %dma_wait3A_277, %dma_wait3A_278] : memref<16x25x4x100xi32, #tpu.memory_space<hbm>> -> memref<1x1x4x100xi32, #tpu.memory_space<hbm>>
        %dma_wait3A_280 = tpu.memref_squeeze %dma_wait3A_279 : memref<1x1x4x100xi32, #tpu.memory_space<hbm>> -> memref<4x100xi32, #tpu.memory_space<hbm>>
        %dma_wait3A_281 = arith.constant 0 : i32
        %dma_wait3A_282 = arith.constant 0 : i32
        %dma_wait3A_283 = tpu.memref_slice %arg5[%arg1, %dma_wait3A_276, %dma_wait3A_281, %dma_wait3A_282] : memref<16x25x4x100xi32, #tpu.memory_space<hbm>> -> memref<1x1x4x100xi32, #tpu.memory_space<hbm>>
        %dma_wait3A_284 = tpu.memref_squeeze %dma_wait3A_283 : memref<1x1x4x100xi32, #tpu.memory_space<hbm>> -> memref<4x100xi32, #tpu.memory_space<hbm>>
        tpu.wait_dma2 semaphore(%arg19 : memref<!tpu.dma_semaphore, #tpu.memory_space<semaphore_mem>>) src(%dma_wait3A_284 : memref<4x100xi32, #tpu.memory_space<hbm>>) dst(%arg11 : memref<4x100xi32, #tpu.memory_space<vmem>>)
        %dma_wait3A_285 = arith.constant 0 : i32
        %dma_wait3A_286 = arith.constant 0 : i32
        %dma_wait3A_287 = tpu.memref_slice %arg9[%dma_wait3A_285, %dma_wait3A_286] : memref<4x100xi32, #tpu.memory_space<vmem>> -> memref<1x100xi32, #tpu.memory_space<vmem>>
        %dma_wait3A_288 = tpu.memref_squeeze %dma_wait3A_287 : memref<1x100xi32, #tpu.memory_space<vmem>> -> memref<100xi32, #tpu.memory_space<vmem>>
        %dma_wait3A_289 = arith.constant 0 : i32
        %dma_wait3A_290 = arith.constant 0 : i32
        %dma_wait3A_291 = tpu.memref_slice %arg14[%dma_wait3A_289, %dma_wait3A_290] : memref<10240x128xf32, #tpu.memory_space<vmem_shared>> -> memref<10240x128xf32, #tpu.memory_space<vmem_shared>>
        tpu.wait_indirect_dma semaphore(%arg17 : memref<!tpu.dma_semaphore, #tpu.memory_space<semaphore_mem>>) src(%arg12 : memref<100x128xf32, #tpu.memory_space<vmem>>) dst(%dma_wait3A_291 : memref<10240x128xf32, #tpu.memory_space<vmem_shared>>)
        %dma_start3A_292 = arith.constant 0 : i32
        %dma_start3A_293 = arith.constant 0 : i32
        %dma_start3A_294 = tpu.memref_slice %arg10[%dma_start3A_292, %dma_start3A_293] : memref<4x100xi32, #tpu.memory_space<vmem>> -> memref<1x100xi32, #tpu.memory_space<vmem>>
        %dma_start3A_295 = tpu.memref_squeeze %dma_start3A_294 : memref<1x100xi32, #tpu.memory_space<vmem>> -> memref<100xi32, #tpu.memory_space<vmem>>
        %dma_start3A_296 = arith.constant 0 : i32
        %dma_start3A_297 = arith.constant 0 : i32
        %dma_start3A_298 = tpu.memref_slice %arg3[%dma_start3A_296, %dma_start3A_297] : memref<10240x128xf32, #tpu.memory_space<hbm>> -> memref<10240x128xf32, #tpu.memory_space<hbm>>
        tpu.enqueue_indirect_dma source(%dma_start3A_298 : memref<10240x128xf32, #tpu.memory_space<hbm>>) target(%arg12 : memref<100x128xf32, #tpu.memory_space<vmem>>) offsets(%dma_start3A_295 : memref<100xi32, #tpu.memory_space<vmem>>) semaphore(%arg15 : memref<!tpu.dma_semaphore, #tpu.memory_space<semaphore_mem>>)
        %dma_wait3A_299 = arith.constant 0 : i32
        %dma_wait3A_300 = arith.constant 0 : i32
        %dma_wait3A_301 = tpu.memref_slice %arg9[%dma_wait3A_299, %dma_wait3A_300] : memref<4x100xi32, #tpu.memory_space<vmem>> -> memref<1x100xi32, #tpu.memory_space<vmem>>
        %dma_wait3A_302 = tpu.memref_squeeze %dma_wait3A_301 : memref<1x100xi32, #tpu.memory_space<vmem>> -> memref<100xi32, #tpu.memory_space<vmem>>
        %dma_wait3A_303 = arith.constant 0 : i32
        %dma_wait3A_304 = arith.constant 0 : i32
        %dma_wait3A_305 = tpu.memref_slice %arg14[%dma_wait3A_303, %dma_wait3A_304] : memref<10240x128xf32, #tpu.memory_space<vmem_shared>> -> memref<10240x128xf32, #tpu.memory_space<vmem_shared>>
        tpu.wait_indirect_dma semaphore(%arg18 : memref<!tpu.dma_semaphore, #tpu.memory_space<semaphore_mem>>) src(%arg13 : memref<100x128xf32, #tpu.memory_space<vmem>>) dst(%dma_wait3A_305 : memref<10240x128xf32, #tpu.memory_space<vmem_shared>>)
        %dma_start3A_306 = arith.constant 1 : i32
        %dma_start3A_307 = arith.constant 0 : i32
        %dma_start3A_308 = tpu.memref_slice %arg10[%dma_start3A_306, %dma_start3A_307] : memref<4x100xi32, #tpu.memory_space<vmem>> -> memref<1x100xi32, #tpu.memory_space<vmem>>
        %dma_start3A_309 = tpu.memref_squeeze %dma_start3A_308 : memref<1x100xi32, #tpu.memory_space<vmem>> -> memref<100xi32, #tpu.memory_space<vmem>>
        %dma_start3A_310 = arith.constant 0 : i32
        %dma_start3A_311 = arith.constant 0 : i32
        %dma_start3A_312 = tpu.memref_slice %arg3[%dma_start3A_310, %dma_start3A_311] : memref<10240x128xf32, #tpu.memory_space<hbm>> -> memref<10240x128xf32, #tpu.memory_space<hbm>>
        tpu.enqueue_indirect_dma source(%dma_start3A_312 : memref<10240x128xf32, #tpu.memory_space<hbm>>) target(%arg13 : memref<100x128xf32, #tpu.memory_space<vmem>>) offsets(%dma_start3A_309 : memref<100xi32, #tpu.memory_space<vmem>>) semaphore(%arg16 : memref<!tpu.dma_semaphore, #tpu.memory_space<semaphore_mem>>)
        %add3A = arith.constant 2 : i32
        %add3A_313 = arith.addi %mul3A_182, %add3A : i32
        %dma_start3A_314 = arith.constant 0 : i32
        %dma_start3A_315 = arith.constant 0 : i32
        %dma_start3A_316 = tpu.memref_slice %arg4[%arg1, %add3A_313, %dma_start3A_314, %dma_start3A_315] : memref<16x25x4x100xi32, #tpu.memory_space<hbm>> -> memref<1x1x4x100xi32, #tpu.memory_space<hbm>>
        %dma_start3A_317 = tpu.memref_squeeze %dma_start3A_316 : memref<1x1x4x100xi32, #tpu.memory_space<hbm>> -> memref<4x100xi32, #tpu.memory_space<hbm>>
        %dma_start3A_318 = arith.constant 0 : i32
        %dma_start3A_319 = arith.constant 0 : i32
        %dma_start3A_320 = tpu.memref_slice %arg4[%arg1, %add3A_313, %dma_start3A_318, %dma_start3A_319] : memref<16x25x4x100xi32, #tpu.memory_space<hbm>> -> memref<1x1x4x100xi32, #tpu.memory_space<hbm>>
        %dma_start3A_321 = tpu.memref_squeeze %dma_start3A_320 : memref<1x1x4x100xi32, #tpu.memory_space<hbm>> -> memref<4x100xi32, #tpu.memory_space<hbm>>
        tpu.enqueue_dma source(%dma_start3A_321 : memref<4x100xi32, #tpu.memory_space<hbm>>) target(%arg8 : memref<4x100xi32, #tpu.memory_space<vmem>>) target_semaphore(%arg19 : memref<!tpu.dma_semaphore, #tpu.memory_space<semaphore_mem>>)
        %dma_start3A_322 = arith.constant 0 : i32
        %dma_start3A_323 = arith.constant 0 : i32
        %dma_start3A_324 = tpu.memref_slice %arg5[%arg1, %add3A_313, %dma_start3A_322, %dma_start3A_323] : memref<16x25x4x100xi32, #tpu.memory_space<hbm>> -> memref<1x1x4x100xi32, #tpu.memory_space<hbm>>
        %dma_start3A_325 = tpu.memref_squeeze %dma_start3A_324 : memref<1x1x4x100xi32, #tpu.memory_space<hbm>> -> memref<4x100xi32, #tpu.memory_space<hbm>>
        %dma_start3A_326 = arith.constant 0 : i32
        %dma_start3A_327 = arith.constant 0 : i32
        %dma_start3A_328 = tpu.memref_slice %arg5[%arg1, %add3A_313, %dma_start3A_326, %dma_start3A_327] : memref<16x25x4x100xi32, #tpu.memory_space<hbm>> -> memref<1x1x4x100xi32, #tpu.memory_space<hbm>>
        %dma_start3A_329 = tpu.memref_squeeze %dma_start3A_328 : memref<1x1x4x100xi32, #tpu.memory_space<hbm>> -> memref<4x100xi32, #tpu.memory_space<hbm>>
        tpu.enqueue_dma source(%dma_start3A_329 : memref<4x100xi32, #tpu.memory_space<hbm>>) target(%arg9 : memref<4x100xi32, #tpu.memory_space<vmem>>) target_semaphore(%arg19 : memref<!tpu.dma_semaphore, #tpu.memory_space<semaphore_mem>>)
        %dma_wait3A_330 = arith.constant 0 : i32
        %dma_wait3A_331 = arith.constant 0 : i32
        %dma_wait3A_332 = tpu.memref_slice %arg8[%dma_wait3A_330, %dma_wait3A_331] : memref<4x100xi32, #tpu.memory_space<vmem>> -> memref<1x100xi32, #tpu.memory_space<vmem>>
        %dma_wait3A_333 = tpu.memref_squeeze %dma_wait3A_332 : memref<1x100xi32, #tpu.memory_space<vmem>> -> memref<100xi32, #tpu.memory_space<vmem>>
        %dma_wait3A_334 = arith.constant 0 : i32
        %dma_wait3A_335 = arith.constant 0 : i32
        %dma_wait3A_336 = tpu.memref_slice %arg3[%dma_wait3A_334, %dma_wait3A_335] : memref<10240x128xf32, #tpu.memory_space<hbm>> -> memref<10240x128xf32, #tpu.memory_space<hbm>>
        tpu.wait_indirect_dma semaphore(%arg15 : memref<!tpu.dma_semaphore, #tpu.memory_space<semaphore_mem>>) src(%dma_wait3A_336 : memref<10240x128xf32, #tpu.memory_space<hbm>>) dst(%arg12 : memref<100x128xf32, #tpu.memory_space<vmem>>)
        %dma_start3A_337 = arith.constant 0 : i32
        %dma_start3A_338 = arith.constant 0 : i32
        %dma_start3A_339 = tpu.memref_slice %arg11[%dma_start3A_337, %dma_start3A_338] : memref<4x100xi32, #tpu.memory_space<vmem>> -> memref<1x100xi32, #tpu.memory_space<vmem>>
        %dma_start3A_340 = tpu.memref_squeeze %dma_start3A_339 : memref<1x100xi32, #tpu.memory_space<vmem>> -> memref<100xi32, #tpu.memory_space<vmem>>
        %dma_start3A_341 = arith.constant 0 : i32
        %dma_start3A_342 = arith.constant 0 : i32
        %dma_start3A_343 = tpu.memref_slice %arg14[%dma_start3A_341, %dma_start3A_342] : memref<10240x128xf32, #tpu.memory_space<vmem_shared>> -> memref<10240x128xf32, #tpu.memory_space<vmem_shared>>
        tpu.enqueue_indirect_dma source(%arg12 : memref<100x128xf32, #tpu.memory_space<vmem>>) target(%dma_start3A_343 : memref<10240x128xf32, #tpu.memory_space<vmem_shared>>) offsets(%dma_start3A_340 : memref<100xi32, #tpu.memory_space<vmem>>) semaphore(%arg17 : memref<!tpu.dma_semaphore, #tpu.memory_space<semaphore_mem>>) {add = true}
        %dma_wait3A_344 = arith.constant 0 : i32
        %dma_wait3A_345 = arith.constant 0 : i32
        %dma_wait3A_346 = tpu.memref_slice %arg8[%dma_wait3A_344, %dma_wait3A_345] : memref<4x100xi32, #tpu.memory_space<vmem>> -> memref<1x100xi32, #tpu.memory_space<vmem>>
        %dma_wait3A_347 = tpu.memref_squeeze %dma_wait3A_346 : memref<1x100xi32, #tpu.memory_space<vmem>> -> memref<100xi32, #tpu.memory_space<vmem>>
        %dma_wait3A_348 = arith.constant 0 : i32
        %dma_wait3A_349 = arith.constant 0 : i32
        %dma_wait3A_350 = tpu.memref_slice %arg3[%dma_wait3A_348, %dma_wait3A_349] : memref<10240x128xf32, #tpu.memory_space<hbm>> -> memref<10240x128xf32, #tpu.memory_space<hbm>>
        tpu.wait_indirect_dma semaphore(%arg16 : memref<!tpu.dma_semaphore, #tpu.memory_space<semaphore_mem>>) src(%dma_wait3A_350 : memref<10240x128xf32, #tpu.memory_space<hbm>>) dst(%arg13 : memref<100x128xf32, #tpu.memory_space<vmem>>)
        %dma_start3A_351 = arith.constant 1 : i32
        %dma_start3A_352 = arith.constant 0 : i32
        %dma_start3A_353 = tpu.memref_slice %arg11[%dma_start3A_351, %dma_start3A_352] : memref<4x100xi32, #tpu.memory_space<vmem>> -> memref<1x100xi32, #tpu.memory_space<vmem>>
        %dma_start3A_354 = tpu.memref_squeeze %dma_start3A_353 : memref<1x100xi32, #tpu.memory_space<vmem>> -> memref<100xi32, #tpu.memory_space<vmem>>
        %dma_start3A_355 = arith.constant 0 : i32
        %dma_start3A_356 = arith.constant 0 : i32
        %dma_start3A_357 = tpu.memref_slice %arg14[%dma_start3A_355, %dma_start3A_356] : memref<10240x128xf32, #tpu.memory_space<vmem_shared>> -> memref<10240x128xf32, #tpu.memory_space<vmem_shared>>
        tpu.enqueue_indirect_dma source(%arg13 : memref<100x128xf32, #tpu.memory_space<vmem>>) target(%dma_start3A_357 : memref<10240x128xf32, #tpu.memory_space<vmem_shared>>) offsets(%dma_start3A_354 : memref<100xi32, #tpu.memory_space<vmem>>) semaphore(%arg18 : memref<!tpu.dma_semaphore, #tpu.memory_space<semaphore_mem>>) {add = true}
        %dma_wait3A_358 = arith.constant 0 : i32
        %dma_wait3A_359 = arith.constant 0 : i32
        %dma_wait3A_360 = tpu.memref_slice %arg9[%dma_wait3A_358, %dma_wait3A_359] : memref<4x100xi32, #tpu.memory_space<vmem>> -> memref<1x100xi32, #tpu.memory_space<vmem>>
        %dma_wait3A_361 = tpu.memref_squeeze %dma_wait3A_360 : memref<1x100xi32, #tpu.memory_space<vmem>> -> memref<100xi32, #tpu.memory_space<vmem>>
        %dma_wait3A_362 = arith.constant 0 : i32
        %dma_wait3A_363 = arith.constant 0 : i32
        %dma_wait3A_364 = tpu.memref_slice %arg14[%dma_wait3A_362, %dma_wait3A_363] : memref<10240x128xf32, #tpu.memory_space<vmem_shared>> -> memref<10240x128xf32, #tpu.memory_space<vmem_shared>>
        tpu.wait_indirect_dma semaphore(%arg17 : memref<!tpu.dma_semaphore, #tpu.memory_space<semaphore_mem>>) src(%arg12 : memref<100x128xf32, #tpu.memory_space<vmem>>) dst(%dma_wait3A_364 : memref<10240x128xf32, #tpu.memory_space<vmem_shared>>)
        %dma_start3A_365 = arith.constant 2 : i32
        %dma_start3A_366 = arith.constant 0 : i32
        %dma_start3A_367 = tpu.memref_slice %arg10[%dma_start3A_365, %dma_start3A_366] : memref<4x100xi32, #tpu.memory_space<vmem>> -> memref<1x100xi32, #tpu.memory_space<vmem>>
        %dma_start3A_368 = tpu.memref_squeeze %dma_start3A_367 : memref<1x100xi32, #tpu.memory_space<vmem>> -> memref<100xi32, #tpu.memory_space<vmem>>
        %dma_start3A_369 = arith.constant 0 : i32
        %dma_start3A_370 = arith.constant 0 : i32
        %dma_start3A_371 = tpu.memref_slice %arg3[%dma_start3A_369, %dma_start3A_370] : memref<10240x128xf32, #tpu.memory_space<hbm>> -> memref<10240x128xf32, #tpu.memory_space<hbm>>
        tpu.enqueue_indirect_dma source(%dma_start3A_371 : memref<10240x128xf32, #tpu.memory_space<hbm>>) target(%arg12 : memref<100x128xf32, #tpu.memory_space<vmem>>) offsets(%dma_start3A_368 : memref<100xi32, #tpu.memory_space<vmem>>) semaphore(%arg15 : memref<!tpu.dma_semaphore, #tpu.memory_space<semaphore_mem>>)
        %dma_wait3A_372 = arith.constant 0 : i32
        %dma_wait3A_373 = arith.constant 0 : i32
        %dma_wait3A_374 = tpu.memref_slice %arg9[%dma_wait3A_372, %dma_wait3A_373] : memref<4x100xi32, #tpu.memory_space<vmem>> -> memref<1x100xi32, #tpu.memory_space<vmem>>
        %dma_wait3A_375 = tpu.memref_squeeze %dma_wait3A_374 : memref<1x100xi32, #tpu.memory_space<vmem>> -> memref<100xi32, #tpu.memory_space<vmem>>
        %dma_wait3A_376 = arith.constant 0 : i32
        %dma_wait3A_377 = arith.constant 0 : i32
        %dma_wait3A_378 = tpu.memref_slice %arg14[%dma_wait3A_376, %dma_wait3A_377] : memref<10240x128xf32, #tpu.memory_space<vmem_shared>> -> memref<10240x128xf32, #tpu.memory_space<vmem_shared>>
        tpu.wait_indirect_dma semaphore(%arg18 : memref<!tpu.dma_semaphore, #tpu.memory_space<semaphore_mem>>) src(%arg13 : memref<100x128xf32, #tpu.memory_space<vmem>>) dst(%dma_wait3A_378 : memref<10240x128xf32, #tpu.memory_space<vmem_shared>>)
        %dma_start3A_379 = arith.constant 3 : i32
        %dma_start3A_380 = arith.constant 0 : i32
        %dma_start3A_381 = tpu.memref_slice %arg10[%dma_start3A_379, %dma_start3A_380] : memref<4x100xi32, #tpu.memory_space<vmem>> -> memref<1x100xi32, #tpu.memory_space<vmem>>
        %dma_start3A_382 = tpu.memref_squeeze %dma_start3A_381 : memref<1x100xi32, #tpu.memory_space<vmem>> -> memref<100xi32, #tpu.memory_space<vmem>>
        %dma_start3A_383 = arith.constant 0 : i32
        %dma_start3A_384 = arith.constant 0 : i32
        %dma_start3A_385 = tpu.memref_slice %arg3[%dma_start3A_383, %dma_start3A_384] : memref<10240x128xf32, #tpu.memory_space<hbm>> -> memref<10240x128xf32, #tpu.memory_space<hbm>>
        tpu.enqueue_indirect_dma source(%dma_start3A_385 : memref<10240x128xf32, #tpu.memory_space<hbm>>) target(%arg13 : memref<100x128xf32, #tpu.memory_space<vmem>>) offsets(%dma_start3A_382 : memref<100xi32, #tpu.memory_space<vmem>>) semaphore(%arg16 : memref<!tpu.dma_semaphore, #tpu.memory_space<semaphore_mem>>)
        %dma_wait3A_386 = arith.constant 0 : i32
        %dma_wait3A_387 = arith.constant 0 : i32
        %dma_wait3A_388 = tpu.memref_slice %arg8[%dma_wait3A_386, %dma_wait3A_387] : memref<4x100xi32, #tpu.memory_space<vmem>> -> memref<1x100xi32, #tpu.memory_space<vmem>>
        %dma_wait3A_389 = tpu.memref_squeeze %dma_wait3A_388 : memref<1x100xi32, #tpu.memory_space<vmem>> -> memref<100xi32, #tpu.memory_space<vmem>>
        %dma_wait3A_390 = arith.constant 0 : i32
        %dma_wait3A_391 = arith.constant 0 : i32
        %dma_wait3A_392 = tpu.memref_slice %arg3[%dma_wait3A_390, %dma_wait3A_391] : memref<10240x128xf32, #tpu.memory_space<hbm>> -> memref<10240x128xf32, #tpu.memory_space<hbm>>
        tpu.wait_indirect_dma semaphore(%arg15 : memref<!tpu.dma_semaphore, #tpu.memory_space<semaphore_mem>>) src(%dma_wait3A_392 : memref<10240x128xf32, #tpu.memory_space<hbm>>) dst(%arg12 : memref<100x128xf32, #tpu.memory_space<vmem>>)
        %dma_start3A_393 = arith.constant 2 : i32
        %dma_start3A_394 = arith.constant 0 : i32
        %dma_start3A_395 = tpu.memref_slice %arg11[%dma_start3A_393, %dma_start3A_394] : memref<4x100xi32, #tpu.memory_space<vmem>> -> memref<1x100xi32, #tpu.memory_space<vmem>>
        %dma_start3A_396 = tpu.memref_squeeze %dma_start3A_395 : memref<1x100xi32, #tpu.memory_space<vmem>> -> memref<100xi32, #tpu.memory_space<vmem>>
        %dma_start3A_397 = arith.constant 0 : i32
        %dma_start3A_398 = arith.constant 0 : i32
        %dma_start3A_399 = tpu.memref_slice %arg14[%dma_start3A_397, %dma_start3A_398] : memref<10240x128xf32, #tpu.memory_space<vmem_shared>> -> memref<10240x128xf32, #tpu.memory_space<vmem_shared>>
        tpu.enqueue_indirect_dma source(%arg12 : memref<100x128xf32, #tpu.memory_space<vmem>>) target(%dma_start3A_399 : memref<10240x128xf32, #tpu.memory_space<vmem_shared>>) offsets(%dma_start3A_396 : memref<100xi32, #tpu.memory_space<vmem>>) semaphore(%arg17 : memref<!tpu.dma_semaphore, #tpu.memory_space<semaphore_mem>>) {add = true}
        %dma_wait3A_400 = arith.constant 0 : i32
        %dma_wait3A_401 = arith.constant 0 : i32
        %dma_wait3A_402 = tpu.memref_slice %arg8[%dma_wait3A_400, %dma_wait3A_401] : memref<4x100xi32, #tpu.memory_space<vmem>> -> memref<1x100xi32, #tpu.memory_space<vmem>>
        %dma_wait3A_403 = tpu.memref_squeeze %dma_wait3A_402 : memref<1x100xi32, #tpu.memory_space<vmem>> -> memref<100xi32, #tpu.memory_space<vmem>>
        %dma_wait3A_404 = arith.constant 0 : i32
        %dma_wait3A_405 = arith.constant 0 : i32
        %dma_wait3A_406 = tpu.memref_slice %arg3[%dma_wait3A_404, %dma_wait3A_405] : memref<10240x128xf32, #tpu.memory_space<hbm>> -> memref<10240x128xf32, #tpu.memory_space<hbm>>
        tpu.wait_indirect_dma semaphore(%arg16 : memref<!tpu.dma_semaphore, #tpu.memory_space<semaphore_mem>>) src(%dma_wait3A_406 : memref<10240x128xf32, #tpu.memory_space<hbm>>) dst(%arg13 : memref<100x128xf32, #tpu.memory_space<vmem>>)
        %dma_start3A_407 = arith.constant 3 : i32
        %dma_start3A_408 = arith.constant 0 : i32
        %dma_start3A_409 = tpu.memref_slice %arg11[%dma_start3A_407, %dma_start3A_408] : memref<4x100xi32, #tpu.memory_space<vmem>> -> memref<1x100xi32, #tpu.memory_space<vmem>>
        %dma_start3A_410 = tpu.memref_squeeze %dma_start3A_409 : memref<1x100xi32, #tpu.memory_space<vmem>> -> memref<100xi32, #tpu.memory_space<vmem>>
        %dma_start3A_411 = arith.constant 0 : i32
        %dma_start3A_412 = arith.constant 0 : i32
        %dma_start3A_413 = tpu.memref_slice %arg14[%dma_start3A_411, %dma_start3A_412] : memref<10240x128xf32, #tpu.memory_space<vmem_shared>> -> memref<10240x128xf32, #tpu.memory_space<vmem_shared>>
        tpu.enqueue_indirect_dma source(%arg13 : memref<100x128xf32, #tpu.memory_space<vmem>>) target(%dma_start3A_413 : memref<10240x128xf32, #tpu.memory_space<vmem_shared>>) offsets(%dma_start3A_410 : memref<100xi32, #tpu.memory_space<vmem>>) semaphore(%arg18 : memref<!tpu.dma_semaphore, #tpu.memory_space<semaphore_mem>>) {add = true}
        %dma_wait3A_414 = arith.constant 0 : i32
        %dma_wait3A_415 = arith.constant 0 : i32
        %dma_wait3A_416 = arith.constant 0 : i32
        %dma_wait3A_417 = tpu.memref_slice %arg4[%arg1, %dma_wait3A_414, %dma_wait3A_415, %dma_wait3A_416] : memref<16x25x4x100xi32, #tpu.memory_space<hbm>> -> memref<1x1x4x100xi32, #tpu.memory_space<hbm>>
        %dma_wait3A_418 = tpu.memref_squeeze %dma_wait3A_417 : memref<1x1x4x100xi32, #tpu.memory_space<hbm>> -> memref<4x100xi32, #tpu.memory_space<hbm>>
        %dma_wait3A_419 = arith.constant 0 : i32
        %dma_wait3A_420 = arith.constant 0 : i32
        %dma_wait3A_421 = tpu.memref_slice %arg4[%arg1, %dma_wait3A_414, %dma_wait3A_419, %dma_wait3A_420] : memref<16x25x4x100xi32, #tpu.memory_space<hbm>> -> memref<1x1x4x100xi32, #tpu.memory_space<hbm>>
        %dma_wait3A_422 = tpu.memref_squeeze %dma_wait3A_421 : memref<1x1x4x100xi32, #tpu.memory_space<hbm>> -> memref<4x100xi32, #tpu.memory_space<hbm>>
        tpu.wait_dma2 semaphore(%arg19 : memref<!tpu.dma_semaphore, #tpu.memory_space<semaphore_mem>>) src(%dma_wait3A_422 : memref<4x100xi32, #tpu.memory_space<hbm>>) dst(%arg8 : memref<4x100xi32, #tpu.memory_space<vmem>>)
        %dma_wait3A_423 = arith.constant 0 : i32
        %dma_wait3A_424 = arith.constant 0 : i32
        %dma_wait3A_425 = arith.constant 0 : i32
        %dma_wait3A_426 = tpu.memref_slice %arg5[%arg1, %dma_wait3A_423, %dma_wait3A_424, %dma_wait3A_425] : memref<16x25x4x100xi32, #tpu.memory_space<hbm>> -> memref<1x1x4x100xi32, #tpu.memory_space<hbm>>
        %dma_wait3A_427 = tpu.memref_squeeze %dma_wait3A_426 : memref<1x1x4x100xi32, #tpu.memory_space<hbm>> -> memref<4x100xi32, #tpu.memory_space<hbm>>
        %dma_wait3A_428 = arith.constant 0 : i32
        %dma_wait3A_429 = arith.constant 0 : i32
        %dma_wait3A_430 = tpu.memref_slice %arg5[%arg1, %dma_wait3A_423, %dma_wait3A_428, %dma_wait3A_429] : memref<16x25x4x100xi32, #tpu.memory_space<hbm>> -> memref<1x1x4x100xi32, #tpu.memory_space<hbm>>
        %dma_wait3A_431 = tpu.memref_squeeze %dma_wait3A_430 : memref<1x1x4x100xi32, #tpu.memory_space<hbm>> -> memref<4x100xi32, #tpu.memory_space<hbm>>
        tpu.wait_dma2 semaphore(%arg19 : memref<!tpu.dma_semaphore, #tpu.memory_space<semaphore_mem>>) src(%dma_wait3A_431 : memref<4x100xi32, #tpu.memory_space<hbm>>) dst(%arg9 : memref<4x100xi32, #tpu.memory_space<vmem>>)
        %dma_wait3A_432 = arith.constant 0 : i32
        %dma_wait3A_433 = arith.constant 0 : i32
        %dma_wait3A_434 = tpu.memref_slice %arg9[%dma_wait3A_432, %dma_wait3A_433] : memref<4x100xi32, #tpu.memory_space<vmem>> -> memref<1x100xi32, #tpu.memory_space<vmem>>
        %dma_wait3A_435 = tpu.memref_squeeze %dma_wait3A_434 : memref<1x100xi32, #tpu.memory_space<vmem>> -> memref<100xi32, #tpu.memory_space<vmem>>
        %dma_wait3A_436 = arith.constant 0 : i32
        %dma_wait3A_437 = arith.constant 0 : i32
        %dma_wait3A_438 = tpu.memref_slice %arg14[%dma_wait3A_436, %dma_wait3A_437] : memref<10240x128xf32, #tpu.memory_space<vmem_shared>> -> memref<10240x128xf32, #tpu.memory_space<vmem_shared>>
        tpu.wait_indirect_dma semaphore(%arg17 : memref<!tpu.dma_semaphore, #tpu.memory_space<semaphore_mem>>) src(%arg12 : memref<100x128xf32, #tpu.memory_space<vmem>>) dst(%dma_wait3A_438 : memref<10240x128xf32, #tpu.memory_space<vmem_shared>>)
        %dma_start3A_439 = arith.constant 0 : i32
        %dma_start3A_440 = arith.constant 0 : i32
        %dma_start3A_441 = tpu.memref_slice %arg8[%dma_start3A_439, %dma_start3A_440] : memref<4x100xi32, #tpu.memory_space<vmem>> -> memref<1x100xi32, #tpu.memory_space<vmem>>
        %dma_start3A_442 = tpu.memref_squeeze %dma_start3A_441 : memref<1x100xi32, #tpu.memory_space<vmem>> -> memref<100xi32, #tpu.memory_space<vmem>>
        %dma_start3A_443 = arith.constant 0 : i32
        %dma_start3A_444 = arith.constant 0 : i32
        %dma_start3A_445 = tpu.memref_slice %arg3[%dma_start3A_443, %dma_start3A_444] : memref<10240x128xf32, #tpu.memory_space<hbm>> -> memref<10240x128xf32, #tpu.memory_space<hbm>>
        tpu.enqueue_indirect_dma source(%dma_start3A_445 : memref<10240x128xf32, #tpu.memory_space<hbm>>) target(%arg12 : memref<100x128xf32, #tpu.memory_space<vmem>>) offsets(%dma_start3A_442 : memref<100xi32, #tpu.memory_space<vmem>>) semaphore(%arg15 : memref<!tpu.dma_semaphore, #tpu.memory_space<semaphore_mem>>)
        %dma_wait3A_446 = arith.constant 0 : i32
        %dma_wait3A_447 = arith.constant 0 : i32
        %dma_wait3A_448 = tpu.memref_slice %arg9[%dma_wait3A_446, %dma_wait3A_447] : memref<4x100xi32, #tpu.memory_space<vmem>> -> memref<1x100xi32, #tpu.memory_space<vmem>>
        %dma_wait3A_449 = tpu.memref_squeeze %dma_wait3A_448 : memref<1x100xi32, #tpu.memory_space<vmem>> -> memref<100xi32, #tpu.memory_space<vmem>>
        %dma_wait3A_450 = arith.constant 0 : i32
        %dma_wait3A_451 = arith.constant 0 : i32
        %dma_wait3A_452 = tpu.memref_slice %arg14[%dma_wait3A_450, %dma_wait3A_451] : memref<10240x128xf32, #tpu.memory_space<vmem_shared>> -> memref<10240x128xf32, #tpu.memory_space<vmem_shared>>
        tpu.wait_indirect_dma semaphore(%arg18 : memref<!tpu.dma_semaphore, #tpu.memory_space<semaphore_mem>>) src(%arg13 : memref<100x128xf32, #tpu.memory_space<vmem>>) dst(%dma_wait3A_452 : memref<10240x128xf32, #tpu.memory_space<vmem_shared>>)
        %dma_start3A_453 = arith.constant 1 : i32
        %dma_start3A_454 = arith.constant 0 : i32
        %dma_start3A_455 = tpu.memref_slice %arg8[%dma_start3A_453, %dma_start3A_454] : memref<4x100xi32, #tpu.memory_space<vmem>> -> memref<1x100xi32, #tpu.memory_space<vmem>>
        %dma_start3A_456 = tpu.memref_squeeze %dma_start3A_455 : memref<1x100xi32, #tpu.memory_space<vmem>> -> memref<100xi32, #tpu.memory_space<vmem>>
        %dma_start3A_457 = arith.constant 0 : i32
        %dma_start3A_458 = arith.constant 0 : i32
        %dma_start3A_459 = tpu.memref_slice %arg3[%dma_start3A_457, %dma_start3A_458] : memref<10240x128xf32, #tpu.memory_space<hbm>> -> memref<10240x128xf32, #tpu.memory_space<hbm>>
        tpu.enqueue_indirect_dma source(%dma_start3A_459 : memref<10240x128xf32, #tpu.memory_space<hbm>>) target(%arg13 : memref<100x128xf32, #tpu.memory_space<vmem>>) offsets(%dma_start3A_456 : memref<100xi32, #tpu.memory_space<vmem>>) semaphore(%arg16 : memref<!tpu.dma_semaphore, #tpu.memory_space<semaphore_mem>>)
        %add3A_460 = arith.constant 3 : i32
        %add3A_461 = arith.addi %mul3A_182, %add3A_460 : i32
        %lt3A = arith.constant 25 : i32
        %lt3A_462 = arith.cmpi slt, %add3A_461, %lt3A : i32
        %convert_element_type3A_463 = arith.extui %lt3A_462 : i1 to i32
        %cond3A_464 = arith.constant 0 : i32
        %cond3A_465 = arith.cmpi ne, %convert_element_type3A_463, %cond3A_464 : i32
        scf.if %cond3A_465 {
          %add3A_467 = arith.constant 3 : i32
          %add3A_468 = arith.addi %mul3A_182, %add3A_467 : i32
          %dma_start3A_469 = arith.constant 0 : i32
          %dma_start3A_470 = arith.constant 0 : i32
          %dma_start3A_471 = tpu.memref_slice %arg4[%arg1, %add3A_468, %dma_start3A_469, %dma_start3A_470] : memref<16x25x4x100xi32, #tpu.memory_space<hbm>> -> memref<1x1x4x100xi32, #tpu.memory_space<hbm>>
          %dma_start3A_472 = tpu.memref_squeeze %dma_start3A_471 : memref<1x1x4x100xi32, #tpu.memory_space<hbm>> -> memref<4x100xi32, #tpu.memory_space<hbm>>
          %dma_start3A_473 = arith.constant 0 : i32
          %dma_start3A_474 = arith.constant 0 : i32
          %dma_start3A_475 = tpu.memref_slice %arg4[%arg1, %add3A_468, %dma_start3A_473, %dma_start3A_474] : memref<16x25x4x100xi32, #tpu.memory_space<hbm>> -> memref<1x1x4x100xi32, #tpu.memory_space<hbm>>
          %dma_start3A_476 = tpu.memref_squeeze %dma_start3A_475 : memref<1x1x4x100xi32, #tpu.memory_space<hbm>> -> memref<4x100xi32, #tpu.memory_space<hbm>>
          tpu.enqueue_dma source(%dma_start3A_476 : memref<4x100xi32, #tpu.memory_space<hbm>>) target(%arg10 : memref<4x100xi32, #tpu.memory_space<vmem>>) target_semaphore(%arg19 : memref<!tpu.dma_semaphore, #tpu.memory_space<semaphore_mem>>)
          %dma_start3A_477 = arith.constant 0 : i32
          %dma_start3A_478 = arith.constant 0 : i32
          %dma_start3A_479 = tpu.memref_slice %arg5[%arg1, %add3A_468, %dma_start3A_477, %dma_start3A_478] : memref<16x25x4x100xi32, #tpu.memory_space<hbm>> -> memref<1x1x4x100xi32, #tpu.memory_space<hbm>>
          %dma_start3A_480 = tpu.memref_squeeze %dma_start3A_479 : memref<1x1x4x100xi32, #tpu.memory_space<hbm>> -> memref<4x100xi32, #tpu.memory_space<hbm>>
          %dma_start3A_481 = arith.constant 0 : i32
          %dma_start3A_482 = arith.constant 0 : i32
          %dma_start3A_483 = tpu.memref_slice %arg5[%arg1, %add3A_468, %dma_start3A_481, %dma_start3A_482] : memref<16x25x4x100xi32, #tpu.memory_space<hbm>> -> memref<1x1x4x100xi32, #tpu.memory_space<hbm>>
          %dma_start3A_484 = tpu.memref_squeeze %dma_start3A_483 : memref<1x1x4x100xi32, #tpu.memory_space<hbm>> -> memref<4x100xi32, #tpu.memory_space<hbm>>
          tpu.enqueue_dma source(%dma_start3A_484 : memref<4x100xi32, #tpu.memory_space<hbm>>) target(%arg11 : memref<4x100xi32, #tpu.memory_space<vmem>>) target_semaphore(%arg19 : memref<!tpu.dma_semaphore, #tpu.memory_space<semaphore_mem>>)
        } else {
        }
        %scan3A_466 = arith.constant 0 : i32
        scf.yield %scan3A_466 : i32
      }
      %scan3A_79 = arith.constant 12 : i32
      %dma_wait3A_80 = arith.constant 0 : i32
      %dma_wait3A_81 = arith.constant 0 : i32
      %dma_wait3A_82 = tpu.memref_slice %arg8[%dma_wait3A_80, %dma_wait3A_81] : memref<4x100xi32, #tpu.memory_space<vmem>> -> memref<1x100xi32, #tpu.memory_space<vmem>>
      %dma_wait3A_83 = tpu.memref_squeeze %dma_wait3A_82 : memref<1x100xi32, #tpu.memory_space<vmem>> -> memref<100xi32, #tpu.memory_space<vmem>>
      %dma_wait3A_84 = arith.constant 0 : i32
      %dma_wait3A_85 = arith.constant 0 : i32
      %dma_wait3A_86 = tpu.memref_slice %arg3[%dma_wait3A_84, %dma_wait3A_85] : memref<10240x128xf32, #tpu.memory_space<hbm>> -> memref<10240x128xf32, #tpu.memory_space<hbm>>
      tpu.wait_indirect_dma semaphore(%arg15 : memref<!tpu.dma_semaphore, #tpu.memory_space<semaphore_mem>>) src(%dma_wait3A_86 : memref<10240x128xf32, #tpu.memory_space<hbm>>) dst(%arg12 : memref<100x128xf32, #tpu.memory_space<vmem>>)
      %dma_start3A_87 = arith.constant 0 : i32
      %dma_start3A_88 = arith.constant 0 : i32
      %dma_start3A_89 = tpu.memref_slice %arg9[%dma_start3A_87, %dma_start3A_88] : memref<4x100xi32, #tpu.memory_space<vmem>> -> memref<1x100xi32, #tpu.memory_space<vmem>>
      %dma_start3A_90 = tpu.memref_squeeze %dma_start3A_89 : memref<1x100xi32, #tpu.memory_space<vmem>> -> memref<100xi32, #tpu.memory_space<vmem>>
      %dma_start3A_91 = arith.constant 0 : i32
      %dma_start3A_92 = arith.constant 0 : i32
      %dma_start3A_93 = tpu.memref_slice %arg14[%dma_start3A_91, %dma_start3A_92] : memref<10240x128xf32, #tpu.memory_space<vmem_shared>> -> memref<10240x128xf32, #tpu.memory_space<vmem_shared>>
      tpu.enqueue_indirect_dma source(%arg12 : memref<100x128xf32, #tpu.memory_space<vmem>>) target(%dma_start3A_93 : memref<10240x128xf32, #tpu.memory_space<vmem_shared>>) offsets(%dma_start3A_90 : memref<100xi32, #tpu.memory_space<vmem>>) semaphore(%arg17 : memref<!tpu.dma_semaphore, #tpu.memory_space<semaphore_mem>>) {add = true}
      %dma_wait3A_94 = arith.constant 0 : i32
      %dma_wait3A_95 = arith.constant 0 : i32
      %dma_wait3A_96 = tpu.memref_slice %arg8[%dma_wait3A_94, %dma_wait3A_95] : memref<4x100xi32, #tpu.memory_space<vmem>> -> memref<1x100xi32, #tpu.memory_space<vmem>>
      %dma_wait3A_97 = tpu.memref_squeeze %dma_wait3A_96 : memref<1x100xi32, #tpu.memory_space<vmem>> -> memref<100xi32, #tpu.memory_space<vmem>>
      %dma_wait3A_98 = arith.constant 0 : i32
      %dma_wait3A_99 = arith.constant 0 : i32
      %dma_wait3A_100 = tpu.memref_slice %arg3[%dma_wait3A_98, %dma_wait3A_99] : memref<10240x128xf32, #tpu.memory_space<hbm>> -> memref<10240x128xf32, #tpu.memory_space<hbm>>
      tpu.wait_indirect_dma semaphore(%arg16 : memref<!tpu.dma_semaphore, #tpu.memory_space<semaphore_mem>>) src(%dma_wait3A_100 : memref<10240x128xf32, #tpu.memory_space<hbm>>) dst(%arg13 : memref<100x128xf32, #tpu.memory_space<vmem>>)
      %dma_start3A_101 = arith.constant 1 : i32
      %dma_start3A_102 = arith.constant 0 : i32
      %dma_start3A_103 = tpu.memref_slice %arg9[%dma_start3A_101, %dma_start3A_102] : memref<4x100xi32, #tpu.memory_space<vmem>> -> memref<1x100xi32, #tpu.memory_space<vmem>>
      %dma_start3A_104 = tpu.memref_squeeze %dma_start3A_103 : memref<1x100xi32, #tpu.memory_space<vmem>> -> memref<100xi32, #tpu.memory_space<vmem>>
      %dma_start3A_105 = arith.constant 0 : i32
      %dma_start3A_106 = arith.constant 0 : i32
      %dma_start3A_107 = tpu.memref_slice %arg14[%dma_start3A_105, %dma_start3A_106] : memref<10240x128xf32, #tpu.memory_space<vmem_shared>> -> memref<10240x128xf32, #tpu.memory_space<vmem_shared>>
      tpu.enqueue_indirect_dma source(%arg13 : memref<100x128xf32, #tpu.memory_space<vmem>>) target(%dma_start3A_107 : memref<10240x128xf32, #tpu.memory_space<vmem_shared>>) offsets(%dma_start3A_104 : memref<100xi32, #tpu.memory_space<vmem>>) semaphore(%arg18 : memref<!tpu.dma_semaphore, #tpu.memory_space<semaphore_mem>>) {add = true}
      %dma_wait3A_108 = arith.constant 0 : i32
      %dma_wait3A_109 = arith.constant 0 : i32
      %dma_wait3A_110 = tpu.memref_slice %arg9[%dma_wait3A_108, %dma_wait3A_109] : memref<4x100xi32, #tpu.memory_space<vmem>> -> memref<1x100xi32, #tpu.memory_space<vmem>>
      %dma_wait3A_111 = tpu.memref_squeeze %dma_wait3A_110 : memref<1x100xi32, #tpu.memory_space<vmem>> -> memref<100xi32, #tpu.memory_space<vmem>>
      %dma_wait3A_112 = arith.constant 0 : i32
      %dma_wait3A_113 = arith.constant 0 : i32
      %dma_wait3A_114 = tpu.memref_slice %arg14[%dma_wait3A_112, %dma_wait3A_113] : memref<10240x128xf32, #tpu.memory_space<vmem_shared>> -> memref<10240x128xf32, #tpu.memory_space<vmem_shared>>
      tpu.wait_indirect_dma semaphore(%arg17 : memref<!tpu.dma_semaphore, #tpu.memory_space<semaphore_mem>>) src(%arg12 : memref<100x128xf32, #tpu.memory_space<vmem>>) dst(%dma_wait3A_114 : memref<10240x128xf32, #tpu.memory_space<vmem_shared>>)
      %dma_start3A_115 = arith.constant 2 : i32
      %dma_start3A_116 = arith.constant 0 : i32
      %dma_start3A_117 = tpu.memref_slice %arg8[%dma_start3A_115, %dma_start3A_116] : memref<4x100xi32, #tpu.memory_space<vmem>> -> memref<1x100xi32, #tpu.memory_space<vmem>>
      %dma_start3A_118 = tpu.memref_squeeze %dma_start3A_117 : memref<1x100xi32, #tpu.memory_space<vmem>> -> memref<100xi32, #tpu.memory_space<vmem>>
      %dma_start3A_119 = arith.constant 0 : i32
      %dma_start3A_120 = arith.constant 0 : i32
      %dma_start3A_121 = tpu.memref_slice %arg3[%dma_start3A_119, %dma_start3A_120] : memref<10240x128xf32, #tpu.memory_space<hbm>> -> memref<10240x128xf32, #tpu.memory_space<hbm>>
      tpu.enqueue_indirect_dma source(%dma_start3A_121 : memref<10240x128xf32, #tpu.memory_space<hbm>>) target(%arg12 : memref<100x128xf32, #tpu.memory_space<vmem>>) offsets(%dma_start3A_118 : memref<100xi32, #tpu.memory_space<vmem>>) semaphore(%arg15 : memref<!tpu.dma_semaphore, #tpu.memory_space<semaphore_mem>>)
      %dma_wait3A_122 = arith.constant 0 : i32
      %dma_wait3A_123 = arith.constant 0 : i32
      %dma_wait3A_124 = tpu.memref_slice %arg9[%dma_wait3A_122, %dma_wait3A_123] : memref<4x100xi32, #tpu.memory_space<vmem>> -> memref<1x100xi32, #tpu.memory_space<vmem>>
      %dma_wait3A_125 = tpu.memref_squeeze %dma_wait3A_124 : memref<1x100xi32, #tpu.memory_space<vmem>> -> memref<100xi32, #tpu.memory_space<vmem>>
      %dma_wait3A_126 = arith.constant 0 : i32
      %dma_wait3A_127 = arith.constant 0 : i32
      %dma_wait3A_128 = tpu.memref_slice %arg14[%dma_wait3A_126, %dma_wait3A_127] : memref<10240x128xf32, #tpu.memory_space<vmem_shared>> -> memref<10240x128xf32, #tpu.memory_space<vmem_shared>>
      tpu.wait_indirect_dma semaphore(%arg18 : memref<!tpu.dma_semaphore, #tpu.memory_space<semaphore_mem>>) src(%arg13 : memref<100x128xf32, #tpu.memory_space<vmem>>) dst(%dma_wait3A_128 : memref<10240x128xf32, #tpu.memory_space<vmem_shared>>)
      %dma_start3A_129 = arith.constant 3 : i32
      %dma_start3A_130 = arith.constant 0 : i32
      %dma_start3A_131 = tpu.memref_slice %arg8[%dma_start3A_129, %dma_start3A_130] : memref<4x100xi32, #tpu.memory_space<vmem>> -> memref<1x100xi32, #tpu.memory_space<vmem>>
      %dma_start3A_132 = tpu.memref_squeeze %dma_start3A_131 : memref<1x100xi32, #tpu.memory_space<vmem>> -> memref<100xi32, #tpu.memory_space<vmem>>
      %dma_start3A_133 = arith.constant 0 : i32
      %dma_start3A_134 = arith.constant 0 : i32
      %dma_start3A_135 = tpu.memref_slice %arg3[%dma_start3A_133, %dma_start3A_134] : memref<10240x128xf32, #tpu.memory_space<hbm>> -> memref<10240x128xf32, #tpu.memory_space<hbm>>
      tpu.enqueue_indirect_dma source(%dma_start3A_135 : memref<10240x128xf32, #tpu.memory_space<hbm>>) target(%arg13 : memref<100x128xf32, #tpu.memory_space<vmem>>) offsets(%dma_start3A_132 : memref<100xi32, #tpu.memory_space<vmem>>) semaphore(%arg16 : memref<!tpu.dma_semaphore, #tpu.memory_space<semaphore_mem>>)
      %dma_wait3A_136 = arith.constant 0 : i32
      %dma_wait3A_137 = arith.constant 0 : i32
      %dma_wait3A_138 = tpu.memref_slice %arg8[%dma_wait3A_136, %dma_wait3A_137] : memref<4x100xi32, #tpu.memory_space<vmem>> -> memref<1x100xi32, #tpu.memory_space<vmem>>
      %dma_wait3A_139 = tpu.memref_squeeze %dma_wait3A_138 : memref<1x100xi32, #tpu.memory_space<vmem>> -> memref<100xi32, #tpu.memory_space<vmem>>
      %dma_wait3A_140 = arith.constant 0 : i32
      %dma_wait3A_141 = arith.constant 0 : i32
      %dma_wait3A_142 = tpu.memref_slice %arg3[%dma_wait3A_140, %dma_wait3A_141] : memref<10240x128xf32, #tpu.memory_space<hbm>> -> memref<10240x128xf32, #tpu.memory_space<hbm>>
      tpu.wait_indirect_dma semaphore(%arg15 : memref<!tpu.dma_semaphore, #tpu.memory_space<semaphore_mem>>) src(%dma_wait3A_142 : memref<10240x128xf32, #tpu.memory_space<hbm>>) dst(%arg12 : memref<100x128xf32, #tpu.memory_space<vmem>>)
      %dma_start3A_143 = arith.constant 2 : i32
      %dma_start3A_144 = arith.constant 0 : i32
      %dma_start3A_145 = tpu.memref_slice %arg9[%dma_start3A_143, %dma_start3A_144] : memref<4x100xi32, #tpu.memory_space<vmem>> -> memref<1x100xi32, #tpu.memory_space<vmem>>
      %dma_start3A_146 = tpu.memref_squeeze %dma_start3A_145 : memref<1x100xi32, #tpu.memory_space<vmem>> -> memref<100xi32, #tpu.memory_space<vmem>>
      %dma_start3A_147 = arith.constant 0 : i32
      %dma_start3A_148 = arith.constant 0 : i32
      %dma_start3A_149 = tpu.memref_slice %arg14[%dma_start3A_147, %dma_start3A_148] : memref<10240x128xf32, #tpu.memory_space<vmem_shared>> -> memref<10240x128xf32, #tpu.memory_space<vmem_shared>>
      tpu.enqueue_indirect_dma source(%arg12 : memref<100x128xf32, #tpu.memory_space<vmem>>) target(%dma_start3A_149 : memref<10240x128xf32, #tpu.memory_space<vmem_shared>>) offsets(%dma_start3A_146 : memref<100xi32, #tpu.memory_space<vmem>>) semaphore(%arg17 : memref<!tpu.dma_semaphore, #tpu.memory_space<semaphore_mem>>) {add = true}
      %dma_wait3A_150 = arith.constant 0 : i32
      %dma_wait3A_151 = arith.constant 0 : i32
      %dma_wait3A_152 = tpu.memref_slice %arg8[%dma_wait3A_150, %dma_wait3A_151] : memref<4x100xi32, #tpu.memory_space<vmem>> -> memref<1x100xi32, #tpu.memory_space<vmem>>
      %dma_wait3A_153 = tpu.memref_squeeze %dma_wait3A_152 : memref<1x100xi32, #tpu.memory_space<vmem>> -> memref<100xi32, #tpu.memory_space<vmem>>
      %dma_wait3A_154 = arith.constant 0 : i32
      %dma_wait3A_155 = arith.constant 0 : i32
      %dma_wait3A_156 = tpu.memref_slice %arg3[%dma_wait3A_154, %dma_wait3A_155] : memref<10240x128xf32, #tpu.memory_space<hbm>> -> memref<10240x128xf32, #tpu.memory_space<hbm>>
      tpu.wait_indirect_dma semaphore(%arg16 : memref<!tpu.dma_semaphore, #tpu.memory_space<semaphore_mem>>) src(%dma_wait3A_156 : memref<10240x128xf32, #tpu.memory_space<hbm>>) dst(%arg13 : memref<100x128xf32, #tpu.memory_space<vmem>>)
      %dma_start3A_157 = arith.constant 3 : i32
      %dma_start3A_158 = arith.constant 0 : i32
      %dma_start3A_159 = tpu.memref_slice %arg9[%dma_start3A_157, %dma_start3A_158] : memref<4x100xi32, #tpu.memory_space<vmem>> -> memref<1x100xi32, #tpu.memory_space<vmem>>
      %dma_start3A_160 = tpu.memref_squeeze %dma_start3A_159 : memref<1x100xi32, #tpu.memory_space<vmem>> -> memref<100xi32, #tpu.memory_space<vmem>>
      %dma_start3A_161 = arith.constant 0 : i32
      %dma_start3A_162 = arith.constant 0 : i32
      %dma_start3A_163 = tpu.memref_slice %arg14[%dma_start3A_161, %dma_start3A_162] : memref<10240x128xf32, #tpu.memory_space<vmem_shared>> -> memref<10240x128xf32, #tpu.memory_space<vmem_shared>>
      tpu.enqueue_indirect_dma source(%arg13 : memref<100x128xf32, #tpu.memory_space<vmem>>) target(%dma_start3A_163 : memref<10240x128xf32, #tpu.memory_space<vmem_shared>>) offsets(%dma_start3A_160 : memref<100xi32, #tpu.memory_space<vmem>>) semaphore(%arg18 : memref<!tpu.dma_semaphore, #tpu.memory_space<semaphore_mem>>) {add = true}
      %dma_wait3A_164 = arith.constant 0 : i32
      %dma_wait3A_165 = arith.constant 0 : i32
      %dma_wait3A_166 = tpu.memref_slice %arg9[%dma_wait3A_164, %dma_wait3A_165] : memref<4x100xi32, #tpu.memory_space<vmem>> -> memref<1x100xi32, #tpu.memory_space<vmem>>
      %dma_wait3A_167 = tpu.memref_squeeze %dma_wait3A_166 : memref<1x100xi32, #tpu.memory_space<vmem>> -> memref<100xi32, #tpu.memory_space<vmem>>
      %dma_wait3A_168 = arith.constant 0 : i32
      %dma_wait3A_169 = arith.constant 0 : i32
      %dma_wait3A_170 = tpu.memref_slice %arg14[%dma_wait3A_168, %dma_wait3A_169] : memref<10240x128xf32, #tpu.memory_space<vmem_shared>> -> memref<10240x128xf32, #tpu.memory_space<vmem_shared>>
      tpu.wait_indirect_dma semaphore(%arg17 : memref<!tpu.dma_semaphore, #tpu.memory_space<semaphore_mem>>) src(%arg12 : memref<100x128xf32, #tpu.memory_space<vmem>>) dst(%dma_wait3A_170 : memref<10240x128xf32, #tpu.memory_space<vmem_shared>>)
      %dma_wait3A_171 = arith.constant 0 : i32
      %dma_wait3A_172 = arith.constant 0 : i32
      %dma_wait3A_173 = tpu.memref_slice %arg9[%dma_wait3A_171, %dma_wait3A_172] : memref<4x100xi32, #tpu.memory_space<vmem>> -> memref<1x100xi32, #tpu.memory_space<vmem>>
      %dma_wait3A_174 = tpu.memref_squeeze %dma_wait3A_173 : memref<1x100xi32, #tpu.memory_space<vmem>> -> memref<100xi32, #tpu.memory_space<vmem>>
      %dma_wait3A_175 = arith.constant 0 : i32
      %dma_wait3A_176 = arith.constant 0 : i32
      %dma_wait3A_177 = tpu.memref_slice %arg14[%dma_wait3A_175, %dma_wait3A_176] : memref<10240x128xf32, #tpu.memory_space<vmem_shared>> -> memref<10240x128xf32, #tpu.memory_space<vmem_shared>>
      tpu.wait_indirect_dma semaphore(%arg18 : memref<!tpu.dma_semaphore, #tpu.memory_space<semaphore_mem>>) src(%arg13 : memref<100x128xf32, #tpu.memory_space<vmem>>) dst(%dma_wait3A_177 : memref<10240x128xf32, #tpu.memory_space<vmem_shared>>)
      %barrier3A_178 = arith.constant 0 : index
      tpu.barrier barrier_id(%barrier3A_178)
      "tpu.region"() ({
        %run_scoped3A = tpu.sem_alloc : memref<!tpu.dma_semaphore, #tpu.memory_space<semaphore_mem>>
        %dma_start3A_179 = arith.constant 0 : i32
        %dma_start3A_180 = tpu.memref_slice %arg7[%mul3A_0, %dma_start3A_179] : memref<10240x128xf32, #tpu.memory_space<hbm>> -> memref<640x128xf32, #tpu.memory_space<hbm>>
        %dma_start3A_181 = arith.constant 0 : i32
        %dma_start3A_182 = tpu.memref_slice %arg14[%mul3A_0, %dma_start3A_181] : memref<10240x128xf32, #tpu.memory_space<vmem_shared>> -> memref<640x128xf32, #tpu.memory_space<vmem_shared>>
        tpu.enqueue_dma source(%dma_start3A_182 : memref<640x128xf32, #tpu.memory_space<vmem_shared>>) target(%dma_start3A_180 : memref<640x128xf32, #tpu.memory_space<hbm>>) target_semaphore(%run_scoped3A : memref<!tpu.dma_semaphore, #tpu.memory_space<semaphore_mem>>)
        %dma_wait3A_183 = arith.constant 0 : i32
        %dma_wait3A_184 = tpu.memref_slice %arg7[%mul3A_0, %dma_wait3A_183] : memref<10240x128xf32, #tpu.memory_space<hbm>> -> memref<640x128xf32, #tpu.memory_space<hbm>>
        %dma_wait3A_185 = arith.constant 0 : i32
        %dma_wait3A_186 = tpu.memref_slice %arg14[%mul3A_0, %dma_wait3A_185] : memref<10240x128xf32, #tpu.memory_space<vmem_shared>> -> memref<640x128xf32, #tpu.memory_space<vmem_shared>>
        tpu.wait_dma2 semaphore(%run_scoped3A : memref<!tpu.dma_semaphore, #tpu.memory_space<semaphore_mem>>) src(%dma_wait3A_186 : memref<640x128xf32, #tpu.memory_space<vmem_shared>>) dst(%dma_wait3A_184 : memref<640x128xf32, #tpu.memory_space<hbm>>)
        tpu.yield
      }) : () -> ()
    } else {
    }
    return
  }
}

module attributes {stable_mosaic.version = 14 : i64} {
  func.func @_mlp_body(%arg0: i32, %arg1: memref<2048x128xf32, #tpu.memory_space<vmem>>, %arg2: memref<2048x128xf32, #tpu.memory_space<vmem>>, %arg3: memref<256x256xf32, #tpu.memory_space<vmem>>, %arg4: memref<1x256xf32, #tpu.memory_space<vmem>>, %arg5: memref<256x256xf32, #tpu.memory_space<vmem>>, %arg6: memref<1x256xf32, #tpu.memory_space<vmem>>, %arg7: memref<2048x128xf32, #tpu.memory_space<vmem>>, %arg8: memref<2048x128xf32, #tpu.memory_space<vmem>>) attributes {dimension_semantics = [#tpu.dimension_semantics<arbitrary>], iteration_bounds = array<i64: 5>, scalar_prefetch = 0 : i64, scratch_operands = 0 : i64, tpu.core_type = #tpu.core_type<tc>, window_params = [{transform_indices = @transform_0, window_bounds = array<i64: 2048, 128>}, {transform_indices = @transform_1, window_bounds = array<i64: 2048, 128>}, {pipeline_mode = #tpu.pipeline_mode<synchronous>, transform_indices = @transform_2, window_bounds = array<i64: 256, 256>}, {pipeline_mode = #tpu.pipeline_mode<synchronous>, transform_indices = @transform_3, window_bounds = array<i64: 1, 256>}, {pipeline_mode = #tpu.pipeline_mode<synchronous>, transform_indices = @transform_4, window_bounds = array<i64: 256, 256>}, {pipeline_mode = #tpu.pipeline_mode<synchronous>, transform_indices = @transform_5, window_bounds = array<i64: 1, 256>}, {transform_indices = @transform_6, window_bounds = array<i64: 2048, 128>}, {transform_indices = @transform_7, window_bounds = array<i64: 2048, 128>}]} {
    %get3A = arith.constant 0 : index
    %get3A_0 = arith.constant 0 : index
    %get3A_1 = vector.load %arg1[%get3A, %get3A_0] : memref<2048x128xf32, #tpu.memory_space<vmem>>, vector<2048x128xf32>
    %get3A_2 = arith.constant 0 : index
    %get3A_3 = arith.constant 0 : index
    %get3A_4 = vector.load %arg2[%get3A_2, %get3A_3] : memref<2048x128xf32, #tpu.memory_space<vmem>>, vector<2048x128xf32>
    %concatenate3A = tpu.concatenate %get3A_1, %get3A_4 in 1 : vector<2048x128xf32>, vector<2048x128xf32> -> vector<2048x256xf32>
    %get3A_5 = arith.constant 0 : index
    %get3A_6 = arith.constant 0 : index
    %get3A_7 = vector.load %arg3[%get3A_5, %get3A_6] : memref<256x256xf32, #tpu.memory_space<vmem>>, vector<256x256xf32>
    %dot_general3A = arith.constant dense<0.000000e+00> : vector<2048x256xf32>
    %dot_general3A_8 = tpu.matmul %concatenate3A, %get3A_7, %dot_general3A {dimension_numbers = #tpu.dot_dimension_numbers<[1], [0], [0], [1], [0, 0, 1, 1], [], []>, transpose_lhs_hint = false} : vector<2048x256xf32>, vector<256x256xf32>, vector<2048x256xf32> -> vector<2048x256xf32>
    %get3A_9 = arith.constant 0 : index
    %get3A_10 = arith.constant 0 : index
    %get3A_11 = vector.load %arg4[%get3A_9, %get3A_10] : memref<1x256xf32, #tpu.memory_space<vmem>>, vector<1x256xf32>
    %add3A = vector.broadcast %get3A_11 : vector<1x256xf32> to vector<2048x256xf32>
    %add3A_12 = arith.addf %dot_general3A_8, %add3A : vector<2048x256xf32>
    %max3A = arith.constant 0.000000e+00 : f32
    %max3A_13 = vector.broadcast %max3A : f32 to vector<2048x256xf32>
    %max3A_14 = arith.maximumf %add3A_12, %max3A_13 : vector<2048x256xf32>
    %get3A_15 = arith.constant 0 : index
    %get3A_16 = arith.constant 0 : index
    %get3A_17 = vector.load %arg5[%get3A_15, %get3A_16] : memref<256x256xf32, #tpu.memory_space<vmem>>, vector<256x256xf32>
    %dot_general3A_18 = arith.constant dense<0.000000e+00> : vector<2048x256xf32>
    %dot_general3A_19 = tpu.matmul %max3A_14, %get3A_17, %dot_general3A_18 {dimension_numbers = #tpu.dot_dimension_numbers<[1], [0], [0], [1], [0, 0, 1, 1], [], []>, transpose_lhs_hint = false} : vector<2048x256xf32>, vector<256x256xf32>, vector<2048x256xf32> -> vector<2048x256xf32>
    %get3A_20 = arith.constant 0 : index
    %get3A_21 = arith.constant 0 : index
    %get3A_22 = vector.load %arg6[%get3A_20, %get3A_21] : memref<1x256xf32, #tpu.memory_space<vmem>>, vector<1x256xf32>
    %add3A_23 = vector.broadcast %get3A_22 : vector<1x256xf32> to vector<2048x256xf32>
    %add3A_24 = arith.addf %dot_general3A_19, %add3A_23 : vector<2048x256xf32>
    %max3A_25 = arith.constant 0.000000e+00 : f32
    %max3A_26 = vector.broadcast %max3A_25 : f32 to vector<2048x256xf32>
    %max3A_27 = arith.maximumf %add3A_24, %max3A_26 : vector<2048x256xf32>
    %slice3A = vector.extract_strided_slice %max3A_27 {offsets = [0, 0], sizes = [2048, 128], strides = [1, 1]} : vector<2048x256xf32> to vector<2048x128xf32>
    %swap3A = arith.constant 0 : index
    %swap3A_28 = arith.constant 0 : index
    %swap3A_29 = vector.load %arg7[%swap3A, %swap3A_28] : memref<2048x128xf32, #tpu.memory_space<vmem>>, vector<2048x128xf32>
    tpu.vector_store %arg7[%swap3A, %swap3A_28], %slice3A {strides = array<i32>} : memref<2048x128xf32, #tpu.memory_space<vmem>>, vector<2048x128xf32>,
    %slice3A_30 = vector.extract_strided_slice %max3A_27 {offsets = [0, 128], sizes = [2048, 128], strides = [1, 1]} : vector<2048x256xf32> to vector<2048x128xf32>
    %swap3A_31 = arith.constant 0 : index
    %swap3A_32 = arith.constant 0 : index
    %swap3A_33 = vector.load %arg8[%swap3A_31, %swap3A_32] : memref<2048x128xf32, #tpu.memory_space<vmem>>, vector<2048x128xf32>
    tpu.vector_store %arg8[%swap3A_31, %swap3A_32], %slice3A_30 {strides = array<i32>} : memref<2048x128xf32, #tpu.memory_space<vmem>>, vector<2048x128xf32>,
    return
  }
  func.func @transform_0(%arg0: i32) -> (i32, i32) {
    %c0_i32 = arith.constant 0 : i32
    %c0_i32_0 = arith.constant 0 : i32
    return %arg0, %c0_i32 : i32, i32
  }
  func.func @transform_1(%arg0: i32) -> (i32, i32) {
    %c0_i32 = arith.constant 0 : i32
    %c0_i32_0 = arith.constant 0 : i32
    return %arg0, %c0_i32 : i32, i32
  }
  func.func @transform_2(%arg0: i32) -> (i32, i32) {
    %c0_i32 = arith.constant 0 : i32
    %c0_i32_0 = arith.constant 0 : i32
    %c0_i32_1 = arith.constant 0 : i32
    return %c0_i32, %c0_i32_0 : i32, i32
  }
  func.func @transform_3(%arg0: i32) -> (i32, i32) {
    %c0_i32 = arith.constant 0 : i32
    %c0_i32_0 = arith.constant 0 : i32
    %c0_i32_1 = arith.constant 0 : i32
    return %c0_i32, %c0_i32_0 : i32, i32
  }
  func.func @transform_4(%arg0: i32) -> (i32, i32) {
    %c0_i32 = arith.constant 0 : i32
    %c0_i32_0 = arith.constant 0 : i32
    %c0_i32_1 = arith.constant 0 : i32
    return %c0_i32, %c0_i32_0 : i32, i32
  }
  func.func @transform_5(%arg0: i32) -> (i32, i32) {
    %c0_i32 = arith.constant 0 : i32
    %c0_i32_0 = arith.constant 0 : i32
    %c0_i32_1 = arith.constant 0 : i32
    return %c0_i32, %c0_i32_0 : i32, i32
  }
  func.func @transform_6(%arg0: i32) -> (i32, i32) {
    %c0_i32 = arith.constant 0 : i32
    %c0_i32_0 = arith.constant 0 : i32
    return %arg0, %c0_i32 : i32, i32
  }
  func.func @transform_7(%arg0: i32) -> (i32, i32) {
    %c0_i32 = arith.constant 0 : i32
    %c0_i32_0 = arith.constant 0 : i32
    return %arg0, %c0_i32 : i32, i32
  }
}

module attributes {stable_mosaic.version = 14 : i64} {
  func.func @_mlp_pool_body(%arg0: i32, %arg1: memref<1x1x2048xi32, #tpu.memory_space<vmem>>, %arg2: memref<2048x128xf32, #tpu.memory_space<vmem>>, %arg3: memref<2048x128xf32, #tpu.memory_space<vmem>>, %arg4: memref<256x256xf32, #tpu.memory_space<vmem>>, %arg5: memref<1x256xf32, #tpu.memory_space<vmem>>, %arg6: memref<256x256xf32, #tpu.memory_space<vmem>>, %arg7: memref<1x256xf32, #tpu.memory_space<vmem>>, %arg8: memref<256x128xf32, #tpu.memory_space<vmem>>, %arg9: memref<1x128xf32, #tpu.memory_space<vmem>>, %arg10: memref<128x128xf32, #tpu.memory_space<vmem>>, %arg11: memref<128x256xf32, #tpu.memory_space<vmem>>) attributes {dimension_semantics = [#tpu.dimension_semantics<arbitrary>], iteration_bounds = array<i64: 5>, scalar_prefetch = 0 : i64, scratch_operands = 1 : i64, tpu.core_type = #tpu.core_type<tc>, window_params = [{transform_indices = @transform_0, window_bounds = array<i64: 1, 1, 2048>}, {transform_indices = @transform_1, window_bounds = array<i64: 2048, 128>}, {transform_indices = @transform_2, window_bounds = array<i64: 2048, 128>}, {pipeline_mode = #tpu.pipeline_mode<synchronous>, transform_indices = @transform_3, window_bounds = array<i64: 256, 256>}, {pipeline_mode = #tpu.pipeline_mode<synchronous>, transform_indices = @transform_4, window_bounds = array<i64: 1, 256>}, {pipeline_mode = #tpu.pipeline_mode<synchronous>, transform_indices = @transform_5, window_bounds = array<i64: 256, 256>}, {pipeline_mode = #tpu.pipeline_mode<synchronous>, transform_indices = @transform_6, window_bounds = array<i64: 1, 256>}, {pipeline_mode = #tpu.pipeline_mode<synchronous>, transform_indices = @transform_7, window_bounds = array<i64: 256, 128>}, {pipeline_mode = #tpu.pipeline_mode<synchronous>, transform_indices = @transform_8, window_bounds = array<i64: 1, 128>}, {pipeline_mode = #tpu.pipeline_mode<synchronous>, transform_indices = @transform_9, window_bounds = array<i64: 128, 128>}]} {
    %eq3A = arith.constant 0 : i32
    %eq3A_0 = arith.cmpi eq, %arg0, %eq3A : i32
    %convert_element_type3A = arith.extui %eq3A_0 : i1 to i32
    %cond3A = arith.constant 0 : i32
    %cond3A_1 = arith.cmpi ne, %convert_element_type3A, %cond3A : i32
    scf.if %cond3A_1 {
      %broadcast_in_dim3A_49 = arith.constant 0.000000e+00 : f32
      %broadcast_in_dim3A_50 = vector.broadcast %broadcast_in_dim3A_49 : f32 to vector<128x256xf32>
      %swap3A_51 = arith.constant 0 : index
      %swap3A_52 = arith.constant 0 : index
      %swap3A_53 = vector.load %arg11[%swap3A_51, %swap3A_52] : memref<128x256xf32, #tpu.memory_space<vmem>>, vector<128x256xf32>
      tpu.vector_store %arg11[%swap3A_51, %swap3A_52], %broadcast_in_dim3A_50 {strides = array<i32>} : memref<128x256xf32, #tpu.memory_space<vmem>>, vector<128x256xf32>,
    } else {
    }
    %get3A = arith.constant 0 : index
    %get3A_2 = arith.constant 0 : index
    %get3A_3 = vector.load %arg2[%get3A, %get3A_2] : memref<2048x128xf32, #tpu.memory_space<vmem>>, vector<2048x128xf32>
    %get3A_4 = arith.constant 0 : index
    %get3A_5 = arith.constant 0 : index
    %get3A_6 = vector.load %arg3[%get3A_4, %get3A_5] : memref<2048x128xf32, #tpu.memory_space<vmem>>, vector<2048x128xf32>
    %concatenate3A = tpu.concatenate %get3A_3, %get3A_6 in 1 : vector<2048x128xf32>, vector<2048x128xf32> -> vector<2048x256xf32>
    %get3A_7 = arith.constant 0 : index
    %get3A_8 = arith.constant 0 : index
    %get3A_9 = vector.load %arg4[%get3A_7, %get3A_8] : memref<256x256xf32, #tpu.memory_space<vmem>>, vector<256x256xf32>
    %dot_general3A = arith.constant dense<0.000000e+00> : vector<2048x256xf32>
    %dot_general3A_10 = tpu.matmul %concatenate3A, %get3A_9, %dot_general3A {dimension_numbers = #tpu.dot_dimension_numbers<[1], [0], [0], [1], [0, 0, 1, 1], [], []>, transpose_lhs_hint = false} : vector<2048x256xf32>, vector<256x256xf32>, vector<2048x256xf32> -> vector<2048x256xf32>
    %get3A_11 = arith.constant 0 : index
    %get3A_12 = arith.constant 0 : index
    %get3A_13 = vector.load %arg5[%get3A_11, %get3A_12] : memref<1x256xf32, #tpu.memory_space<vmem>>, vector<1x256xf32>
    %add3A = vector.broadcast %get3A_13 : vector<1x256xf32> to vector<2048x256xf32>
    %add3A_14 = arith.addf %dot_general3A_10, %add3A : vector<2048x256xf32>
    %max3A = arith.constant 0.000000e+00 : f32
    %max3A_15 = vector.broadcast %max3A : f32 to vector<2048x256xf32>
    %max3A_16 = arith.maximumf %add3A_14, %max3A_15 : vector<2048x256xf32>
    %get3A_17 = arith.constant 0 : index
    %get3A_18 = arith.constant 0 : index
    %get3A_19 = vector.load %arg6[%get3A_17, %get3A_18] : memref<256x256xf32, #tpu.memory_space<vmem>>, vector<256x256xf32>
    %dot_general3A_20 = arith.constant dense<0.000000e+00> : vector<2048x256xf32>
    %dot_general3A_21 = tpu.matmul %max3A_16, %get3A_19, %dot_general3A_20 {dimension_numbers = #tpu.dot_dimension_numbers<[1], [0], [0], [1], [0, 0, 1, 1], [], []>, transpose_lhs_hint = false} : vector<2048x256xf32>, vector<256x256xf32>, vector<2048x256xf32> -> vector<2048x256xf32>
    %get3A_22 = arith.constant 0 : index
    %get3A_23 = arith.constant 0 : index
    %get3A_24 = vector.load %arg7[%get3A_22, %get3A_23] : memref<1x256xf32, #tpu.memory_space<vmem>>, vector<1x256xf32>
    %add3A_25 = vector.broadcast %get3A_24 : vector<1x256xf32> to vector<2048x256xf32>
    %add3A_26 = arith.addf %dot_general3A_21, %add3A_25 : vector<2048x256xf32>
    %get3A_27 = arith.constant 0 : index
    %get3A_28 = arith.constant 0 : index
    %get3A_29 = arith.constant 0 : index
    %get3A_30 = vector.load %arg1[%get3A_27, %get3A_28, %get3A_29] : memref<1x1x2048xi32, #tpu.memory_space<vmem>>, vector<1x1x2048xi32>
    %get3A_31 = vector.shape_cast %get3A_30 : vector<1x1x2048xi32> to vector<2048xi32>
    %broadcast_in_dim3A = vector.shape_cast %get3A_31 : vector<2048xi32> to vector<1x2048xi32>
    %iota3A = tpu.iota {dimensions = array<i32: 0>} : vector<128x2048xi32>
    %eq3A_32 = vector.broadcast %broadcast_in_dim3A : vector<1x2048xi32> to vector<128x2048xi32>
    %eq3A_33 = arith.cmpi eq, %eq3A_32, %iota3A : vector<128x2048xi32>
    %convert_element_type3A_34 = arith.extui %eq3A_33 : vector<128x2048xi1> to vector<128x2048xi32>
    %convert_element_type3A_35 = arith.sitofp %convert_element_type3A_34 : vector<128x2048xi32> to vector<128x2048xf32>
    %get3A_36 = arith.constant 0 : index
    %get3A_37 = arith.constant 0 : index
    %get3A_38 = vector.load %arg11[%get3A_36, %get3A_37] : memref<128x256xf32, #tpu.memory_space<vmem>>, vector<128x256xf32>
    %dot_general3A_39 = arith.constant dense<0.000000e+00> : vector<128x256xf32>
    %dot_general3A_40 = tpu.matmul %convert_element_type3A_35, %add3A_26, %dot_general3A_39 {dimension_numbers = #tpu.dot_dimension_numbers<[1], [0], [0], [1], [0, 0, 1, 1], [], []>, transpose_lhs_hint = false} : vector<128x2048xf32>, vector<2048x256xf32>, vector<128x256xf32> -> vector<128x256xf32>
    %add3A_41 = arith.addf %get3A_38, %dot_general3A_40 : vector<128x256xf32>
    %swap3A = arith.constant 0 : index
    %swap3A_42 = arith.constant 0 : index
    %swap3A_43 = vector.load %arg11[%swap3A, %swap3A_42] : memref<128x256xf32, #tpu.memory_space<vmem>>, vector<128x256xf32>
    tpu.vector_store %arg11[%swap3A, %swap3A_42], %add3A_41 {strides = array<i32>} : memref<128x256xf32, #tpu.memory_space<vmem>>, vector<128x256xf32>,
    %eq3A_44 = arith.constant 4 : i32
    %eq3A_45 = arith.cmpi eq, %arg0, %eq3A_44 : i32
    %convert_element_type3A_46 = arith.extui %eq3A_45 : i1 to i32
    %cond3A_47 = arith.constant 0 : i32
    %cond3A_48 = arith.cmpi ne, %convert_element_type3A_46, %cond3A_47 : i32
    scf.if %cond3A_48 {
      %get3A_49 = arith.constant 0 : index
      %get3A_50 = arith.constant 0 : index
      %get3A_51 = vector.load %arg11[%get3A_49, %get3A_50] : memref<128x256xf32, #tpu.memory_space<vmem>>, vector<128x256xf32>
      %get3A_52 = arith.constant 0 : index
      %get3A_53 = arith.constant 0 : index
      %get3A_54 = vector.load %arg8[%get3A_52, %get3A_53] : memref<256x128xf32, #tpu.memory_space<vmem>>, vector<256x128xf32>
      %dot_general3A_55 = arith.constant dense<0.000000e+00> : vector<128x128xf32>
      %dot_general3A_56 = tpu.matmul %get3A_51, %get3A_54, %dot_general3A_55 {dimension_numbers = #tpu.dot_dimension_numbers<[1], [0], [0], [1], [0, 0, 1, 1], [], []>, transpose_lhs_hint = false} : vector<128x256xf32>, vector<256x128xf32>, vector<128x128xf32> -> vector<128x128xf32>
      %get3A_57 = arith.constant 0 : index
      %get3A_58 = arith.constant 0 : index
      %get3A_59 = vector.load %arg9[%get3A_57, %get3A_58] : memref<1x128xf32, #tpu.memory_space<vmem>>, vector<1x128xf32>
      %add3A_60 = vector.broadcast %get3A_59 : vector<1x128xf32> to vector<128x128xf32>
      %add3A_61 = arith.addf %dot_general3A_56, %add3A_60 : vector<128x128xf32>
      %reduce_max3A = arith.constant dense<0xFF800000> : vector<128xf32>
      %reduce_max3A_62 = vector.multi_reduction <maximumf>, %add3A_61, %reduce_max3A [1] : vector<128x128xf32> to vector<128xf32>
      %broadcast_in_dim3A_63 = vector.shape_cast %reduce_max3A_62 : vector<128xf32> to vector<128x1xf32>
      %sub3A = vector.broadcast %broadcast_in_dim3A_63 : vector<128x1xf32> to vector<128x128xf32>
      %sub3A_64 = arith.subf %add3A_61, %sub3A : vector<128x128xf32>
      %exp3A = math.exp %sub3A_64 : vector<128x128xf32>
      %reduce_sum3A = arith.constant dense<0.000000e+00> : vector<128xf32>
      %reduce_sum3A_65 = vector.multi_reduction <add>, %exp3A, %reduce_sum3A [1] : vector<128x128xf32> to vector<128xf32>
      %broadcast_in_dim3A_66 = vector.shape_cast %reduce_sum3A_65 : vector<128xf32> to vector<128x1xf32>
      %log3A = math.log %broadcast_in_dim3A_66 : vector<128x1xf32>
      %add3A_67 = arith.addf %broadcast_in_dim3A_63, %log3A : vector<128x1xf32>
      %sub3A_68 = vector.broadcast %add3A_67 : vector<128x1xf32> to vector<128x128xf32>
      %sub3A_69 = arith.subf %add3A_61, %sub3A_68 : vector<128x128xf32>
      %swap3A_70 = arith.constant 0 : index
      %swap3A_71 = arith.constant 0 : index
      %swap3A_72 = vector.load %arg10[%swap3A_70, %swap3A_71] : memref<128x128xf32, #tpu.memory_space<vmem>>, vector<128x128xf32>
      tpu.vector_store %arg10[%swap3A_70, %swap3A_71], %sub3A_69 {strides = array<i32>} : memref<128x128xf32, #tpu.memory_space<vmem>>, vector<128x128xf32>,
    } else {
    }
    return
  }
  func.func @transform_0(%arg0: i32) -> (i32, i32, i32) {
    %c0_i32 = arith.constant 0 : i32
    %c0_i32_0 = arith.constant 0 : i32
    %c0_i32_1 = arith.constant 0 : i32
    return %arg0, %c0_i32, %c0_i32_0 : i32, i32, i32
  }
  func.func @transform_1(%arg0: i32) -> (i32, i32) {
    %c0_i32 = arith.constant 0 : i32
    %c0_i32_0 = arith.constant 0 : i32
    return %arg0, %c0_i32 : i32, i32
  }
  func.func @transform_2(%arg0: i32) -> (i32, i32) {
    %c0_i32 = arith.constant 0 : i32
    %c0_i32_0 = arith.constant 0 : i32
    return %arg0, %c0_i32 : i32, i32
  }
  func.func @transform_3(%arg0: i32) -> (i32, i32) {
    %c0_i32 = arith.constant 0 : i32
    %c0_i32_0 = arith.constant 0 : i32
    %c0_i32_1 = arith.constant 0 : i32
    return %c0_i32, %c0_i32_0 : i32, i32
  }
  func.func @transform_4(%arg0: i32) -> (i32, i32) {
    %c0_i32 = arith.constant 0 : i32
    %c0_i32_0 = arith.constant 0 : i32
    %c0_i32_1 = arith.constant 0 : i32
    return %c0_i32, %c0_i32_0 : i32, i32
  }
  func.func @transform_5(%arg0: i32) -> (i32, i32) {
    %c0_i32 = arith.constant 0 : i32
    %c0_i32_0 = arith.constant 0 : i32
    %c0_i32_1 = arith.constant 0 : i32
    return %c0_i32, %c0_i32_0 : i32, i32
  }
  func.func @transform_6(%arg0: i32) -> (i32, i32) {
    %c0_i32 = arith.constant 0 : i32
    %c0_i32_0 = arith.constant 0 : i32
    %c0_i32_1 = arith.constant 0 : i32
    return %c0_i32, %c0_i32_0 : i32, i32
  }
  func.func @transform_7(%arg0: i32) -> (i32, i32) {
    %c0_i32 = arith.constant 0 : i32
    %c0_i32_0 = arith.constant 0 : i32
    %c0_i32_1 = arith.constant 0 : i32
    return %c0_i32, %c0_i32_0 : i32, i32
  }
  func.func @transform_8(%arg0: i32) -> (i32, i32) {
    %c0_i32 = arith.constant 0 : i32
    %c0_i32_0 = arith.constant 0 : i32
    %c0_i32_1 = arith.constant 0 : i32
    return %c0_i32, %c0_i32_0 : i32, i32
  }
  func.func @transform_9(%arg0: i32) -> (i32, i32) {
    %c0_i32 = arith.constant 0 : i32
    %c0_i32_0 = arith.constant 0 : i32
    %c0_i32_1 = arith.constant 0 : i32
    return %c0_i32, %c0_i32_0 : i32, i32
  }
}

</mosaic_0001>

<sc_bundles>
// kernel: kernel.11.cloned.1.call-start
scs
__scs_entry_jumppad:
0x0: {  	(pc) =	sbr.rel $0x88, $3  }
0x1: {  	(tag) =	ssettag $0x0;
	lr =	simm.s32 $0x1  }
0x2: {  	[smem:$0x3F98] =	sst lr;
	_ =	strace $0xD0000000  }
0x3: {  	_ = 	snop  }
0x4: {  	_ = 	snop  }
0x5: {  	_ = 	snop  }
0x6: {  	_ = 	snop  }
0x7: {  	_ = 	snop  }
__scs_overlays_trampoline_lowered:
0x8: {  	[smem:$0x3FA7] =	sst s0  }
0x9: {  	[smem:$0x3FA8] =	sst s1  }
0xa: {  	[smem:$0x3FA9] =	sst s2  }
0xb: {  	[smem:$0x3FAA] =	sst s3  }
0xc: {  	[smem:$0x3FAB] =	sst s4  }
0xd: {  	[smem:$0x3FAC] =	sst s5  }
0xe: {  	[smem:$0x3FAD] =	sst s6  }
0xf: {  	[smem:$0x3FAE] =	sst s7  }
0x10: {  	[smem:$0x3FAF] =	sst s8  }
0x11: {  	[smem:$0x3FB0] =	sst s9;
	s0 =	simm.s32 @!p0 $0x0  }
0x12: {  	s1 =	sld [smem:$0x3F96];
	s0 =	simm.s32 @p0 $0x1  }
0x13: {  	[smem:$0x3FB1] =	sst s0;
	s0 =	simm.s32 @!p1 $0x0  }
0x14: {  	s2 =	sld [smem:$0x3F95];
	s0 =	simm.s32 @p1 $0x1  }
0x15: {  	[smem:$0x3FB2] =	sst s0;
	s0 =	simm.s32 @!p2 $0x0  }
0x16: {  	s3 =	sld [smem:$0x3FDB];
	s0 =	simm.s32 @p2 $0x1  }
0x17: {  	s4 =	simm.s32 $0x1BF5;
	[smem:$0x3FB4] =	sst s0  }
0x18: {  	s0 =	sld [smem:$0x3F97];
	_ =	swait.ge [sflag:s4], $0x0  }
0x19: {  	s7 =	sld [smem:$0x3F98]  }
0x1a: {  	s8 =	sadd.s32 $0xFFFFE003, lr  }
0x1b: {  	s9 =	sadd.s32 $0xFFFFFEF7, lr;
	s5 =	simm.s32 $0xFFFFFFFF;
	p2 =	slt.u32 s8, $0xFFFFF086  }
0x1c: {  	p1 =	slt.u32 s9, $0xF7A;
	s5 =	simm.s32 @!p2 $0x0  }
0x1d: {  	s5 =	simm.s32 @p1 $0x1;
	p0 =	seq.s32 s7, s2  }
0x1e: {  	s7 =	smul.u32 @!p0 $0xF7A, s2;
	p2 =	seq.s32 @!p0 s5, $0x0  }
0x1f: {  	s9 =	smul.u32 $0xF7A, s1;
	s8 =	simm.s32 @!p0 $0x1BF5;
	p2 =	por !p2, p0  }
0x20: {  	[sflag:s8] =	ssyncset.s32 @!p0 $0xFFFFF086;
	s6 =	sadd.s32 @!p0 s3, s7;
	s7 =	simm.s32 @!p0 $0x108  }
0x21: {  	s3 =	sadd.s32 s3, s9;
	s6 =	sadd.s32 @!p0 $0x88, s6;
	s7 =	simm.s32 @p2 $0x1082  }
0x22: {  	[simem:s7], [sflag:s8] =	dma.local @!p0 [hbm:s6], $0xF7A  }
0x23: {  	s9 =	sor.u32 $0xD0000000, s2;
	s6 =	simm.s32 $0x108;
	_ =	swait.ge @!p0 [sflag:s8], $0x0  }
0x24: {  	s3 =	sadd.s32 $0x88, s3;
	s6 =	simm.s32 @!p1 $0x1082;
	[sflag:s4] =	ssyncset.s32 $0xFFFFF086  }
0x25: {  	[simem:s6], [sflag:s4] =	dma.local [hbm:s3], $0xF7A  }
0x26: {  	[smem:$0x3F98] =	sst s1;
	(tag) =	ssettag s2;
	_ =	strace s9  }
0x27: {  	s1 =	sld [smem:$0x3FA8]  }
0x28: {  	s2 =	sld [smem:$0x3FA9]  }
0x29: {  	s4 =	sld [smem:$0x3FAB]  }
0x2a: {  	p0 =	seq.s32 s5, $0x0;
	s5 =	sld [smem:$0x3FAC]  }
0x2b: {  	s6 =	sld [smem:$0x3FAD]  }
0x2c: {  	s7 =	sld [smem:$0x3FAE]  }
0x2d: {  	s3 =	simm.s32 $0x108;
	s8 =	sld [smem:$0x3FAF]  }
0x2e: {  	s3 =	simm.s32 @!p0 $0x1082;
	s9 =	sld [smem:$0x3FB0]  }
0x2f: {  	lr =	sadd.s32 s0, s3;
	s0 =	sld [smem:$0x3FA7]  }
0x30: {  	s3 =	sld [smem:$0x3FAA]  }
0x31: {  	[smem:$0x3FB3] =	sst s10  }
0x32: {  	s10 =	sld [smem:$0x3FB1];
	_ =	sdelay $0x3  }
0x33: {  	p0 =	seq.s32 s10, $0x1;
	s10 =	sld [smem:$0x3FB3];
	_ =	sdelay $0x3  }
0x34: {  	[smem:$0x3FB3] =	sst s10  }
0x35: {  	s10 =	sld [smem:$0x3FB2];
	_ =	sdelay $0x3  }
0x36: {  	p1 =	seq.s32 s10, $0x1;
	s10 =	sld [smem:$0x3FB3];
	_ =	sdelay $0x3  }
0x37: {  	[smem:$0x3FB3] =	sst s10  }
0x38: {  	s10 =	sld [smem:$0x3FB4]  }
0x39: {  	_ = 	snop;
	(pc) =	sbr.ind lr, $3  }
0x3a: {  	_ = 	snop  }
0x3b: {  	_ = 	snop  }
0x3c: {  	p2 =	seq.s32 s10, $0x1;
	s10 =	sld [smem:$0x3FB3]  }
0x3d: {  	_ =	shalt  }
0x3e: {  	_ =	shalt  }
0x3f: {  	_ =	shalt  }
0x40: {  	_ =	shalt  }
0x41: {  	_ =	shalt  }
0x42: {  	_ =	shalt  }
0x43: {  	_ =	shalt  }
0x44: {  	_ =	shalt  }
0x45: {  	_ =	shalt  }
0x46: {  	_ =	shalt  }
0x47: {  	_ =	shalt  }
0x48: {  	_ =	shalt  }
0x49: {  	_ =	shalt  }
0x4a: {  	_ =	shalt  }
0x4b: {  	_ =	shalt  }
0x4c: {  	_ =	shalt  }
0x4d: {  	_ =	shalt  }
0x4e: {  	_ =	shalt  }
0x4f: {  	_ =	shalt  }
0x50: {  	_ =	shalt  }
0x51: {  	_ =	shalt  }
0x52: {  	_ =	shalt  }
0x53: {  	_ =	shalt  }
0x54: {  	_ =	shalt  }
0x55: {  	_ =	shalt  }
0x56: {  	_ =	shalt  }
0x57: {  	_ =	shalt  }
0x58: {  	_ =	shalt  }
0x59: {  	_ =	shalt  }
0x5a: {  	_ =	shalt  }
0x5b: {  	_ =	shalt  }
0x5c: {  	_ =	shalt  }
0x5d: {  	_ =	shalt  }
0x5e: {  	_ =	shalt  }
0x5f: {  	_ =	shalt  }
0x60: {  	_ =	shalt  }
0x61: {  	_ =	shalt  }
0x62: {  	_ =	shalt  }
0x63: {  	_ =	shalt  }
0x64: {  	_ =	shalt  }
0x65: {  	_ =	shalt  }
0x66: {  	_ =	shalt  }
0x67: {  	_ =	shalt  }
0x68: {  	_ =	shalt  }
0x69: {  	_ =	shalt  }
0x6a: {  	_ =	shalt  }
0x6b: {  	_ =	shalt  }
0x6c: {  	_ =	shalt  }
0x6d: {  	_ =	shalt  }
0x6e: {  	_ =	shalt  }
0x6f: {  	_ =	shalt  }
0x70: {  	_ =	shalt  }
0x71: {  	_ =	shalt  }
0x72: {  	_ =	shalt  }
0x73: {  	_ =	shalt  }
0x74: {  	_ =	shalt  }
0x75: {  	_ =	shalt  }
0x76: {  	_ =	shalt  }
0x77: {  	_ =	shalt  }
0x78: {  	_ =	shalt  }
0x79: {  	_ =	shalt  }
0x7a: {  	_ =	shalt  }
0x7b: {  	_ =	shalt  }
0x7c: {  	_ =	shalt  }
0x7d: {  	_ =	shalt  }
0x7e: {  	_ =	shalt  }
0x7f: {  	_ =	shalt  }
0x80: {  	_ =	shalt  }
0x81: {  	_ =	shalt  }
0x82: {  	_ =	shalt  }
0x83: {  	_ =	shalt  }
0x84: {  	_ =	shalt  }
0x85: {  	_ =	shalt  }
0x86: {  	_ =	shalt  }
0x87: {  	_ =	shalt  }
.Lfunc_end0:
.L_simem_size_0:
called_computation.1_lowered:
.L_overlay_start_0:
0x88: {  	s2 =	sld [smem:$0x3FD9]  }
0x89: {  	s3 =	sld [smem:$0x3FFE];
	_ =	sdelay $0x1  }
0x8a: {  	s1 =	srdreg.scid  }
0x8b: {  	s0 =	sand.u32 $0x1, s1  }
0x8c: {  	s16 =	sshll.u32 s0, $0xA;
	s2 =	sadd.s32 s3, s2  }
0x8d: {  	s2 =	sadd.s32 s2, s16  }
0x8e: {  	[smem:$0x3FBF] =	sst s2  }
0x8f: {  	_ = 	snop  }
0x90: {  	(tm) =	ssettm $0x1  }
0x91: {  	s17 =	sld [smem:$0x3FFB];
	_ =	sdelay $0x3  }
0x92: {  	_ =	strace s17  }
0x93: {  	s2 =	sld [smem:$0x3FFC];
	_ =	sdelay $0x3  }
0x94: {  	_ =	strace s2  }
0x95: {  	s2 =	sld [smem:$0x3FFD];
	_ =	sdelay $0x3  }
0x96: {  	_ =	strace s2  }
0x97: {  	_ =	strace $0x8FFFFFFF  }
0x98: {  	s18 =	sld [smem:$0x3FDB];
	_ =	sdelay $0x1  }
0x99: {  	s19 =	simm.s32 $_scs_section_size  }
0x9a: {  	s4 =	simm.s32 $_size__tile_overlayer_lowered;
	s5 =	simm.s32 $_tile_overlayer_lowered  }
0x9b: {  	s22 =	simm.s32 $0x1BFF;
	s21 =	sshll.u32 s5, $0x1;
	s2 =	sadd.s32 s19, s18  }
0x9c: {  	s6 =	simm.s32 $0x0;
	s20 =	sshll.u32 s4, $0x1;
	s4 =	sadd.s32 s21, s2  }
0x9d: {  	[timem:s6], [sflag:s22] =	dma.local [hbm:s4], s20  }
0x9e: {  	_ =	swait.ge [sflag:s22], s20  }
0x9f: {  	s3 =	ssub.s32 $0x0, s20;
	[sflag:s22] =	ssyncset.done $0x0  }
0xa0: {  	[sflag:s22] =	ssyncadd.s32 s3;
	_ =	sdelay $0x1  }
0xa1: {  	s23 =	simm.s32 $0x1B8B  }
0xa2: {  	_ =	swait.ge [sflag:s23], $0x1  }
0xa3: {  	[sflag:s23] =	ssyncset.done $0x0  }
0xa4: {  	s25 =	simm.s32 $0x1B8E;
	s24 =	sld [smem:$0x3FFE];
	[sflag:s23] =	ssyncadd.s32 $0xFFFFFFFF  }
0xa5: {  	s26 =	simm.s32 $execute0_lowered;
	[smem:$0x3FD2] =	sst s25  }
0xa6: {  	s4 =	sshll.u32 s26, $0x1;
	_ =	strace $0x80000049;
	[dreg:$0x1] =	wrdreg $0xFFFFFFFF  }
0xa7: {  	s28 =	simm.s32 $_size_execute0_lowered;
	s2 =	sadd.s32 s2, s4;
	[dreg:$0x0] =	wrdreg $0x0  }
0xa8: {  	s4 =	sshll.u32 s28, $0x1;
	[dreg:$0x2] =	wrdreg s2  }
0xa9: {  	[dreg:$0x3] =	wrdreg s4  }
0xaa: {  	[dreg:$0x4] =	wrdreg $0xC0  }
0xab: {  	_ =	task [dreg:s6], $0x5FFFF  }
0xac: {  	[dreg:$0x1] =	wrdreg $0xFFFFFFFF  }
0xad: {  	[dreg:$0x0] =	wrdreg $0x60  }
0xae: {  	[dreg:$0x2] =	wrdreg s24  }
0xaf: {  	[dreg:$0x3] =	wrdreg $0x70000  }
0xb0: {  	[dreg:$0x4] =	wrdreg $0x9  }
0xb1: {  	_ =	task.clear_ibuf [dreg:s6], $0x5FFFF;
	_ =	strace $0x90000049  }
0xb2: {  	s29 =	simm.s32 $0x9;
	_ =	strace $0x8000004B  }
0xb3: {  	_ =	swait.ge [sflag:s29], $0x1  }
0xb4: {  	[sflag:s29] =	ssyncadd.s32 $0xFFFFFFFF  }
0xb5: {  	_ =	strace $0x9000004B  }
0xb6: {  	_ =	sfence  }
0xb7: {  	s30 =	sld [smem:$0x0];
	_ =	sdelay $0x2  }
0xb8: {  	s31 =	sshll.u32 s1, $0xD;
	s1 =	sshrl.u32 s1, $0x2  }
0xb9: {  	s3 =	sand.u32 $0x4000, s31;
	s1 =	sadd.s32 s1, s30  }
0xba: {  	s0 =	sor.u32 s3, s0;
	s1 =	sshll.u32 s1, $0x11  }
0xbb: {  	s0 =	sor.u32 s1, s0  }
0xbc: {  	s0 =	sadd.s32 $0x8F2B, s0  }
0xbd: {  	[sflag:s0] =	ssyncadd.remote.s32 $0x1  }
0xbe: {  	_ =	sfence.sel $0xFFFF  }
0xbf: {  	[dreg:$0x0] =	wrdreg $0xFFFFFFFF;
	(pc) =	sbr.abs _section_cstart, $3  }
0xc0: {  	[dreg:$0x1] =	wrdreg $0xFFFFFFFF  }
0xc1: {  	_ =	task.clear_ibuf [dreg:s6], $0x2FFFF;
	_ =	strace $0x9FFFFFFF  }
0xc2: {  	(tm) =	ssettm $0x7FFFFFFF  }
0xc3: {  	_ =	shalt  }
tec
execute0_lowered:
.L_overlay_start_1:
0x0: {  	(tag) =	ssettag $0x1  }
0x1: {  	s0 =	rddreg [dreg:$0x0]  }
0x2: {  	s1 =	rddreg [dreg:$0x1];
	s2 =	simm.s32 $0x0  }
0x3: {  	s6 =	srdreg.scid;
	s11 =	stileid.u32;
	s28 =	simm.s32 $0x3C00  }
0x4: {  	s29 =	simm.s32 $0x400;
	s30 =	simm.s32 $0x600;
	s31 =	simm.s32 $0x1  }
0x5: {  	s14 =	simm.s32 $0x180;
	s12 =	simm.s32 $0x680;
	s13 =	simm.s32 $0x500  }
0x6: {  	s15 =	simm.s32 $0x580;
	[smem:$0x7FF] =	sst s2;
	s3 =	sadd.s32 $0xFE00, s0  }
0x7: {  	s5 =	sadd.s32 $0x37E00, s0;
	s4 =	sadd.s32 $0x3600, s0;
	s9 =	smul.u32 $0x3200, s11  }
0x8: {  	s7 =	sadd.s32 $0x9A00, s0;
	s6 =	sand.u32 $0x1, s6;
	s10 =	smul.u32 $0x50000, s11  }
0x9: {  	s8 =	sadd.s32 $0x5FE00, s0;
	s0 =	sadd.s32 $0x87E00, s0;
	s21 =	smul.u32 $0x2800, s11  }
0xa: {  	s24 =	smul.u32 $0x640, s11;
	_ =	strace $0x8000004A;
	[dreg:$0x3] =	wrdreg s8  }
0xb: {  	s26 =	sshll.u32 s11, $0x6;
	s11 =	simm.s32 $0x4;
	[dreg:$0x4] =	wrdreg s0  }
0xc: {  	s16 =	ssub.s32 $0x2, s6;
	p0 =	seq.s32 s6, $0x1;
	[dreg:$0xd] =	wrdreg s26  }
0xd: {  	s17 =	sshrl.u32 s16, $0x1;
	s18 =	sshrl.u32 s9, $0x3;
	s20 =	sshrl.u32 s10, $0x2  }
0xe: {  	s22 =	sadd.s32 s3, s21;
	[dreg:$0x6] =	wrdreg s21;
	s25 =	sadd.s32 s5, s21  }
0xf: {  	s21 =	simm.s32 $0x0;
	s0 =	ssub.s32 s16, s17;
	s19 =	sadd.s32 s4, s18  }
0x10: {  	s9 =	sadd.s32 s7, s18;
	s8 =	sadd.s32 s20, s1;
	[dreg:$0x8] =	wrdreg s22  }
0x11: {  	s6 =	sadd.s32 $0x40, s18;
	[dreg:$0xb] =	wrdreg s25;
	s16 =	sadd.s32 s24, s7  }
0x12: {  	s17 =	sadd.s32 s24, s4;
	s24 =	simm.s32 $0x64;
	s25 =	simm.s32 $0x800  }
0x13: {  	s18 =	simm.s32 $0x300;
	s20 =	simm.s32 $0x700;
	[dreg:$0x5] =	wrdreg s19  }
0x14: {  	[dreg:$0x7] =	wrdreg s9;
	s23 =	sadd.s32 s4, s6;
	s6 =	sadd.s32 s7, s6  }
0x15: {  	s0 =	smax.u32 s0, $0x1;
	s19 =	simm.s32 $0x200;
	s22 =	sshrl.u32 s8, $0x3  }
.Ltmp0:
0x16: {  	s4 =	simm.s32 $0x280;
	[dreg:$0x9] =	wrdreg s23;
	(pc) =	sbr.rel .LBB2_1-.Ltmp0, $4  }
0x17: {  	s7 =	simm.s32 $0x100;
	s8 =	simm.s32 $0x380;
	[dreg:$0xa] =	wrdreg s6  }
0x18: {  	s9 =	simm.s32 $0x780;
	[dreg:$0xc] =	wrdreg s0;
	s0 =	sor.u32 $0x1C06, s26  }
0x19: {  	s26 =	simm.s32 $0x6;
	s23 =	simm.s32 $0x5;
	[dreg:$0xf] =	wrdreg s22  }
0x1a: {  	s6 =	simm.s32 $0x3;
	[dreg:$0xe] =	wrdreg s0;
	s0 =	simm.s32 $0x2  }
.LBB2_8:
0x1b: {  	s26 =	rddreg [dreg:$0x4]  }
0x1c: {  	s10 =	rddreg [dreg:$0xe]  }
0x1d: {  	s21 =	rddreg [dreg:$0x10]  }
0x1e: {  	s22 =	smov.u32 s5;
	[dreg:$0x11] =	wrdreg s10  }
.LBB2_9:
0x1f: {  	_ =	swait.ge [sflag:s31], $0x3200  }
0x20: {  	[sflag:s31] =	ssyncset.done $0x0  }
0x21: {  	[sflag:s31] =	ssyncadd.s32 $0xFFFFCE00  }
0x22: {  	[spmem:s1] =	stream.indirect.scatter.add.f32 [tilespmem:s25], [sflag:$0x3], $0x80, s19, s24, $0xb8;
	[tilespmem:$0x1B000] =	vst v63  }
0x23: {  	_ =	swait.ge [sflag:s0], $0x3200  }
0x24: {  	[sflag:s0] =	ssyncset.done $0x0  }
0x25: {  	[sflag:s0] =	ssyncadd.s32 $0xFFFFCE00  }
0x26: {  	[spmem:s1] =	stream.indirect.scatter.add.f32 [tilespmem:s28], [sflag:$0x4], $0x80, s4, s24, $0xb8;
	[tilespmem:$0x1B000] =	vst v63  }
0x27: {  	_ =	swait.ge [sflag:s6], $0x3200  }
0x28: {  	[sflag:s6] =	ssyncset.done $0x0  }
0x29: {  	[sflag:s6] =	ssyncadd.s32 $0xFFFFCE00  }
0x2a: {  	[tilespmem:s25], [sflag:$0x1] =	stream.indirect.gather [hbm4b:s22+s24], $0x80, s7, s24, $0xb8;
	[tilespmem:$0x1B000] =	vst v63  }
0x2b: {  	_ =	swait.ge [sflag:s11], $0x3200  }
0x2c: {  	[sflag:s11] =	ssyncset.done $0x0  }
0x2d: {  	[sflag:s11] =	ssyncadd.s32 $0xFFFFCE00  }
0x2e: {  	[tilespmem:s28], [sflag:$0x2] =	stream.indirect.gather [hbm4b:s22+s24], $0x80, s14, s24, $0xb8;
	[tilespmem:$0x1B000] =	vst v63  }
0x2f: {  	_ =	swait.ge [sflag:s31], $0x3200  }
0x30: {  	[sflag:s31] =	ssyncset.done $0x0  }
0x31: {  	[sflag:s31] =	ssyncadd.s32 $0xFFFFCE00  }
0x32: {  	[spmem:s1] =	stream.indirect.scatter.add.f32 [tilespmem:s25], [sflag:$0x3], $0x80, s18, s24, $0xb8;
	[tilespmem:$0x1B000] =	vst v63  }
0x33: {  	_ =	swait.ge [sflag:s0], $0x3200  }
0x34: {  	[sflag:s0] =	ssyncset.done $0x0  }
0x35: {  	[sflag:s0] =	ssyncadd.s32 $0xFFFFCE00  }
0x36: {  	[spmem:s1] =	stream.indirect.scatter.add.f32 [tilespmem:s28], [sflag:$0x4], $0x80, s8, s24, $0xb8;
	[tilespmem:$0x1B000] =	vst v63  }
0x37: {  	_ =	swait.ge [sflag:s6], $0x3200  }
0x38: {  	[sflag:s6] =	ssyncset.done $0x0  }
0x39: {  	[sflag:s6] =	ssyncadd.s32 $0xFFFFCE00  }
0x3a: {  	_ =	swait.ge [sflag:s11], $0x3200  }
0x3b: {  	[sflag:s11] =	ssyncset.done $0x0  }
0x3c: {  	[sflag:s11] =	ssyncadd.s32 $0xFFFFCE00  }
0x3d: {  	s10 =	rddreg [dreg:$0x6];
	[bflag:$0x0] =	sbarrier.arrive $0xFFFF  }
0x3e: {  	s22 =	rddreg [dreg:$0xf]  }
0x3f: {  	s10 =	sadd.s32 s26, s10;
	s26 =	rddreg [dreg:$0x11]  }
0x40: {  	[hbm:s10], [sflag:s26] =	dma.local [spmem:s22], $0x2800  }
0x41: {  	s26 =	simm.s32 $0x6  }
0x42: {  	_ =	swait.ge [sflag:s26], $0x2800  }
0x43: {  	s21 =	sadd.s32 $0x1, s21;
	s10 =	rddreg [dreg:$0xc]  }
0x44: {  	p1 =	sne.s32 s21, s10  }
.Ltmp1:
0x45: {  	_ = 	snop;
	(pc) =	sbr.rel @!p1 .LBB2_10-.Ltmp1, $3  }
0x46: {  	_ =	sdelay $0x1  }
0x47: {  	[sflag:s26] =	ssyncset.done $0x0  }
0x48: {  	[sflag:s26] =	ssyncadd.s32 $0xFFFFD800  }
.LBB2_1:
.Ltmp2:
0x49: {  	[dreg:$0x10] =	wrdreg s21;
	(pc) =	sbr.rel @!p0 .LBB2_2-.Ltmp2, $4  }
0x4a: {  	s10 =	rddreg [dreg:$0x5]  }
0x4b: {  	[tilespmem:s2], [sflag:$0x5] =	stream.linear.gather [hbm4b:s10+s2], $0x200, $0x38;
	[tilespmem:$0x1B000] =	vst v63  }
0x4c: {  	s21 =	rddreg [dreg:$0x7]  }
0x4d: {  	[tilespmem:s19], [sflag:$0x5] =	stream.linear.gather [hbm4b:s21+s2], $0x200, $0x38;
	[tilespmem:$0x1B000] =	vst v63  }
0x4e: {  	s10 =	rddreg [dreg:$0xb]  }
0x4f: {  	s21 =	rddreg [dreg:$0xe]  }
0x50: {  	[spmem:s22], [sflag:s21] =	dma.local [hbm:s10], $0x2800  }
0x51: {  	_ =	swait.ge [sflag:s26], $0x2800  }
0x52: {  	[sflag:s26] =	ssyncset.done $0x0  }
0x53: {  	[sflag:s26] =	ssyncadd.s32 $0xFFFFD800  }
0x54: {  	_ =	swait.ge [sflag:s23], $0x200  }
0x55: {  	[sflag:s23] =	ssyncset.done $0x0  }
0x56: {  	[sflag:s23] =	ssyncadd.s32 $0xFFFFFE00  }
0x57: {  	_ =	swait.ge [sflag:s23], $0x200  }
0x58: {  	[sflag:s23] =	ssyncset.done $0x0  }
0x59: {  	[sflag:s23] =	ssyncadd.s32 $0xFFFFFE00  }
0x5a: {  	[tilespmem:s25], [sflag:$0x1] =	stream.indirect.gather [hbm4b:s5+s24], $0x80, s2, s24, $0xb8;
	[tilespmem:$0x1B000] =	vst v63  }
0x5b: {  	s21 =	simm.s32 $0x80  }
0x5c: {  	[tilespmem:s28], [sflag:$0x2] =	stream.indirect.gather [hbm4b:s5+s24], $0x80, s21, s24, $0xb8;
	[tilespmem:$0x1B000] =	vst v63  }
0x5d: {  	s22 =	rddreg [dreg:$0x9]  }
0x5e: {  	[tilespmem:s29], [sflag:$0x5] =	stream.linear.gather [hbm4b:s22+s2], $0x200, $0x38;
	[tilespmem:$0x1B000] =	vst v63  }
0x5f: {  	s26 =	rddreg [dreg:$0xa]  }
0x60: {  	[tilespmem:s30], [sflag:$0x5] =	stream.linear.gather [hbm4b:s26+s2], $0x200, $0x38;
	[tilespmem:$0x1B000] =	vst v63  }
0x61: {  	s22 =	simm.s32 $0xFFFFFA80;
	[bflag:$0x0] =	sbarrier.arrive $0xFFFF  }
.LBB2_7:
0x62: {  	_ =	swait.ge [sflag:s31], $0x3200  }
0x63: {  	[sflag:s31] =	ssyncset.done $0x0  }
0x64: {  	[sflag:s31] =	ssyncadd.s32 $0xFFFFCE00  }
0x65: {  	[spmem:s1] =	stream.indirect.scatter.add.f32 [tilespmem:s25], [sflag:$0x3], $0x80, s19, s24, $0xb8;
	[tilespmem:$0x1B000] =	vst v63  }
0x66: {  	_ =	swait.ge [sflag:s0], $0x3200  }
0x67: {  	[sflag:s0] =	ssyncset.done $0x0  }
0x68: {  	[sflag:s0] =	ssyncadd.s32 $0xFFFFCE00  }
0x69: {  	[spmem:s1] =	stream.indirect.scatter.add.f32 [tilespmem:s28], [sflag:$0x4], $0x80, s4, s24, $0xb8;
	[tilespmem:$0x1B000] =	vst v63  }
0x6a: {  	_ =	swait.ge [sflag:s6], $0x3200  }
0x6b: {  	[sflag:s6] =	ssyncset.done $0x0  }
0x6c: {  	[sflag:s6] =	ssyncadd.s32 $0xFFFFCE00  }
0x6d: {  	[tilespmem:s25], [sflag:$0x1] =	stream.indirect.gather [hbm4b:s5+s24], $0x80, s7, s24, $0xb8;
	[tilespmem:$0x1B000] =	vst v63  }
0x6e: {  	_ =	swait.ge [sflag:s11], $0x3200  }
0x6f: {  	[sflag:s11] =	ssyncset.done $0x0  }
0x70: {  	[sflag:s11] =	ssyncadd.s32 $0xFFFFCE00  }
0x71: {  	[tilespmem:s28], [sflag:$0x2] =	stream.indirect.gather [hbm4b:s5+s24], $0x80, s14, s24, $0xb8;
	[tilespmem:$0x1B000] =	vst v63  }
0x72: {  	_ =	swait.ge [sflag:s31], $0x3200  }
0x73: {  	[sflag:s31] =	ssyncset.done $0x0  }
0x74: {  	[sflag:s31] =	ssyncadd.s32 $0xFFFFCE00  }
0x75: {  	[spmem:s1] =	stream.indirect.scatter.add.f32 [tilespmem:s25], [sflag:$0x3], $0x80, s18, s24, $0xb8;
	[tilespmem:$0x1B000] =	vst v63  }
0x76: {  	_ =	swait.ge [sflag:s0], $0x3200  }
0x77: {  	[sflag:s0] =	ssyncset.done $0x0  }
0x78: {  	[sflag:s0] =	ssyncadd.s32 $0xFFFFCE00  }
0x79: {  	[spmem:s1] =	stream.indirect.scatter.add.f32 [tilespmem:s28], [sflag:$0x4], $0x80, s8, s24, $0xb8;
	[tilespmem:$0x1B000] =	vst v63  }
0x7a: {  	_ =	swait.ge [sflag:s23], $0x200  }
0x7b: {  	[sflag:s23] =	ssyncset.done $0x0  }
0x7c: {  	[sflag:s23] =	ssyncadd.s32 $0xFFFFFE00  }
0x7d: {  	_ =	swait.ge [sflag:s23], $0x200  }
0x7e: {  	[sflag:s23] =	ssyncset.done $0x0  }
0x7f: {  	[sflag:s23] =	ssyncadd.s32 $0xFFFFFE00  }
0x80: {  	_ =	swait.ge [sflag:s6], $0x3200  }
0x81: {  	[sflag:s6] =	ssyncset.done $0x0  }
0x82: {  	[sflag:s6] =	ssyncadd.s32 $0xFFFFCE00  }
0x83: {  	[tilespmem:s25], [sflag:$0x1] =	stream.indirect.gather [hbm4b:s5+s24], $0x80, s29, s24, $0xb8;
	[tilespmem:$0x1B000] =	vst v63  }
0x84: {  	_ =	swait.ge [sflag:s11], $0x3200  }
0x85: {  	[sflag:s11] =	ssyncset.done $0x0  }
0x86: {  	s10 =	simm.s32 $0x480;
	s21 =	sadd.s32 s22, s17;
	[sflag:s11] =	ssyncadd.s32 $0xFFFFCE00  }
0x87: {  	[tilespmem:s28], [sflag:$0x2] =	stream.indirect.gather [hbm4b:s5+s24], $0x80, s10, s24, $0xb8;
	[tilespmem:$0x1B000] =	vst v63  }
0x88: {  	s26 =	sadd.s32 $0x600, s21  }
0x89: {  	[tilespmem:s2], [sflag:$0x5] =	stream.linear.gather [hbm4b:s26+s2], $0x200, $0x38;
	[tilespmem:$0x1B000] =	vst v63  }
0x8a: {  	s26 =	sadd.s32 s22, s16  }
0x8b: {  	s10 =	sadd.s32 $0x600, s26  }
0x8c: {  	[tilespmem:s19], [sflag:$0x5] =	stream.linear.gather [hbm4b:s10+s2], $0x200, $0x38;
	[tilespmem:$0x1B000] =	vst v63  }
0x8d: {  	_ =	swait.ge [sflag:s31], $0x3200  }
0x8e: {  	[sflag:s31] =	ssyncset.done $0x0  }
0x8f: {  	[sflag:s31] =	ssyncadd.s32 $0xFFFFCE00  }
0x90: {  	[spmem:s1] =	stream.indirect.scatter.add.f32 [tilespmem:s25], [sflag:$0x3], $0x80, s30, s24, $0xb8;
	[tilespmem:$0x1B000] =	vst v63  }
0x91: {  	_ =	swait.ge [sflag:s0], $0x3200  }
0x92: {  	[sflag:s0] =	ssyncset.done $0x0  }
0x93: {  	[sflag:s0] =	ssyncadd.s32 $0xFFFFCE00  }
0x94: {  	[spmem:s1] =	stream.indirect.scatter.add.f32 [tilespmem:s28], [sflag:$0x4], $0x80, s12, s24, $0xb8;
	[tilespmem:$0x1B000] =	vst v63  }
0x95: {  	_ =	swait.ge [sflag:s6], $0x3200  }
0x96: {  	[sflag:s6] =	ssyncset.done $0x0  }
0x97: {  	[sflag:s6] =	ssyncadd.s32 $0xFFFFCE00  }
0x98: {  	[tilespmem:s25], [sflag:$0x1] =	stream.indirect.gather [hbm4b:s5+s24], $0x80, s13, s24, $0xb8;
	[tilespmem:$0x1B000] =	vst v63  }
0x99: {  	_ =	swait.ge [sflag:s11], $0x3200  }
0x9a: {  	[sflag:s11] =	ssyncset.done $0x0  }
0x9b: {  	[sflag:s11] =	ssyncadd.s32 $0xFFFFCE00  }
0x9c: {  	[tilespmem:s28], [sflag:$0x2] =	stream.indirect.gather [hbm4b:s5+s24], $0x80, s15, s24, $0xb8;
	[tilespmem:$0x1B000] =	vst v63  }
0x9d: {  	_ =	swait.ge [sflag:s31], $0x3200  }
0x9e: {  	[sflag:s31] =	ssyncset.done $0x0  }
0x9f: {  	[sflag:s31] =	ssyncadd.s32 $0xFFFFCE00  }
0xa0: {  	[spmem:s1] =	stream.indirect.scatter.add.f32 [tilespmem:s25], [sflag:$0x3], $0x80, s20, s24, $0xb8;
	[tilespmem:$0x1B000] =	vst v63  }
0xa1: {  	_ =	swait.ge [sflag:s0], $0x3200  }
0xa2: {  	[sflag:s0] =	ssyncset.done $0x0  }
0xa3: {  	[sflag:s0] =	ssyncadd.s32 $0xFFFFCE00  }
0xa4: {  	[spmem:s1] =	stream.indirect.scatter.add.f32 [tilespmem:s28], [sflag:$0x4], $0x80, s9, s24, $0xb8;
	[tilespmem:$0x1B000] =	vst v63  }
0xa5: {  	_ =	swait.ge [sflag:s23], $0x200  }
0xa6: {  	[sflag:s23] =	ssyncset.done $0x0  }
0xa7: {  	[sflag:s23] =	ssyncadd.s32 $0xFFFFFE00  }
0xa8: {  	_ =	swait.ge [sflag:s23], $0x200  }
0xa9: {  	[sflag:s23] =	ssyncset.done $0x0  }
0xaa: {  	[sflag:s23] =	ssyncadd.s32 $0xFFFFFE00  }
0xab: {  	_ =	swait.ge [sflag:s6], $0x3200  }
0xac: {  	[sflag:s6] =	ssyncset.done $0x0  }
0xad: {  	p1 =	seq.s32 s22, $0x0;
	[sflag:s6] =	ssyncadd.s32 $0xFFFFCE00  }
0xae: {  	[tilespmem:s25], [sflag:$0x1] =	stream.indirect.gather [hbm4b:s5+s24], $0x80, s2, s24, $0xb8;
	[tilespmem:$0x1B000] =	vst v63  }
.Ltmp3:
0xaf: {  	_ = 	snop;
	(pc) =	sbr.rel @p1 .LBB2_8-.Ltmp3, $4  }
0xb0: {  	_ =	swait.ge [sflag:s11], $0x3200  }
0xb1: {  	[sflag:s11] =	ssyncset.done $0x0  }
0xb2: {  	s10 =	simm.s32 $0x80;
	[sflag:s11] =	ssyncadd.s32 $0xFFFFCE00  }
0xb3: {  	[tilespmem:s28], [sflag:$0x2] =	stream.indirect.gather [hbm4b:s5+s24], $0x80, s10, s24, $0xb8;
	[tilespmem:$0x1B000] =	vst v63  }
.Ltmp4:
0xb4: {  	(pc) =	sbr.rel .LBB2_7-.Ltmp4, $4  }
0xb5: {  	s10 =	sadd.s32 $0x640, s21  }
0xb6: {  	[tilespmem:s29], [sflag:$0x5] =	stream.linear.gather [hbm4b:s10+s2], $0x200, $0x38;
	[tilespmem:$0x1B000] =	vst v63  }
0xb7: {  	s26 =	sadd.s32 $0x640, s26;
	s22 =	sadd.s32 $0x80, s22  }
0xb8: {  	[tilespmem:s30], [sflag:$0x5] =	stream.linear.gather [hbm4b:s26+s2], $0x200, $0x38;
	[tilespmem:$0x1B000] =	vst v63  }
.LBB2_2:
0xb9: {  	s10 =	rddreg [dreg:$0xd]  }
0xba: {  	s21 =	sor.u32 $0x1C06, s10;
	s10 =	rddreg [dreg:$0x8]  }
0xbb: {  	[dreg:$0x11] =	wrdreg s21  }
0xbc: {  	[spmem:s22], [sflag:s21] =	dma.local [hbm:s10], $0x2800  }
0xbd: {  	_ =	swait.ge [sflag:s26], $0x2800  }
0xbe: {  	[sflag:s26] =	ssyncset.done $0x0  }
0xbf: {  	[sflag:s26] =	ssyncadd.s32 $0xFFFFD800  }
0xc0: {  	_ =	swait.ge [sflag:s23], $0x200  }
0xc1: {  	[sflag:s23] =	ssyncset.done $0x0  }
0xc2: {  	[sflag:s23] =	ssyncadd.s32 $0xFFFFFE00  }
0xc3: {  	_ =	swait.ge [sflag:s23], $0x200  }
0xc4: {  	[sflag:s23] =	ssyncset.done $0x0  }
0xc5: {  	[sflag:s23] =	ssyncadd.s32 $0xFFFFFE00  }
0xc6: {  	[tilespmem:s25], [sflag:$0x1] =	stream.indirect.gather [hbm4b:s3+s24], $0x80, s2, s24, $0xb8;
	[tilespmem:$0x1B000] =	vst v63  }
0xc7: {  	s21 =	simm.s32 $0x80  }
0xc8: {  	[tilespmem:s28], [sflag:$0x2] =	stream.indirect.gather [hbm4b:s3+s24], $0x80, s21, s24, $0xb8;
	[tilespmem:$0x1B000] =	vst v63  }
0xc9: {  	s22 =	rddreg [dreg:$0x9]  }
0xca: {  	[tilespmem:s29], [sflag:$0x5] =	stream.linear.gather [hbm4b:s22+s2], $0x200, $0x38;
	[tilespmem:$0x1B000] =	vst v63  }
0xcb: {  	s26 =	rddreg [dreg:$0xa]  }
0xcc: {  	[tilespmem:s30], [sflag:$0x5] =	stream.linear.gather [hbm4b:s26+s2], $0x200, $0x38;
	[tilespmem:$0x1B000] =	vst v63  }
0xcd: {  	s22 =	simm.s32 $0xFFFFFA80;
	[bflag:$0x0] =	sbarrier.arrive $0xFFFF  }
.LBB2_3:
0xce: {  	_ =	swait.ge [sflag:s31], $0x3200  }
0xcf: {  	[sflag:s31] =	ssyncset.done $0x0  }
0xd0: {  	[sflag:s31] =	ssyncadd.s32 $0xFFFFCE00  }
0xd1: {  	[spmem:s1] =	stream.indirect.scatter.add.f32 [tilespmem:s25], [sflag:$0x3], $0x80, s19, s24, $0xb8;
	[tilespmem:$0x1B000] =	vst v63  }
0xd2: {  	_ =	swait.ge [sflag:s0], $0x3200  }
0xd3: {  	[sflag:s0] =	ssyncset.done $0x0  }
0xd4: {  	[sflag:s0] =	ssyncadd.s32 $0xFFFFCE00  }
0xd5: {  	[spmem:s1] =	stream.indirect.scatter.add.f32 [tilespmem:s28], [sflag:$0x4], $0x80, s4, s24, $0xb8;
	[tilespmem:$0x1B000] =	vst v63  }
0xd6: {  	_ =	swait.ge [sflag:s6], $0x3200  }
0xd7: {  	[sflag:s6] =	ssyncset.done $0x0  }
0xd8: {  	[sflag:s6] =	ssyncadd.s32 $0xFFFFCE00  }
0xd9: {  	[tilespmem:s25], [sflag:$0x1] =	stream.indirect.gather [hbm4b:s3+s24], $0x80, s7, s24, $0xb8;
	[tilespmem:$0x1B000] =	vst v63  }
0xda: {  	_ =	swait.ge [sflag:s11], $0x3200  }
0xdb: {  	[sflag:s11] =	ssyncset.done $0x0  }
0xdc: {  	[sflag:s11] =	ssyncadd.s32 $0xFFFFCE00  }
0xdd: {  	[tilespmem:s28], [sflag:$0x2] =	stream.indirect.gather [hbm4b:s3+s24], $0x80, s14, s24, $0xb8;
	[tilespmem:$0x1B000] =	vst v63  }
0xde: {  	_ =	swait.ge [sflag:s31], $0x3200  }
0xdf: {  	[sflag:s31] =	ssyncset.done $0x0  }
0xe0: {  	[sflag:s31] =	ssyncadd.s32 $0xFFFFCE00  }
0xe1: {  	[spmem:s1] =	stream.indirect.scatter.add.f32 [tilespmem:s25], [sflag:$0x3], $0x80, s18, s24, $0xb8;
	[tilespmem:$0x1B000] =	vst v63  }
0xe2: {  	_ =	swait.ge [sflag:s0], $0x3200  }
0xe3: {  	[sflag:s0] =	ssyncset.done $0x0  }
0xe4: {  	[sflag:s0] =	ssyncadd.s32 $0xFFFFCE00  }
0xe5: {  	[spmem:s1] =	stream.indirect.scatter.add.f32 [tilespmem:s28], [sflag:$0x4], $0x80, s8, s24, $0xb8;
	[tilespmem:$0x1B000] =	vst v63  }
0xe6: {  	_ =	swait.ge [sflag:s23], $0x200  }
0xe7: {  	[sflag:s23] =	ssyncset.done $0x0  }
0xe8: {  	[sflag:s23] =	ssyncadd.s32 $0xFFFFFE00  }
0xe9: {  	_ =	swait.ge [sflag:s23], $0x200  }
0xea: {  	[sflag:s23] =	ssyncset.done $0x0  }
0xeb: {  	[sflag:s23] =	ssyncadd.s32 $0xFFFFFE00  }
0xec: {  	_ =	swait.ge [sflag:s6], $0x3200  }
0xed: {  	[sflag:s6] =	ssyncset.done $0x0  }
0xee: {  	[sflag:s6] =	ssyncadd.s32 $0xFFFFCE00  }
0xef: {  	[tilespmem:s25], [sflag:$0x1] =	stream.indirect.gather [hbm4b:s3+s24], $0x80, s29, s24, $0xb8;
	[tilespmem:$0x1B000] =	vst v63  }
0xf0: {  	_ =	swait.ge [sflag:s11], $0x3200  }
0xf1: {  	[sflag:s11] =	ssyncset.done $0x0  }
0xf2: {  	s10 =	simm.s32 $0x480;
	s21 =	sadd.s32 s22, s17;
	[sflag:s11] =	ssyncadd.s32 $0xFFFFCE00  }
0xf3: {  	[tilespmem:s28], [sflag:$0x2] =	stream.indirect.gather [hbm4b:s3+s24], $0x80, s10, s24, $0xb8;
	[tilespmem:$0x1B000] =	vst v63  }
0xf4: {  	s26 =	sadd.s32 $0x600, s21  }
0xf5: {  	[tilespmem:s2], [sflag:$0x5] =	stream.linear.gather [hbm4b:s26+s2], $0x200, $0x38;
	[tilespmem:$0x1B000] =	vst v63  }
0xf6: {  	s26 =	sadd.s32 s22, s16  }
0xf7: {  	s10 =	sadd.s32 $0x600, s26  }
0xf8: {  	[tilespmem:s19], [sflag:$0x5] =	stream.linear.gather [hbm4b:s10+s2], $0x200, $0x38;
	[tilespmem:$0x1B000] =	vst v63  }
0xf9: {  	_ =	swait.ge [sflag:s31], $0x3200  }
0xfa: {  	[sflag:s31] =	ssyncset.done $0x0  }
0xfb: {  	[sflag:s31] =	ssyncadd.s32 $0xFFFFCE00  }
0xfc: {  	[spmem:s1] =	stream.indirect.scatter.add.f32 [tilespmem:s25], [sflag:$0x3], $0x80, s30, s24, $0xb8;
	[tilespmem:$0x1B000] =	vst v63  }
0xfd: {  	_ =	swait.ge [sflag:s0], $0x3200  }
0xfe: {  	[sflag:s0] =	ssyncset.done $0x0  }
0xff: {  	[sflag:s0] =	ssyncadd.s32 $0xFFFFCE00  }
0x100: {  	[spmem:s1] =	stream.indirect.scatter.add.f32 [tilespmem:s28], [sflag:$0x4], $0x80, s12, s24, $0xb8;
	[tilespmem:$0x1B000] =	vst v63  }
0x101: {  	_ =	swait.ge [sflag:s6], $0x3200  }
0x102: {  	[sflag:s6] =	ssyncset.done $0x0  }
0x103: {  	[sflag:s6] =	ssyncadd.s32 $0xFFFFCE00  }
0x104: {  	[tilespmem:s25], [sflag:$0x1] =	stream.indirect.gather [hbm4b:s3+s24], $0x80, s13, s24, $0xb8;
	[tilespmem:$0x1B000] =	vst v63  }
0x105: {  	_ =	swait.ge [sflag:s11], $0x3200  }
0x106: {  	[sflag:s11] =	ssyncset.done $0x0  }
0x107: {  	[sflag:s11] =	ssyncadd.s32 $0xFFFFCE00  }
0x108: {  	[tilespmem:s28], [sflag:$0x2] =	stream.indirect.gather [hbm4b:s3+s24], $0x80, s15, s24, $0xb8;
	[tilespmem:$0x1B000] =	vst v63  }
0x109: {  	_ =	swait.ge [sflag:s31], $0x3200  }
0x10a: {  	[sflag:s31] =	ssyncset.done $0x0  }
0x10b: {  	[sflag:s31] =	ssyncadd.s32 $0xFFFFCE00  }
0x10c: {  	[spmem:s1] =	stream.indirect.scatter.add.f32 [tilespmem:s25], [sflag:$0x3], $0x80, s20, s24, $0xb8;
	[tilespmem:$0x1B000] =	vst v63  }
0x10d: {  	_ =	swait.ge [sflag:s0], $0x3200  }
0x10e: {  	[sflag:s0] =	ssyncset.done $0x0  }
0x10f: {  	[sflag:s0] =	ssyncadd.s32 $0xFFFFCE00  }
0x110: {  	[spmem:s1] =	stream.indirect.scatter.add.f32 [tilespmem:s28], [sflag:$0x4], $0x80, s9, s24, $0xb8;
	[tilespmem:$0x1B000] =	vst v63  }
0x111: {  	_ =	swait.ge [sflag:s23], $0x200  }
0x112: {  	[sflag:s23] =	ssyncset.done $0x0  }
0x113: {  	[sflag:s23] =	ssyncadd.s32 $0xFFFFFE00  }
0x114: {  	_ =	swait.ge [sflag:s23], $0x200  }
0x115: {  	[sflag:s23] =	ssyncset.done $0x0  }
0x116: {  	[sflag:s23] =	ssyncadd.s32 $0xFFFFFE00  }
0x117: {  	_ =	swait.ge [sflag:s6], $0x3200  }
0x118: {  	[sflag:s6] =	ssyncset.done $0x0  }
0x119: {  	p1 =	seq.s32 s22, $0x0;
	[sflag:s6] =	ssyncadd.s32 $0xFFFFCE00  }
0x11a: {  	[tilespmem:s25], [sflag:$0x1] =	stream.indirect.gather [hbm4b:s3+s24], $0x80, s2, s24, $0xb8;
	[tilespmem:$0x1B000] =	vst v63  }
.Ltmp5:
0x11b: {  	_ = 	snop;
	(pc) =	sbr.rel @p1 .LBB2_4-.Ltmp5, $4  }
0x11c: {  	_ =	swait.ge [sflag:s11], $0x3200  }
0x11d: {  	[sflag:s11] =	ssyncset.done $0x0  }
0x11e: {  	s10 =	simm.s32 $0x80;
	[sflag:s11] =	ssyncadd.s32 $0xFFFFCE00  }
0x11f: {  	[tilespmem:s28], [sflag:$0x2] =	stream.indirect.gather [hbm4b:s3+s24], $0x80, s10, s24, $0xb8;
	[tilespmem:$0x1B000] =	vst v63  }
.Ltmp6:
0x120: {  	(pc) =	sbr.rel .LBB2_3-.Ltmp6, $4  }
0x121: {  	s10 =	sadd.s32 $0x640, s21  }
0x122: {  	[tilespmem:s29], [sflag:$0x5] =	stream.linear.gather [hbm4b:s10+s2], $0x200, $0x38;
	[tilespmem:$0x1B000] =	vst v63  }
0x123: {  	s26 =	sadd.s32 $0x640, s26;
	s22 =	sadd.s32 $0x80, s22  }
0x124: {  	[tilespmem:s30], [sflag:$0x5] =	stream.linear.gather [hbm4b:s26+s2], $0x200, $0x38;
	[tilespmem:$0x1B000] =	vst v63  }
.LBB2_4:
.Ltmp7:
0x125: {  	(pc) =	sbr.rel .LBB2_9-.Ltmp7, $3  }
0x126: {  	_ =	sdelay $0x1  }
0x127: {  	s26 =	rddreg [dreg:$0x3]  }
0x128: {  	s22 =	smov.u32 s3;
	s21 =	rddreg [dreg:$0x10]  }
.LBB2_10:
0x129: {  	_ =	sfence.sel $0x180000  }
0x12a: {  	[bflag:$0x0] =	sbarrier.arrive $0xFFFF  }
0x12b: {  	_ =	strace $0x9000004A  }
0x12c: {  	s0 =	stileid.u32;
	[bflag:$0x2] =	sbarrier.arrive $0xFFFF  }
0x12d: {  	p0 =	sne.s32 s0, $0x0;
	s0 =	rddreg [dreg:$0x2]  }
0x12e: {  	s0 =	sadd.s32 @!p0 $0x100000, s0  }
0x12f: {  	[sflag:s0] =	ssyncadd.tile.s32 @!p0 $0x1;
	_ =	shalt  }
.Lfunc_end2:
_tile_overlayer_lowered:
.L_overlay_start_2:
0x130: {  	(tag) =	ssettag $0x2  }
0x131: {  	s0 =	rddreg [dreg:$0x0];
	s2 =	stileid.u32  }
0x132: {  	s1 =	rddreg [dreg:$0x1];
	p0 =	sne.s32 s2, $0x0  }
0x133: {  	s3 =	rddreg [dreg:$0x2];
	[bflag:$0x3] =	sbarrier.arrive $0xFFFF;
	s2 =	simm.s32 @!p0 $0x1C06  }
0x134: {  	[timem:s3], [sflag:s2] =	dma.local @!p0 [hbm:s0], s1  }
0x135: {  	s0 =	simm.s32 @!p0 $0x6  }
0x136: {  	_ =	swait.ge @!p0 [sflag:s0], s1  }
0x137: {  	s1 =	ssub.s32 @!p0 $0x0, s1;
	[sflag:s0] =	ssyncset.done @!p0 $0x0  }
0x138: {  	[sflag:s0] =	ssyncadd.s32 @!p0 s1  }
0x139: {  	[bflag:$0x3] =	sbarrier.arrive $0xFFFF  }
0x13a: {  	_ =	shalt  }

// kernel: kernel.14.cloned.1.call-start
scs
__scs_entry_jumppad:
0x0: {  	(pc) =	sbr.rel $0x88, $3  }
0x1: {  	(tag) =	ssettag $0x0;
	lr =	simm.s32 $0x1  }
0x2: {  	[smem:$0x3F98] =	sst lr;
	_ =	strace $0xD0000000  }
0x3: {  	_ = 	snop  }
0x4: {  	_ = 	snop  }
0x5: {  	_ = 	snop  }
0x6: {  	_ = 	snop  }
0x7: {  	_ = 	snop  }
__scs_overlays_trampoline_lowered:
0x8: {  	[smem:$0x3FA7] =	sst s0  }
0x9: {  	[smem:$0x3FA8] =	sst s1  }
0xa: {  	[smem:$0x3FA9] =	sst s2  }
0xb: {  	[smem:$0x3FAA] =	sst s3  }
0xc: {  	[smem:$0x3FAB] =	sst s4  }
0xd: {  	[smem:$0x3FAC] =	sst s5  }
0xe: {  	[smem:$0x3FAD] =	sst s6  }
0xf: {  	[smem:$0x3FAE] =	sst s7  }
0x10: {  	[smem:$0x3FAF] =	sst s8  }
0x11: {  	[smem:$0x3FB0] =	sst s9;
	s0 =	simm.s32 @!p0 $0x0  }
0x12: {  	s1 =	sld [smem:$0x3F96];
	s0 =	simm.s32 @p0 $0x1  }
0x13: {  	[smem:$0x3FB1] =	sst s0;
	s0 =	simm.s32 @!p1 $0x0  }
0x14: {  	s2 =	sld [smem:$0x3F95];
	s0 =	simm.s32 @p1 $0x1  }
0x15: {  	[smem:$0x3FB2] =	sst s0;
	s0 =	simm.s32 @!p2 $0x0  }
0x16: {  	s3 =	sld [smem:$0x3FDB];
	s0 =	simm.s32 @p2 $0x1  }
0x17: {  	s4 =	simm.s32 $0x1BF5;
	[smem:$0x3FB4] =	sst s0  }
0x18: {  	s0 =	sld [smem:$0x3F97];
	_ =	swait.ge [sflag:s4], $0x0  }
0x19: {  	s7 =	sld [smem:$0x3F98]  }
0x1a: {  	s8 =	sadd.s32 $0xFFFFE003, lr  }
0x1b: {  	s9 =	sadd.s32 $0xFFFFFEF7, lr;
	s5 =	simm.s32 $0xFFFFFFFF;
	p2 =	slt.u32 s8, $0xFFFFF086  }
0x1c: {  	p1 =	slt.u32 s9, $0xF7A;
	s5 =	simm.s32 @!p2 $0x0  }
0x1d: {  	s5 =	simm.s32 @p1 $0x1;
	p0 =	seq.s32 s7, s2  }
0x1e: {  	s7 =	smul.u32 @!p0 $0xF7A, s2;
	p2 =	seq.s32 @!p0 s5, $0x0  }
0x1f: {  	s9 =	smul.u32 $0xF7A, s1;
	s8 =	simm.s32 @!p0 $0x1BF5;
	p2 =	por !p2, p0  }
0x20: {  	[sflag:s8] =	ssyncset.s32 @!p0 $0xFFFFF086;
	s6 =	sadd.s32 @!p0 s3, s7;
	s7 =	simm.s32 @!p0 $0x108  }
0x21: {  	s3 =	sadd.s32 s3, s9;
	s6 =	sadd.s32 @!p0 $0x88, s6;
	s7 =	simm.s32 @p2 $0x1082  }
0x22: {  	[simem:s7], [sflag:s8] =	dma.local @!p0 [hbm:s6], $0xF7A  }
0x23: {  	s9 =	sor.u32 $0xD0000000, s2;
	s6 =	simm.s32 $0x108;
	_ =	swait.ge @!p0 [sflag:s8], $0x0  }
0x24: {  	s3 =	sadd.s32 $0x88, s3;
	s6 =	simm.s32 @!p1 $0x1082;
	[sflag:s4] =	ssyncset.s32 $0xFFFFF086  }
0x25: {  	[simem:s6], [sflag:s4] =	dma.local [hbm:s3], $0xF7A  }
0x26: {  	[smem:$0x3F98] =	sst s1;
	(tag) =	ssettag s2;
	_ =	strace s9  }
0x27: {  	s1 =	sld [smem:$0x3FA8]  }
0x28: {  	s2 =	sld [smem:$0x3FA9]  }
0x29: {  	s4 =	sld [smem:$0x3FAB]  }
0x2a: {  	p0 =	seq.s32 s5, $0x0;
	s5 =	sld [smem:$0x3FAC]  }
0x2b: {  	s6 =	sld [smem:$0x3FAD]  }
0x2c: {  	s7 =	sld [smem:$0x3FAE]  }
0x2d: {  	s3 =	simm.s32 $0x108;
	s8 =	sld [smem:$0x3FAF]  }
0x2e: {  	s3 =	simm.s32 @!p0 $0x1082;
	s9 =	sld [smem:$0x3FB0]  }
0x2f: {  	lr =	sadd.s32 s0, s3;
	s0 =	sld [smem:$0x3FA7]  }
0x30: {  	s3 =	sld [smem:$0x3FAA]  }
0x31: {  	[smem:$0x3FB3] =	sst s10  }
0x32: {  	s10 =	sld [smem:$0x3FB1];
	_ =	sdelay $0x3  }
0x33: {  	p0 =	seq.s32 s10, $0x1;
	s10 =	sld [smem:$0x3FB3];
	_ =	sdelay $0x3  }
0x34: {  	[smem:$0x3FB3] =	sst s10  }
0x35: {  	s10 =	sld [smem:$0x3FB2];
	_ =	sdelay $0x3  }
0x36: {  	p1 =	seq.s32 s10, $0x1;
	s10 =	sld [smem:$0x3FB3];
	_ =	sdelay $0x3  }
0x37: {  	[smem:$0x3FB3] =	sst s10  }
0x38: {  	s10 =	sld [smem:$0x3FB4]  }
0x39: {  	_ = 	snop;
	(pc) =	sbr.ind lr, $3  }
0x3a: {  	_ = 	snop  }
0x3b: {  	_ = 	snop  }
0x3c: {  	p2 =	seq.s32 s10, $0x1;
	s10 =	sld [smem:$0x3FB3]  }
0x3d: {  	_ =	shalt  }
0x3e: {  	_ =	shalt  }
0x3f: {  	_ =	shalt  }
0x40: {  	_ =	shalt  }
0x41: {  	_ =	shalt  }
0x42: {  	_ =	shalt  }
0x43: {  	_ =	shalt  }
0x44: {  	_ =	shalt  }
0x45: {  	_ =	shalt  }
0x46: {  	_ =	shalt  }
0x47: {  	_ =	shalt  }
0x48: {  	_ =	shalt  }
0x49: {  	_ =	shalt  }
0x4a: {  	_ =	shalt  }
0x4b: {  	_ =	shalt  }
0x4c: {  	_ =	shalt  }
0x4d: {  	_ =	shalt  }
0x4e: {  	_ =	shalt  }
0x4f: {  	_ =	shalt  }
0x50: {  	_ =	shalt  }
0x51: {  	_ =	shalt  }
0x52: {  	_ =	shalt  }
0x53: {  	_ =	shalt  }
0x54: {  	_ =	shalt  }
0x55: {  	_ =	shalt  }
0x56: {  	_ =	shalt  }
0x57: {  	_ =	shalt  }
0x58: {  	_ =	shalt  }
0x59: {  	_ =	shalt  }
0x5a: {  	_ =	shalt  }
0x5b: {  	_ =	shalt  }
0x5c: {  	_ =	shalt  }
0x5d: {  	_ =	shalt  }
0x5e: {  	_ =	shalt  }
0x5f: {  	_ =	shalt  }
0x60: {  	_ =	shalt  }
0x61: {  	_ =	shalt  }
0x62: {  	_ =	shalt  }
0x63: {  	_ =	shalt  }
0x64: {  	_ =	shalt  }
0x65: {  	_ =	shalt  }
0x66: {  	_ =	shalt  }
0x67: {  	_ =	shalt  }
0x68: {  	_ =	shalt  }
0x69: {  	_ =	shalt  }
0x6a: {  	_ =	shalt  }
0x6b: {  	_ =	shalt  }
0x6c: {  	_ =	shalt  }
0x6d: {  	_ =	shalt  }
0x6e: {  	_ =	shalt  }
0x6f: {  	_ =	shalt  }
0x70: {  	_ =	shalt  }
0x71: {  	_ =	shalt  }
0x72: {  	_ =	shalt  }
0x73: {  	_ =	shalt  }
0x74: {  	_ =	shalt  }
0x75: {  	_ =	shalt  }
0x76: {  	_ =	shalt  }
0x77: {  	_ =	shalt  }
0x78: {  	_ =	shalt  }
0x79: {  	_ =	shalt  }
0x7a: {  	_ =	shalt  }
0x7b: {  	_ =	shalt  }
0x7c: {  	_ =	shalt  }
0x7d: {  	_ =	shalt  }
0x7e: {  	_ =	shalt  }
0x7f: {  	_ =	shalt  }
0x80: {  	_ =	shalt  }
0x81: {  	_ =	shalt  }
0x82: {  	_ =	shalt  }
0x83: {  	_ =	shalt  }
0x84: {  	_ =	shalt  }
0x85: {  	_ =	shalt  }
0x86: {  	_ =	shalt  }
0x87: {  	_ =	shalt  }
.Lfunc_end0:
.L_simem_size_0:
called_computation.2_lowered:
.L_overlay_start_0:
0x88: {  	s2 =	sld [smem:$0x3FD9]  }
0x89: {  	s3 =	sld [smem:$0x3FFE];
	_ =	sdelay $0x1  }
0x8a: {  	s1 =	srdreg.scid  }
0x8b: {  	s0 =	sand.u32 $0x1, s1  }
0x8c: {  	s16 =	sshll.u32 s0, $0xA;
	s2 =	sadd.s32 s3, s2  }
0x8d: {  	s2 =	sadd.s32 s2, s16  }
0x8e: {  	[smem:$0x3FBF] =	sst s2  }
0x8f: {  	_ = 	snop  }
0x90: {  	(tm) =	ssettm $0x1  }
0x91: {  	s17 =	sld [smem:$0x3FFB];
	_ =	sdelay $0x3  }
0x92: {  	_ =	strace s17  }
0x93: {  	s2 =	sld [smem:$0x3FFC];
	_ =	sdelay $0x3  }
0x94: {  	_ =	strace s2  }
0x95: {  	s2 =	sld [smem:$0x3FFD];
	_ =	sdelay $0x3  }
0x96: {  	_ =	strace s2  }
0x97: {  	_ =	strace $0x8FFFFFFF  }
0x98: {  	s18 =	sld [smem:$0x3FDB];
	_ =	sdelay $0x1  }
0x99: {  	s19 =	simm.s32 $_scs_section_size  }
0x9a: {  	s4 =	simm.s32 $_size__tile_overlayer_lowered;
	s5 =	simm.s32 $_tile_overlayer_lowered  }
0x9b: {  	s22 =	simm.s32 $0x1BFF;
	s21 =	sshll.u32 s5, $0x1;
	s2 =	sadd.s32 s19, s18  }
0x9c: {  	s6 =	simm.s32 $0x0;
	s20 =	sshll.u32 s4, $0x1;
	s4 =	sadd.s32 s21, s2  }
0x9d: {  	[timem:s6], [sflag:s22] =	dma.local [hbm:s4], s20  }
0x9e: {  	_ =	swait.ge [sflag:s22], s20  }
0x9f: {  	s3 =	ssub.s32 $0x0, s20;
	[sflag:s22] =	ssyncset.done $0x0  }
0xa0: {  	[sflag:s22] =	ssyncadd.s32 s3;
	_ =	sdelay $0x1  }
0xa1: {  	s23 =	simm.s32 $0x1B8B  }
0xa2: {  	_ =	swait.ge [sflag:s23], $0x1  }
0xa3: {  	[sflag:s23] =	ssyncset.done $0x0  }
0xa4: {  	s25 =	simm.s32 $0x1B8E;
	s24 =	sld [smem:$0x3FFE];
	[sflag:s23] =	ssyncadd.s32 $0xFFFFFFFF  }
0xa5: {  	s26 =	simm.s32 $execute0_lowered;
	[smem:$0x3FD2] =	sst s25  }
0xa6: {  	s4 =	sshll.u32 s26, $0x1;
	_ =	strace $0x8000004C;
	[dreg:$0x1] =	wrdreg $0xFFFFFFFF  }
0xa7: {  	s28 =	simm.s32 $_size_execute0_lowered;
	s2 =	sadd.s32 s2, s4;
	[dreg:$0x0] =	wrdreg $0x0  }
0xa8: {  	s4 =	sshll.u32 s28, $0x1;
	[dreg:$0x2] =	wrdreg s2  }
0xa9: {  	[dreg:$0x3] =	wrdreg s4  }
0xaa: {  	[dreg:$0x4] =	wrdreg $0xC0  }
0xab: {  	_ =	task [dreg:s6], $0x5FFFF  }
0xac: {  	[dreg:$0x1] =	wrdreg $0xFFFFFFFF  }
0xad: {  	[dreg:$0x0] =	wrdreg $0x60  }
0xae: {  	[dreg:$0x2] =	wrdreg s24  }
0xaf: {  	[dreg:$0x3] =	wrdreg $0x70000  }
0xb0: {  	[dreg:$0x4] =	wrdreg $0x9  }
0xb1: {  	_ =	task.clear_ibuf [dreg:s6], $0x5FFFF;
	_ =	strace $0x9000004C  }
0xb2: {  	s29 =	simm.s32 $0x9;
	_ =	strace $0x8000004E  }
0xb3: {  	_ =	swait.ge [sflag:s29], $0x1  }
0xb4: {  	[sflag:s29] =	ssyncadd.s32 $0xFFFFFFFF  }
0xb5: {  	_ =	strace $0x9000004E  }
0xb6: {  	_ =	sfence  }
0xb7: {  	s30 =	sld [smem:$0x0];
	_ =	sdelay $0x2  }
0xb8: {  	s31 =	sshll.u32 s1, $0xD;
	s1 =	sshrl.u32 s1, $0x2  }
0xb9: {  	s3 =	sand.u32 $0x4000, s31;
	s1 =	sadd.s32 s1, s30  }
0xba: {  	s0 =	sor.u32 s3, s0;
	s1 =	sshll.u32 s1, $0x11  }
0xbb: {  	s0 =	sor.u32 s1, s0  }
0xbc: {  	s0 =	sadd.s32 $0x8F2B, s0  }
0xbd: {  	[sflag:s0] =	ssyncadd.remote.s32 $0x1  }
0xbe: {  	_ =	sfence.sel $0xFFFF  }
0xbf: {  	[dreg:$0x0] =	wrdreg $0xFFFFFFFF;
	(pc) =	sbr.abs _section_cstart, $3  }
0xc0: {  	[dreg:$0x1] =	wrdreg $0xFFFFFFFF  }
0xc1: {  	_ =	task.clear_ibuf [dreg:s6], $0x2FFFF;
	_ =	strace $0x9FFFFFFF  }
0xc2: {  	(tm) =	ssettm $0x7FFFFFFF  }
0xc3: {  	_ =	shalt  }
tec
execute0_lowered:
.L_overlay_start_1:
0x0: {  	(tag) =	ssettag $0x1  }
0x1: {  	s0 =	rddreg [dreg:$0x0]  }
0x2: {  	s1 =	rddreg [dreg:$0x1];
	s2 =	simm.s32 $0x0  }
0x3: {  	s6 =	srdreg.scid;
	s11 =	stileid.u32;
	s28 =	simm.s32 $0x3C00  }
0x4: {  	s29 =	simm.s32 $0x400;
	s30 =	simm.s32 $0x600;
	s31 =	simm.s32 $0x1  }
0x5: {  	s14 =	simm.s32 $0x180;
	s12 =	simm.s32 $0x680;
	s13 =	simm.s32 $0x500  }
0x6: {  	s15 =	simm.s32 $0x580;
	[smem:$0x7FF] =	sst s2;
	s3 =	sadd.s32 $0xFE00, s0  }
0x7: {  	s5 =	sadd.s32 $0x37E00, s0;
	s4 =	sadd.s32 $0x3600, s0;
	s9 =	smul.u32 $0x3200, s11  }
0x8: {  	s7 =	sadd.s32 $0x9A00, s0;
	s6 =	sand.u32 $0x1, s6;
	s10 =	smul.u32 $0x50000, s11  }
0x9: {  	s8 =	sadd.s32 $0x5FE00, s0;
	s0 =	sadd.s32 $0x87E00, s0;
	s21 =	smul.u32 $0x2800, s11  }
0xa: {  	s24 =	smul.u32 $0x640, s11;
	_ =	strace $0x8000004D;
	[dreg:$0x3] =	wrdreg s8  }
0xb: {  	s26 =	sshll.u32 s11, $0x6;
	s11 =	simm.s32 $0x4;
	[dreg:$0x4] =	wrdreg s0  }
0xc: {  	s16 =	ssub.s32 $0x2, s6;
	p0 =	seq.s32 s6, $0x1;
	[dreg:$0xd] =	wrdreg s26  }
0xd: {  	s17 =	sshrl.u32 s16, $0x1;
	s18 =	sshrl.u32 s9, $0x3;
	s20 =	sshrl.u32 s10, $0x2  }
0xe: {  	s22 =	sadd.s32 s3, s21;
	[dreg:$0x6] =	wrdreg s21;
	s25 =	sadd.s32 s5, s21  }
0xf: {  	s21 =	simm.s32 $0x0;
	s0 =	ssub.s32 s16, s17;
	s19 =	sadd.s32 s4, s18  }
0x10: {  	s9 =	sadd.s32 s7, s18;
	s8 =	sadd.s32 s20, s1;
	[dreg:$0x8] =	wrdreg s22  }
0x11: {  	s6 =	sadd.s32 $0x40, s18;
	[dreg:$0xb] =	wrdreg s25;
	s16 =	sadd.s32 s24, s7  }
0x12: {  	s17 =	sadd.s32 s24, s4;
	s24 =	simm.s32 $0x64;
	s25 =	simm.s32 $0x800  }
0x13: {  	s18 =	simm.s32 $0x300;
	s20 =	simm.s32 $0x700;
	[dreg:$0x5] =	wrdreg s19  }
0x14: {  	[dreg:$0x7] =	wrdreg s9;
	s23 =	sadd.s32 s4, s6;
	s6 =	sadd.s32 s7, s6  }
0x15: {  	s0 =	smax.u32 s0, $0x1;
	s19 =	simm.s32 $0x200;
	s22 =	sshrl.u32 s8, $0x3  }
.Ltmp0:
0x16: {  	s4 =	simm.s32 $0x280;
	[dreg:$0x9] =	wrdreg s23;
	(pc) =	sbr.rel .LBB2_1-.Ltmp0, $4  }
0x17: {  	s7 =	simm.s32 $0x100;
	s8 =	simm.s32 $0x380;
	[dreg:$0xa] =	wrdreg s6  }
0x18: {  	s9 =	simm.s32 $0x780;
	[dreg:$0xc] =	wrdreg s0;
	s0 =	sor.u32 $0x1C06, s26  }
0x19: {  	s26 =	simm.s32 $0x6;
	s23 =	simm.s32 $0x5;
	[dreg:$0xf] =	wrdreg s22  }
0x1a: {  	s6 =	simm.s32 $0x3;
	[dreg:$0xe] =	wrdreg s0;
	s0 =	simm.s32 $0x2  }
.LBB2_8:
0x1b: {  	s26 =	rddreg [dreg:$0x4]  }
0x1c: {  	s10 =	rddreg [dreg:$0xe]  }
0x1d: {  	s21 =	rddreg [dreg:$0x10]  }
0x1e: {  	s22 =	smov.u32 s5;
	[dreg:$0x11] =	wrdreg s10  }
.LBB2_9:
0x1f: {  	_ =	swait.ge [sflag:s31], $0x3200  }
0x20: {  	[sflag:s31] =	ssyncset.done $0x0  }
0x21: {  	[sflag:s31] =	ssyncadd.s32 $0xFFFFCE00  }
0x22: {  	[spmem:s1] =	stream.indirect.scatter.add.f32 [tilespmem:s25], [sflag:$0x3], $0x80, s19, s24, $0xb8;
	[tilespmem:$0x1B000] =	vst v63  }
0x23: {  	_ =	swait.ge [sflag:s0], $0x3200  }
0x24: {  	[sflag:s0] =	ssyncset.done $0x0  }
0x25: {  	[sflag:s0] =	ssyncadd.s32 $0xFFFFCE00  }
0x26: {  	[spmem:s1] =	stream.indirect.scatter.add.f32 [tilespmem:s28], [sflag:$0x4], $0x80, s4, s24, $0xb8;
	[tilespmem:$0x1B000] =	vst v63  }
0x27: {  	_ =	swait.ge [sflag:s6], $0x3200  }
0x28: {  	[sflag:s6] =	ssyncset.done $0x0  }
0x29: {  	[sflag:s6] =	ssyncadd.s32 $0xFFFFCE00  }
0x2a: {  	[tilespmem:s25], [sflag:$0x1] =	stream.indirect.gather [hbm4b:s22+s24], $0x80, s7, s24, $0xb8;
	[tilespmem:$0x1B000] =	vst v63  }
0x2b: {  	_ =	swait.ge [sflag:s11], $0x3200  }
0x2c: {  	[sflag:s11] =	ssyncset.done $0x0  }
0x2d: {  	[sflag:s11] =	ssyncadd.s32 $0xFFFFCE00  }
0x2e: {  	[tilespmem:s28], [sflag:$0x2] =	stream.indirect.gather [hbm4b:s22+s24], $0x80, s14, s24, $0xb8;
	[tilespmem:$0x1B000] =	vst v63  }
0x2f: {  	_ =	swait.ge [sflag:s31], $0x3200  }
0x30: {  	[sflag:s31] =	ssyncset.done $0x0  }
0x31: {  	[sflag:s31] =	ssyncadd.s32 $0xFFFFCE00  }
0x32: {  	[spmem:s1] =	stream.indirect.scatter.add.f32 [tilespmem:s25], [sflag:$0x3], $0x80, s18, s24, $0xb8;
	[tilespmem:$0x1B000] =	vst v63  }
0x33: {  	_ =	swait.ge [sflag:s0], $0x3200  }
0x34: {  	[sflag:s0] =	ssyncset.done $0x0  }
0x35: {  	[sflag:s0] =	ssyncadd.s32 $0xFFFFCE00  }
0x36: {  	[spmem:s1] =	stream.indirect.scatter.add.f32 [tilespmem:s28], [sflag:$0x4], $0x80, s8, s24, $0xb8;
	[tilespmem:$0x1B000] =	vst v63  }
0x37: {  	_ =	swait.ge [sflag:s6], $0x3200  }
0x38: {  	[sflag:s6] =	ssyncset.done $0x0  }
0x39: {  	[sflag:s6] =	ssyncadd.s32 $0xFFFFCE00  }
0x3a: {  	_ =	swait.ge [sflag:s11], $0x3200  }
0x3b: {  	[sflag:s11] =	ssyncset.done $0x0  }
0x3c: {  	[sflag:s11] =	ssyncadd.s32 $0xFFFFCE00  }
0x3d: {  	s10 =	rddreg [dreg:$0x6];
	[bflag:$0x0] =	sbarrier.arrive $0xFFFF  }
0x3e: {  	s22 =	rddreg [dreg:$0xf]  }
0x3f: {  	s10 =	sadd.s32 s26, s10;
	s26 =	rddreg [dreg:$0x11]  }
0x40: {  	[hbm:s10], [sflag:s26] =	dma.local [spmem:s22], $0x2800  }
0x41: {  	s26 =	simm.s32 $0x6  }
0x42: {  	_ =	swait.ge [sflag:s26], $0x2800  }
0x43: {  	s21 =	sadd.s32 $0x1, s21;
	s10 =	rddreg [dreg:$0xc]  }
0x44: {  	p1 =	sne.s32 s21, s10  }
.Ltmp1:
0x45: {  	_ = 	snop;
	(pc) =	sbr.rel @!p1 .LBB2_10-.Ltmp1, $3  }
0x46: {  	_ =	sdelay $0x1  }
0x47: {  	[sflag:s26] =	ssyncset.done $0x0  }
0x48: {  	[sflag:s26] =	ssyncadd.s32 $0xFFFFD800  }
.LBB2_1:
.Ltmp2:
0x49: {  	[dreg:$0x10] =	wrdreg s21;
	(pc) =	sbr.rel @!p0 .LBB2_2-.Ltmp2, $4  }
0x4a: {  	s10 =	rddreg [dreg:$0x5]  }
0x4b: {  	[tilespmem:s2], [sflag:$0x5] =	stream.linear.gather [hbm4b:s10+s2], $0x200, $0x38;
	[tilespmem:$0x1B000] =	vst v63  }
0x4c: {  	s21 =	rddreg [dreg:$0x7]  }
0x4d: {  	[tilespmem:s19], [sflag:$0x5] =	stream.linear.gather [hbm4b:s21+s2], $0x200, $0x38;
	[tilespmem:$0x1B000] =	vst v63  }
0x4e: {  	s10 =	rddreg [dreg:$0xb]  }
0x4f: {  	s21 =	rddreg [dreg:$0xe]  }
0x50: {  	[spmem:s22], [sflag:s21] =	dma.local [hbm:s10], $0x2800  }
0x51: {  	_ =	swait.ge [sflag:s26], $0x2800  }
0x52: {  	[sflag:s26] =	ssyncset.done $0x0  }
0x53: {  	[sflag:s26] =	ssyncadd.s32 $0xFFFFD800  }
0x54: {  	_ =	swait.ge [sflag:s23], $0x200  }
0x55: {  	[sflag:s23] =	ssyncset.done $0x0  }
0x56: {  	[sflag:s23] =	ssyncadd.s32 $0xFFFFFE00  }
0x57: {  	_ =	swait.ge [sflag:s23], $0x200  }
0x58: {  	[sflag:s23] =	ssyncset.done $0x0  }
0x59: {  	[sflag:s23] =	ssyncadd.s32 $0xFFFFFE00  }
0x5a: {  	[tilespmem:s25], [sflag:$0x1] =	stream.indirect.gather [hbm4b:s5+s24], $0x80, s2, s24, $0xb8;
	[tilespmem:$0x1B000] =	vst v63  }
0x5b: {  	s21 =	simm.s32 $0x80  }
0x5c: {  	[tilespmem:s28], [sflag:$0x2] =	stream.indirect.gather [hbm4b:s5+s24], $0x80, s21, s24, $0xb8;
	[tilespmem:$0x1B000] =	vst v63  }
0x5d: {  	s22 =	rddreg [dreg:$0x9]  }
0x5e: {  	[tilespmem:s29], [sflag:$0x5] =	stream.linear.gather [hbm4b:s22+s2], $0x200, $0x38;
	[tilespmem:$0x1B000] =	vst v63  }
0x5f: {  	s26 =	rddreg [dreg:$0xa]  }
0x60: {  	[tilespmem:s30], [sflag:$0x5] =	stream.linear.gather [hbm4b:s26+s2], $0x200, $0x38;
	[tilespmem:$0x1B000] =	vst v63  }
0x61: {  	s22 =	simm.s32 $0xFFFFFA80;
	[bflag:$0x0] =	sbarrier.arrive $0xFFFF  }
.LBB2_7:
0x62: {  	_ =	swait.ge [sflag:s31], $0x3200  }
0x63: {  	[sflag:s31] =	ssyncset.done $0x0  }
0x64: {  	[sflag:s31] =	ssyncadd.s32 $0xFFFFCE00  }
0x65: {  	[spmem:s1] =	stream.indirect.scatter.add.f32 [tilespmem:s25], [sflag:$0x3], $0x80, s19, s24, $0xb8;
	[tilespmem:$0x1B000] =	vst v63  }
0x66: {  	_ =	swait.ge [sflag:s0], $0x3200  }
0x67: {  	[sflag:s0] =	ssyncset.done $0x0  }
0x68: {  	[sflag:s0] =	ssyncadd.s32 $0xFFFFCE00  }
0x69: {  	[spmem:s1] =	stream.indirect.scatter.add.f32 [tilespmem:s28], [sflag:$0x4], $0x80, s4, s24, $0xb8;
	[tilespmem:$0x1B000] =	vst v63  }
0x6a: {  	_ =	swait.ge [sflag:s6], $0x3200  }
0x6b: {  	[sflag:s6] =	ssyncset.done $0x0  }
0x6c: {  	[sflag:s6] =	ssyncadd.s32 $0xFFFFCE00  }
0x6d: {  	[tilespmem:s25], [sflag:$0x1] =	stream.indirect.gather [hbm4b:s5+s24], $0x80, s7, s24, $0xb8;
	[tilespmem:$0x1B000] =	vst v63  }
0x6e: {  	_ =	swait.ge [sflag:s11], $0x3200  }
0x6f: {  	[sflag:s11] =	ssyncset.done $0x0  }
0x70: {  	[sflag:s11] =	ssyncadd.s32 $0xFFFFCE00  }
0x71: {  	[tilespmem:s28], [sflag:$0x2] =	stream.indirect.gather [hbm4b:s5+s24], $0x80, s14, s24, $0xb8;
	[tilespmem:$0x1B000] =	vst v63  }
0x72: {  	_ =	swait.ge [sflag:s31], $0x3200  }
0x73: {  	[sflag:s31] =	ssyncset.done $0x0  }
0x74: {  	[sflag:s31] =	ssyncadd.s32 $0xFFFFCE00  }
0x75: {  	[spmem:s1] =	stream.indirect.scatter.add.f32 [tilespmem:s25], [sflag:$0x3], $0x80, s18, s24, $0xb8;
	[tilespmem:$0x1B000] =	vst v63  }
0x76: {  	_ =	swait.ge [sflag:s0], $0x3200  }
0x77: {  	[sflag:s0] =	ssyncset.done $0x0  }
0x78: {  	[sflag:s0] =	ssyncadd.s32 $0xFFFFCE00  }
0x79: {  	[spmem:s1] =	stream.indirect.scatter.add.f32 [tilespmem:s28], [sflag:$0x4], $0x80, s8, s24, $0xb8;
	[tilespmem:$0x1B000] =	vst v63  }
0x7a: {  	_ =	swait.ge [sflag:s23], $0x200  }
0x7b: {  	[sflag:s23] =	ssyncset.done $0x0  }
0x7c: {  	[sflag:s23] =	ssyncadd.s32 $0xFFFFFE00  }
0x7d: {  	_ =	swait.ge [sflag:s23], $0x200  }
0x7e: {  	[sflag:s23] =	ssyncset.done $0x0  }
0x7f: {  	[sflag:s23] =	ssyncadd.s32 $0xFFFFFE00  }
0x80: {  	_ =	swait.ge [sflag:s6], $0x3200  }
0x81: {  	[sflag:s6] =	ssyncset.done $0x0  }
0x82: {  	[sflag:s6] =	ssyncadd.s32 $0xFFFFCE00  }
0x83: {  	[tilespmem:s25], [sflag:$0x1] =	stream.indirect.gather [hbm4b:s5+s24], $0x80, s29, s24, $0xb8;
	[tilespmem:$0x1B000] =	vst v63  }
0x84: {  	_ =	swait.ge [sflag:s11], $0x3200  }
0x85: {  	[sflag:s11] =	ssyncset.done $0x0  }
0x86: {  	s10 =	simm.s32 $0x480;
	s21 =	sadd.s32 s22, s17;
	[sflag:s11] =	ssyncadd.s32 $0xFFFFCE00  }
0x87: {  	[tilespmem:s28], [sflag:$0x2] =	stream.indirect.gather [hbm4b:s5+s24], $0x80, s10, s24, $0xb8;
	[tilespmem:$0x1B000] =	vst v63  }
0x88: {  	s26 =	sadd.s32 $0x600, s21  }
0x89: {  	[tilespmem:s2], [sflag:$0x5] =	stream.linear.gather [hbm4b:s26+s2], $0x200, $0x38;
	[tilespmem:$0x1B000] =	vst v63  }
0x8a: {  	s26 =	sadd.s32 s22, s16  }
0x8b: {  	s10 =	sadd.s32 $0x600, s26  }
0x8c: {  	[tilespmem:s19], [sflag:$0x5] =	stream.linear.gather [hbm4b:s10+s2], $0x200, $0x38;
	[tilespmem:$0x1B000] =	vst v63  }
0x8d: {  	_ =	swait.ge [sflag:s31], $0x3200  }
0x8e: {  	[sflag:s31] =	ssyncset.done $0x0  }
0x8f: {  	[sflag:s31] =	ssyncadd.s32 $0xFFFFCE00  }
0x90: {  	[spmem:s1] =	stream.indirect.scatter.add.f32 [tilespmem:s25], [sflag:$0x3], $0x80, s30, s24, $0xb8;
	[tilespmem:$0x1B000] =	vst v63  }
0x91: {  	_ =	swait.ge [sflag:s0], $0x3200  }
0x92: {  	[sflag:s0] =	ssyncset.done $0x0  }
0x93: {  	[sflag:s0] =	ssyncadd.s32 $0xFFFFCE00  }
0x94: {  	[spmem:s1] =	stream.indirect.scatter.add.f32 [tilespmem:s28], [sflag:$0x4], $0x80, s12, s24, $0xb8;
	[tilespmem:$0x1B000] =	vst v63  }
0x95: {  	_ =	swait.ge [sflag:s6], $0x3200  }
0x96: {  	[sflag:s6] =	ssyncset.done $0x0  }
0x97: {  	[sflag:s6] =	ssyncadd.s32 $0xFFFFCE00  }
0x98: {  	[tilespmem:s25], [sflag:$0x1] =	stream.indirect.gather [hbm4b:s5+s24], $0x80, s13, s24, $0xb8;
	[tilespmem:$0x1B000] =	vst v63  }
0x99: {  	_ =	swait.ge [sflag:s11], $0x3200  }
0x9a: {  	[sflag:s11] =	ssyncset.done $0x0  }
0x9b: {  	[sflag:s11] =	ssyncadd.s32 $0xFFFFCE00  }
0x9c: {  	[tilespmem:s28], [sflag:$0x2] =	stream.indirect.gather [hbm4b:s5+s24], $0x80, s15, s24, $0xb8;
	[tilespmem:$0x1B000] =	vst v63  }
0x9d: {  	_ =	swait.ge [sflag:s31], $0x3200  }
0x9e: {  	[sflag:s31] =	ssyncset.done $0x0  }
0x9f: {  	[sflag:s31] =	ssyncadd.s32 $0xFFFFCE00  }
0xa0: {  	[spmem:s1] =	stream.indirect.scatter.add.f32 [tilespmem:s25], [sflag:$0x3], $0x80, s20, s24, $0xb8;
	[tilespmem:$0x1B000] =	vst v63  }
0xa1: {  	_ =	swait.ge [sflag:s0], $0x3200  }
0xa2: {  	[sflag:s0] =	ssyncset.done $0x0  }
0xa3: {  	[sflag:s0] =	ssyncadd.s32 $0xFFFFCE00  }
0xa4: {  	[spmem:s1] =	stream.indirect.scatter.add.f32 [tilespmem:s28], [sflag:$0x4], $0x80, s9, s24, $0xb8;
	[tilespmem:$0x1B000] =	vst v63  }
0xa5: {  	_ =	swait.ge [sflag:s23], $0x200  }
0xa6: {  	[sflag:s23] =	ssyncset.done $0x0  }
0xa7: {  	[sflag:s23] =	ssyncadd.s32 $0xFFFFFE00  }
0xa8: {  	_ =	swait.ge [sflag:s23], $0x200  }
0xa9: {  	[sflag:s23] =	ssyncset.done $0x0  }
0xaa: {  	[sflag:s23] =	ssyncadd.s32 $0xFFFFFE00  }
0xab: {  	_ =	swait.ge [sflag:s6], $0x3200  }
0xac: {  	[sflag:s6] =	ssyncset.done $0x0  }
0xad: {  	p1 =	seq.s32 s22, $0x0;
	[sflag:s6] =	ssyncadd.s32 $0xFFFFCE00  }
0xae: {  	[tilespmem:s25], [sflag:$0x1] =	stream.indirect.gather [hbm4b:s5+s24], $0x80, s2, s24, $0xb8;
	[tilespmem:$0x1B000] =	vst v63  }
.Ltmp3:
0xaf: {  	_ = 	snop;
	(pc) =	sbr.rel @p1 .LBB2_8-.Ltmp3, $4  }
0xb0: {  	_ =	swait.ge [sflag:s11], $0x3200  }
0xb1: {  	[sflag:s11] =	ssyncset.done $0x0  }
0xb2: {  	s10 =	simm.s32 $0x80;
	[sflag:s11] =	ssyncadd.s32 $0xFFFFCE00  }
0xb3: {  	[tilespmem:s28], [sflag:$0x2] =	stream.indirect.gather [hbm4b:s5+s24], $0x80, s10, s24, $0xb8;
	[tilespmem:$0x1B000] =	vst v63  }
.Ltmp4:
0xb4: {  	(pc) =	sbr.rel .LBB2_7-.Ltmp4, $4  }
0xb5: {  	s10 =	sadd.s32 $0x640, s21  }
0xb6: {  	[tilespmem:s29], [sflag:$0x5] =	stream.linear.gather [hbm4b:s10+s2], $0x200, $0x38;
	[tilespmem:$0x1B000] =	vst v63  }
0xb7: {  	s26 =	sadd.s32 $0x640, s26;
	s22 =	sadd.s32 $0x80, s22  }
0xb8: {  	[tilespmem:s30], [sflag:$0x5] =	stream.linear.gather [hbm4b:s26+s2], $0x200, $0x38;
	[tilespmem:$0x1B000] =	vst v63  }
.LBB2_2:
0xb9: {  	s10 =	rddreg [dreg:$0xd]  }
0xba: {  	s21 =	sor.u32 $0x1C06, s10;
	s10 =	rddreg [dreg:$0x8]  }
0xbb: {  	[dreg:$0x11] =	wrdreg s21  }
0xbc: {  	[spmem:s22], [sflag:s21] =	dma.local [hbm:s10], $0x2800  }
0xbd: {  	_ =	swait.ge [sflag:s26], $0x2800  }
0xbe: {  	[sflag:s26] =	ssyncset.done $0x0  }
0xbf: {  	[sflag:s26] =	ssyncadd.s32 $0xFFFFD800  }
0xc0: {  	_ =	swait.ge [sflag:s23], $0x200  }
0xc1: {  	[sflag:s23] =	ssyncset.done $0x0  }
0xc2: {  	[sflag:s23] =	ssyncadd.s32 $0xFFFFFE00  }
0xc3: {  	_ =	swait.ge [sflag:s23], $0x200  }
0xc4: {  	[sflag:s23] =	ssyncset.done $0x0  }
0xc5: {  	[sflag:s23] =	ssyncadd.s32 $0xFFFFFE00  }
0xc6: {  	[tilespmem:s25], [sflag:$0x1] =	stream.indirect.gather [hbm4b:s3+s24], $0x80, s2, s24, $0xb8;
	[tilespmem:$0x1B000] =	vst v63  }
0xc7: {  	s21 =	simm.s32 $0x80  }
0xc8: {  	[tilespmem:s28], [sflag:$0x2] =	stream.indirect.gather [hbm4b:s3+s24], $0x80, s21, s24, $0xb8;
	[tilespmem:$0x1B000] =	vst v63  }
0xc9: {  	s22 =	rddreg [dreg:$0x9]  }
0xca: {  	[tilespmem:s29], [sflag:$0x5] =	stream.linear.gather [hbm4b:s22+s2], $0x200, $0x38;
	[tilespmem:$0x1B000] =	vst v63  }
0xcb: {  	s26 =	rddreg [dreg:$0xa]  }
0xcc: {  	[tilespmem:s30], [sflag:$0x5] =	stream.linear.gather [hbm4b:s26+s2], $0x200, $0x38;
	[tilespmem:$0x1B000] =	vst v63  }
0xcd: {  	s22 =	simm.s32 $0xFFFFFA80;
	[bflag:$0x0] =	sbarrier.arrive $0xFFFF  }
.LBB2_3:
0xce: {  	_ =	swait.ge [sflag:s31], $0x3200  }
0xcf: {  	[sflag:s31] =	ssyncset.done $0x0  }
0xd0: {  	[sflag:s31] =	ssyncadd.s32 $0xFFFFCE00  }
0xd1: {  	[spmem:s1] =	stream.indirect.scatter.add.f32 [tilespmem:s25], [sflag:$0x3], $0x80, s19, s24, $0xb8;
	[tilespmem:$0x1B000] =	vst v63  }
0xd2: {  	_ =	swait.ge [sflag:s0], $0x3200  }
0xd3: {  	[sflag:s0] =	ssyncset.done $0x0  }
0xd4: {  	[sflag:s0] =	ssyncadd.s32 $0xFFFFCE00  }
0xd5: {  	[spmem:s1] =	stream.indirect.scatter.add.f32 [tilespmem:s28], [sflag:$0x4], $0x80, s4, s24, $0xb8;
	[tilespmem:$0x1B000] =	vst v63  }
0xd6: {  	_ =	swait.ge [sflag:s6], $0x3200  }
0xd7: {  	[sflag:s6] =	ssyncset.done $0x0  }
0xd8: {  	[sflag:s6] =	ssyncadd.s32 $0xFFFFCE00  }
0xd9: {  	[tilespmem:s25], [sflag:$0x1] =	stream.indirect.gather [hbm4b:s3+s24], $0x80, s7, s24, $0xb8;
	[tilespmem:$0x1B000] =	vst v63  }
0xda: {  	_ =	swait.ge [sflag:s11], $0x3200  }
0xdb: {  	[sflag:s11] =	ssyncset.done $0x0  }
0xdc: {  	[sflag:s11] =	ssyncadd.s32 $0xFFFFCE00  }
0xdd: {  	[tilespmem:s28], [sflag:$0x2] =	stream.indirect.gather [hbm4b:s3+s24], $0x80, s14, s24, $0xb8;
	[tilespmem:$0x1B000] =	vst v63  }
0xde: {  	_ =	swait.ge [sflag:s31], $0x3200  }
0xdf: {  	[sflag:s31] =	ssyncset.done $0x0  }
0xe0: {  	[sflag:s31] =	ssyncadd.s32 $0xFFFFCE00  }
0xe1: {  	[spmem:s1] =	stream.indirect.scatter.add.f32 [tilespmem:s25], [sflag:$0x3], $0x80, s18, s24, $0xb8;
	[tilespmem:$0x1B000] =	vst v63  }
0xe2: {  	_ =	swait.ge [sflag:s0], $0x3200  }
0xe3: {  	[sflag:s0] =	ssyncset.done $0x0  }
0xe4: {  	[sflag:s0] =	ssyncadd.s32 $0xFFFFCE00  }
0xe5: {  	[spmem:s1] =	stream.indirect.scatter.add.f32 [tilespmem:s28], [sflag:$0x4], $0x80, s8, s24, $0xb8;
	[tilespmem:$0x1B000] =	vst v63  }
0xe6: {  	_ =	swait.ge [sflag:s23], $0x200  }
0xe7: {  	[sflag:s23] =	ssyncset.done $0x0  }
0xe8: {  	[sflag:s23] =	ssyncadd.s32 $0xFFFFFE00  }
0xe9: {  	_ =	swait.ge [sflag:s23], $0x200  }
0xea: {  	[sflag:s23] =	ssyncset.done $0x0  }
0xeb: {  	[sflag:s23] =	ssyncadd.s32 $0xFFFFFE00  }
0xec: {  	_ =	swait.ge [sflag:s6], $0x3200  }
0xed: {  	[sflag:s6] =	ssyncset.done $0x0  }
0xee: {  	[sflag:s6] =	ssyncadd.s32 $0xFFFFCE00  }
0xef: {  	[tilespmem:s25], [sflag:$0x1] =	stream.indirect.gather [hbm4b:s3+s24], $0x80, s29, s24, $0xb8;
	[tilespmem:$0x1B000] =	vst v63  }
0xf0: {  	_ =	swait.ge [sflag:s11], $0x3200  }
0xf1: {  	[sflag:s11] =	ssyncset.done $0x0  }
0xf2: {  	s10 =	simm.s32 $0x480;
	s21 =	sadd.s32 s22, s17;
	[sflag:s11] =	ssyncadd.s32 $0xFFFFCE00  }
0xf3: {  	[tilespmem:s28], [sflag:$0x2] =	stream.indirect.gather [hbm4b:s3+s24], $0x80, s10, s24, $0xb8;
	[tilespmem:$0x1B000] =	vst v63  }
0xf4: {  	s26 =	sadd.s32 $0x600, s21  }
0xf5: {  	[tilespmem:s2], [sflag:$0x5] =	stream.linear.gather [hbm4b:s26+s2], $0x200, $0x38;
	[tilespmem:$0x1B000] =	vst v63  }
0xf6: {  	s26 =	sadd.s32 s22, s16  }
0xf7: {  	s10 =	sadd.s32 $0x600, s26  }
0xf8: {  	[tilespmem:s19], [sflag:$0x5] =	stream.linear.gather [hbm4b:s10+s2], $0x200, $0x38;
	[tilespmem:$0x1B000] =	vst v63  }
0xf9: {  	_ =	swait.ge [sflag:s31], $0x3200  }
0xfa: {  	[sflag:s31] =	ssyncset.done $0x0  }
0xfb: {  	[sflag:s31] =	ssyncadd.s32 $0xFFFFCE00  }
0xfc: {  	[spmem:s1] =	stream.indirect.scatter.add.f32 [tilespmem:s25], [sflag:$0x3], $0x80, s30, s24, $0xb8;
	[tilespmem:$0x1B000] =	vst v63  }
0xfd: {  	_ =	swait.ge [sflag:s0], $0x3200  }
0xfe: {  	[sflag:s0] =	ssyncset.done $0x0  }
0xff: {  	[sflag:s0] =	ssyncadd.s32 $0xFFFFCE00  }
0x100: {  	[spmem:s1] =	stream.indirect.scatter.add.f32 [tilespmem:s28], [sflag:$0x4], $0x80, s12, s24, $0xb8;
	[tilespmem:$0x1B000] =	vst v63  }
0x101: {  	_ =	swait.ge [sflag:s6], $0x3200  }
0x102: {  	[sflag:s6] =	ssyncset.done $0x0  }
0x103: {  	[sflag:s6] =	ssyncadd.s32 $0xFFFFCE00  }
0x104: {  	[tilespmem:s25], [sflag:$0x1] =	stream.indirect.gather [hbm4b:s3+s24], $0x80, s13, s24, $0xb8;
	[tilespmem:$0x1B000] =	vst v63  }
0x105: {  	_ =	swait.ge [sflag:s11], $0x3200  }
0x106: {  	[sflag:s11] =	ssyncset.done $0x0  }
0x107: {  	[sflag:s11] =	ssyncadd.s32 $0xFFFFCE00  }
0x108: {  	[tilespmem:s28], [sflag:$0x2] =	stream.indirect.gather [hbm4b:s3+s24], $0x80, s15, s24, $0xb8;
	[tilespmem:$0x1B000] =	vst v63  }
0x109: {  	_ =	swait.ge [sflag:s31], $0x3200  }
0x10a: {  	[sflag:s31] =	ssyncset.done $0x0  }
0x10b: {  	[sflag:s31] =	ssyncadd.s32 $0xFFFFCE00  }
0x10c: {  	[spmem:s1] =	stream.indirect.scatter.add.f32 [tilespmem:s25], [sflag:$0x3], $0x80, s20, s24, $0xb8;
	[tilespmem:$0x1B000] =	vst v63  }
0x10d: {  	_ =	swait.ge [sflag:s0], $0x3200  }
0x10e: {  	[sflag:s0] =	ssyncset.done $0x0  }
0x10f: {  	[sflag:s0] =	ssyncadd.s32 $0xFFFFCE00  }
0x110: {  	[spmem:s1] =	stream.indirect.scatter.add.f32 [tilespmem:s28], [sflag:$0x4], $0x80, s9, s24, $0xb8;
	[tilespmem:$0x1B000] =	vst v63  }
0x111: {  	_ =	swait.ge [sflag:s23], $0x200  }
0x112: {  	[sflag:s23] =	ssyncset.done $0x0  }
0x113: {  	[sflag:s23] =	ssyncadd.s32 $0xFFFFFE00  }
0x114: {  	_ =	swait.ge [sflag:s23], $0x200  }
0x115: {  	[sflag:s23] =	ssyncset.done $0x0  }
0x116: {  	[sflag:s23] =	ssyncadd.s32 $0xFFFFFE00  }
0x117: {  	_ =	swait.ge [sflag:s6], $0x3200  }
0x118: {  	[sflag:s6] =	ssyncset.done $0x0  }
0x119: {  	p1 =	seq.s32 s22, $0x0;
	[sflag:s6] =	ssyncadd.s32 $0xFFFFCE00  }
0x11a: {  	[tilespmem:s25], [sflag:$0x1] =	stream.indirect.gather [hbm4b:s3+s24], $0x80, s2, s24, $0xb8;
	[tilespmem:$0x1B000] =	vst v63  }
.Ltmp5:
0x11b: {  	_ = 	snop;
	(pc) =	sbr.rel @p1 .LBB2_4-.Ltmp5, $4  }
0x11c: {  	_ =	swait.ge [sflag:s11], $0x3200  }
0x11d: {  	[sflag:s11] =	ssyncset.done $0x0  }
0x11e: {  	s10 =	simm.s32 $0x80;
	[sflag:s11] =	ssyncadd.s32 $0xFFFFCE00  }
0x11f: {  	[tilespmem:s28], [sflag:$0x2] =	stream.indirect.gather [hbm4b:s3+s24], $0x80, s10, s24, $0xb8;
	[tilespmem:$0x1B000] =	vst v63  }
.Ltmp6:
0x120: {  	(pc) =	sbr.rel .LBB2_3-.Ltmp6, $4  }
0x121: {  	s10 =	sadd.s32 $0x640, s21  }
0x122: {  	[tilespmem:s29], [sflag:$0x5] =	stream.linear.gather [hbm4b:s10+s2], $0x200, $0x38;
	[tilespmem:$0x1B000] =	vst v63  }
0x123: {  	s26 =	sadd.s32 $0x640, s26;
	s22 =	sadd.s32 $0x80, s22  }
0x124: {  	[tilespmem:s30], [sflag:$0x5] =	stream.linear.gather [hbm4b:s26+s2], $0x200, $0x38;
	[tilespmem:$0x1B000] =	vst v63  }
.LBB2_4:
.Ltmp7:
0x125: {  	(pc) =	sbr.rel .LBB2_9-.Ltmp7, $3  }
0x126: {  	_ =	sdelay $0x1  }
0x127: {  	s26 =	rddreg [dreg:$0x3]  }
0x128: {  	s22 =	smov.u32 s3;
	s21 =	rddreg [dreg:$0x10]  }
.LBB2_10:
0x129: {  	_ =	sfence.sel $0x180000  }
0x12a: {  	[bflag:$0x0] =	sbarrier.arrive $0xFFFF  }
0x12b: {  	_ =	strace $0x9000004D  }
0x12c: {  	s0 =	stileid.u32;
	[bflag:$0x2] =	sbarrier.arrive $0xFFFF  }
0x12d: {  	p0 =	sne.s32 s0, $0x0;
	s0 =	rddreg [dreg:$0x2]  }
0x12e: {  	s0 =	sadd.s32 @!p0 $0x100000, s0  }
0x12f: {  	[sflag:s0] =	ssyncadd.tile.s32 @!p0 $0x1;
	_ =	shalt  }
.Lfunc_end2:
_tile_overlayer_lowered:
.L_overlay_start_2:
0x130: {  	(tag) =	ssettag $0x2  }
0x131: {  	s0 =	rddreg [dreg:$0x0];
	s2 =	stileid.u32  }
0x132: {  	s1 =	rddreg [dreg:$0x1];
	p0 =	sne.s32 s2, $0x0  }
0x133: {  	s3 =	rddreg [dreg:$0x2];
	[bflag:$0x3] =	sbarrier.arrive $0xFFFF;
	s2 =	simm.s32 @!p0 $0x1C06  }
0x134: {  	[timem:s3], [sflag:s2] =	dma.local @!p0 [hbm:s0], s1  }
0x135: {  	s0 =	simm.s32 @!p0 $0x6  }
0x136: {  	_ =	swait.ge @!p0 [sflag:s0], s1  }
0x137: {  	s1 =	ssub.s32 @!p0 $0x0, s1;
	[sflag:s0] =	ssyncset.done @!p0 $0x0  }
0x138: {  	[sflag:s0] =	ssyncadd.s32 @!p0 s1  }
0x139: {  	[bflag:$0x3] =	sbarrier.arrive $0xFFFF  }
0x13a: {  	_ =	shalt  }

// kernel: kernel.8.cloned.1.call-start
scs
__scs_entry_jumppad:
0x0: {  	(pc) =	sbr.rel $0x88, $3  }
0x1: {  	(tag) =	ssettag $0x0;
	lr =	simm.s32 $0x1  }
0x2: {  	[smem:$0x3F98] =	sst lr;
	_ =	strace $0xD0000000  }
0x3: {  	_ = 	snop  }
0x4: {  	_ = 	snop  }
0x5: {  	_ = 	snop  }
0x6: {  	_ = 	snop  }
0x7: {  	_ = 	snop  }
__scs_overlays_trampoline_lowered:
0x8: {  	[smem:$0x3FA7] =	sst s0  }
0x9: {  	[smem:$0x3FA8] =	sst s1  }
0xa: {  	[smem:$0x3FA9] =	sst s2  }
0xb: {  	[smem:$0x3FAA] =	sst s3  }
0xc: {  	[smem:$0x3FAB] =	sst s4  }
0xd: {  	[smem:$0x3FAC] =	sst s5  }
0xe: {  	[smem:$0x3FAD] =	sst s6  }
0xf: {  	[smem:$0x3FAE] =	sst s7  }
0x10: {  	[smem:$0x3FAF] =	sst s8  }
0x11: {  	[smem:$0x3FB0] =	sst s9;
	s0 =	simm.s32 @!p0 $0x0  }
0x12: {  	s1 =	sld [smem:$0x3F96];
	s0 =	simm.s32 @p0 $0x1  }
0x13: {  	[smem:$0x3FB1] =	sst s0;
	s0 =	simm.s32 @!p1 $0x0  }
0x14: {  	s2 =	sld [smem:$0x3F95];
	s0 =	simm.s32 @p1 $0x1  }
0x15: {  	[smem:$0x3FB2] =	sst s0;
	s0 =	simm.s32 @!p2 $0x0  }
0x16: {  	s3 =	sld [smem:$0x3FDB];
	s0 =	simm.s32 @p2 $0x1  }
0x17: {  	s4 =	simm.s32 $0x1BF5;
	[smem:$0x3FB4] =	sst s0  }
0x18: {  	s0 =	sld [smem:$0x3F97];
	_ =	swait.ge [sflag:s4], $0x0  }
0x19: {  	s7 =	sld [smem:$0x3F98]  }
0x1a: {  	s8 =	sadd.s32 $0xFFFFE003, lr  }
0x1b: {  	s9 =	sadd.s32 $0xFFFFFEF7, lr;
	s5 =	simm.s32 $0xFFFFFFFF;
	p2 =	slt.u32 s8, $0xFFFFF086  }
0x1c: {  	p1 =	slt.u32 s9, $0xF7A;
	s5 =	simm.s32 @!p2 $0x0  }
0x1d: {  	s5 =	simm.s32 @p1 $0x1;
	p0 =	seq.s32 s7, s2  }
0x1e: {  	s7 =	smul.u32 @!p0 $0xF7A, s2;
	p2 =	seq.s32 @!p0 s5, $0x0  }
0x1f: {  	s9 =	smul.u32 $0xF7A, s1;
	s8 =	simm.s32 @!p0 $0x1BF5;
	p2 =	por !p2, p0  }
0x20: {  	[sflag:s8] =	ssyncset.s32 @!p0 $0xFFFFF086;
	s6 =	sadd.s32 @!p0 s3, s7;
	s7 =	simm.s32 @!p0 $0x108  }
0x21: {  	s3 =	sadd.s32 s3, s9;
	s6 =	sadd.s32 @!p0 $0x88, s6;
	s7 =	simm.s32 @p2 $0x1082  }
0x22: {  	[simem:s7], [sflag:s8] =	dma.local @!p0 [hbm:s6], $0xF7A  }
0x23: {  	s9 =	sor.u32 $0xD0000000, s2;
	s6 =	simm.s32 $0x108;
	_ =	swait.ge @!p0 [sflag:s8], $0x0  }
0x24: {  	s3 =	sadd.s32 $0x88, s3;
	s6 =	simm.s32 @!p1 $0x1082;
	[sflag:s4] =	ssyncset.s32 $0xFFFFF086  }
0x25: {  	[simem:s6], [sflag:s4] =	dma.local [hbm:s3], $0xF7A  }
0x26: {  	[smem:$0x3F98] =	sst s1;
	(tag) =	ssettag s2;
	_ =	strace s9  }
0x27: {  	s1 =	sld [smem:$0x3FA8]  }
0x28: {  	s2 =	sld [smem:$0x3FA9]  }
0x29: {  	s4 =	sld [smem:$0x3FAB]  }
0x2a: {  	p0 =	seq.s32 s5, $0x0;
	s5 =	sld [smem:$0x3FAC]  }
0x2b: {  	s6 =	sld [smem:$0x3FAD]  }
0x2c: {  	s7 =	sld [smem:$0x3FAE]  }
0x2d: {  	s3 =	simm.s32 $0x108;
	s8 =	sld [smem:$0x3FAF]  }
0x2e: {  	s3 =	simm.s32 @!p0 $0x1082;
	s9 =	sld [smem:$0x3FB0]  }
0x2f: {  	lr =	sadd.s32 s0, s3;
	s0 =	sld [smem:$0x3FA7]  }
0x30: {  	s3 =	sld [smem:$0x3FAA]  }
0x31: {  	[smem:$0x3FB3] =	sst s10  }
0x32: {  	s10 =	sld [smem:$0x3FB1];
	_ =	sdelay $0x3  }
0x33: {  	p0 =	seq.s32 s10, $0x1;
	s10 =	sld [smem:$0x3FB3];
	_ =	sdelay $0x3  }
0x34: {  	[smem:$0x3FB3] =	sst s10  }
0x35: {  	s10 =	sld [smem:$0x3FB2];
	_ =	sdelay $0x3  }
0x36: {  	p1 =	seq.s32 s10, $0x1;
	s10 =	sld [smem:$0x3FB3];
	_ =	sdelay $0x3  }
0x37: {  	[smem:$0x3FB3] =	sst s10  }
0x38: {  	s10 =	sld [smem:$0x3FB4]  }
0x39: {  	_ = 	snop;
	(pc) =	sbr.ind lr, $3  }
0x3a: {  	_ = 	snop  }
0x3b: {  	_ = 	snop  }
0x3c: {  	p2 =	seq.s32 s10, $0x1;
	s10 =	sld [smem:$0x3FB3]  }
0x3d: {  	_ =	shalt  }
0x3e: {  	_ =	shalt  }
0x3f: {  	_ =	shalt  }
0x40: {  	_ =	shalt  }
0x41: {  	_ =	shalt  }
0x42: {  	_ =	shalt  }
0x43: {  	_ =	shalt  }
0x44: {  	_ =	shalt  }
0x45: {  	_ =	shalt  }
0x46: {  	_ =	shalt  }
0x47: {  	_ =	shalt  }
0x48: {  	_ =	shalt  }
0x49: {  	_ =	shalt  }
0x4a: {  	_ =	shalt  }
0x4b: {  	_ =	shalt  }
0x4c: {  	_ =	shalt  }
0x4d: {  	_ =	shalt  }
0x4e: {  	_ =	shalt  }
0x4f: {  	_ =	shalt  }
0x50: {  	_ =	shalt  }
0x51: {  	_ =	shalt  }
0x52: {  	_ =	shalt  }
0x53: {  	_ =	shalt  }
0x54: {  	_ =	shalt  }
0x55: {  	_ =	shalt  }
0x56: {  	_ =	shalt  }
0x57: {  	_ =	shalt  }
0x58: {  	_ =	shalt  }
0x59: {  	_ =	shalt  }
0x5a: {  	_ =	shalt  }
0x5b: {  	_ =	shalt  }
0x5c: {  	_ =	shalt  }
0x5d: {  	_ =	shalt  }
0x5e: {  	_ =	shalt  }
0x5f: {  	_ =	shalt  }
0x60: {  	_ =	shalt  }
0x61: {  	_ =	shalt  }
0x62: {  	_ =	shalt  }
0x63: {  	_ =	shalt  }
0x64: {  	_ =	shalt  }
0x65: {  	_ =	shalt  }
0x66: {  	_ =	shalt  }
0x67: {  	_ =	shalt  }
0x68: {  	_ =	shalt  }
0x69: {  	_ =	shalt  }
0x6a: {  	_ =	shalt  }
0x6b: {  	_ =	shalt  }
0x6c: {  	_ =	shalt  }
0x6d: {  	_ =	shalt  }
0x6e: {  	_ =	shalt  }
0x6f: {  	_ =	shalt  }
0x70: {  	_ =	shalt  }
0x71: {  	_ =	shalt  }
0x72: {  	_ =	shalt  }
0x73: {  	_ =	shalt  }
0x74: {  	_ =	shalt  }
0x75: {  	_ =	shalt  }
0x76: {  	_ =	shalt  }
0x77: {  	_ =	shalt  }
0x78: {  	_ =	shalt  }
0x79: {  	_ =	shalt  }
0x7a: {  	_ =	shalt  }
0x7b: {  	_ =	shalt  }
0x7c: {  	_ =	shalt  }
0x7d: {  	_ =	shalt  }
0x7e: {  	_ =	shalt  }
0x7f: {  	_ =	shalt  }
0x80: {  	_ =	shalt  }
0x81: {  	_ =	shalt  }
0x82: {  	_ =	shalt  }
0x83: {  	_ =	shalt  }
0x84: {  	_ =	shalt  }
0x85: {  	_ =	shalt  }
0x86: {  	_ =	shalt  }
0x87: {  	_ =	shalt  }
.Lfunc_end0:
.L_simem_size_0:
called_computation_lowered:
.L_overlay_start_0:
0x88: {  	s2 =	sld [smem:$0x3FD9]  }
0x89: {  	s3 =	sld [smem:$0x3FFE];
	_ =	sdelay $0x1  }
0x8a: {  	s1 =	srdreg.scid  }
0x8b: {  	s0 =	sand.u32 $0x1, s1  }
0x8c: {  	s16 =	sshll.u32 s0, $0xA;
	s2 =	sadd.s32 s3, s2  }
0x8d: {  	s2 =	sadd.s32 s2, s16  }
0x8e: {  	[smem:$0x3FBF] =	sst s2  }
0x8f: {  	_ = 	snop  }
0x90: {  	(tm) =	ssettm $0x1  }
0x91: {  	s17 =	sld [smem:$0x3FFB];
	_ =	sdelay $0x3  }
0x92: {  	_ =	strace s17  }
0x93: {  	s2 =	sld [smem:$0x3FFC];
	_ =	sdelay $0x3  }
0x94: {  	_ =	strace s2  }
0x95: {  	s2 =	sld [smem:$0x3FFD];
	_ =	sdelay $0x3  }
0x96: {  	_ =	strace s2  }
0x97: {  	_ =	strace $0x8FFFFFFF  }
0x98: {  	s18 =	sld [smem:$0x3FDB];
	_ =	sdelay $0x1  }
0x99: {  	s19 =	simm.s32 $_scs_section_size  }
0x9a: {  	s4 =	simm.s32 $_size__tile_overlayer_lowered;
	s5 =	simm.s32 $_tile_overlayer_lowered  }
0x9b: {  	s22 =	simm.s32 $0x1BFF;
	s21 =	sshll.u32 s5, $0x1;
	s2 =	sadd.s32 s19, s18  }
0x9c: {  	s6 =	simm.s32 $0x0;
	s20 =	sshll.u32 s4, $0x1;
	s4 =	sadd.s32 s21, s2  }
0x9d: {  	[timem:s6], [sflag:s22] =	dma.local [hbm:s4], s20  }
0x9e: {  	_ =	swait.ge [sflag:s22], s20  }
0x9f: {  	s3 =	ssub.s32 $0x0, s20;
	[sflag:s22] =	ssyncset.done $0x0  }
0xa0: {  	[sflag:s22] =	ssyncadd.s32 s3;
	_ =	sdelay $0x1  }
0xa1: {  	s23 =	simm.s32 $0x1B8B  }
0xa2: {  	_ =	swait.ge [sflag:s23], $0x1  }
0xa3: {  	[sflag:s23] =	ssyncset.done $0x0  }
0xa4: {  	s25 =	simm.s32 $0x1B8E;
	s24 =	sld [smem:$0x3FFE];
	[sflag:s23] =	ssyncadd.s32 $0xFFFFFFFF  }
0xa5: {  	s26 =	simm.s32 $execute0_lowered;
	[smem:$0x3FD2] =	sst s25  }
0xa6: {  	s4 =	sshll.u32 s26, $0x1;
	_ =	strace $0x80000046;
	[dreg:$0x1] =	wrdreg $0xFFFFFFFF  }
0xa7: {  	s28 =	simm.s32 $_size_execute0_lowered;
	s2 =	sadd.s32 s2, s4;
	[dreg:$0x0] =	wrdreg $0x0  }
0xa8: {  	s4 =	sshll.u32 s28, $0x1;
	[dreg:$0x2] =	wrdreg s2  }
0xa9: {  	[dreg:$0x3] =	wrdreg s4  }
0xaa: {  	[dreg:$0x4] =	wrdreg $0xC0  }
0xab: {  	_ =	task [dreg:s6], $0x5FFFF  }
0xac: {  	[dreg:$0x1] =	wrdreg $0xFFFFFFFF  }
0xad: {  	[dreg:$0x0] =	wrdreg $0x60  }
0xae: {  	[dreg:$0x2] =	wrdreg s24  }
0xaf: {  	[dreg:$0x3] =	wrdreg $0x70000  }
0xb0: {  	[dreg:$0x4] =	wrdreg $0x9  }
0xb1: {  	_ =	task.clear_ibuf [dreg:s6], $0x5FFFF;
	_ =	strace $0x90000046  }
0xb2: {  	s29 =	simm.s32 $0x9;
	_ =	strace $0x80000048  }
0xb3: {  	_ =	swait.ge [sflag:s29], $0x1  }
0xb4: {  	[sflag:s29] =	ssyncadd.s32 $0xFFFFFFFF  }
0xb5: {  	_ =	strace $0x90000048  }
0xb6: {  	_ =	sfence  }
0xb7: {  	s30 =	sld [smem:$0x0];
	_ =	sdelay $0x2  }
0xb8: {  	s31 =	sshll.u32 s1, $0xD;
	s1 =	sshrl.u32 s1, $0x2  }
0xb9: {  	s3 =	sand.u32 $0x4000, s31;
	s1 =	sadd.s32 s1, s30  }
0xba: {  	s0 =	sor.u32 s3, s0;
	s1 =	sshll.u32 s1, $0x11  }
0xbb: {  	s0 =	sor.u32 s1, s0  }
0xbc: {  	s0 =	sadd.s32 $0x8F2B, s0  }
0xbd: {  	[sflag:s0] =	ssyncadd.remote.s32 $0x1  }
0xbe: {  	_ =	sfence.sel $0xFFFF  }
0xbf: {  	[dreg:$0x0] =	wrdreg $0xFFFFFFFF;
	(pc) =	sbr.abs _section_cstart, $3  }
0xc0: {  	[dreg:$0x1] =	wrdreg $0xFFFFFFFF  }
0xc1: {  	_ =	task.clear_ibuf [dreg:s6], $0x2FFFF;
	_ =	strace $0x9FFFFFFF  }
0xc2: {  	(tm) =	ssettm $0x7FFFFFFF  }
0xc3: {  	_ =	shalt  }
tec
execute0_lowered:
.L_overlay_start_1:
0x0: {  	(tag) =	ssettag $0x1  }
0x1: {  	s0 =	rddreg [dreg:$0x0]  }
0x2: {  	s1 =	rddreg [dreg:$0x1];
	s2 =	simm.s32 $0x0  }
0x3: {  	s6 =	srdreg.scid;
	s11 =	stileid.u32;
	s28 =	simm.s32 $0x3C00  }
0x4: {  	s29 =	simm.s32 $0x400;
	s30 =	simm.s32 $0x600;
	s31 =	simm.s32 $0x1  }
0x5: {  	s14 =	simm.s32 $0x180;
	s12 =	simm.s32 $0x680;
	s13 =	simm.s32 $0x500  }
0x6: {  	s15 =	simm.s32 $0x580;
	[smem:$0x7FF] =	sst s2;
	s3 =	sadd.s32 $0x37E00, s0  }
0x7: {  	s5 =	sadd.s32 $0xFE00, s0;
	s4 =	sadd.s32 $0x3600, s0;
	s9 =	smul.u32 $0x3200, s11  }
0x8: {  	s7 =	sadd.s32 $0x9A00, s0;
	s6 =	sand.u32 $0x1, s6;
	s10 =	smul.u32 $0x50000, s11  }
0x9: {  	s8 =	sadd.s32 $0x5FE00, s0;
	s0 =	sadd.s32 $0x87E00, s0;
	s21 =	smul.u32 $0x2800, s11  }
0xa: {  	s24 =	smul.u32 $0x640, s11;
	_ =	strace $0x80000047;
	[dreg:$0x3] =	wrdreg s8  }
0xb: {  	s26 =	sshll.u32 s11, $0x6;
	s11 =	simm.s32 $0x4;
	[dreg:$0x4] =	wrdreg s0  }
0xc: {  	s16 =	ssub.s32 $0x2, s6;
	p0 =	seq.s32 s6, $0x1;
	[dreg:$0xd] =	wrdreg s26  }
0xd: {  	s17 =	sshrl.u32 s16, $0x1;
	s18 =	sshrl.u32 s9, $0x3;
	s20 =	sshrl.u32 s10, $0x2  }
0xe: {  	s22 =	sadd.s32 s3, s21;
	[dreg:$0x6] =	wrdreg s21;
	s25 =	sadd.s32 s5, s21  }
0xf: {  	s21 =	simm.s32 $0x0;
	s0 =	ssub.s32 s16, s17;
	s19 =	sadd.s32 s4, s18  }
0x10: {  	s9 =	sadd.s32 s7, s18;
	s8 =	sadd.s32 s20, s1;
	[dreg:$0x8] =	wrdreg s22  }
0x11: {  	s6 =	sadd.s32 $0x40, s18;
	[dreg:$0xb] =	wrdreg s25;
	s16 =	sadd.s32 s24, s7  }
0x12: {  	s17 =	sadd.s32 s24, s4;
	s24 =	simm.s32 $0x64;
	s25 =	simm.s32 $0x800  }
0x13: {  	s18 =	simm.s32 $0x300;
	s20 =	simm.s32 $0x700;
	[dreg:$0x5] =	wrdreg s19  }
0x14: {  	[dreg:$0x7] =	wrdreg s9;
	s23 =	sadd.s32 s4, s6;
	s6 =	sadd.s32 s7, s6  }
0x15: {  	s0 =	smax.u32 s0, $0x1;
	s19 =	simm.s32 $0x200;
	s22 =	sshrl.u32 s8, $0x3  }
.Ltmp0:
0x16: {  	s4 =	simm.s32 $0x280;
	[dreg:$0x9] =	wrdreg s23;
	(pc) =	sbr.rel .LBB2_1-.Ltmp0, $4  }
0x17: {  	s7 =	simm.s32 $0x100;
	s8 =	simm.s32 $0x380;
	[dreg:$0xa] =	wrdreg s6  }
0x18: {  	s9 =	simm.s32 $0x780;
	[dreg:$0xc] =	wrdreg s0;
	s0 =	sor.u32 $0x1C06, s26  }
0x19: {  	s26 =	simm.s32 $0x6;
	s23 =	simm.s32 $0x5;
	[dreg:$0xf] =	wrdreg s22  }
0x1a: {  	s6 =	simm.s32 $0x3;
	[dreg:$0xe] =	wrdreg s0;
	s0 =	simm.s32 $0x2  }
.LBB2_8:
0x1b: {  	s26 =	rddreg [dreg:$0x4]  }
0x1c: {  	s10 =	rddreg [dreg:$0xe]  }
0x1d: {  	s21 =	rddreg [dreg:$0x10]  }
0x1e: {  	s22 =	smov.u32 s5;
	[dreg:$0x11] =	wrdreg s10  }
.LBB2_9:
0x1f: {  	_ =	swait.ge [sflag:s31], $0x3200  }
0x20: {  	[sflag:s31] =	ssyncset.done $0x0  }
0x21: {  	[sflag:s31] =	ssyncadd.s32 $0xFFFFCE00  }
0x22: {  	[spmem:s1] =	stream.indirect.scatter.add.f32 [tilespmem:s25], [sflag:$0x3], $0x80, s19, s24, $0xb8;
	[tilespmem:$0x1B000] =	vst v63  }
0x23: {  	_ =	swait.ge [sflag:s0], $0x3200  }
0x24: {  	[sflag:s0] =	ssyncset.done $0x0  }
0x25: {  	[sflag:s0] =	ssyncadd.s32 $0xFFFFCE00  }
0x26: {  	[spmem:s1] =	stream.indirect.scatter.add.f32 [tilespmem:s28], [sflag:$0x4], $0x80, s4, s24, $0xb8;
	[tilespmem:$0x1B000] =	vst v63  }
0x27: {  	_ =	swait.ge [sflag:s6], $0x3200  }
0x28: {  	[sflag:s6] =	ssyncset.done $0x0  }
0x29: {  	[sflag:s6] =	ssyncadd.s32 $0xFFFFCE00  }
0x2a: {  	[tilespmem:s25], [sflag:$0x1] =	stream.indirect.gather [hbm4b:s22+s24], $0x80, s7, s24, $0xb8;
	[tilespmem:$0x1B000] =	vst v63  }
0x2b: {  	_ =	swait.ge [sflag:s11], $0x3200  }
0x2c: {  	[sflag:s11] =	ssyncset.done $0x0  }
0x2d: {  	[sflag:s11] =	ssyncadd.s32 $0xFFFFCE00  }
0x2e: {  	[tilespmem:s28], [sflag:$0x2] =	stream.indirect.gather [hbm4b:s22+s24], $0x80, s14, s24, $0xb8;
	[tilespmem:$0x1B000] =	vst v63  }
0x2f: {  	_ =	swait.ge [sflag:s31], $0x3200  }
0x30: {  	[sflag:s31] =	ssyncset.done $0x0  }
0x31: {  	[sflag:s31] =	ssyncadd.s32 $0xFFFFCE00  }
0x32: {  	[spmem:s1] =	stream.indirect.scatter.add.f32 [tilespmem:s25], [sflag:$0x3], $0x80, s18, s24, $0xb8;
	[tilespmem:$0x1B000] =	vst v63  }
0x33: {  	_ =	swait.ge [sflag:s0], $0x3200  }
0x34: {  	[sflag:s0] =	ssyncset.done $0x0  }
0x35: {  	[sflag:s0] =	ssyncadd.s32 $0xFFFFCE00  }
0x36: {  	[spmem:s1] =	stream.indirect.scatter.add.f32 [tilespmem:s28], [sflag:$0x4], $0x80, s8, s24, $0xb8;
	[tilespmem:$0x1B000] =	vst v63  }
0x37: {  	_ =	swait.ge [sflag:s6], $0x3200  }
0x38: {  	[sflag:s6] =	ssyncset.done $0x0  }
0x39: {  	[sflag:s6] =	ssyncadd.s32 $0xFFFFCE00  }
0x3a: {  	_ =	swait.ge [sflag:s11], $0x3200  }
0x3b: {  	[sflag:s11] =	ssyncset.done $0x0  }
0x3c: {  	[sflag:s11] =	ssyncadd.s32 $0xFFFFCE00  }
0x3d: {  	s10 =	rddreg [dreg:$0x6];
	[bflag:$0x0] =	sbarrier.arrive $0xFFFF  }
0x3e: {  	s22 =	rddreg [dreg:$0xf]  }
0x3f: {  	s10 =	sadd.s32 s26, s10;
	s26 =	rddreg [dreg:$0x11]  }
0x40: {  	[hbm:s10], [sflag:s26] =	dma.local [spmem:s22], $0x2800  }
0x41: {  	s26 =	simm.s32 $0x6  }
0x42: {  	_ =	swait.ge [sflag:s26], $0x2800  }
0x43: {  	s21 =	sadd.s32 $0x1, s21;
	s10 =	rddreg [dreg:$0xc]  }
0x44: {  	p1 =	sne.s32 s21, s10  }
.Ltmp1:
0x45: {  	_ = 	snop;
	(pc) =	sbr.rel @!p1 .LBB2_10-.Ltmp1, $3  }
0x46: {  	_ =	sdelay $0x1  }
0x47: {  	[sflag:s26] =	ssyncset.done $0x0  }
0x48: {  	[sflag:s26] =	ssyncadd.s32 $0xFFFFD800  }
.LBB2_1:
.Ltmp2:
0x49: {  	[dreg:$0x10] =	wrdreg s21;
	(pc) =	sbr.rel @!p0 .LBB2_2-.Ltmp2, $4  }
0x4a: {  	s10 =	rddreg [dreg:$0x5]  }
0x4b: {  	[tilespmem:s2], [sflag:$0x5] =	stream.linear.gather [hbm4b:s10+s2], $0x200, $0x38;
	[tilespmem:$0x1B000] =	vst v63  }
0x4c: {  	s21 =	rddreg [dreg:$0x7]  }
0x4d: {  	[tilespmem:s19], [sflag:$0x5] =	stream.linear.gather [hbm4b:s21+s2], $0x200, $0x38;
	[tilespmem:$0x1B000] =	vst v63  }
0x4e: {  	s10 =	rddreg [dreg:$0xb]  }
0x4f: {  	s21 =	rddreg [dreg:$0xe]  }
0x50: {  	[spmem:s22], [sflag:s21] =	dma.local [hbm:s10], $0x2800  }
0x51: {  	_ =	swait.ge [sflag:s26], $0x2800  }
0x52: {  	[sflag:s26] =	ssyncset.done $0x0  }
0x53: {  	[sflag:s26] =	ssyncadd.s32 $0xFFFFD800  }
0x54: {  	_ =	swait.ge [sflag:s23], $0x200  }
0x55: {  	[sflag:s23] =	ssyncset.done $0x0  }
0x56: {  	[sflag:s23] =	ssyncadd.s32 $0xFFFFFE00  }
0x57: {  	_ =	swait.ge [sflag:s23], $0x200  }
0x58: {  	[sflag:s23] =	ssyncset.done $0x0  }
0x59: {  	[sflag:s23] =	ssyncadd.s32 $0xFFFFFE00  }
0x5a: {  	[tilespmem:s25], [sflag:$0x1] =	stream.indirect.gather [hbm4b:s5+s24], $0x80, s2, s24, $0xb8;
	[tilespmem:$0x1B000] =	vst v63  }
0x5b: {  	s21 =	simm.s32 $0x80  }
0x5c: {  	[tilespmem:s28], [sflag:$0x2] =	stream.indirect.gather [hbm4b:s5+s24], $0x80, s21, s24, $0xb8;
	[tilespmem:$0x1B000] =	vst v63  }
0x5d: {  	s22 =	rddreg [dreg:$0x9]  }
0x5e: {  	[tilespmem:s29], [sflag:$0x5] =	stream.linear.gather [hbm4b:s22+s2], $0x200, $0x38;
	[tilespmem:$0x1B000] =	vst v63  }
0x5f: {  	s26 =	rddreg [dreg:$0xa]  }
0x60: {  	[tilespmem:s30], [sflag:$0x5] =	stream.linear.gather [hbm4b:s26+s2], $0x200, $0x38;
	[tilespmem:$0x1B000] =	vst v63  }
0x61: {  	s22 =	simm.s32 $0xFFFFFA80;
	[bflag:$0x0] =	sbarrier.arrive $0xFFFF  }
.LBB2_7:
0x62: {  	_ =	swait.ge [sflag:s31], $0x3200  }
0x63: {  	[sflag:s31] =	ssyncset.done $0x0  }
0x64: {  	[sflag:s31] =	ssyncadd.s32 $0xFFFFCE00  }
0x65: {  	[spmem:s1] =	stream.indirect.scatter.add.f32 [tilespmem:s25], [sflag:$0x3], $0x80, s19, s24, $0xb8;
	[tilespmem:$0x1B000] =	vst v63  }
0x66: {  	_ =	swait.ge [sflag:s0], $0x3200  }
0x67: {  	[sflag:s0] =	ssyncset.done $0x0  }
0x68: {  	[sflag:s0] =	ssyncadd.s32 $0xFFFFCE00  }
0x69: {  	[spmem:s1] =	stream.indirect.scatter.add.f32 [tilespmem:s28], [sflag:$0x4], $0x80, s4, s24, $0xb8;
	[tilespmem:$0x1B000] =	vst v63  }
0x6a: {  	_ =	swait.ge [sflag:s6], $0x3200  }
0x6b: {  	[sflag:s6] =	ssyncset.done $0x0  }
0x6c: {  	[sflag:s6] =	ssyncadd.s32 $0xFFFFCE00  }
0x6d: {  	[tilespmem:s25], [sflag:$0x1] =	stream.indirect.gather [hbm4b:s5+s24], $0x80, s7, s24, $0xb8;
	[tilespmem:$0x1B000] =	vst v63  }
0x6e: {  	_ =	swait.ge [sflag:s11], $0x3200  }
0x6f: {  	[sflag:s11] =	ssyncset.done $0x0  }
0x70: {  	[sflag:s11] =	ssyncadd.s32 $0xFFFFCE00  }
0x71: {  	[tilespmem:s28], [sflag:$0x2] =	stream.indirect.gather [hbm4b:s5+s24], $0x80, s14, s24, $0xb8;
	[tilespmem:$0x1B000] =	vst v63  }
0x72: {  	_ =	swait.ge [sflag:s31], $0x3200  }
0x73: {  	[sflag:s31] =	ssyncset.done $0x0  }
0x74: {  	[sflag:s31] =	ssyncadd.s32 $0xFFFFCE00  }
0x75: {  	[spmem:s1] =	stream.indirect.scatter.add.f32 [tilespmem:s25], [sflag:$0x3], $0x80, s18, s24, $0xb8;
	[tilespmem:$0x1B000] =	vst v63  }
0x76: {  	_ =	swait.ge [sflag:s0], $0x3200  }
0x77: {  	[sflag:s0] =	ssyncset.done $0x0  }
0x78: {  	[sflag:s0] =	ssyncadd.s32 $0xFFFFCE00  }
0x79: {  	[spmem:s1] =	stream.indirect.scatter.add.f32 [tilespmem:s28], [sflag:$0x4], $0x80, s8, s24, $0xb8;
	[tilespmem:$0x1B000] =	vst v63  }
0x7a: {  	_ =	swait.ge [sflag:s23], $0x200  }
0x7b: {  	[sflag:s23] =	ssyncset.done $0x0  }
0x7c: {  	[sflag:s23] =	ssyncadd.s32 $0xFFFFFE00  }
0x7d: {  	_ =	swait.ge [sflag:s23], $0x200  }
0x7e: {  	[sflag:s23] =	ssyncset.done $0x0  }
0x7f: {  	[sflag:s23] =	ssyncadd.s32 $0xFFFFFE00  }
0x80: {  	_ =	swait.ge [sflag:s6], $0x3200  }
0x81: {  	[sflag:s6] =	ssyncset.done $0x0  }
0x82: {  	[sflag:s6] =	ssyncadd.s32 $0xFFFFCE00  }
0x83: {  	[tilespmem:s25], [sflag:$0x1] =	stream.indirect.gather [hbm4b:s5+s24], $0x80, s29, s24, $0xb8;
	[tilespmem:$0x1B000] =	vst v63  }
0x84: {  	_ =	swait.ge [sflag:s11], $0x3200  }
0x85: {  	[sflag:s11] =	ssyncset.done $0x0  }
0x86: {  	s10 =	simm.s32 $0x480;
	s21 =	sadd.s32 s22, s17;
	[sflag:s11] =	ssyncadd.s32 $0xFFFFCE00  }
0x87: {  	[tilespmem:s28], [sflag:$0x2] =	stream.indirect.gather [hbm4b:s5+s24], $0x80, s10, s24, $0xb8;
	[tilespmem:$0x1B000] =	vst v63  }
0x88: {  	s26 =	sadd.s32 $0x600, s21  }
0x89: {  	[tilespmem:s2], [sflag:$0x5] =	stream.linear.gather [hbm4b:s26+s2], $0x200, $0x38;
	[tilespmem:$0x1B000] =	vst v63  }
0x8a: {  	s26 =	sadd.s32 s22, s16  }
0x8b: {  	s10 =	sadd.s32 $0x600, s26  }
0x8c: {  	[tilespmem:s19], [sflag:$0x5] =	stream.linear.gather [hbm4b:s10+s2], $0x200, $0x38;
	[tilespmem:$0x1B000] =	vst v63  }
0x8d: {  	_ =	swait.ge [sflag:s31], $0x3200  }
0x8e: {  	[sflag:s31] =	ssyncset.done $0x0  }
0x8f: {  	[sflag:s31] =	ssyncadd.s32 $0xFFFFCE00  }
0x90: {  	[spmem:s1] =	stream.indirect.scatter.add.f32 [tilespmem:s25], [sflag:$0x3], $0x80, s30, s24, $0xb8;
	[tilespmem:$0x1B000] =	vst v63  }
0x91: {  	_ =	swait.ge [sflag:s0], $0x3200  }
0x92: {  	[sflag:s0] =	ssyncset.done $0x0  }
0x93: {  	[sflag:s0] =	ssyncadd.s32 $0xFFFFCE00  }
0x94: {  	[spmem:s1] =	stream.indirect.scatter.add.f32 [tilespmem:s28], [sflag:$0x4], $0x80, s12, s24, $0xb8;
	[tilespmem:$0x1B000] =	vst v63  }
0x95: {  	_ =	swait.ge [sflag:s6], $0x3200  }
0x96: {  	[sflag:s6] =	ssyncset.done $0x0  }
0x97: {  	[sflag:s6] =	ssyncadd.s32 $0xFFFFCE00  }
0x98: {  	[tilespmem:s25], [sflag:$0x1] =	stream.indirect.gather [hbm4b:s5+s24], $0x80, s13, s24, $0xb8;
	[tilespmem:$0x1B000] =	vst v63  }
0x99: {  	_ =	swait.ge [sflag:s11], $0x3200  }
0x9a: {  	[sflag:s11] =	ssyncset.done $0x0  }
0x9b: {  	[sflag:s11] =	ssyncadd.s32 $0xFFFFCE00  }
0x9c: {  	[tilespmem:s28], [sflag:$0x2] =	stream.indirect.gather [hbm4b:s5+s24], $0x80, s15, s24, $0xb8;
	[tilespmem:$0x1B000] =	vst v63  }
0x9d: {  	_ =	swait.ge [sflag:s31], $0x3200  }
0x9e: {  	[sflag:s31] =	ssyncset.done $0x0  }
0x9f: {  	[sflag:s31] =	ssyncadd.s32 $0xFFFFCE00  }
0xa0: {  	[spmem:s1] =	stream.indirect.scatter.add.f32 [tilespmem:s25], [sflag:$0x3], $0x80, s20, s24, $0xb8;
	[tilespmem:$0x1B000] =	vst v63  }
0xa1: {  	_ =	swait.ge [sflag:s0], $0x3200  }
0xa2: {  	[sflag:s0] =	ssyncset.done $0x0  }
0xa3: {  	[sflag:s0] =	ssyncadd.s32 $0xFFFFCE00  }
0xa4: {  	[spmem:s1] =	stream.indirect.scatter.add.f32 [tilespmem:s28], [sflag:$0x4], $0x80, s9, s24, $0xb8;
	[tilespmem:$0x1B000] =	vst v63  }
0xa5: {  	_ =	swait.ge [sflag:s23], $0x200  }
0xa6: {  	[sflag:s23] =	ssyncset.done $0x0  }
0xa7: {  	[sflag:s23] =	ssyncadd.s32 $0xFFFFFE00  }
0xa8: {  	_ =	swait.ge [sflag:s23], $0x200  }
0xa9: {  	[sflag:s23] =	ssyncset.done $0x0  }
0xaa: {  	[sflag:s23] =	ssyncadd.s32 $0xFFFFFE00  }
0xab: {  	_ =	swait.ge [sflag:s6], $0x3200  }
0xac: {  	[sflag:s6] =	ssyncset.done $0x0  }
0xad: {  	p1 =	seq.s32 s22, $0x0;
	[sflag:s6] =	ssyncadd.s32 $0xFFFFCE00  }
0xae: {  	[tilespmem:s25], [sflag:$0x1] =	stream.indirect.gather [hbm4b:s5+s24], $0x80, s2, s24, $0xb8;
	[tilespmem:$0x1B000] =	vst v63  }
.Ltmp3:
0xaf: {  	_ = 	snop;
	(pc) =	sbr.rel @p1 .LBB2_8-.Ltmp3, $4  }
0xb0: {  	_ =	swait.ge [sflag:s11], $0x3200  }
0xb1: {  	[sflag:s11] =	ssyncset.done $0x0  }
0xb2: {  	s10 =	simm.s32 $0x80;
	[sflag:s11] =	ssyncadd.s32 $0xFFFFCE00  }
0xb3: {  	[tilespmem:s28], [sflag:$0x2] =	stream.indirect.gather [hbm4b:s5+s24], $0x80, s10, s24, $0xb8;
	[tilespmem:$0x1B000] =	vst v63  }
.Ltmp4:
0xb4: {  	(pc) =	sbr.rel .LBB2_7-.Ltmp4, $4  }
0xb5: {  	s10 =	sadd.s32 $0x640, s21  }
0xb6: {  	[tilespmem:s29], [sflag:$0x5] =	stream.linear.gather [hbm4b:s10+s2], $0x200, $0x38;
	[tilespmem:$0x1B000] =	vst v63  }
0xb7: {  	s26 =	sadd.s32 $0x640, s26;
	s22 =	sadd.s32 $0x80, s22  }
0xb8: {  	[tilespmem:s30], [sflag:$0x5] =	stream.linear.gather [hbm4b:s26+s2], $0x200, $0x38;
	[tilespmem:$0x1B000] =	vst v63  }
.LBB2_2:
0xb9: {  	s10 =	rddreg [dreg:$0xd]  }
0xba: {  	s21 =	sor.u32 $0x1C06, s10;
	s10 =	rddreg [dreg:$0x8]  }
0xbb: {  	[dreg:$0x11] =	wrdreg s21  }
0xbc: {  	[spmem:s22], [sflag:s21] =	dma.local [hbm:s10], $0x2800  }
0xbd: {  	_ =	swait.ge [sflag:s26], $0x2800  }
0xbe: {  	[sflag:s26] =	ssyncset.done $0x0  }
0xbf: {  	[sflag:s26] =	ssyncadd.s32 $0xFFFFD800  }
0xc0: {  	_ =	swait.ge [sflag:s23], $0x200  }
0xc1: {  	[sflag:s23] =	ssyncset.done $0x0  }
0xc2: {  	[sflag:s23] =	ssyncadd.s32 $0xFFFFFE00  }
0xc3: {  	_ =	swait.ge [sflag:s23], $0x200  }
0xc4: {  	[sflag:s23] =	ssyncset.done $0x0  }
0xc5: {  	[sflag:s23] =	ssyncadd.s32 $0xFFFFFE00  }
0xc6: {  	[tilespmem:s25], [sflag:$0x1] =	stream.indirect.gather [hbm4b:s3+s24], $0x80, s2, s24, $0xb8;
	[tilespmem:$0x1B000] =	vst v63  }
0xc7: {  	s21 =	simm.s32 $0x80  }
0xc8: {  	[tilespmem:s28], [sflag:$0x2] =	stream.indirect.gather [hbm4b:s3+s24], $0x80, s21, s24, $0xb8;
	[tilespmem:$0x1B000] =	vst v63  }
0xc9: {  	s22 =	rddreg [dreg:$0x9]  }
0xca: {  	[tilespmem:s29], [sflag:$0x5] =	stream.linear.gather [hbm4b:s22+s2], $0x200, $0x38;
	[tilespmem:$0x1B000] =	vst v63  }
0xcb: {  	s26 =	rddreg [dreg:$0xa]  }
0xcc: {  	[tilespmem:s30], [sflag:$0x5] =	stream.linear.gather [hbm4b:s26+s2], $0x200, $0x38;
	[tilespmem:$0x1B000] =	vst v63  }
0xcd: {  	s22 =	simm.s32 $0xFFFFFA80;
	[bflag:$0x0] =	sbarrier.arrive $0xFFFF  }
.LBB2_3:
0xce: {  	_ =	swait.ge [sflag:s31], $0x3200  }
0xcf: {  	[sflag:s31] =	ssyncset.done $0x0  }
0xd0: {  	[sflag:s31] =	ssyncadd.s32 $0xFFFFCE00  }
0xd1: {  	[spmem:s1] =	stream.indirect.scatter.add.f32 [tilespmem:s25], [sflag:$0x3], $0x80, s19, s24, $0xb8;
	[tilespmem:$0x1B000] =	vst v63  }
0xd2: {  	_ =	swait.ge [sflag:s0], $0x3200  }
0xd3: {  	[sflag:s0] =	ssyncset.done $0x0  }
0xd4: {  	[sflag:s0] =	ssyncadd.s32 $0xFFFFCE00  }
0xd5: {  	[spmem:s1] =	stream.indirect.scatter.add.f32 [tilespmem:s28], [sflag:$0x4], $0x80, s4, s24, $0xb8;
	[tilespmem:$0x1B000] =	vst v63  }
0xd6: {  	_ =	swait.ge [sflag:s6], $0x3200  }
0xd7: {  	[sflag:s6] =	ssyncset.done $0x0  }
0xd8: {  	[sflag:s6] =	ssyncadd.s32 $0xFFFFCE00  }
0xd9: {  	[tilespmem:s25], [sflag:$0x1] =	stream.indirect.gather [hbm4b:s3+s24], $0x80, s7, s24, $0xb8;
	[tilespmem:$0x1B000] =	vst v63  }
0xda: {  	_ =	swait.ge [sflag:s11], $0x3200  }
0xdb: {  	[sflag:s11] =	ssyncset.done $0x0  }
0xdc: {  	[sflag:s11] =	ssyncadd.s32 $0xFFFFCE00  }
0xdd: {  	[tilespmem:s28], [sflag:$0x2] =	stream.indirect.gather [hbm4b:s3+s24], $0x80, s14, s24, $0xb8;
	[tilespmem:$0x1B000] =	vst v63  }
0xde: {  	_ =	swait.ge [sflag:s31], $0x3200  }
0xdf: {  	[sflag:s31] =	ssyncset.done $0x0  }
0xe0: {  	[sflag:s31] =	ssyncadd.s32 $0xFFFFCE00  }
0xe1: {  	[spmem:s1] =	stream.indirect.scatter.add.f32 [tilespmem:s25], [sflag:$0x3], $0x80, s18, s24, $0xb8;
	[tilespmem:$0x1B000] =	vst v63  }
0xe2: {  	_ =	swait.ge [sflag:s0], $0x3200  }
0xe3: {  	[sflag:s0] =	ssyncset.done $0x0  }
0xe4: {  	[sflag:s0] =	ssyncadd.s32 $0xFFFFCE00  }
0xe5: {  	[spmem:s1] =	stream.indirect.scatter.add.f32 [tilespmem:s28], [sflag:$0x4], $0x80, s8, s24, $0xb8;
	[tilespmem:$0x1B000] =	vst v63  }
0xe6: {  	_ =	swait.ge [sflag:s23], $0x200  }
0xe7: {  	[sflag:s23] =	ssyncset.done $0x0  }
0xe8: {  	[sflag:s23] =	ssyncadd.s32 $0xFFFFFE00  }
0xe9: {  	_ =	swait.ge [sflag:s23], $0x200  }
0xea: {  	[sflag:s23] =	ssyncset.done $0x0  }
0xeb: {  	[sflag:s23] =	ssyncadd.s32 $0xFFFFFE00  }
0xec: {  	_ =	swait.ge [sflag:s6], $0x3200  }
0xed: {  	[sflag:s6] =	ssyncset.done $0x0  }
0xee: {  	[sflag:s6] =	ssyncadd.s32 $0xFFFFCE00  }
0xef: {  	[tilespmem:s25], [sflag:$0x1] =	stream.indirect.gather [hbm4b:s3+s24], $0x80, s29, s24, $0xb8;
	[tilespmem:$0x1B000] =	vst v63  }
0xf0: {  	_ =	swait.ge [sflag:s11], $0x3200  }
0xf1: {  	[sflag:s11] =	ssyncset.done $0x0  }
0xf2: {  	s10 =	simm.s32 $0x480;
	s21 =	sadd.s32 s22, s17;
	[sflag:s11] =	ssyncadd.s32 $0xFFFFCE00  }
0xf3: {  	[tilespmem:s28], [sflag:$0x2] =	stream.indirect.gather [hbm4b:s3+s24], $0x80, s10, s24, $0xb8;
	[tilespmem:$0x1B000] =	vst v63  }
0xf4: {  	s26 =	sadd.s32 $0x600, s21  }
0xf5: {  	[tilespmem:s2], [sflag:$0x5] =	stream.linear.gather [hbm4b:s26+s2], $0x200, $0x38;
	[tilespmem:$0x1B000] =	vst v63  }
0xf6: {  	s26 =	sadd.s32 s22, s16  }
0xf7: {  	s10 =	sadd.s32 $0x600, s26  }
0xf8: {  	[tilespmem:s19], [sflag:$0x5] =	stream.linear.gather [hbm4b:s10+s2], $0x200, $0x38;
	[tilespmem:$0x1B000] =	vst v63  }
0xf9: {  	_ =	swait.ge [sflag:s31], $0x3200  }
0xfa: {  	[sflag:s31] =	ssyncset.done $0x0  }
0xfb: {  	[sflag:s31] =	ssyncadd.s32 $0xFFFFCE00  }
0xfc: {  	[spmem:s1] =	stream.indirect.scatter.add.f32 [tilespmem:s25], [sflag:$0x3], $0x80, s30, s24, $0xb8;
	[tilespmem:$0x1B000] =	vst v63  }
0xfd: {  	_ =	swait.ge [sflag:s0], $0x3200  }
0xfe: {  	[sflag:s0] =	ssyncset.done $0x0  }
0xff: {  	[sflag:s0] =	ssyncadd.s32 $0xFFFFCE00  }
0x100: {  	[spmem:s1] =	stream.indirect.scatter.add.f32 [tilespmem:s28], [sflag:$0x4], $0x80, s12, s24, $0xb8;
	[tilespmem:$0x1B000] =	vst v63  }
0x101: {  	_ =	swait.ge [sflag:s6], $0x3200  }
0x102: {  	[sflag:s6] =	ssyncset.done $0x0  }
0x103: {  	[sflag:s6] =	ssyncadd.s32 $0xFFFFCE00  }
0x104: {  	[tilespmem:s25], [sflag:$0x1] =	stream.indirect.gather [hbm4b:s3+s24], $0x80, s13, s24, $0xb8;
	[tilespmem:$0x1B000] =	vst v63  }
0x105: {  	_ =	swait.ge [sflag:s11], $0x3200  }
0x106: {  	[sflag:s11] =	ssyncset.done $0x0  }
0x107: {  	[sflag:s11] =	ssyncadd.s32 $0xFFFFCE00  }
0x108: {  	[tilespmem:s28], [sflag:$0x2] =	stream.indirect.gather [hbm4b:s3+s24], $0x80, s15, s24, $0xb8;
	[tilespmem:$0x1B000] =	vst v63  }
0x109: {  	_ =	swait.ge [sflag:s31], $0x3200  }
0x10a: {  	[sflag:s31] =	ssyncset.done $0x0  }
0x10b: {  	[sflag:s31] =	ssyncadd.s32 $0xFFFFCE00  }
0x10c: {  	[spmem:s1] =	stream.indirect.scatter.add.f32 [tilespmem:s25], [sflag:$0x3], $0x80, s20, s24, $0xb8;
	[tilespmem:$0x1B000] =	vst v63  }
0x10d: {  	_ =	swait.ge [sflag:s0], $0x3200  }
0x10e: {  	[sflag:s0] =	ssyncset.done $0x0  }
0x10f: {  	[sflag:s0] =	ssyncadd.s32 $0xFFFFCE00  }
0x110: {  	[spmem:s1] =	stream.indirect.scatter.add.f32 [tilespmem:s28], [sflag:$0x4], $0x80, s9, s24, $0xb8;
	[tilespmem:$0x1B000] =	vst v63  }
0x111: {  	_ =	swait.ge [sflag:s23], $0x200  }
0x112: {  	[sflag:s23] =	ssyncset.done $0x0  }
0x113: {  	[sflag:s23] =	ssyncadd.s32 $0xFFFFFE00  }
0x114: {  	_ =	swait.ge [sflag:s23], $0x200  }
0x115: {  	[sflag:s23] =	ssyncset.done $0x0  }
0x116: {  	[sflag:s23] =	ssyncadd.s32 $0xFFFFFE00  }
0x117: {  	_ =	swait.ge [sflag:s6], $0x3200  }
0x118: {  	[sflag:s6] =	ssyncset.done $0x0  }
0x119: {  	p1 =	seq.s32 s22, $0x0;
	[sflag:s6] =	ssyncadd.s32 $0xFFFFCE00  }
0x11a: {  	[tilespmem:s25], [sflag:$0x1] =	stream.indirect.gather [hbm4b:s3+s24], $0x80, s2, s24, $0xb8;
	[tilespmem:$0x1B000] =	vst v63  }
.Ltmp5:
0x11b: {  	_ = 	snop;
	(pc) =	sbr.rel @p1 .LBB2_4-.Ltmp5, $4  }
0x11c: {  	_ =	swait.ge [sflag:s11], $0x3200  }
0x11d: {  	[sflag:s11] =	ssyncset.done $0x0  }
0x11e: {  	s10 =	simm.s32 $0x80;
	[sflag:s11] =	ssyncadd.s32 $0xFFFFCE00  }
0x11f: {  	[tilespmem:s28], [sflag:$0x2] =	stream.indirect.gather [hbm4b:s3+s24], $0x80, s10, s24, $0xb8;
	[tilespmem:$0x1B000] =	vst v63  }
.Ltmp6:
0x120: {  	(pc) =	sbr.rel .LBB2_3-.Ltmp6, $4  }
0x121: {  	s10 =	sadd.s32 $0x640, s21  }
0x122: {  	[tilespmem:s29], [sflag:$0x5] =	stream.linear.gather [hbm4b:s10+s2], $0x200, $0x38;
	[tilespmem:$0x1B000] =	vst v63  }
0x123: {  	s26 =	sadd.s32 $0x640, s26;
	s22 =	sadd.s32 $0x80, s22  }
0x124: {  	[tilespmem:s30], [sflag:$0x5] =	stream.linear.gather [hbm4b:s26+s2], $0x200, $0x38;
	[tilespmem:$0x1B000] =	vst v63  }
.LBB2_4:
.Ltmp7:
0x125: {  	(pc) =	sbr.rel .LBB2_9-.Ltmp7, $3  }
0x126: {  	_ =	sdelay $0x1  }
0x127: {  	s26 =	rddreg [dreg:$0x3]  }
0x128: {  	s22 =	smov.u32 s3;
	s21 =	rddreg [dreg:$0x10]  }
.LBB2_10:
0x129: {  	_ =	sfence.sel $0x180000  }
0x12a: {  	[bflag:$0x0] =	sbarrier.arrive $0xFFFF  }
0x12b: {  	_ =	strace $0x90000047  }
0x12c: {  	s0 =	stileid.u32;
	[bflag:$0x2] =	sbarrier.arrive $0xFFFF  }
0x12d: {  	p0 =	sne.s32 s0, $0x0;
	s0 =	rddreg [dreg:$0x2]  }
0x12e: {  	s0 =	sadd.s32 @!p0 $0x100000, s0  }
0x12f: {  	[sflag:s0] =	ssyncadd.tile.s32 @!p0 $0x1;
	_ =	shalt  }
.Lfunc_end2:
_tile_overlayer_lowered:
.L_overlay_start_2:
0x130: {  	(tag) =	ssettag $0x2  }
0x131: {  	s0 =	rddreg [dreg:$0x0];
	s2 =	stileid.u32  }
0x132: {  	s1 =	rddreg [dreg:$0x1];
	p0 =	sne.s32 s2, $0x0  }
0x133: {  	s3 =	rddreg [dreg:$0x2];
	[bflag:$0x3] =	sbarrier.arrive $0xFFFF;
	s2 =	simm.s32 @!p0 $0x1C06  }
0x134: {  	[timem:s3], [sflag:s2] =	dma.local @!p0 [hbm:s0], s1  }
0x135: {  	s0 =	simm.s32 @!p0 $0x6  }
0x136: {  	_ =	swait.ge @!p0 [sflag:s0], s1  }
0x137: {  	s1 =	ssub.s32 @!p0 $0x0, s1;
	[sflag:s0] =	ssyncset.done @!p0 $0x0  }
0x138: {  	[sflag:s0] =	ssyncadd.s32 @!p0 s1  }
0x139: {  	[bflag:$0x3] =	sbarrier.arrive $0xFFFF  }
0x13a: {  	_ =	shalt  }

</sc_bundles>
